<compile_context>
chip_gen: v7x
topology: tpu7x:2x2x1
jax: 0.10.2.dev20260603
libtpu: 0.0.44.dev20260713+nightly
codegen_flags: <defaults>
</compile_context>

<pallas_src>
import functools

import jax
import jax.numpy as jnp
from jax import lax
from jax.experimental import pallas as pl
from jax.experimental.pallas import tpu as pltpu
from jax.experimental.pallas import tpu_sc as plsc

VOCAB = 1000000
DIM = 64
B, T = 1024, 50
L, W = 1000, 10
LF = L * W
LPAD = 10240
TP = 56
EPS = 1e-8

NC, NS = 2, 16
NW = NC * NS
QPW = B // NW
LPW = LPAD // NW
LCH = 64
NBUF = 6


def _sc_body(qidx_hbm, lidx_hbm, table_hbm, qsum_hbm, le_hbm,
             qidx_v, lidx_v, qblk, lbuf, rows, qsems, lsem):
    c = lax.axis_index("c")
    s = lax.axis_index("s")
    wid = c * NS + s

    pltpu.sync_copy(qidx_hbm.at[pl.ds(wid * (QPW * TP), QPW * TP)], qidx_v)
    pltpu.sync_copy(lidx_hbm.at[pl.ds(wid * LPW, LPW)], lidx_v)

    for ci in range(LPW // LCH):
        pltpu.make_async_copy(
            table_hbm.at[lidx_v.at[pl.ds(ci * LCH, LCH)]],
            lbuf.at[pl.ds(ci * LCH, LCH)], lsem).start()

    def qcopy(q, b):
        return pltpu.make_async_copy(
            table_hbm.at[qidx_v.at[pl.ds(q * TP, T)]], rows[b], qsems[b])

    def accum(q, b):
        def rbody(r, accs):
            accs = tuple(a + rows[b][2 * r, pl.ds(16 * d, 16)]
                         for d, a in enumerate(accs))
            return tuple(a + rows[b][2 * r + 1, pl.ds(16 * d, 16)]
                         for d, a in enumerate(accs))
        accs = lax.fori_loop(
            0, T // 2, rbody,
            tuple(jnp.zeros((16,), jnp.float32) for _ in range(4)))
        for d in range(4):
            qblk[q, pl.ds(16 * d, 16)] = accs[d]

    for b in range(NBUF):
        qcopy(b, b).start()
    for q in range(QPW):
        b = q % NBUF
        qcopy(q, b).wait()
        accum(q, b)
        if q + NBUF < QPW:
            qcopy(q + NBUF, b).start()

    pltpu.sync_copy(qblk, qsum_hbm.at[pl.ds(wid * QPW, QPW)])

    for ci in range(LPW // LCH):
        pltpu.make_async_copy(
            table_hbm.at[lidx_v.at[pl.ds(ci * LCH, LCH)]],
            lbuf.at[pl.ds(ci * LCH, LCH)], lsem).wait()
    pltpu.sync_copy(lbuf, le_hbm.at[pl.ds(wid * LPW, LPW)])


@functools.cache
def _sc_gather():
    return pl.kernel(
        _sc_body,
        out_type=[jax.ShapeDtypeStruct((B, DIM), jnp.float32),
                  jax.ShapeDtypeStruct((LPAD, DIM), jnp.float32)],
        mesh=plsc.VectorSubcoreMesh(core_axis_name="c", subcore_axis_name="s",
                                    num_cores=NC, num_subcores=NS),
        compiler_params=pltpu.CompilerParams(use_tc_tiling_on_sc=False),
        scratch_types=[
            pltpu.VMEM((QPW * TP,), jnp.int32),
            pltpu.VMEM((LPW,), jnp.int32),
            pltpu.VMEM((QPW, DIM), jnp.float32),
            pltpu.VMEM((LPW, DIM), jnp.float32),
            [pltpu.VMEM((T, DIM), jnp.float32) for _ in range(NBUF)],
            [pltpu.SemaphoreType.DMA for _ in range(NBUF)],
            pltpu.SemaphoreType.DMA,
        ],
    )


LBLK = 2048
NLB = LPAD // LBLK


def _tc_body(qsum_ref, qidx_ref, qidxt_ref, le_ref, lab_ref, sim_ref, msk_ref):
    nw = jnp.sum((qidx_ref[...] != 0).astype(jnp.float32), axis=1,
                 keepdims=True)
    qe = qsum_ref[...] / nw
    na = jnp.maximum(jnp.sqrt(jnp.sum(qe * qe, axis=1, keepdims=True)), EPS)
    qn = qe / na
    hq = jnp.sum((qidxt_ref[...] != 0).astype(jnp.int32), axis=0,
                 keepdims=True) > 0
    le = le_ref[...]
    nb = jnp.maximum(jnp.sqrt(jnp.sum(le * le, axis=1, keepdims=True)), EPS)
    ln = le / nb
    sim_ref[...] = lax.dot_general(ln, qn, (((1,), (1,)), ((), ())),
                                   preferred_element_type=jnp.float32)
    msk_ref[...] = ((lab_ref[...].reshape(LBLK, 1) != 0) & hq).astype(jnp.int8)


def _tc_cosine(qsum, qidx, qidxt, le, lab3d):
    return pl.pallas_call(
        _tc_body,
        grid=(NLB,),
        in_specs=[
            pl.BlockSpec((B, DIM), lambda i: (0, 0)),
            pl.BlockSpec((B, TP), lambda i: (0, 0)),
            pl.BlockSpec((TP, B), lambda i: (0, 0)),
            pl.BlockSpec((LBLK, DIM), lambda i: (i, 0)),
            pl.BlockSpec((1, LBLK, 1), lambda i: (i, 0, 0)),
        ],
        out_specs=[
            pl.BlockSpec((LBLK, B), lambda i: (i, 0)),
            pl.BlockSpec((LBLK, B), lambda i: (i, 0)),
        ],
        out_shape=[jax.ShapeDtypeStruct((LF, B), jnp.float32),
                   jax.ShapeDtypeStruct((LF, B), jnp.int8)],
    )(qsum, qidx, qidxt, le, lab3d)


def kernel(queries, labels, table):
    qpad = jnp.pad(queries, ((0, 0), (0, TP - T)))
    lflat = jnp.pad(labels.T.reshape(-1), (0, LPAD - LF))
    pmat = jnp.eye(DIM, 2 * DIM, dtype=jnp.float32)
    tablep = lax.dot_general(table, pmat, (((1,), (0,)), ((), ())),
                             preferred_element_type=jnp.float32)
    tablep = tablep.reshape(2 * VOCAB, DIM)
    qsum, le = _sc_gather()(qpad.reshape(-1) * 2, lflat * 2, tablep)
    simt, maskt = _tc_cosine(qsum, qpad, qpad.T, le,
                             (lflat != 0).astype(jnp.int8).reshape(NLB, LBLK, 1))
    sim = simt.reshape(1, W, L, B).transpose(0, 3, 2, 1)
    msk = maskt.view(jnp.bool_)
    msk = msk.reshape(1, W, L, B).transpose(0, 3, 2, 1)
    return (sim, msk)

# --- scband reference (transcript-rebuilt; emitter-appended) ---
"""Pipeline reference for scband-concept-model-3298534883480 (READ-ONLY COPY).

The authoritative reference and input builder live on the scoring server;
editing this copy changes nothing except your own understanding.
"""

import jax, jax.numpy as jnp
import numpy as np

VOCAB = 1000000
DIM = 64
B, T = 1024, 50
L, W = 1000, 10
EPS = 1e-8


def setup_inputs(seed: int = 0) -> dict:
    key = jax.random.key(seed)
    k1, k2, k3 = jax.random.split(key, 3)
    queries = jax.random.randint(k1, (B, T), 0, VOCAB, dtype=jnp.int32)
    labels = jax.random.randint(k2, (L, W), 0, VOCAB, dtype=jnp.int32)
    table = jax.random.normal(k3, (VOCAB, DIM), dtype=jnp.float32) * 0.02
    return {"queries": queries, "labels": labels, "table": table}


def reference(queries, labels, table):
    # n_words: count of non-pad (nonzero id) words per query
    n_words = (queries != 0).sum(axis=-1, keepdims=True).astype(jnp.float32)  # [B,1]
    # mean-pool query word embeddings (sum / n_words, matching torch exactly)
    queries_e = jnp.take(table, queries, axis=0).sum(axis=-2) / n_words       # [B,D]
    queries_e = queries_e[:, None, None, :]                                   # [B,1,1,D]
    labels_e = jnp.take(table, labels, axis=0)[None, None, :, :, :]           # [1,1,L,W,D]
    # torch.nn.CosineSimilarity(dim=-1): dot / (max(||a||,eps)*max(||b||,eps))
    num = jnp.sum(queries_e * labels_e, axis=-1)                              # [1,B,L,W]
    na = jnp.maximum(jnp.sqrt(jnp.sum(queries_e * queries_e, axis=-1)), EPS)
    nb = jnp.maximum(jnp.sqrt(jnp.sum(labels_e * labels_e, axis=-1)), EPS)
    sim = num / (na * nb)                                                     # [1,B,L,W]
    has_query = (n_words != 0)[..., None]                                     # [B,1,1]
    has_label = (labels != 0)[None, None, :, :]                               # [1,1,L,W]
    mask = has_query & has_label                                              # [1,B,L,W]
    return sim, mask

if __name__ == "__main__":
    import jax
    _d = setup_inputs()
    print(jax.jit(kernel)(*tuple(_d.values())))

</pallas_src>

<mosaic_0001>
#map = affine_map<(d0, d1) -> (0)>
#map1 = affine_map<(d0, d1) -> (0, 0)>
module attributes {stable_mosaic.version = 14 : i64} {
  func.func @_sc_body(%arg0: i32, %arg1: i32, %arg2: memref<57344xi32, #tpu.memory_space<hbm>>, %arg3: memref<10240xi32, #tpu.memory_space<hbm>>, %arg4: memref<2000000x64xf32, #tpu.memory_space<hbm>>, %arg5: memref<1024x64xf32, #tpu.memory_space<hbm>>, %arg6: memref<10240x64xf32, #tpu.memory_space<hbm>>, %arg7: memref<1792xi32, #tpu.memory_space<vmem>>, %arg8: memref<320xi32, #tpu.memory_space<vmem>>, %arg9: memref<32x64xf32, #tpu.memory_space<vmem>>, %arg10: memref<320x64xf32, #tpu.memory_space<vmem>>, %arg11: memref<50x64xf32, #tpu.memory_space<vmem>>, %arg12: memref<50x64xf32, #tpu.memory_space<vmem>>, %arg13: memref<50x64xf32, #tpu.memory_space<vmem>>, %arg14: memref<50x64xf32, #tpu.memory_space<vmem>>, %arg15: memref<50x64xf32, #tpu.memory_space<vmem>>, %arg16: memref<50x64xf32, #tpu.memory_space<vmem>>, %arg17: memref<!tpu.dma_semaphore, #tpu.memory_space<semaphore_mem>>, %arg18: memref<!tpu.dma_semaphore, #tpu.memory_space<semaphore_mem>>, %arg19: memref<!tpu.dma_semaphore, #tpu.memory_space<semaphore_mem>>, %arg20: memref<!tpu.dma_semaphore, #tpu.memory_space<semaphore_mem>>, %arg21: memref<!tpu.dma_semaphore, #tpu.memory_space<semaphore_mem>>, %arg22: memref<!tpu.dma_semaphore, #tpu.memory_space<semaphore_mem>>, %arg23: memref<!tpu.dma_semaphore, #tpu.memory_space<semaphore_mem>>) attributes {dimension_semantics = [#tpu.dimension_semantics<core_parallel>, #tpu.dimension_semantics<subcore_parallel>], iteration_bounds = array<i64: 2, 16>, scalar_prefetch = 0 : i64, scratch_operands = 17 : i64, tpu.core_type = #tpu.core_type<sc_vector_subcore>, window_params = [{transform_indices = #map}, {transform_indices = #map}, {transform_indices = #map1}, {transform_indices = #map1}, {transform_indices = #map1}]} {
    %mul3A = arith.constant 16 : i32
    %mul3A_0 = arith.muli %arg0, %mul3A : i32
    %add3A = arith.addi %mul3A_0, %arg1 : i32
    %mul3A_1 = arith.constant 1792 : i32
    %mul3A_2 = arith.muli %add3A, %mul3A_1 : i32
    "tpu.region"() ({
      %run_scoped3A = tpu.sem_alloc : memref<!tpu.dma_semaphore, #tpu.memory_space<semaphore_mem>>
      %dma_start3A_1620 = tpu.memref_slice %arg2[%mul3A_2] : memref<57344xi32, #tpu.memory_space<hbm>> -> memref<1792xi32, #tpu.memory_space<hbm>>
      %dma_start3A_1621 = tpu.memref_slice %arg2[%mul3A_2] : memref<57344xi32, #tpu.memory_space<hbm>> -> memref<1792xi32, #tpu.memory_space<hbm>>
      tpu.enqueue_dma source(%dma_start3A_1621 : memref<1792xi32, #tpu.memory_space<hbm>>) target(%arg7 : memref<1792xi32, #tpu.memory_space<vmem>>) target_semaphore(%run_scoped3A : memref<!tpu.dma_semaphore, #tpu.memory_space<semaphore_mem>>)
      %dma_wait3A_1622 = tpu.memref_slice %arg2[%mul3A_2] : memref<57344xi32, #tpu.memory_space<hbm>> -> memref<1792xi32, #tpu.memory_space<hbm>>
      %dma_wait3A_1623 = tpu.memref_slice %arg2[%mul3A_2] : memref<57344xi32, #tpu.memory_space<hbm>> -> memref<1792xi32, #tpu.memory_space<hbm>>
      tpu.wait_dma2 semaphore(%run_scoped3A : memref<!tpu.dma_semaphore, #tpu.memory_space<semaphore_mem>>) src(%dma_wait3A_1623 : memref<1792xi32, #tpu.memory_space<hbm>>) dst(%arg7 : memref<1792xi32, #tpu.memory_space<vmem>>)
      tpu.yield
    }) : () -> ()
    %mul3A_3 = arith.constant 320 : i32
    %mul3A_4 = arith.muli %add3A, %mul3A_3 : i32
    "tpu.region"() ({
      %run_scoped3A = tpu.sem_alloc : memref<!tpu.dma_semaphore, #tpu.memory_space<semaphore_mem>>
      %dma_start3A_1620 = tpu.memref_slice %arg3[%mul3A_4] : memref<10240xi32, #tpu.memory_space<hbm>> -> memref<320xi32, #tpu.memory_space<hbm>>
      %dma_start3A_1621 = tpu.memref_slice %arg3[%mul3A_4] : memref<10240xi32, #tpu.memory_space<hbm>> -> memref<320xi32, #tpu.memory_space<hbm>>
      tpu.enqueue_dma source(%dma_start3A_1621 : memref<320xi32, #tpu.memory_space<hbm>>) target(%arg8 : memref<320xi32, #tpu.memory_space<vmem>>) target_semaphore(%run_scoped3A : memref<!tpu.dma_semaphore, #tpu.memory_space<semaphore_mem>>)
      %dma_wait3A_1622 = tpu.memref_slice %arg3[%mul3A_4] : memref<10240xi32, #tpu.memory_space<hbm>> -> memref<320xi32, #tpu.memory_space<hbm>>
      %dma_wait3A_1623 = tpu.memref_slice %arg3[%mul3A_4] : memref<10240xi32, #tpu.memory_space<hbm>> -> memref<320xi32, #tpu.memory_space<hbm>>
      tpu.wait_dma2 semaphore(%run_scoped3A : memref<!tpu.dma_semaphore, #tpu.memory_space<semaphore_mem>>) src(%dma_wait3A_1623 : memref<320xi32, #tpu.memory_space<hbm>>) dst(%arg8 : memref<320xi32, #tpu.memory_space<vmem>>)
      tpu.yield
    }) : () -> ()
    %dma_start3A = arith.constant 0 : i32
    %dma_start3A_5 = arith.constant 0 : i32
    %dma_start3A_6 = tpu.memref_slice %arg10[%dma_start3A, %dma_start3A_5] : memref<320x64xf32, #tpu.memory_space<vmem>> -> memref<64x64xf32, #tpu.memory_space<vmem>>
    %dma_start3A_7 = arith.constant 0 : i32
    %dma_start3A_8 = tpu.memref_slice %arg8[%dma_start3A_7] : memref<320xi32, #tpu.memory_space<vmem>> -> memref<64xi32, #tpu.memory_space<vmem>>
    %dma_start3A_9 = arith.constant 0 : i32
    %dma_start3A_10 = arith.constant 0 : i32
    %dma_start3A_11 = tpu.memref_slice %arg4[%dma_start3A_9, %dma_start3A_10] : memref<2000000x64xf32, #tpu.memory_space<hbm>> -> memref<2000000x64xf32, #tpu.memory_space<hbm>>
    tpu.enqueue_indirect_dma source(%dma_start3A_11 : memref<2000000x64xf32, #tpu.memory_space<hbm>>) target(%dma_start3A_6 : memref<64x64xf32, #tpu.memory_space<vmem>>) offsets(%dma_start3A_8 : memref<64xi32, #tpu.memory_space<vmem>>) semaphore(%arg23 : memref<!tpu.dma_semaphore, #tpu.memory_space<semaphore_mem>>)
    %dma_start3A_12 = arith.constant 64 : i32
    %dma_start3A_13 = arith.constant 0 : i32
    %dma_start3A_14 = tpu.memref_slice %arg10[%dma_start3A_12, %dma_start3A_13] : memref<320x64xf32, #tpu.memory_space<vmem>> -> memref<64x64xf32, #tpu.memory_space<vmem>>
    %dma_start3A_15 = arith.constant 64 : i32
    %dma_start3A_16 = tpu.memref_slice %arg8[%dma_start3A_15] : memref<320xi32, #tpu.memory_space<vmem>> -> memref<64xi32, #tpu.memory_space<vmem>>
    %dma_start3A_17 = arith.constant 0 : i32
    %dma_start3A_18 = arith.constant 0 : i32
    %dma_start3A_19 = tpu.memref_slice %arg4[%dma_start3A_17, %dma_start3A_18] : memref<2000000x64xf32, #tpu.memory_space<hbm>> -> memref<2000000x64xf32, #tpu.memory_space<hbm>>
    tpu.enqueue_indirect_dma source(%dma_start3A_19 : memref<2000000x64xf32, #tpu.memory_space<hbm>>) target(%dma_start3A_14 : memref<64x64xf32, #tpu.memory_space<vmem>>) offsets(%dma_start3A_16 : memref<64xi32, #tpu.memory_space<vmem>>) semaphore(%arg23 : memref<!tpu.dma_semaphore, #tpu.memory_space<semaphore_mem>>)
    %dma_start3A_20 = arith.constant 128 : i32
    %dma_start3A_21 = arith.constant 0 : i32
    %dma_start3A_22 = tpu.memref_slice %arg10[%dma_start3A_20, %dma_start3A_21] : memref<320x64xf32, #tpu.memory_space<vmem>> -> memref<64x64xf32, #tpu.memory_space<vmem>>
    %dma_start3A_23 = arith.constant 128 : i32
    %dma_start3A_24 = tpu.memref_slice %arg8[%dma_start3A_23] : memref<320xi32, #tpu.memory_space<vmem>> -> memref<64xi32, #tpu.memory_space<vmem>>
    %dma_start3A_25 = arith.constant 0 : i32
    %dma_start3A_26 = arith.constant 0 : i32
    %dma_start3A_27 = tpu.memref_slice %arg4[%dma_start3A_25, %dma_start3A_26] : memref<2000000x64xf32, #tpu.memory_space<hbm>> -> memref<2000000x64xf32, #tpu.memory_space<hbm>>
    tpu.enqueue_indirect_dma source(%dma_start3A_27 : memref<2000000x64xf32, #tpu.memory_space<hbm>>) target(%dma_start3A_22 : memref<64x64xf32, #tpu.memory_space<vmem>>) offsets(%dma_start3A_24 : memref<64xi32, #tpu.memory_space<vmem>>) semaphore(%arg23 : memref<!tpu.dma_semaphore, #tpu.memory_space<semaphore_mem>>)
    %dma_start3A_28 = arith.constant 192 : i32
    %dma_start3A_29 = arith.constant 0 : i32
    %dma_start3A_30 = tpu.memref_slice %arg10[%dma_start3A_28, %dma_start3A_29] : memref<320x64xf32, #tpu.memory_space<vmem>> -> memref<64x64xf32, #tpu.memory_space<vmem>>
    %dma_start3A_31 = arith.constant 192 : i32
    %dma_start3A_32 = tpu.memref_slice %arg8[%dma_start3A_31] : memref<320xi32, #tpu.memory_space<vmem>> -> memref<64xi32, #tpu.memory_space<vmem>>
    %dma_start3A_33 = arith.constant 0 : i32
    %dma_start3A_34 = arith.constant 0 : i32
    %dma_start3A_35 = tpu.memref_slice %arg4[%dma_start3A_33, %dma_start3A_34] : memref<2000000x64xf32, #tpu.memory_space<hbm>> -> memref<2000000x64xf32, #tpu.memory_space<hbm>>
    tpu.enqueue_indirect_dma source(%dma_start3A_35 : memref<2000000x64xf32, #tpu.memory_space<hbm>>) target(%dma_start3A_30 : memref<64x64xf32, #tpu.memory_space<vmem>>) offsets(%dma_start3A_32 : memref<64xi32, #tpu.memory_space<vmem>>) semaphore(%arg23 : memref<!tpu.dma_semaphore, #tpu.memory_space<semaphore_mem>>)
    %dma_start3A_36 = arith.constant 256 : i32
    %dma_start3A_37 = arith.constant 0 : i32
    %dma_start3A_38 = tpu.memref_slice %arg10[%dma_start3A_36, %dma_start3A_37] : memref<320x64xf32, #tpu.memory_space<vmem>> -> memref<64x64xf32, #tpu.memory_space<vmem>>
    %dma_start3A_39 = arith.constant 256 : i32
    %dma_start3A_40 = tpu.memref_slice %arg8[%dma_start3A_39] : memref<320xi32, #tpu.memory_space<vmem>> -> memref<64xi32, #tpu.memory_space<vmem>>
    %dma_start3A_41 = arith.constant 0 : i32
    %dma_start3A_42 = arith.constant 0 : i32
    %dma_start3A_43 = tpu.memref_slice %arg4[%dma_start3A_41, %dma_start3A_42] : memref<2000000x64xf32, #tpu.memory_space<hbm>> -> memref<2000000x64xf32, #tpu.memory_space<hbm>>
    tpu.enqueue_indirect_dma source(%dma_start3A_43 : memref<2000000x64xf32, #tpu.memory_space<hbm>>) target(%dma_start3A_38 : memref<64x64xf32, #tpu.memory_space<vmem>>) offsets(%dma_start3A_40 : memref<64xi32, #tpu.memory_space<vmem>>) semaphore(%arg23 : memref<!tpu.dma_semaphore, #tpu.memory_space<semaphore_mem>>)
    %dma_start3A_44 = arith.constant 0 : i32
    %dma_start3A_45 = tpu.memref_slice %arg7[%dma_start3A_44] : memref<1792xi32, #tpu.memory_space<vmem>> -> memref<50xi32, #tpu.memory_space<vmem>>
    %dma_start3A_46 = arith.constant 0 : i32
    %dma_start3A_47 = arith.constant 0 : i32
    %dma_start3A_48 = tpu.memref_slice %arg4[%dma_start3A_46, %dma_start3A_47] : memref<2000000x64xf32, #tpu.memory_space<hbm>> -> memref<2000000x64xf32, #tpu.memory_space<hbm>>
    tpu.enqueue_indirect_dma source(%dma_start3A_48 : memref<2000000x64xf32, #tpu.memory_space<hbm>>) target(%arg11 : memref<50x64xf32, #tpu.memory_space<vmem>>) offsets(%dma_start3A_45 : memref<50xi32, #tpu.memory_space<vmem>>) semaphore(%arg17 : memref<!tpu.dma_semaphore, #tpu.memory_space<semaphore_mem>>)
    %dma_start3A_49 = arith.constant 56 : i32
    %dma_start3A_50 = tpu.memref_slice %arg7[%dma_start3A_49] : memref<1792xi32, #tpu.memory_space<vmem>> -> memref<50xi32, #tpu.memory_space<vmem>>
    %dma_start3A_51 = arith.constant 0 : i32
    %dma_start3A_52 = arith.constant 0 : i32
    %dma_start3A_53 = tpu.memref_slice %arg4[%dma_start3A_51, %dma_start3A_52] : memref<2000000x64xf32, #tpu.memory_space<hbm>> -> memref<2000000x64xf32, #tpu.memory_space<hbm>>
    tpu.enqueue_indirect_dma source(%dma_start3A_53 : memref<2000000x64xf32, #tpu.memory_space<hbm>>) target(%arg12 : memref<50x64xf32, #tpu.memory_space<vmem>>) offsets(%dma_start3A_50 : memref<50xi32, #tpu.memory_space<vmem>>) semaphore(%arg18 : memref<!tpu.dma_semaphore, #tpu.memory_space<semaphore_mem>>)
    %dma_start3A_54 = arith.constant 112 : i32
    %dma_start3A_55 = tpu.memref_slice %arg7[%dma_start3A_54] : memref<1792xi32, #tpu.memory_space<vmem>> -> memref<50xi32, #tpu.memory_space<vmem>>
    %dma_start3A_56 = arith.constant 0 : i32
    %dma_start3A_57 = arith.constant 0 : i32
    %dma_start3A_58 = tpu.memref_slice %arg4[%dma_start3A_56, %dma_start3A_57] : memref<2000000x64xf32, #tpu.memory_space<hbm>> -> memref<2000000x64xf32, #tpu.memory_space<hbm>>
    tpu.enqueue_indirect_dma source(%dma_start3A_58 : memref<2000000x64xf32, #tpu.memory_space<hbm>>) target(%arg13 : memref<50x64xf32, #tpu.memory_space<vmem>>) offsets(%dma_start3A_55 : memref<50xi32, #tpu.memory_space<vmem>>) semaphore(%arg19 : memref<!tpu.dma_semaphore, #tpu.memory_space<semaphore_mem>>)
    %dma_start3A_59 = arith.constant 168 : i32
    %dma_start3A_60 = tpu.memref_slice %arg7[%dma_start3A_59] : memref<1792xi32, #tpu.memory_space<vmem>> -> memref<50xi32, #tpu.memory_space<vmem>>
    %dma_start3A_61 = arith.constant 0 : i32
    %dma_start3A_62 = arith.constant 0 : i32
    %dma_start3A_63 = tpu.memref_slice %arg4[%dma_start3A_61, %dma_start3A_62] : memref<2000000x64xf32, #tpu.memory_space<hbm>> -> memref<2000000x64xf32, #tpu.memory_space<hbm>>
    tpu.enqueue_indirect_dma source(%dma_start3A_63 : memref<2000000x64xf32, #tpu.memory_space<hbm>>) target(%arg14 : memref<50x64xf32, #tpu.memory_space<vmem>>) offsets(%dma_start3A_60 : memref<50xi32, #tpu.memory_space<vmem>>) semaphore(%arg20 : memref<!tpu.dma_semaphore, #tpu.memory_space<semaphore_mem>>)
    %dma_start3A_64 = arith.constant 224 : i32
    %dma_start3A_65 = tpu.memref_slice %arg7[%dma_start3A_64] : memref<1792xi32, #tpu.memory_space<vmem>> -> memref<50xi32, #tpu.memory_space<vmem>>
    %dma_start3A_66 = arith.constant 0 : i32
    %dma_start3A_67 = arith.constant 0 : i32
    %dma_start3A_68 = tpu.memref_slice %arg4[%dma_start3A_66, %dma_start3A_67] : memref<2000000x64xf32, #tpu.memory_space<hbm>> -> memref<2000000x64xf32, #tpu.memory_space<hbm>>
    tpu.enqueue_indirect_dma source(%dma_start3A_68 : memref<2000000x64xf32, #tpu.memory_space<hbm>>) target(%arg15 : memref<50x64xf32, #tpu.memory_space<vmem>>) offsets(%dma_start3A_65 : memref<50xi32, #tpu.memory_space<vmem>>) semaphore(%arg21 : memref<!tpu.dma_semaphore, #tpu.memory_space<semaphore_mem>>)
    %dma_start3A_69 = arith.constant 280 : i32
    %dma_start3A_70 = tpu.memref_slice %arg7[%dma_start3A_69] : memref<1792xi32, #tpu.memory_space<vmem>> -> memref<50xi32, #tpu.memory_space<vmem>>
    %dma_start3A_71 = arith.constant 0 : i32
    %dma_start3A_72 = arith.constant 0 : i32
    %dma_start3A_73 = tpu.memref_slice %arg4[%dma_start3A_71, %dma_start3A_72] : memref<2000000x64xf32, #tpu.memory_space<hbm>> -> memref<2000000x64xf32, #tpu.memory_space<hbm>>
    tpu.enqueue_indirect_dma source(%dma_start3A_73 : memref<2000000x64xf32, #tpu.memory_space<hbm>>) target(%arg16 : memref<50x64xf32, #tpu.memory_space<vmem>>) offsets(%dma_start3A_70 : memref<50xi32, #tpu.memory_space<vmem>>) semaphore(%arg22 : memref<!tpu.dma_semaphore, #tpu.memory_space<semaphore_mem>>)
    %dma_wait3A = arith.constant 0 : i32
    %dma_wait3A_74 = tpu.memref_slice %arg7[%dma_wait3A] : memref<1792xi32, #tpu.memory_space<vmem>> -> memref<50xi32, #tpu.memory_space<vmem>>
    %dma_wait3A_75 = arith.constant 0 : i32
    %dma_wait3A_76 = arith.constant 0 : i32
    %dma_wait3A_77 = tpu.memref_slice %arg4[%dma_wait3A_75, %dma_wait3A_76] : memref<2000000x64xf32, #tpu.memory_space<hbm>> -> memref<2000000x64xf32, #tpu.memory_space<hbm>>
    tpu.wait_indirect_dma semaphore(%arg17 : memref<!tpu.dma_semaphore, #tpu.memory_space<semaphore_mem>>) src(%dma_wait3A_77 : memref<2000000x64xf32, #tpu.memory_space<hbm>>) dst(%arg11 : memref<50x64xf32, #tpu.memory_space<vmem>>)
    %broadcast_in_dim3A = arith.constant 0.000000e+00 : f32
    %broadcast_in_dim3A_78 = vector.broadcast %broadcast_in_dim3A : f32 to vector<16xf32>
    %broadcast_in_dim3A_79 = arith.constant 0.000000e+00 : f32
    %broadcast_in_dim3A_80 = vector.broadcast %broadcast_in_dim3A_79 : f32 to vector<16xf32>
    %broadcast_in_dim3A_81 = arith.constant 0.000000e+00 : f32
    %broadcast_in_dim3A_82 = vector.broadcast %broadcast_in_dim3A_81 : f32 to vector<16xf32>
    %broadcast_in_dim3A_83 = arith.constant 0.000000e+00 : f32
    %broadcast_in_dim3A_84 = vector.broadcast %broadcast_in_dim3A_83 : f32 to vector<16xf32>
    %scan3A = arith.constant 0 : i32
    %scan3A_85 = arith.constant 25 : i32
    %scan3A_86 = arith.addi %scan3A, %scan3A_85 : i32
    %scan3A_87 = arith.constant 1 : i32
    %scan3A_88:4 = scf.for %scan3A_1620 = %scan3A to %scan3A_86 step %scan3A_87 iter_args(%scan3A_1621 = %broadcast_in_dim3A_78, %scan3A_1622 = %broadcast_in_dim3A_80, %scan3A_1623 = %broadcast_in_dim3A_82, %scan3A_1624 = %broadcast_in_dim3A_84) -> (vector<16xf32>, vector<16xf32>, vector<16xf32>, vector<16xf32>)  : i32 {
      %mul3A_1625 = arith.constant 2 : i32
      %mul3A_1626 = arith.muli %mul3A_1625, %scan3A_1620 : i32
      %get3A = arith.index_cast %mul3A_1626 : i32 to index
      %get3A_1627 = arith.constant 0 : index
      %get3A_1628 = tpu.vector_load %arg11[%get3A, %get3A_1627] {strides = array<i32>} : memref<50x64xf32, #tpu.memory_space<vmem>>, vector<1x16xf32>,
      %get3A_1629 = vector.shape_cast %get3A_1628 : vector<1x16xf32> to vector<16xf32>
      %add3A_1630 = arith.addf %scan3A_1621, %get3A_1629 : vector<16xf32>
      %mul3A_1631 = arith.constant 2 : i32
      %mul3A_1632 = arith.muli %mul3A_1631, %scan3A_1620 : i32
      %get3A_1633 = arith.index_cast %mul3A_1632 : i32 to index
      %get3A_1634 = arith.constant 16 : index
      %get3A_1635 = tpu.vector_load %arg11[%get3A_1633, %get3A_1634] {strides = array<i32>} : memref<50x64xf32, #tpu.memory_space<vmem>>, vector<1x16xf32>,
      %get3A_1636 = vector.shape_cast %get3A_1635 : vector<1x16xf32> to vector<16xf32>
      %add3A_1637 = arith.addf %scan3A_1622, %get3A_1636 : vector<16xf32>
      %mul3A_1638 = arith.constant 2 : i32
      %mul3A_1639 = arith.muli %mul3A_1638, %scan3A_1620 : i32
      %get3A_1640 = arith.index_cast %mul3A_1639 : i32 to index
      %get3A_1641 = arith.constant 32 : index
      %get3A_1642 = tpu.vector_load %arg11[%get3A_1640, %get3A_1641] {strides = array<i32>} : memref<50x64xf32, #tpu.memory_space<vmem>>, vector<1x16xf32>,
      %get3A_1643 = vector.shape_cast %get3A_1642 : vector<1x16xf32> to vector<16xf32>
      %add3A_1644 = arith.addf %scan3A_1623, %get3A_1643 : vector<16xf32>
      %mul3A_1645 = arith.constant 2 : i32
      %mul3A_1646 = arith.muli %mul3A_1645, %scan3A_1620 : i32
      %get3A_1647 = arith.index_cast %mul3A_1646 : i32 to index
      %get3A_1648 = arith.constant 48 : index
      %get3A_1649 = tpu.vector_load %arg11[%get3A_1647, %get3A_1648] {strides = array<i32>} : memref<50x64xf32, #tpu.memory_space<vmem>>, vector<1x16xf32>,
      %get3A_1650 = vector.shape_cast %get3A_1649 : vector<1x16xf32> to vector<16xf32>
      %add3A_1651 = arith.addf %scan3A_1624, %get3A_1650 : vector<16xf32>
      %mul3A_1652 = arith.constant 2 : i32
      %mul3A_1653 = arith.muli %mul3A_1652, %scan3A_1620 : i32
      %add3A_1654 = arith.constant 1 : i32
      %add3A_1655 = arith.addi %mul3A_1653, %add3A_1654 : i32
      %get3A_1656 = arith.index_cast %add3A_1655 : i32 to index
      %get3A_1657 = arith.constant 0 : index
      %get3A_1658 = tpu.vector_load %arg11[%get3A_1656, %get3A_1657] {strides = array<i32>} : memref<50x64xf32, #tpu.memory_space<vmem>>, vector<1x16xf32>,
      %get3A_1659 = vector.shape_cast %get3A_1658 : vector<1x16xf32> to vector<16xf32>
      %add3A_1660 = arith.addf %add3A_1630, %get3A_1659 : vector<16xf32>
      %mul3A_1661 = arith.constant 2 : i32
      %mul3A_1662 = arith.muli %mul3A_1661, %scan3A_1620 : i32
      %add3A_1663 = arith.constant 1 : i32
      %add3A_1664 = arith.addi %mul3A_1662, %add3A_1663 : i32
      %get3A_1665 = arith.index_cast %add3A_1664 : i32 to index
      %get3A_1666 = arith.constant 16 : index
      %get3A_1667 = tpu.vector_load %arg11[%get3A_1665, %get3A_1666] {strides = array<i32>} : memref<50x64xf32, #tpu.memory_space<vmem>>, vector<1x16xf32>,
      %get3A_1668 = vector.shape_cast %get3A_1667 : vector<1x16xf32> to vector<16xf32>
      %add3A_1669 = arith.addf %add3A_1637, %get3A_1668 : vector<16xf32>
      %mul3A_1670 = arith.constant 2 : i32
      %mul3A_1671 = arith.muli %mul3A_1670, %scan3A_1620 : i32
      %add3A_1672 = arith.constant 1 : i32
      %add3A_1673 = arith.addi %mul3A_1671, %add3A_1672 : i32
      %get3A_1674 = arith.index_cast %add3A_1673 : i32 to index
      %get3A_1675 = arith.constant 32 : index
      %get3A_1676 = tpu.vector_load %arg11[%get3A_1674, %get3A_1675] {strides = array<i32>} : memref<50x64xf32, #tpu.memory_space<vmem>>, vector<1x16xf32>,
      %get3A_1677 = vector.shape_cast %get3A_1676 : vector<1x16xf32> to vector<16xf32>
      %add3A_1678 = arith.addf %add3A_1644, %get3A_1677 : vector<16xf32>
      %mul3A_1679 = arith.constant 2 : i32
      %mul3A_1680 = arith.muli %mul3A_1679, %scan3A_1620 : i32
      %add3A_1681 = arith.constant 1 : i32
      %add3A_1682 = arith.addi %mul3A_1680, %add3A_1681 : i32
      %get3A_1683 = arith.index_cast %add3A_1682 : i32 to index
      %get3A_1684 = arith.constant 48 : index
      %get3A_1685 = tpu.vector_load %arg11[%get3A_1683, %get3A_1684] {strides = array<i32>} : memref<50x64xf32, #tpu.memory_space<vmem>>, vector<1x16xf32>,
      %get3A_1686 = vector.shape_cast %get3A_1685 : vector<1x16xf32> to vector<16xf32>
      %add3A_1687 = arith.addf %add3A_1651, %get3A_1686 : vector<16xf32>
      scf.yield %add3A_1660, %add3A_1669, %add3A_1678, %add3A_1687 : vector<16xf32>, vector<16xf32>, vector<16xf32>, vector<16xf32>
    }
    %scan3A_89 = arith.constant 25 : i32
    %swap3A = arith.constant 0 : i32
    %swap3A_90 = arith.index_cast %swap3A : i32 to index
    %swap3A_91 = arith.constant 0 : index
    %swap3A_92 = tpu.vector_load %arg9[%swap3A_90, %swap3A_91] {strides = array<i32>} : memref<32x64xf32, #tpu.memory_space<vmem>>, vector<1x16xf32>,
    %swap3A_93 = vector.shape_cast %swap3A_92 : vector<1x16xf32> to vector<16xf32>
    %swap3A_94 = vector.shape_cast %scan3A_88#0 : vector<16xf32> to vector<1x16xf32>
    tpu.vector_store %arg9[%swap3A_90, %swap3A_91], %swap3A_94 {strides = array<i32>} : memref<32x64xf32, #tpu.memory_space<vmem>>, vector<1x16xf32>,
    %swap3A_95 = arith.constant 0 : i32
    %swap3A_96 = arith.index_cast %swap3A_95 : i32 to index
    %swap3A_97 = arith.constant 16 : index
    %swap3A_98 = tpu.vector_load %arg9[%swap3A_96, %swap3A_97] {strides = array<i32>} : memref<32x64xf32, #tpu.memory_space<vmem>>, vector<1x16xf32>,
    %swap3A_99 = vector.shape_cast %swap3A_98 : vector<1x16xf32> to vector<16xf32>
    %swap3A_100 = vector.shape_cast %scan3A_88#1 : vector<16xf32> to vector<1x16xf32>
    tpu.vector_store %arg9[%swap3A_96, %swap3A_97], %swap3A_100 {strides = array<i32>} : memref<32x64xf32, #tpu.memory_space<vmem>>, vector<1x16xf32>,
    %swap3A_101 = arith.constant 0 : i32
    %swap3A_102 = arith.index_cast %swap3A_101 : i32 to index
    %swap3A_103 = arith.constant 32 : index
    %swap3A_104 = tpu.vector_load %arg9[%swap3A_102, %swap3A_103] {strides = array<i32>} : memref<32x64xf32, #tpu.memory_space<vmem>>, vector<1x16xf32>,
    %swap3A_105 = vector.shape_cast %swap3A_104 : vector<1x16xf32> to vector<16xf32>
    %swap3A_106 = vector.shape_cast %scan3A_88#2 : vector<16xf32> to vector<1x16xf32>
    tpu.vector_store %arg9[%swap3A_102, %swap3A_103], %swap3A_106 {strides = array<i32>} : memref<32x64xf32, #tpu.memory_space<vmem>>, vector<1x16xf32>,
    %swap3A_107 = arith.constant 0 : i32
    %swap3A_108 = arith.index_cast %swap3A_107 : i32 to index
    %swap3A_109 = arith.constant 48 : index
    %swap3A_110 = tpu.vector_load %arg9[%swap3A_108, %swap3A_109] {strides = array<i32>} : memref<32x64xf32, #tpu.memory_space<vmem>>, vector<1x16xf32>,
    %swap3A_111 = vector.shape_cast %swap3A_110 : vector<1x16xf32> to vector<16xf32>
    %swap3A_112 = vector.shape_cast %scan3A_88#3 : vector<16xf32> to vector<1x16xf32>
    tpu.vector_store %arg9[%swap3A_108, %swap3A_109], %swap3A_112 {strides = array<i32>} : memref<32x64xf32, #tpu.memory_space<vmem>>, vector<1x16xf32>,
    %dma_start3A_113 = arith.constant 336 : i32
    %dma_start3A_114 = tpu.memref_slice %arg7[%dma_start3A_113] : memref<1792xi32, #tpu.memory_space<vmem>> -> memref<50xi32, #tpu.memory_space<vmem>>
    %dma_start3A_115 = arith.constant 0 : i32
    %dma_start3A_116 = arith.constant 0 : i32
    %dma_start3A_117 = tpu.memref_slice %arg4[%dma_start3A_115, %dma_start3A_116] : memref<2000000x64xf32, #tpu.memory_space<hbm>> -> memref<2000000x64xf32, #tpu.memory_space<hbm>>
    tpu.enqueue_indirect_dma source(%dma_start3A_117 : memref<2000000x64xf32, #tpu.memory_space<hbm>>) target(%arg11 : memref<50x64xf32, #tpu.memory_space<vmem>>) offsets(%dma_start3A_114 : memref<50xi32, #tpu.memory_space<vmem>>) semaphore(%arg17 : memref<!tpu.dma_semaphore, #tpu.memory_space<semaphore_mem>>)
    %dma_wait3A_118 = arith.constant 56 : i32
    %dma_wait3A_119 = tpu.memref_slice %arg7[%dma_wait3A_118] : memref<1792xi32, #tpu.memory_space<vmem>> -> memref<50xi32, #tpu.memory_space<vmem>>
    %dma_wait3A_120 = arith.constant 0 : i32
    %dma_wait3A_121 = arith.constant 0 : i32
    %dma_wait3A_122 = tpu.memref_slice %arg4[%dma_wait3A_120, %dma_wait3A_121] : memref<2000000x64xf32, #tpu.memory_space<hbm>> -> memref<2000000x64xf32, #tpu.memory_space<hbm>>
    tpu.wait_indirect_dma semaphore(%arg18 : memref<!tpu.dma_semaphore, #tpu.memory_space<semaphore_mem>>) src(%dma_wait3A_122 : memref<2000000x64xf32, #tpu.memory_space<hbm>>) dst(%arg12 : memref<50x64xf32, #tpu.memory_space<vmem>>)
    %broadcast_in_dim3A_123 = arith.constant 0.000000e+00 : f32
    %broadcast_in_dim3A_124 = vector.broadcast %broadcast_in_dim3A_123 : f32 to vector<16xf32>
    %broadcast_in_dim3A_125 = arith.constant 0.000000e+00 : f32
    %broadcast_in_dim3A_126 = vector.broadcast %broadcast_in_dim3A_125 : f32 to vector<16xf32>
    %broadcast_in_dim3A_127 = arith.constant 0.000000e+00 : f32
    %broadcast_in_dim3A_128 = vector.broadcast %broadcast_in_dim3A_127 : f32 to vector<16xf32>
    %broadcast_in_dim3A_129 = arith.constant 0.000000e+00 : f32
    %broadcast_in_dim3A_130 = vector.broadcast %broadcast_in_dim3A_129 : f32 to vector<16xf32>
    %scan3A_131 = arith.constant 0 : i32
    %scan3A_132 = arith.constant 25 : i32
    %scan3A_133 = arith.addi %scan3A_131, %scan3A_132 : i32
    %scan3A_134 = arith.constant 1 : i32
    %scan3A_135:4 = scf.for %scan3A_1620 = %scan3A_131 to %scan3A_133 step %scan3A_134 iter_args(%scan3A_1621 = %broadcast_in_dim3A_124, %scan3A_1622 = %broadcast_in_dim3A_126, %scan3A_1623 = %broadcast_in_dim3A_128, %scan3A_1624 = %broadcast_in_dim3A_130) -> (vector<16xf32>, vector<16xf32>, vector<16xf32>, vector<16xf32>)  : i32 {
      %mul3A_1625 = arith.constant 2 : i32
      %mul3A_1626 = arith.muli %mul3A_1625, %scan3A_1620 : i32
      %get3A = arith.index_cast %mul3A_1626 : i32 to index
      %get3A_1627 = arith.constant 0 : index
      %get3A_1628 = tpu.vector_load %arg12[%get3A, %get3A_1627] {strides = array<i32>} : memref<50x64xf32, #tpu.memory_space<vmem>>, vector<1x16xf32>,
      %get3A_1629 = vector.shape_cast %get3A_1628 : vector<1x16xf32> to vector<16xf32>
      %add3A_1630 = arith.addf %scan3A_1621, %get3A_1629 : vector<16xf32>
      %mul3A_1631 = arith.constant 2 : i32
      %mul3A_1632 = arith.muli %mul3A_1631, %scan3A_1620 : i32
      %get3A_1633 = arith.index_cast %mul3A_1632 : i32 to index
      %get3A_1634 = arith.constant 16 : index
      %get3A_1635 = tpu.vector_load %arg12[%get3A_1633, %get3A_1634] {strides = array<i32>} : memref<50x64xf32, #tpu.memory_space<vmem>>, vector<1x16xf32>,
      %get3A_1636 = vector.shape_cast %get3A_1635 : vector<1x16xf32> to vector<16xf32>
      %add3A_1637 = arith.addf %scan3A_1622, %get3A_1636 : vector<16xf32>
      %mul3A_1638 = arith.constant 2 : i32
      %mul3A_1639 = arith.muli %mul3A_1638, %scan3A_1620 : i32
      %get3A_1640 = arith.index_cast %mul3A_1639 : i32 to index
      %get3A_1641 = arith.constant 32 : index
      %get3A_1642 = tpu.vector_load %arg12[%get3A_1640, %get3A_1641] {strides = array<i32>} : memref<50x64xf32, #tpu.memory_space<vmem>>, vector<1x16xf32>,
      %get3A_1643 = vector.shape_cast %get3A_1642 : vector<1x16xf32> to vector<16xf32>
      %add3A_1644 = arith.addf %scan3A_1623, %get3A_1643 : vector<16xf32>
      %mul3A_1645 = arith.constant 2 : i32
      %mul3A_1646 = arith.muli %mul3A_1645, %scan3A_1620 : i32
      %get3A_1647 = arith.index_cast %mul3A_1646 : i32 to index
      %get3A_1648 = arith.constant 48 : index
      %get3A_1649 = tpu.vector_load %arg12[%get3A_1647, %get3A_1648] {strides = array<i32>} : memref<50x64xf32, #tpu.memory_space<vmem>>, vector<1x16xf32>,
      %get3A_1650 = vector.shape_cast %get3A_1649 : vector<1x16xf32> to vector<16xf32>
      %add3A_1651 = arith.addf %scan3A_1624, %get3A_1650 : vector<16xf32>
      %mul3A_1652 = arith.constant 2 : i32
      %mul3A_1653 = arith.muli %mul3A_1652, %scan3A_1620 : i32
      %add3A_1654 = arith.constant 1 : i32
      %add3A_1655 = arith.addi %mul3A_1653, %add3A_1654 : i32
      %get3A_1656 = arith.index_cast %add3A_1655 : i32 to index
      %get3A_1657 = arith.constant 0 : index
      %get3A_1658 = tpu.vector_load %arg12[%get3A_1656, %get3A_1657] {strides = array<i32>} : memref<50x64xf32, #tpu.memory_space<vmem>>, vector<1x16xf32>,
      %get3A_1659 = vector.shape_cast %get3A_1658 : vector<1x16xf32> to vector<16xf32>
      %add3A_1660 = arith.addf %add3A_1630, %get3A_1659 : vector<16xf32>
      %mul3A_1661 = arith.constant 2 : i32
      %mul3A_1662 = arith.muli %mul3A_1661, %scan3A_1620 : i32
      %add3A_1663 = arith.constant 1 : i32
      %add3A_1664 = arith.addi %mul3A_1662, %add3A_1663 : i32
      %get3A_1665 = arith.index_cast %add3A_1664 : i32 to index
      %get3A_1666 = arith.constant 16 : index
      %get3A_1667 = tpu.vector_load %arg12[%get3A_1665, %get3A_1666] {strides = array<i32>} : memref<50x64xf32, #tpu.memory_space<vmem>>, vector<1x16xf32>,
      %get3A_1668 = vector.shape_cast %get3A_1667 : vector<1x16xf32> to vector<16xf32>
      %add3A_1669 = arith.addf %add3A_1637, %get3A_1668 : vector<16xf32>
      %mul3A_1670 = arith.constant 2 : i32
      %mul3A_1671 = arith.muli %mul3A_1670, %scan3A_1620 : i32
      %add3A_1672 = arith.constant 1 : i32
      %add3A_1673 = arith.addi %mul3A_1671, %add3A_1672 : i32
      %get3A_1674 = arith.index_cast %add3A_1673 : i32 to index
      %get3A_1675 = arith.constant 32 : index
      %get3A_1676 = tpu.vector_load %arg12[%get3A_1674, %get3A_1675] {strides = array<i32>} : memref<50x64xf32, #tpu.memory_space<vmem>>, vector<1x16xf32>,
      %get3A_1677 = vector.shape_cast %get3A_1676 : vector<1x16xf32> to vector<16xf32>
      %add3A_1678 = arith.addf %add3A_1644, %get3A_1677 : vector<16xf32>
      %mul3A_1679 = arith.constant 2 : i32
      %mul3A_1680 = arith.muli %mul3A_1679, %scan3A_1620 : i32
      %add3A_1681 = arith.constant 1 : i32
      %add3A_1682 = arith.addi %mul3A_1680, %add3A_1681 : i32
      %get3A_1683 = arith.index_cast %add3A_1682 : i32 to index
      %get3A_1684 = arith.constant 48 : index
      %get3A_1685 = tpu.vector_load %arg12[%get3A_1683, %get3A_1684] {strides = array<i32>} : memref<50x64xf32, #tpu.memory_space<vmem>>, vector<1x16xf32>,
      %get3A_1686 = vector.shape_cast %get3A_1685 : vector<1x16xf32> to vector<16xf32>
      %add3A_1687 = arith.addf %add3A_1651, %get3A_1686 : vector<16xf32>
      scf.yield %add3A_1660, %add3A_1669, %add3A_1678, %add3A_1687 : vector<16xf32>, vector<16xf32>, vector<16xf32>, vector<16xf32>
    }
    %scan3A_136 = arith.constant 25 : i32
    %swap3A_137 = arith.constant 1 : i32
    %swap3A_138 = arith.index_cast %swap3A_137 : i32 to index
    %swap3A_139 = arith.constant 0 : index
    %swap3A_140 = tpu.vector_load %arg9[%swap3A_138, %swap3A_139] {strides = array<i32>} : memref<32x64xf32, #tpu.memory_space<vmem>>, vector<1x16xf32>,
    %swap3A_141 = vector.shape_cast %swap3A_140 : vector<1x16xf32> to vector<16xf32>
    %swap3A_142 = vector.shape_cast %scan3A_135#0 : vector<16xf32> to vector<1x16xf32>
    tpu.vector_store %arg9[%swap3A_138, %swap3A_139], %swap3A_142 {strides = array<i32>} : memref<32x64xf32, #tpu.memory_space<vmem>>, vector<1x16xf32>,
    %swap3A_143 = arith.constant 1 : i32
    %swap3A_144 = arith.index_cast %swap3A_143 : i32 to index
    %swap3A_145 = arith.constant 16 : index
    %swap3A_146 = tpu.vector_load %arg9[%swap3A_144, %swap3A_145] {strides = array<i32>} : memref<32x64xf32, #tpu.memory_space<vmem>>, vector<1x16xf32>,
    %swap3A_147 = vector.shape_cast %swap3A_146 : vector<1x16xf32> to vector<16xf32>
    %swap3A_148 = vector.shape_cast %scan3A_135#1 : vector<16xf32> to vector<1x16xf32>
    tpu.vector_store %arg9[%swap3A_144, %swap3A_145], %swap3A_148 {strides = array<i32>} : memref<32x64xf32, #tpu.memory_space<vmem>>, vector<1x16xf32>,
    %swap3A_149 = arith.constant 1 : i32
    %swap3A_150 = arith.index_cast %swap3A_149 : i32 to index
    %swap3A_151 = arith.constant 32 : index
    %swap3A_152 = tpu.vector_load %arg9[%swap3A_150, %swap3A_151] {strides = array<i32>} : memref<32x64xf32, #tpu.memory_space<vmem>>, vector<1x16xf32>,
    %swap3A_153 = vector.shape_cast %swap3A_152 : vector<1x16xf32> to vector<16xf32>
    %swap3A_154 = vector.shape_cast %scan3A_135#2 : vector<16xf32> to vector<1x16xf32>
    tpu.vector_store %arg9[%swap3A_150, %swap3A_151], %swap3A_154 {strides = array<i32>} : memref<32x64xf32, #tpu.memory_space<vmem>>, vector<1x16xf32>,
    %swap3A_155 = arith.constant 1 : i32
    %swap3A_156 = arith.index_cast %swap3A_155 : i32 to index
    %swap3A_157 = arith.constant 48 : index
    %swap3A_158 = tpu.vector_load %arg9[%swap3A_156, %swap3A_157] {strides = array<i32>} : memref<32x64xf32, #tpu.memory_space<vmem>>, vector<1x16xf32>,
    %swap3A_159 = vector.shape_cast %swap3A_158 : vector<1x16xf32> to vector<16xf32>
    %swap3A_160 = vector.shape_cast %scan3A_135#3 : vector<16xf32> to vector<1x16xf32>
    tpu.vector_store %arg9[%swap3A_156, %swap3A_157], %swap3A_160 {strides = array<i32>} : memref<32x64xf32, #tpu.memory_space<vmem>>, vector<1x16xf32>,
    %dma_start3A_161 = arith.constant 392 : i32
    %dma_start3A_162 = tpu.memref_slice %arg7[%dma_start3A_161] : memref<1792xi32, #tpu.memory_space<vmem>> -> memref<50xi32, #tpu.memory_space<vmem>>
    %dma_start3A_163 = arith.constant 0 : i32
    %dma_start3A_164 = arith.constant 0 : i32
    %dma_start3A_165 = tpu.memref_slice %arg4[%dma_start3A_163, %dma_start3A_164] : memref<2000000x64xf32, #tpu.memory_space<hbm>> -> memref<2000000x64xf32, #tpu.memory_space<hbm>>
    tpu.enqueue_indirect_dma source(%dma_start3A_165 : memref<2000000x64xf32, #tpu.memory_space<hbm>>) target(%arg12 : memref<50x64xf32, #tpu.memory_space<vmem>>) offsets(%dma_start3A_162 : memref<50xi32, #tpu.memory_space<vmem>>) semaphore(%arg18 : memref<!tpu.dma_semaphore, #tpu.memory_space<semaphore_mem>>)
    %dma_wait3A_166 = arith.constant 112 : i32
    %dma_wait3A_167 = tpu.memref_slice %arg7[%dma_wait3A_166] : memref<1792xi32, #tpu.memory_space<vmem>> -> memref<50xi32, #tpu.memory_space<vmem>>
    %dma_wait3A_168 = arith.constant 0 : i32
    %dma_wait3A_169 = arith.constant 0 : i32
    %dma_wait3A_170 = tpu.memref_slice %arg4[%dma_wait3A_168, %dma_wait3A_169] : memref<2000000x64xf32, #tpu.memory_space<hbm>> -> memref<2000000x64xf32, #tpu.memory_space<hbm>>
    tpu.wait_indirect_dma semaphore(%arg19 : memref<!tpu.dma_semaphore, #tpu.memory_space<semaphore_mem>>) src(%dma_wait3A_170 : memref<2000000x64xf32, #tpu.memory_space<hbm>>) dst(%arg13 : memref<50x64xf32, #tpu.memory_space<vmem>>)
    %broadcast_in_dim3A_171 = arith.constant 0.000000e+00 : f32
    %broadcast_in_dim3A_172 = vector.broadcast %broadcast_in_dim3A_171 : f32 to vector<16xf32>
    %broadcast_in_dim3A_173 = arith.constant 0.000000e+00 : f32
    %broadcast_in_dim3A_174 = vector.broadcast %broadcast_in_dim3A_173 : f32 to vector<16xf32>
    %broadcast_in_dim3A_175 = arith.constant 0.000000e+00 : f32
    %broadcast_in_dim3A_176 = vector.broadcast %broadcast_in_dim3A_175 : f32 to vector<16xf32>
    %broadcast_in_dim3A_177 = arith.constant 0.000000e+00 : f32
    %broadcast_in_dim3A_178 = vector.broadcast %broadcast_in_dim3A_177 : f32 to vector<16xf32>
    %scan3A_179 = arith.constant 0 : i32
    %scan3A_180 = arith.constant 25 : i32
    %scan3A_181 = arith.addi %scan3A_179, %scan3A_180 : i32
    %scan3A_182 = arith.constant 1 : i32
    %scan3A_183:4 = scf.for %scan3A_1620 = %scan3A_179 to %scan3A_181 step %scan3A_182 iter_args(%scan3A_1621 = %broadcast_in_dim3A_172, %scan3A_1622 = %broadcast_in_dim3A_174, %scan3A_1623 = %broadcast_in_dim3A_176, %scan3A_1624 = %broadcast_in_dim3A_178) -> (vector<16xf32>, vector<16xf32>, vector<16xf32>, vector<16xf32>)  : i32 {
      %mul3A_1625 = arith.constant 2 : i32
      %mul3A_1626 = arith.muli %mul3A_1625, %scan3A_1620 : i32
      %get3A = arith.index_cast %mul3A_1626 : i32 to index
      %get3A_1627 = arith.constant 0 : index
      %get3A_1628 = tpu.vector_load %arg13[%get3A, %get3A_1627] {strides = array<i32>} : memref<50x64xf32, #tpu.memory_space<vmem>>, vector<1x16xf32>,
      %get3A_1629 = vector.shape_cast %get3A_1628 : vector<1x16xf32> to vector<16xf32>
      %add3A_1630 = arith.addf %scan3A_1621, %get3A_1629 : vector<16xf32>
      %mul3A_1631 = arith.constant 2 : i32
      %mul3A_1632 = arith.muli %mul3A_1631, %scan3A_1620 : i32
      %get3A_1633 = arith.index_cast %mul3A_1632 : i32 to index
      %get3A_1634 = arith.constant 16 : index
      %get3A_1635 = tpu.vector_load %arg13[%get3A_1633, %get3A_1634] {strides = array<i32>} : memref<50x64xf32, #tpu.memory_space<vmem>>, vector<1x16xf32>,
      %get3A_1636 = vector.shape_cast %get3A_1635 : vector<1x16xf32> to vector<16xf32>
      %add3A_1637 = arith.addf %scan3A_1622, %get3A_1636 : vector<16xf32>
      %mul3A_1638 = arith.constant 2 : i32
      %mul3A_1639 = arith.muli %mul3A_1638, %scan3A_1620 : i32
      %get3A_1640 = arith.index_cast %mul3A_1639 : i32 to index
      %get3A_1641 = arith.constant 32 : index
      %get3A_1642 = tpu.vector_load %arg13[%get3A_1640, %get3A_1641] {strides = array<i32>} : memref<50x64xf32, #tpu.memory_space<vmem>>, vector<1x16xf32>,
      %get3A_1643 = vector.shape_cast %get3A_1642 : vector<1x16xf32> to vector<16xf32>
      %add3A_1644 = arith.addf %scan3A_1623, %get3A_1643 : vector<16xf32>
      %mul3A_1645 = arith.constant 2 : i32
      %mul3A_1646 = arith.muli %mul3A_1645, %scan3A_1620 : i32
      %get3A_1647 = arith.index_cast %mul3A_1646 : i32 to index
      %get3A_1648 = arith.constant 48 : index
      %get3A_1649 = tpu.vector_load %arg13[%get3A_1647, %get3A_1648] {strides = array<i32>} : memref<50x64xf32, #tpu.memory_space<vmem>>, vector<1x16xf32>,
      %get3A_1650 = vector.shape_cast %get3A_1649 : vector<1x16xf32> to vector<16xf32>
      %add3A_1651 = arith.addf %scan3A_1624, %get3A_1650 : vector<16xf32>
      %mul3A_1652 = arith.constant 2 : i32
      %mul3A_1653 = arith.muli %mul3A_1652, %scan3A_1620 : i32
      %add3A_1654 = arith.constant 1 : i32
      %add3A_1655 = arith.addi %mul3A_1653, %add3A_1654 : i32
      %get3A_1656 = arith.index_cast %add3A_1655 : i32 to index
      %get3A_1657 = arith.constant 0 : index
      %get3A_1658 = tpu.vector_load %arg13[%get3A_1656, %get3A_1657] {strides = array<i32>} : memref<50x64xf32, #tpu.memory_space<vmem>>, vector<1x16xf32>,
      %get3A_1659 = vector.shape_cast %get3A_1658 : vector<1x16xf32> to vector<16xf32>
      %add3A_1660 = arith.addf %add3A_1630, %get3A_1659 : vector<16xf32>
      %mul3A_1661 = arith.constant 2 : i32
      %mul3A_1662 = arith.muli %mul3A_1661, %scan3A_1620 : i32
      %add3A_1663 = arith.constant 1 : i32
      %add3A_1664 = arith.addi %mul3A_1662, %add3A_1663 : i32
      %get3A_1665 = arith.index_cast %add3A_1664 : i32 to index
      %get3A_1666 = arith.constant 16 : index
      %get3A_1667 = tpu.vector_load %arg13[%get3A_1665, %get3A_1666] {strides = array<i32>} : memref<50x64xf32, #tpu.memory_space<vmem>>, vector<1x16xf32>,
      %get3A_1668 = vector.shape_cast %get3A_1667 : vector<1x16xf32> to vector<16xf32>
      %add3A_1669 = arith.addf %add3A_1637, %get3A_1668 : vector<16xf32>
      %mul3A_1670 = arith.constant 2 : i32
      %mul3A_1671 = arith.muli %mul3A_1670, %scan3A_1620 : i32
      %add3A_1672 = arith.constant 1 : i32
      %add3A_1673 = arith.addi %mul3A_1671, %add3A_1672 : i32
      %get3A_1674 = arith.index_cast %add3A_1673 : i32 to index
      %get3A_1675 = arith.constant 32 : index
      %get3A_1676 = tpu.vector_load %arg13[%get3A_1674, %get3A_1675] {strides = array<i32>} : memref<50x64xf32, #tpu.memory_space<vmem>>, vector<1x16xf32>,
      %get3A_1677 = vector.shape_cast %get3A_1676 : vector<1x16xf32> to vector<16xf32>
      %add3A_1678 = arith.addf %add3A_1644, %get3A_1677 : vector<16xf32>
      %mul3A_1679 = arith.constant 2 : i32
      %mul3A_1680 = arith.muli %mul3A_1679, %scan3A_1620 : i32
      %add3A_1681 = arith.constant 1 : i32
      %add3A_1682 = arith.addi %mul3A_1680, %add3A_1681 : i32
      %get3A_1683 = arith.index_cast %add3A_1682 : i32 to index
      %get3A_1684 = arith.constant 48 : index
      %get3A_1685 = tpu.vector_load %arg13[%get3A_1683, %get3A_1684] {strides = array<i32>} : memref<50x64xf32, #tpu.memory_space<vmem>>, vector<1x16xf32>,
      %get3A_1686 = vector.shape_cast %get3A_1685 : vector<1x16xf32> to vector<16xf32>
      %add3A_1687 = arith.addf %add3A_1651, %get3A_1686 : vector<16xf32>
      scf.yield %add3A_1660, %add3A_1669, %add3A_1678, %add3A_1687 : vector<16xf32>, vector<16xf32>, vector<16xf32>, vector<16xf32>
    }
    %scan3A_184 = arith.constant 25 : i32
    %swap3A_185 = arith.constant 2 : i32
    %swap3A_186 = arith.index_cast %swap3A_185 : i32 to index
    %swap3A_187 = arith.constant 0 : index
    %swap3A_188 = tpu.vector_load %arg9[%swap3A_186, %swap3A_187] {strides = array<i32>} : memref<32x64xf32, #tpu.memory_space<vmem>>, vector<1x16xf32>,
    %swap3A_189 = vector.shape_cast %swap3A_188 : vector<1x16xf32> to vector<16xf32>
    %swap3A_190 = vector.shape_cast %scan3A_183#0 : vector<16xf32> to vector<1x16xf32>
    tpu.vector_store %arg9[%swap3A_186, %swap3A_187], %swap3A_190 {strides = array<i32>} : memref<32x64xf32, #tpu.memory_space<vmem>>, vector<1x16xf32>,
    %swap3A_191 = arith.constant 2 : i32
    %swap3A_192 = arith.index_cast %swap3A_191 : i32 to index
    %swap3A_193 = arith.constant 16 : index
    %swap3A_194 = tpu.vector_load %arg9[%swap3A_192, %swap3A_193] {strides = array<i32>} : memref<32x64xf32, #tpu.memory_space<vmem>>, vector<1x16xf32>,
    %swap3A_195 = vector.shape_cast %swap3A_194 : vector<1x16xf32> to vector<16xf32>
    %swap3A_196 = vector.shape_cast %scan3A_183#1 : vector<16xf32> to vector<1x16xf32>
    tpu.vector_store %arg9[%swap3A_192, %swap3A_193], %swap3A_196 {strides = array<i32>} : memref<32x64xf32, #tpu.memory_space<vmem>>, vector<1x16xf32>,
    %swap3A_197 = arith.constant 2 : i32
    %swap3A_198 = arith.index_cast %swap3A_197 : i32 to index
    %swap3A_199 = arith.constant 32 : index
    %swap3A_200 = tpu.vector_load %arg9[%swap3A_198, %swap3A_199] {strides = array<i32>} : memref<32x64xf32, #tpu.memory_space<vmem>>, vector<1x16xf32>,
    %swap3A_201 = vector.shape_cast %swap3A_200 : vector<1x16xf32> to vector<16xf32>
    %swap3A_202 = vector.shape_cast %scan3A_183#2 : vector<16xf32> to vector<1x16xf32>
    tpu.vector_store %arg9[%swap3A_198, %swap3A_199], %swap3A_202 {strides = array<i32>} : memref<32x64xf32, #tpu.memory_space<vmem>>, vector<1x16xf32>,
    %swap3A_203 = arith.constant 2 : i32
    %swap3A_204 = arith.index_cast %swap3A_203 : i32 to index
    %swap3A_205 = arith.constant 48 : index
    %swap3A_206 = tpu.vector_load %arg9[%swap3A_204, %swap3A_205] {strides = array<i32>} : memref<32x64xf32, #tpu.memory_space<vmem>>, vector<1x16xf32>,
    %swap3A_207 = vector.shape_cast %swap3A_206 : vector<1x16xf32> to vector<16xf32>
    %swap3A_208 = vector.shape_cast %scan3A_183#3 : vector<16xf32> to vector<1x16xf32>
    tpu.vector_store %arg9[%swap3A_204, %swap3A_205], %swap3A_208 {strides = array<i32>} : memref<32x64xf32, #tpu.memory_space<vmem>>, vector<1x16xf32>,
    %dma_start3A_209 = arith.constant 448 : i32
    %dma_start3A_210 = tpu.memref_slice %arg7[%dma_start3A_209] : memref<1792xi32, #tpu.memory_space<vmem>> -> memref<50xi32, #tpu.memory_space<vmem>>
    %dma_start3A_211 = arith.constant 0 : i32
    %dma_start3A_212 = arith.constant 0 : i32
    %dma_start3A_213 = tpu.memref_slice %arg4[%dma_start3A_211, %dma_start3A_212] : memref<2000000x64xf32, #tpu.memory_space<hbm>> -> memref<2000000x64xf32, #tpu.memory_space<hbm>>
    tpu.enqueue_indirect_dma source(%dma_start3A_213 : memref<2000000x64xf32, #tpu.memory_space<hbm>>) target(%arg13 : memref<50x64xf32, #tpu.memory_space<vmem>>) offsets(%dma_start3A_210 : memref<50xi32, #tpu.memory_space<vmem>>) semaphore(%arg19 : memref<!tpu.dma_semaphore, #tpu.memory_space<semaphore_mem>>)
    %dma_wait3A_214 = arith.constant 168 : i32
    %dma_wait3A_215 = tpu.memref_slice %arg7[%dma_wait3A_214] : memref<1792xi32, #tpu.memory_space<vmem>> -> memref<50xi32, #tpu.memory_space<vmem>>
    %dma_wait3A_216 = arith.constant 0 : i32
    %dma_wait3A_217 = arith.constant 0 : i32
    %dma_wait3A_218 = tpu.memref_slice %arg4[%dma_wait3A_216, %dma_wait3A_217] : memref<2000000x64xf32, #tpu.memory_space<hbm>> -> memref<2000000x64xf32, #tpu.memory_space<hbm>>
    tpu.wait_indirect_dma semaphore(%arg20 : memref<!tpu.dma_semaphore, #tpu.memory_space<semaphore_mem>>) src(%dma_wait3A_218 : memref<2000000x64xf32, #tpu.memory_space<hbm>>) dst(%arg14 : memref<50x64xf32, #tpu.memory_space<vmem>>)
    %broadcast_in_dim3A_219 = arith.constant 0.000000e+00 : f32
    %broadcast_in_dim3A_220 = vector.broadcast %broadcast_in_dim3A_219 : f32 to vector<16xf32>
    %broadcast_in_dim3A_221 = arith.constant 0.000000e+00 : f32
    %broadcast_in_dim3A_222 = vector.broadcast %broadcast_in_dim3A_221 : f32 to vector<16xf32>
    %broadcast_in_dim3A_223 = arith.constant 0.000000e+00 : f32
    %broadcast_in_dim3A_224 = vector.broadcast %broadcast_in_dim3A_223 : f32 to vector<16xf32>
    %broadcast_in_dim3A_225 = arith.constant 0.000000e+00 : f32
    %broadcast_in_dim3A_226 = vector.broadcast %broadcast_in_dim3A_225 : f32 to vector<16xf32>
    %scan3A_227 = arith.constant 0 : i32
    %scan3A_228 = arith.constant 25 : i32
    %scan3A_229 = arith.addi %scan3A_227, %scan3A_228 : i32
    %scan3A_230 = arith.constant 1 : i32
    %scan3A_231:4 = scf.for %scan3A_1620 = %scan3A_227 to %scan3A_229 step %scan3A_230 iter_args(%scan3A_1621 = %broadcast_in_dim3A_220, %scan3A_1622 = %broadcast_in_dim3A_222, %scan3A_1623 = %broadcast_in_dim3A_224, %scan3A_1624 = %broadcast_in_dim3A_226) -> (vector<16xf32>, vector<16xf32>, vector<16xf32>, vector<16xf32>)  : i32 {
      %mul3A_1625 = arith.constant 2 : i32
      %mul3A_1626 = arith.muli %mul3A_1625, %scan3A_1620 : i32
      %get3A = arith.index_cast %mul3A_1626 : i32 to index
      %get3A_1627 = arith.constant 0 : index
      %get3A_1628 = tpu.vector_load %arg14[%get3A, %get3A_1627] {strides = array<i32>} : memref<50x64xf32, #tpu.memory_space<vmem>>, vector<1x16xf32>,
      %get3A_1629 = vector.shape_cast %get3A_1628 : vector<1x16xf32> to vector<16xf32>
      %add3A_1630 = arith.addf %scan3A_1621, %get3A_1629 : vector<16xf32>
      %mul3A_1631 = arith.constant 2 : i32
      %mul3A_1632 = arith.muli %mul3A_1631, %scan3A_1620 : i32
      %get3A_1633 = arith.index_cast %mul3A_1632 : i32 to index
      %get3A_1634 = arith.constant 16 : index
      %get3A_1635 = tpu.vector_load %arg14[%get3A_1633, %get3A_1634] {strides = array<i32>} : memref<50x64xf32, #tpu.memory_space<vmem>>, vector<1x16xf32>,
      %get3A_1636 = vector.shape_cast %get3A_1635 : vector<1x16xf32> to vector<16xf32>
      %add3A_1637 = arith.addf %scan3A_1622, %get3A_1636 : vector<16xf32>
      %mul3A_1638 = arith.constant 2 : i32
      %mul3A_1639 = arith.muli %mul3A_1638, %scan3A_1620 : i32
      %get3A_1640 = arith.index_cast %mul3A_1639 : i32 to index
      %get3A_1641 = arith.constant 32 : index
      %get3A_1642 = tpu.vector_load %arg14[%get3A_1640, %get3A_1641] {strides = array<i32>} : memref<50x64xf32, #tpu.memory_space<vmem>>, vector<1x16xf32>,
      %get3A_1643 = vector.shape_cast %get3A_1642 : vector<1x16xf32> to vector<16xf32>
      %add3A_1644 = arith.addf %scan3A_1623, %get3A_1643 : vector<16xf32>
      %mul3A_1645 = arith.constant 2 : i32
      %mul3A_1646 = arith.muli %mul3A_1645, %scan3A_1620 : i32
      %get3A_1647 = arith.index_cast %mul3A_1646 : i32 to index
      %get3A_1648 = arith.constant 48 : index
      %get3A_1649 = tpu.vector_load %arg14[%get3A_1647, %get3A_1648] {strides = array<i32>} : memref<50x64xf32, #tpu.memory_space<vmem>>, vector<1x16xf32>,
      %get3A_1650 = vector.shape_cast %get3A_1649 : vector<1x16xf32> to vector<16xf32>
      %add3A_1651 = arith.addf %scan3A_1624, %get3A_1650 : vector<16xf32>
      %mul3A_1652 = arith.constant 2 : i32
      %mul3A_1653 = arith.muli %mul3A_1652, %scan3A_1620 : i32
      %add3A_1654 = arith.constant 1 : i32
      %add3A_1655 = arith.addi %mul3A_1653, %add3A_1654 : i32
      %get3A_1656 = arith.index_cast %add3A_1655 : i32 to index
      %get3A_1657 = arith.constant 0 : index
      %get3A_1658 = tpu.vector_load %arg14[%get3A_1656, %get3A_1657] {strides = array<i32>} : memref<50x64xf32, #tpu.memory_space<vmem>>, vector<1x16xf32>,
      %get3A_1659 = vector.shape_cast %get3A_1658 : vector<1x16xf32> to vector<16xf32>
      %add3A_1660 = arith.addf %add3A_1630, %get3A_1659 : vector<16xf32>
      %mul3A_1661 = arith.constant 2 : i32
      %mul3A_1662 = arith.muli %mul3A_1661, %scan3A_1620 : i32
      %add3A_1663 = arith.constant 1 : i32
      %add3A_1664 = arith.addi %mul3A_1662, %add3A_1663 : i32
      %get3A_1665 = arith.index_cast %add3A_1664 : i32 to index
      %get3A_1666 = arith.constant 16 : index
      %get3A_1667 = tpu.vector_load %arg14[%get3A_1665, %get3A_1666] {strides = array<i32>} : memref<50x64xf32, #tpu.memory_space<vmem>>, vector<1x16xf32>,
      %get3A_1668 = vector.shape_cast %get3A_1667 : vector<1x16xf32> to vector<16xf32>
      %add3A_1669 = arith.addf %add3A_1637, %get3A_1668 : vector<16xf32>
      %mul3A_1670 = arith.constant 2 : i32
      %mul3A_1671 = arith.muli %mul3A_1670, %scan3A_1620 : i32
      %add3A_1672 = arith.constant 1 : i32
      %add3A_1673 = arith.addi %mul3A_1671, %add3A_1672 : i32
      %get3A_1674 = arith.index_cast %add3A_1673 : i32 to index
      %get3A_1675 = arith.constant 32 : index
      %get3A_1676 = tpu.vector_load %arg14[%get3A_1674, %get3A_1675] {strides = array<i32>} : memref<50x64xf32, #tpu.memory_space<vmem>>, vector<1x16xf32>,
      %get3A_1677 = vector.shape_cast %get3A_1676 : vector<1x16xf32> to vector<16xf32>
      %add3A_1678 = arith.addf %add3A_1644, %get3A_1677 : vector<16xf32>
      %mul3A_1679 = arith.constant 2 : i32
      %mul3A_1680 = arith.muli %mul3A_1679, %scan3A_1620 : i32
      %add3A_1681 = arith.constant 1 : i32
      %add3A_1682 = arith.addi %mul3A_1680, %add3A_1681 : i32
      %get3A_1683 = arith.index_cast %add3A_1682 : i32 to index
      %get3A_1684 = arith.constant 48 : index
      %get3A_1685 = tpu.vector_load %arg14[%get3A_1683, %get3A_1684] {strides = array<i32>} : memref<50x64xf32, #tpu.memory_space<vmem>>, vector<1x16xf32>,
      %get3A_1686 = vector.shape_cast %get3A_1685 : vector<1x16xf32> to vector<16xf32>
      %add3A_1687 = arith.addf %add3A_1651, %get3A_1686 : vector<16xf32>
      scf.yield %add3A_1660, %add3A_1669, %add3A_1678, %add3A_1687 : vector<16xf32>, vector<16xf32>, vector<16xf32>, vector<16xf32>
    }
    %scan3A_232 = arith.constant 25 : i32
    %swap3A_233 = arith.constant 3 : i32
    %swap3A_234 = arith.index_cast %swap3A_233 : i32 to index
    %swap3A_235 = arith.constant 0 : index
    %swap3A_236 = tpu.vector_load %arg9[%swap3A_234, %swap3A_235] {strides = array<i32>} : memref<32x64xf32, #tpu.memory_space<vmem>>, vector<1x16xf32>,
    %swap3A_237 = vector.shape_cast %swap3A_236 : vector<1x16xf32> to vector<16xf32>
    %swap3A_238 = vector.shape_cast %scan3A_231#0 : vector<16xf32> to vector<1x16xf32>
    tpu.vector_store %arg9[%swap3A_234, %swap3A_235], %swap3A_238 {strides = array<i32>} : memref<32x64xf32, #tpu.memory_space<vmem>>, vector<1x16xf32>,
    %swap3A_239 = arith.constant 3 : i32
    %swap3A_240 = arith.index_cast %swap3A_239 : i32 to index
    %swap3A_241 = arith.constant 16 : index
    %swap3A_242 = tpu.vector_load %arg9[%swap3A_240, %swap3A_241] {strides = array<i32>} : memref<32x64xf32, #tpu.memory_space<vmem>>, vector<1x16xf32>,
    %swap3A_243 = vector.shape_cast %swap3A_242 : vector<1x16xf32> to vector<16xf32>
    %swap3A_244 = vector.shape_cast %scan3A_231#1 : vector<16xf32> to vector<1x16xf32>
    tpu.vector_store %arg9[%swap3A_240, %swap3A_241], %swap3A_244 {strides = array<i32>} : memref<32x64xf32, #tpu.memory_space<vmem>>, vector<1x16xf32>,
    %swap3A_245 = arith.constant 3 : i32
    %swap3A_246 = arith.index_cast %swap3A_245 : i32 to index
    %swap3A_247 = arith.constant 32 : index
    %swap3A_248 = tpu.vector_load %arg9[%swap3A_246, %swap3A_247] {strides = array<i32>} : memref<32x64xf32, #tpu.memory_space<vmem>>, vector<1x16xf32>,
    %swap3A_249 = vector.shape_cast %swap3A_248 : vector<1x16xf32> to vector<16xf32>
    %swap3A_250 = vector.shape_cast %scan3A_231#2 : vector<16xf32> to vector<1x16xf32>
    tpu.vector_store %arg9[%swap3A_246, %swap3A_247], %swap3A_250 {strides = array<i32>} : memref<32x64xf32, #tpu.memory_space<vmem>>, vector<1x16xf32>,
    %swap3A_251 = arith.constant 3 : i32
    %swap3A_252 = arith.index_cast %swap3A_251 : i32 to index
    %swap3A_253 = arith.constant 48 : index
    %swap3A_254 = tpu.vector_load %arg9[%swap3A_252, %swap3A_253] {strides = array<i32>} : memref<32x64xf32, #tpu.memory_space<vmem>>, vector<1x16xf32>,
    %swap3A_255 = vector.shape_cast %swap3A_254 : vector<1x16xf32> to vector<16xf32>
    %swap3A_256 = vector.shape_cast %scan3A_231#3 : vector<16xf32> to vector<1x16xf32>
    tpu.vector_store %arg9[%swap3A_252, %swap3A_253], %swap3A_256 {strides = array<i32>} : memref<32x64xf32, #tpu.memory_space<vmem>>, vector<1x16xf32>,
    %dma_start3A_257 = arith.constant 504 : i32
    %dma_start3A_258 = tpu.memref_slice %arg7[%dma_start3A_257] : memref<1792xi32, #tpu.memory_space<vmem>> -> memref<50xi32, #tpu.memory_space<vmem>>
    %dma_start3A_259 = arith.constant 0 : i32
    %dma_start3A_260 = arith.constant 0 : i32
    %dma_start3A_261 = tpu.memref_slice %arg4[%dma_start3A_259, %dma_start3A_260] : memref<2000000x64xf32, #tpu.memory_space<hbm>> -> memref<2000000x64xf32, #tpu.memory_space<hbm>>
    tpu.enqueue_indirect_dma source(%dma_start3A_261 : memref<2000000x64xf32, #tpu.memory_space<hbm>>) target(%arg14 : memref<50x64xf32, #tpu.memory_space<vmem>>) offsets(%dma_start3A_258 : memref<50xi32, #tpu.memory_space<vmem>>) semaphore(%arg20 : memref<!tpu.dma_semaphore, #tpu.memory_space<semaphore_mem>>)
    %dma_wait3A_262 = arith.constant 224 : i32
    %dma_wait3A_263 = tpu.memref_slice %arg7[%dma_wait3A_262] : memref<1792xi32, #tpu.memory_space<vmem>> -> memref<50xi32, #tpu.memory_space<vmem>>
    %dma_wait3A_264 = arith.constant 0 : i32
    %dma_wait3A_265 = arith.constant 0 : i32
    %dma_wait3A_266 = tpu.memref_slice %arg4[%dma_wait3A_264, %dma_wait3A_265] : memref<2000000x64xf32, #tpu.memory_space<hbm>> -> memref<2000000x64xf32, #tpu.memory_space<hbm>>
    tpu.wait_indirect_dma semaphore(%arg21 : memref<!tpu.dma_semaphore, #tpu.memory_space<semaphore_mem>>) src(%dma_wait3A_266 : memref<2000000x64xf32, #tpu.memory_space<hbm>>) dst(%arg15 : memref<50x64xf32, #tpu.memory_space<vmem>>)
    %broadcast_in_dim3A_267 = arith.constant 0.000000e+00 : f32
    %broadcast_in_dim3A_268 = vector.broadcast %broadcast_in_dim3A_267 : f32 to vector<16xf32>
    %broadcast_in_dim3A_269 = arith.constant 0.000000e+00 : f32
    %broadcast_in_dim3A_270 = vector.broadcast %broadcast_in_dim3A_269 : f32 to vector<16xf32>
    %broadcast_in_dim3A_271 = arith.constant 0.000000e+00 : f32
    %broadcast_in_dim3A_272 = vector.broadcast %broadcast_in_dim3A_271 : f32 to vector<16xf32>
    %broadcast_in_dim3A_273 = arith.constant 0.000000e+00 : f32
    %broadcast_in_dim3A_274 = vector.broadcast %broadcast_in_dim3A_273 : f32 to vector<16xf32>
    %scan3A_275 = arith.constant 0 : i32
    %scan3A_276 = arith.constant 25 : i32
    %scan3A_277 = arith.addi %scan3A_275, %scan3A_276 : i32
    %scan3A_278 = arith.constant 1 : i32
    %scan3A_279:4 = scf.for %scan3A_1620 = %scan3A_275 to %scan3A_277 step %scan3A_278 iter_args(%scan3A_1621 = %broadcast_in_dim3A_268, %scan3A_1622 = %broadcast_in_dim3A_270, %scan3A_1623 = %broadcast_in_dim3A_272, %scan3A_1624 = %broadcast_in_dim3A_274) -> (vector<16xf32>, vector<16xf32>, vector<16xf32>, vector<16xf32>)  : i32 {
      %mul3A_1625 = arith.constant 2 : i32
      %mul3A_1626 = arith.muli %mul3A_1625, %scan3A_1620 : i32
      %get3A = arith.index_cast %mul3A_1626 : i32 to index
      %get3A_1627 = arith.constant 0 : index
      %get3A_1628 = tpu.vector_load %arg15[%get3A, %get3A_1627] {strides = array<i32>} : memref<50x64xf32, #tpu.memory_space<vmem>>, vector<1x16xf32>,
      %get3A_1629 = vector.shape_cast %get3A_1628 : vector<1x16xf32> to vector<16xf32>
      %add3A_1630 = arith.addf %scan3A_1621, %get3A_1629 : vector<16xf32>
      %mul3A_1631 = arith.constant 2 : i32
      %mul3A_1632 = arith.muli %mul3A_1631, %scan3A_1620 : i32
      %get3A_1633 = arith.index_cast %mul3A_1632 : i32 to index
      %get3A_1634 = arith.constant 16 : index
      %get3A_1635 = tpu.vector_load %arg15[%get3A_1633, %get3A_1634] {strides = array<i32>} : memref<50x64xf32, #tpu.memory_space<vmem>>, vector<1x16xf32>,
      %get3A_1636 = vector.shape_cast %get3A_1635 : vector<1x16xf32> to vector<16xf32>
      %add3A_1637 = arith.addf %scan3A_1622, %get3A_1636 : vector<16xf32>
      %mul3A_1638 = arith.constant 2 : i32
      %mul3A_1639 = arith.muli %mul3A_1638, %scan3A_1620 : i32
      %get3A_1640 = arith.index_cast %mul3A_1639 : i32 to index
      %get3A_1641 = arith.constant 32 : index
      %get3A_1642 = tpu.vector_load %arg15[%get3A_1640, %get3A_1641] {strides = array<i32>} : memref<50x64xf32, #tpu.memory_space<vmem>>, vector<1x16xf32>,
      %get3A_1643 = vector.shape_cast %get3A_1642 : vector<1x16xf32> to vector<16xf32>
      %add3A_1644 = arith.addf %scan3A_1623, %get3A_1643 : vector<16xf32>
      %mul3A_1645 = arith.constant 2 : i32
      %mul3A_1646 = arith.muli %mul3A_1645, %scan3A_1620 : i32
      %get3A_1647 = arith.index_cast %mul3A_1646 : i32 to index
      %get3A_1648 = arith.constant 48 : index
      %get3A_1649 = tpu.vector_load %arg15[%get3A_1647, %get3A_1648] {strides = array<i32>} : memref<50x64xf32, #tpu.memory_space<vmem>>, vector<1x16xf32>,
      %get3A_1650 = vector.shape_cast %get3A_1649 : vector<1x16xf32> to vector<16xf32>
      %add3A_1651 = arith.addf %scan3A_1624, %get3A_1650 : vector<16xf32>
      %mul3A_1652 = arith.constant 2 : i32
      %mul3A_1653 = arith.muli %mul3A_1652, %scan3A_1620 : i32
      %add3A_1654 = arith.constant 1 : i32
      %add3A_1655 = arith.addi %mul3A_1653, %add3A_1654 : i32
      %get3A_1656 = arith.index_cast %add3A_1655 : i32 to index
      %get3A_1657 = arith.constant 0 : index
      %get3A_1658 = tpu.vector_load %arg15[%get3A_1656, %get3A_1657] {strides = array<i32>} : memref<50x64xf32, #tpu.memory_space<vmem>>, vector<1x16xf32>,
      %get3A_1659 = vector.shape_cast %get3A_1658 : vector<1x16xf32> to vector<16xf32>
      %add3A_1660 = arith.addf %add3A_1630, %get3A_1659 : vector<16xf32>
      %mul3A_1661 = arith.constant 2 : i32
      %mul3A_1662 = arith.muli %mul3A_1661, %scan3A_1620 : i32
      %add3A_1663 = arith.constant 1 : i32
      %add3A_1664 = arith.addi %mul3A_1662, %add3A_1663 : i32
      %get3A_1665 = arith.index_cast %add3A_1664 : i32 to index
      %get3A_1666 = arith.constant 16 : index
      %get3A_1667 = tpu.vector_load %arg15[%get3A_1665, %get3A_1666] {strides = array<i32>} : memref<50x64xf32, #tpu.memory_space<vmem>>, vector<1x16xf32>,
      %get3A_1668 = vector.shape_cast %get3A_1667 : vector<1x16xf32> to vector<16xf32>
      %add3A_1669 = arith.addf %add3A_1637, %get3A_1668 : vector<16xf32>
      %mul3A_1670 = arith.constant 2 : i32
      %mul3A_1671 = arith.muli %mul3A_1670, %scan3A_1620 : i32
      %add3A_1672 = arith.constant 1 : i32
      %add3A_1673 = arith.addi %mul3A_1671, %add3A_1672 : i32
      %get3A_1674 = arith.index_cast %add3A_1673 : i32 to index
      %get3A_1675 = arith.constant 32 : index
      %get3A_1676 = tpu.vector_load %arg15[%get3A_1674, %get3A_1675] {strides = array<i32>} : memref<50x64xf32, #tpu.memory_space<vmem>>, vector<1x16xf32>,
      %get3A_1677 = vector.shape_cast %get3A_1676 : vector<1x16xf32> to vector<16xf32>
      %add3A_1678 = arith.addf %add3A_1644, %get3A_1677 : vector<16xf32>
      %mul3A_1679 = arith.constant 2 : i32
      %mul3A_1680 = arith.muli %mul3A_1679, %scan3A_1620 : i32
      %add3A_1681 = arith.constant 1 : i32
      %add3A_1682 = arith.addi %mul3A_1680, %add3A_1681 : i32
      %get3A_1683 = arith.index_cast %add3A_1682 : i32 to index
      %get3A_1684 = arith.constant 48 : index
      %get3A_1685 = tpu.vector_load %arg15[%get3A_1683, %get3A_1684] {strides = array<i32>} : memref<50x64xf32, #tpu.memory_space<vmem>>, vector<1x16xf32>,
      %get3A_1686 = vector.shape_cast %get3A_1685 : vector<1x16xf32> to vector<16xf32>
      %add3A_1687 = arith.addf %add3A_1651, %get3A_1686 : vector<16xf32>
      scf.yield %add3A_1660, %add3A_1669, %add3A_1678, %add3A_1687 : vector<16xf32>, vector<16xf32>, vector<16xf32>, vector<16xf32>
    }
    %scan3A_280 = arith.constant 25 : i32
    %swap3A_281 = arith.constant 4 : i32
    %swap3A_282 = arith.index_cast %swap3A_281 : i32 to index
    %swap3A_283 = arith.constant 0 : index
    %swap3A_284 = tpu.vector_load %arg9[%swap3A_282, %swap3A_283] {strides = array<i32>} : memref<32x64xf32, #tpu.memory_space<vmem>>, vector<1x16xf32>,
    %swap3A_285 = vector.shape_cast %swap3A_284 : vector<1x16xf32> to vector<16xf32>
    %swap3A_286 = vector.shape_cast %scan3A_279#0 : vector<16xf32> to vector<1x16xf32>
    tpu.vector_store %arg9[%swap3A_282, %swap3A_283], %swap3A_286 {strides = array<i32>} : memref<32x64xf32, #tpu.memory_space<vmem>>, vector<1x16xf32>,
    %swap3A_287 = arith.constant 4 : i32
    %swap3A_288 = arith.index_cast %swap3A_287 : i32 to index
    %swap3A_289 = arith.constant 16 : index
    %swap3A_290 = tpu.vector_load %arg9[%swap3A_288, %swap3A_289] {strides = array<i32>} : memref<32x64xf32, #tpu.memory_space<vmem>>, vector<1x16xf32>,
    %swap3A_291 = vector.shape_cast %swap3A_290 : vector<1x16xf32> to vector<16xf32>
    %swap3A_292 = vector.shape_cast %scan3A_279#1 : vector<16xf32> to vector<1x16xf32>
    tpu.vector_store %arg9[%swap3A_288, %swap3A_289], %swap3A_292 {strides = array<i32>} : memref<32x64xf32, #tpu.memory_space<vmem>>, vector<1x16xf32>,
    %swap3A_293 = arith.constant 4 : i32
    %swap3A_294 = arith.index_cast %swap3A_293 : i32 to index
    %swap3A_295 = arith.constant 32 : index
    %swap3A_296 = tpu.vector_load %arg9[%swap3A_294, %swap3A_295] {strides = array<i32>} : memref<32x64xf32, #tpu.memory_space<vmem>>, vector<1x16xf32>,
    %swap3A_297 = vector.shape_cast %swap3A_296 : vector<1x16xf32> to vector<16xf32>
    %swap3A_298 = vector.shape_cast %scan3A_279#2 : vector<16xf32> to vector<1x16xf32>
    tpu.vector_store %arg9[%swap3A_294, %swap3A_295], %swap3A_298 {strides = array<i32>} : memref<32x64xf32, #tpu.memory_space<vmem>>, vector<1x16xf32>,
    %swap3A_299 = arith.constant 4 : i32
    %swap3A_300 = arith.index_cast %swap3A_299 : i32 to index
    %swap3A_301 = arith.constant 48 : index
    %swap3A_302 = tpu.vector_load %arg9[%swap3A_300, %swap3A_301] {strides = array<i32>} : memref<32x64xf32, #tpu.memory_space<vmem>>, vector<1x16xf32>,
    %swap3A_303 = vector.shape_cast %swap3A_302 : vector<1x16xf32> to vector<16xf32>
    %swap3A_304 = vector.shape_cast %scan3A_279#3 : vector<16xf32> to vector<1x16xf32>
    tpu.vector_store %arg9[%swap3A_300, %swap3A_301], %swap3A_304 {strides = array<i32>} : memref<32x64xf32, #tpu.memory_space<vmem>>, vector<1x16xf32>,
    %dma_start3A_305 = arith.constant 560 : i32
    %dma_start3A_306 = tpu.memref_slice %arg7[%dma_start3A_305] : memref<1792xi32, #tpu.memory_space<vmem>> -> memref<50xi32, #tpu.memory_space<vmem>>
    %dma_start3A_307 = arith.constant 0 : i32
    %dma_start3A_308 = arith.constant 0 : i32
    %dma_start3A_309 = tpu.memref_slice %arg4[%dma_start3A_307, %dma_start3A_308] : memref<2000000x64xf32, #tpu.memory_space<hbm>> -> memref<2000000x64xf32, #tpu.memory_space<hbm>>
    tpu.enqueue_indirect_dma source(%dma_start3A_309 : memref<2000000x64xf32, #tpu.memory_space<hbm>>) target(%arg15 : memref<50x64xf32, #tpu.memory_space<vmem>>) offsets(%dma_start3A_306 : memref<50xi32, #tpu.memory_space<vmem>>) semaphore(%arg21 : memref<!tpu.dma_semaphore, #tpu.memory_space<semaphore_mem>>)
    %dma_wait3A_310 = arith.constant 280 : i32
    %dma_wait3A_311 = tpu.memref_slice %arg7[%dma_wait3A_310] : memref<1792xi32, #tpu.memory_space<vmem>> -> memref<50xi32, #tpu.memory_space<vmem>>
    %dma_wait3A_312 = arith.constant 0 : i32
    %dma_wait3A_313 = arith.constant 0 : i32
    %dma_wait3A_314 = tpu.memref_slice %arg4[%dma_wait3A_312, %dma_wait3A_313] : memref<2000000x64xf32, #tpu.memory_space<hbm>> -> memref<2000000x64xf32, #tpu.memory_space<hbm>>
    tpu.wait_indirect_dma semaphore(%arg22 : memref<!tpu.dma_semaphore, #tpu.memory_space<semaphore_mem>>) src(%dma_wait3A_314 : memref<2000000x64xf32, #tpu.memory_space<hbm>>) dst(%arg16 : memref<50x64xf32, #tpu.memory_space<vmem>>)
    %broadcast_in_dim3A_315 = arith.constant 0.000000e+00 : f32
    %broadcast_in_dim3A_316 = vector.broadcast %broadcast_in_dim3A_315 : f32 to vector<16xf32>
    %broadcast_in_dim3A_317 = arith.constant 0.000000e+00 : f32
    %broadcast_in_dim3A_318 = vector.broadcast %broadcast_in_dim3A_317 : f32 to vector<16xf32>
    %broadcast_in_dim3A_319 = arith.constant 0.000000e+00 : f32
    %broadcast_in_dim3A_320 = vector.broadcast %broadcast_in_dim3A_319 : f32 to vector<16xf32>
    %broadcast_in_dim3A_321 = arith.constant 0.000000e+00 : f32
    %broadcast_in_dim3A_322 = vector.broadcast %broadcast_in_dim3A_321 : f32 to vector<16xf32>
    %scan3A_323 = arith.constant 0 : i32
    %scan3A_324 = arith.constant 25 : i32
    %scan3A_325 = arith.addi %scan3A_323, %scan3A_324 : i32
    %scan3A_326 = arith.constant 1 : i32
    %scan3A_327:4 = scf.for %scan3A_1620 = %scan3A_323 to %scan3A_325 step %scan3A_326 iter_args(%scan3A_1621 = %broadcast_in_dim3A_316, %scan3A_1622 = %broadcast_in_dim3A_318, %scan3A_1623 = %broadcast_in_dim3A_320, %scan3A_1624 = %broadcast_in_dim3A_322) -> (vector<16xf32>, vector<16xf32>, vector<16xf32>, vector<16xf32>)  : i32 {
      %mul3A_1625 = arith.constant 2 : i32
      %mul3A_1626 = arith.muli %mul3A_1625, %scan3A_1620 : i32
      %get3A = arith.index_cast %mul3A_1626 : i32 to index
      %get3A_1627 = arith.constant 0 : index
      %get3A_1628 = tpu.vector_load %arg16[%get3A, %get3A_1627] {strides = array<i32>} : memref<50x64xf32, #tpu.memory_space<vmem>>, vector<1x16xf32>,
      %get3A_1629 = vector.shape_cast %get3A_1628 : vector<1x16xf32> to vector<16xf32>
      %add3A_1630 = arith.addf %scan3A_1621, %get3A_1629 : vector<16xf32>
      %mul3A_1631 = arith.constant 2 : i32
      %mul3A_1632 = arith.muli %mul3A_1631, %scan3A_1620 : i32
      %get3A_1633 = arith.index_cast %mul3A_1632 : i32 to index
      %get3A_1634 = arith.constant 16 : index
      %get3A_1635 = tpu.vector_load %arg16[%get3A_1633, %get3A_1634] {strides = array<i32>} : memref<50x64xf32, #tpu.memory_space<vmem>>, vector<1x16xf32>,
      %get3A_1636 = vector.shape_cast %get3A_1635 : vector<1x16xf32> to vector<16xf32>
      %add3A_1637 = arith.addf %scan3A_1622, %get3A_1636 : vector<16xf32>
      %mul3A_1638 = arith.constant 2 : i32
      %mul3A_1639 = arith.muli %mul3A_1638, %scan3A_1620 : i32
      %get3A_1640 = arith.index_cast %mul3A_1639 : i32 to index
      %get3A_1641 = arith.constant 32 : index
      %get3A_1642 = tpu.vector_load %arg16[%get3A_1640, %get3A_1641] {strides = array<i32>} : memref<50x64xf32, #tpu.memory_space<vmem>>, vector<1x16xf32>,
      %get3A_1643 = vector.shape_cast %get3A_1642 : vector<1x16xf32> to vector<16xf32>
      %add3A_1644 = arith.addf %scan3A_1623, %get3A_1643 : vector<16xf32>
      %mul3A_1645 = arith.constant 2 : i32
      %mul3A_1646 = arith.muli %mul3A_1645, %scan3A_1620 : i32
      %get3A_1647 = arith.index_cast %mul3A_1646 : i32 to index
      %get3A_1648 = arith.constant 48 : index
      %get3A_1649 = tpu.vector_load %arg16[%get3A_1647, %get3A_1648] {strides = array<i32>} : memref<50x64xf32, #tpu.memory_space<vmem>>, vector<1x16xf32>,
      %get3A_1650 = vector.shape_cast %get3A_1649 : vector<1x16xf32> to vector<16xf32>
      %add3A_1651 = arith.addf %scan3A_1624, %get3A_1650 : vector<16xf32>
      %mul3A_1652 = arith.constant 2 : i32
      %mul3A_1653 = arith.muli %mul3A_1652, %scan3A_1620 : i32
      %add3A_1654 = arith.constant 1 : i32
      %add3A_1655 = arith.addi %mul3A_1653, %add3A_1654 : i32
      %get3A_1656 = arith.index_cast %add3A_1655 : i32 to index
      %get3A_1657 = arith.constant 0 : index
      %get3A_1658 = tpu.vector_load %arg16[%get3A_1656, %get3A_1657] {strides = array<i32>} : memref<50x64xf32, #tpu.memory_space<vmem>>, vector<1x16xf32>,
      %get3A_1659 = vector.shape_cast %get3A_1658 : vector<1x16xf32> to vector<16xf32>
      %add3A_1660 = arith.addf %add3A_1630, %get3A_1659 : vector<16xf32>
      %mul3A_1661 = arith.constant 2 : i32
      %mul3A_1662 = arith.muli %mul3A_1661, %scan3A_1620 : i32
      %add3A_1663 = arith.constant 1 : i32
      %add3A_1664 = arith.addi %mul3A_1662, %add3A_1663 : i32
      %get3A_1665 = arith.index_cast %add3A_1664 : i32 to index
      %get3A_1666 = arith.constant 16 : index
      %get3A_1667 = tpu.vector_load %arg16[%get3A_1665, %get3A_1666] {strides = array<i32>} : memref<50x64xf32, #tpu.memory_space<vmem>>, vector<1x16xf32>,
      %get3A_1668 = vector.shape_cast %get3A_1667 : vector<1x16xf32> to vector<16xf32>
      %add3A_1669 = arith.addf %add3A_1637, %get3A_1668 : vector<16xf32>
      %mul3A_1670 = arith.constant 2 : i32
      %mul3A_1671 = arith.muli %mul3A_1670, %scan3A_1620 : i32
      %add3A_1672 = arith.constant 1 : i32
      %add3A_1673 = arith.addi %mul3A_1671, %add3A_1672 : i32
      %get3A_1674 = arith.index_cast %add3A_1673 : i32 to index
      %get3A_1675 = arith.constant 32 : index
      %get3A_1676 = tpu.vector_load %arg16[%get3A_1674, %get3A_1675] {strides = array<i32>} : memref<50x64xf32, #tpu.memory_space<vmem>>, vector<1x16xf32>,
      %get3A_1677 = vector.shape_cast %get3A_1676 : vector<1x16xf32> to vector<16xf32>
      %add3A_1678 = arith.addf %add3A_1644, %get3A_1677 : vector<16xf32>
      %mul3A_1679 = arith.constant 2 : i32
      %mul3A_1680 = arith.muli %mul3A_1679, %scan3A_1620 : i32
      %add3A_1681 = arith.constant 1 : i32
      %add3A_1682 = arith.addi %mul3A_1680, %add3A_1681 : i32
      %get3A_1683 = arith.index_cast %add3A_1682 : i32 to index
      %get3A_1684 = arith.constant 48 : index
      %get3A_1685 = tpu.vector_load %arg16[%get3A_1683, %get3A_1684] {strides = array<i32>} : memref<50x64xf32, #tpu.memory_space<vmem>>, vector<1x16xf32>,
      %get3A_1686 = vector.shape_cast %get3A_1685 : vector<1x16xf32> to vector<16xf32>
      %add3A_1687 = arith.addf %add3A_1651, %get3A_1686 : vector<16xf32>
      scf.yield %add3A_1660, %add3A_1669, %add3A_1678, %add3A_1687 : vector<16xf32>, vector<16xf32>, vector<16xf32>, vector<16xf32>
    }
    %scan3A_328 = arith.constant 25 : i32
    %swap3A_329 = arith.constant 5 : i32
    %swap3A_330 = arith.index_cast %swap3A_329 : i32 to index
    %swap3A_331 = arith.constant 0 : index
    %swap3A_332 = tpu.vector_load %arg9[%swap3A_330, %swap3A_331] {strides = array<i32>} : memref<32x64xf32, #tpu.memory_space<vmem>>, vector<1x16xf32>,
    %swap3A_333 = vector.shape_cast %swap3A_332 : vector<1x16xf32> to vector<16xf32>
    %swap3A_334 = vector.shape_cast %scan3A_327#0 : vector<16xf32> to vector<1x16xf32>
    tpu.vector_store %arg9[%swap3A_330, %swap3A_331], %swap3A_334 {strides = array<i32>} : memref<32x64xf32, #tpu.memory_space<vmem>>, vector<1x16xf32>,
    %swap3A_335 = arith.constant 5 : i32
    %swap3A_336 = arith.index_cast %swap3A_335 : i32 to index
    %swap3A_337 = arith.constant 16 : index
    %swap3A_338 = tpu.vector_load %arg9[%swap3A_336, %swap3A_337] {strides = array<i32>} : memref<32x64xf32, #tpu.memory_space<vmem>>, vector<1x16xf32>,
    %swap3A_339 = vector.shape_cast %swap3A_338 : vector<1x16xf32> to vector<16xf32>
    %swap3A_340 = vector.shape_cast %scan3A_327#1 : vector<16xf32> to vector<1x16xf32>
    tpu.vector_store %arg9[%swap3A_336, %swap3A_337], %swap3A_340 {strides = array<i32>} : memref<32x64xf32, #tpu.memory_space<vmem>>, vector<1x16xf32>,
    %swap3A_341 = arith.constant 5 : i32
    %swap3A_342 = arith.index_cast %swap3A_341 : i32 to index
    %swap3A_343 = arith.constant 32 : index
    %swap3A_344 = tpu.vector_load %arg9[%swap3A_342, %swap3A_343] {strides = array<i32>} : memref<32x64xf32, #tpu.memory_space<vmem>>, vector<1x16xf32>,
    %swap3A_345 = vector.shape_cast %swap3A_344 : vector<1x16xf32> to vector<16xf32>
    %swap3A_346 = vector.shape_cast %scan3A_327#2 : vector<16xf32> to vector<1x16xf32>
    tpu.vector_store %arg9[%swap3A_342, %swap3A_343], %swap3A_346 {strides = array<i32>} : memref<32x64xf32, #tpu.memory_space<vmem>>, vector<1x16xf32>,
    %swap3A_347 = arith.constant 5 : i32
    %swap3A_348 = arith.index_cast %swap3A_347 : i32 to index
    %swap3A_349 = arith.constant 48 : index
    %swap3A_350 = tpu.vector_load %arg9[%swap3A_348, %swap3A_349] {strides = array<i32>} : memref<32x64xf32, #tpu.memory_space<vmem>>, vector<1x16xf32>,
    %swap3A_351 = vector.shape_cast %swap3A_350 : vector<1x16xf32> to vector<16xf32>
    %swap3A_352 = vector.shape_cast %scan3A_327#3 : vector<16xf32> to vector<1x16xf32>
    tpu.vector_store %arg9[%swap3A_348, %swap3A_349], %swap3A_352 {strides = array<i32>} : memref<32x64xf32, #tpu.memory_space<vmem>>, vector<1x16xf32>,
    %dma_start3A_353 = arith.constant 616 : i32
    %dma_start3A_354 = tpu.memref_slice %arg7[%dma_start3A_353] : memref<1792xi32, #tpu.memory_space<vmem>> -> memref<50xi32, #tpu.memory_space<vmem>>
    %dma_start3A_355 = arith.constant 0 : i32
    %dma_start3A_356 = arith.constant 0 : i32
    %dma_start3A_357 = tpu.memref_slice %arg4[%dma_start3A_355, %dma_start3A_356] : memref<2000000x64xf32, #tpu.memory_space<hbm>> -> memref<2000000x64xf32, #tpu.memory_space<hbm>>
    tpu.enqueue_indirect_dma source(%dma_start3A_357 : memref<2000000x64xf32, #tpu.memory_space<hbm>>) target(%arg16 : memref<50x64xf32, #tpu.memory_space<vmem>>) offsets(%dma_start3A_354 : memref<50xi32, #tpu.memory_space<vmem>>) semaphore(%arg22 : memref<!tpu.dma_semaphore, #tpu.memory_space<semaphore_mem>>)
    %dma_wait3A_358 = arith.constant 336 : i32
    %dma_wait3A_359 = tpu.memref_slice %arg7[%dma_wait3A_358] : memref<1792xi32, #tpu.memory_space<vmem>> -> memref<50xi32, #tpu.memory_space<vmem>>
    %dma_wait3A_360 = arith.constant 0 : i32
    %dma_wait3A_361 = arith.constant 0 : i32
    %dma_wait3A_362 = tpu.memref_slice %arg4[%dma_wait3A_360, %dma_wait3A_361] : memref<2000000x64xf32, #tpu.memory_space<hbm>> -> memref<2000000x64xf32, #tpu.memory_space<hbm>>
    tpu.wait_indirect_dma semaphore(%arg17 : memref<!tpu.dma_semaphore, #tpu.memory_space<semaphore_mem>>) src(%dma_wait3A_362 : memref<2000000x64xf32, #tpu.memory_space<hbm>>) dst(%arg11 : memref<50x64xf32, #tpu.memory_space<vmem>>)
    %broadcast_in_dim3A_363 = arith.constant 0.000000e+00 : f32
    %broadcast_in_dim3A_364 = vector.broadcast %broadcast_in_dim3A_363 : f32 to vector<16xf32>
    %broadcast_in_dim3A_365 = arith.constant 0.000000e+00 : f32
    %broadcast_in_dim3A_366 = vector.broadcast %broadcast_in_dim3A_365 : f32 to vector<16xf32>
    %broadcast_in_dim3A_367 = arith.constant 0.000000e+00 : f32
    %broadcast_in_dim3A_368 = vector.broadcast %broadcast_in_dim3A_367 : f32 to vector<16xf32>
    %broadcast_in_dim3A_369 = arith.constant 0.000000e+00 : f32
    %broadcast_in_dim3A_370 = vector.broadcast %broadcast_in_dim3A_369 : f32 to vector<16xf32>
    %scan3A_371 = arith.constant 0 : i32
    %scan3A_372 = arith.constant 25 : i32
    %scan3A_373 = arith.addi %scan3A_371, %scan3A_372 : i32
    %scan3A_374 = arith.constant 1 : i32
    %scan3A_375:4 = scf.for %scan3A_1620 = %scan3A_371 to %scan3A_373 step %scan3A_374 iter_args(%scan3A_1621 = %broadcast_in_dim3A_364, %scan3A_1622 = %broadcast_in_dim3A_366, %scan3A_1623 = %broadcast_in_dim3A_368, %scan3A_1624 = %broadcast_in_dim3A_370) -> (vector<16xf32>, vector<16xf32>, vector<16xf32>, vector<16xf32>)  : i32 {
      %mul3A_1625 = arith.constant 2 : i32
      %mul3A_1626 = arith.muli %mul3A_1625, %scan3A_1620 : i32
      %get3A = arith.index_cast %mul3A_1626 : i32 to index
      %get3A_1627 = arith.constant 0 : index
      %get3A_1628 = tpu.vector_load %arg11[%get3A, %get3A_1627] {strides = array<i32>} : memref<50x64xf32, #tpu.memory_space<vmem>>, vector<1x16xf32>,
      %get3A_1629 = vector.shape_cast %get3A_1628 : vector<1x16xf32> to vector<16xf32>
      %add3A_1630 = arith.addf %scan3A_1621, %get3A_1629 : vector<16xf32>
      %mul3A_1631 = arith.constant 2 : i32
      %mul3A_1632 = arith.muli %mul3A_1631, %scan3A_1620 : i32
      %get3A_1633 = arith.index_cast %mul3A_1632 : i32 to index
      %get3A_1634 = arith.constant 16 : index
      %get3A_1635 = tpu.vector_load %arg11[%get3A_1633, %get3A_1634] {strides = array<i32>} : memref<50x64xf32, #tpu.memory_space<vmem>>, vector<1x16xf32>,
      %get3A_1636 = vector.shape_cast %get3A_1635 : vector<1x16xf32> to vector<16xf32>
      %add3A_1637 = arith.addf %scan3A_1622, %get3A_1636 : vector<16xf32>
      %mul3A_1638 = arith.constant 2 : i32
      %mul3A_1639 = arith.muli %mul3A_1638, %scan3A_1620 : i32
      %get3A_1640 = arith.index_cast %mul3A_1639 : i32 to index
      %get3A_1641 = arith.constant 32 : index
      %get3A_1642 = tpu.vector_load %arg11[%get3A_1640, %get3A_1641] {strides = array<i32>} : memref<50x64xf32, #tpu.memory_space<vmem>>, vector<1x16xf32>,
      %get3A_1643 = vector.shape_cast %get3A_1642 : vector<1x16xf32> to vector<16xf32>
      %add3A_1644 = arith.addf %scan3A_1623, %get3A_1643 : vector<16xf32>
      %mul3A_1645 = arith.constant 2 : i32
      %mul3A_1646 = arith.muli %mul3A_1645, %scan3A_1620 : i32
      %get3A_1647 = arith.index_cast %mul3A_1646 : i32 to index
      %get3A_1648 = arith.constant 48 : index
      %get3A_1649 = tpu.vector_load %arg11[%get3A_1647, %get3A_1648] {strides = array<i32>} : memref<50x64xf32, #tpu.memory_space<vmem>>, vector<1x16xf32>,
      %get3A_1650 = vector.shape_cast %get3A_1649 : vector<1x16xf32> to vector<16xf32>
      %add3A_1651 = arith.addf %scan3A_1624, %get3A_1650 : vector<16xf32>
      %mul3A_1652 = arith.constant 2 : i32
      %mul3A_1653 = arith.muli %mul3A_1652, %scan3A_1620 : i32
      %add3A_1654 = arith.constant 1 : i32
      %add3A_1655 = arith.addi %mul3A_1653, %add3A_1654 : i32
      %get3A_1656 = arith.index_cast %add3A_1655 : i32 to index
      %get3A_1657 = arith.constant 0 : index
      %get3A_1658 = tpu.vector_load %arg11[%get3A_1656, %get3A_1657] {strides = array<i32>} : memref<50x64xf32, #tpu.memory_space<vmem>>, vector<1x16xf32>,
      %get3A_1659 = vector.shape_cast %get3A_1658 : vector<1x16xf32> to vector<16xf32>
      %add3A_1660 = arith.addf %add3A_1630, %get3A_1659 : vector<16xf32>
      %mul3A_1661 = arith.constant 2 : i32
      %mul3A_1662 = arith.muli %mul3A_1661, %scan3A_1620 : i32
      %add3A_1663 = arith.constant 1 : i32
      %add3A_1664 = arith.addi %mul3A_1662, %add3A_1663 : i32
      %get3A_1665 = arith.index_cast %add3A_1664 : i32 to index
      %get3A_1666 = arith.constant 16 : index
      %get3A_1667 = tpu.vector_load %arg11[%get3A_1665, %get3A_1666] {strides = array<i32>} : memref<50x64xf32, #tpu.memory_space<vmem>>, vector<1x16xf32>,
      %get3A_1668 = vector.shape_cast %get3A_1667 : vector<1x16xf32> to vector<16xf32>
      %add3A_1669 = arith.addf %add3A_1637, %get3A_1668 : vector<16xf32>
      %mul3A_1670 = arith.constant 2 : i32
      %mul3A_1671 = arith.muli %mul3A_1670, %scan3A_1620 : i32
      %add3A_1672 = arith.constant 1 : i32
      %add3A_1673 = arith.addi %mul3A_1671, %add3A_1672 : i32
      %get3A_1674 = arith.index_cast %add3A_1673 : i32 to index
      %get3A_1675 = arith.constant 32 : index
      %get3A_1676 = tpu.vector_load %arg11[%get3A_1674, %get3A_1675] {strides = array<i32>} : memref<50x64xf32, #tpu.memory_space<vmem>>, vector<1x16xf32>,
      %get3A_1677 = vector.shape_cast %get3A_1676 : vector<1x16xf32> to vector<16xf32>
      %add3A_1678 = arith.addf %add3A_1644, %get3A_1677 : vector<16xf32>
      %mul3A_1679 = arith.constant 2 : i32
      %mul3A_1680 = arith.muli %mul3A_1679, %scan3A_1620 : i32
      %add3A_1681 = arith.constant 1 : i32
      %add3A_1682 = arith.addi %mul3A_1680, %add3A_1681 : i32
      %get3A_1683 = arith.index_cast %add3A_1682 : i32 to index
      %get3A_1684 = arith.constant 48 : index
      %get3A_1685 = tpu.vector_load %arg11[%get3A_1683, %get3A_1684] {strides = array<i32>} : memref<50x64xf32, #tpu.memory_space<vmem>>, vector<1x16xf32>,
      %get3A_1686 = vector.shape_cast %get3A_1685 : vector<1x16xf32> to vector<16xf32>
      %add3A_1687 = arith.addf %add3A_1651, %get3A_1686 : vector<16xf32>
      scf.yield %add3A_1660, %add3A_1669, %add3A_1678, %add3A_1687 : vector<16xf32>, vector<16xf32>, vector<16xf32>, vector<16xf32>
    }
    %scan3A_376 = arith.constant 25 : i32
    %swap3A_377 = arith.constant 6 : i32
    %swap3A_378 = arith.index_cast %swap3A_377 : i32 to index
    %swap3A_379 = arith.constant 0 : index
    %swap3A_380 = tpu.vector_load %arg9[%swap3A_378, %swap3A_379] {strides = array<i32>} : memref<32x64xf32, #tpu.memory_space<vmem>>, vector<1x16xf32>,
    %swap3A_381 = vector.shape_cast %swap3A_380 : vector<1x16xf32> to vector<16xf32>
    %swap3A_382 = vector.shape_cast %scan3A_375#0 : vector<16xf32> to vector<1x16xf32>
    tpu.vector_store %arg9[%swap3A_378, %swap3A_379], %swap3A_382 {strides = array<i32>} : memref<32x64xf32, #tpu.memory_space<vmem>>, vector<1x16xf32>,
    %swap3A_383 = arith.constant 6 : i32
    %swap3A_384 = arith.index_cast %swap3A_383 : i32 to index
    %swap3A_385 = arith.constant 16 : index
    %swap3A_386 = tpu.vector_load %arg9[%swap3A_384, %swap3A_385] {strides = array<i32>} : memref<32x64xf32, #tpu.memory_space<vmem>>, vector<1x16xf32>,
    %swap3A_387 = vector.shape_cast %swap3A_386 : vector<1x16xf32> to vector<16xf32>
    %swap3A_388 = vector.shape_cast %scan3A_375#1 : vector<16xf32> to vector<1x16xf32>
    tpu.vector_store %arg9[%swap3A_384, %swap3A_385], %swap3A_388 {strides = array<i32>} : memref<32x64xf32, #tpu.memory_space<vmem>>, vector<1x16xf32>,
    %swap3A_389 = arith.constant 6 : i32
    %swap3A_390 = arith.index_cast %swap3A_389 : i32 to index
    %swap3A_391 = arith.constant 32 : index
    %swap3A_392 = tpu.vector_load %arg9[%swap3A_390, %swap3A_391] {strides = array<i32>} : memref<32x64xf32, #tpu.memory_space<vmem>>, vector<1x16xf32>,
    %swap3A_393 = vector.shape_cast %swap3A_392 : vector<1x16xf32> to vector<16xf32>
    %swap3A_394 = vector.shape_cast %scan3A_375#2 : vector<16xf32> to vector<1x16xf32>
    tpu.vector_store %arg9[%swap3A_390, %swap3A_391], %swap3A_394 {strides = array<i32>} : memref<32x64xf32, #tpu.memory_space<vmem>>, vector<1x16xf32>,
    %swap3A_395 = arith.constant 6 : i32
    %swap3A_396 = arith.index_cast %swap3A_395 : i32 to index
    %swap3A_397 = arith.constant 48 : index
    %swap3A_398 = tpu.vector_load %arg9[%swap3A_396, %swap3A_397] {strides = array<i32>} : memref<32x64xf32, #tpu.memory_space<vmem>>, vector<1x16xf32>,
    %swap3A_399 = vector.shape_cast %swap3A_398 : vector<1x16xf32> to vector<16xf32>
    %swap3A_400 = vector.shape_cast %scan3A_375#3 : vector<16xf32> to vector<1x16xf32>
    tpu.vector_store %arg9[%swap3A_396, %swap3A_397], %swap3A_400 {strides = array<i32>} : memref<32x64xf32, #tpu.memory_space<vmem>>, vector<1x16xf32>,
    %dma_start3A_401 = arith.constant 672 : i32
    %dma_start3A_402 = tpu.memref_slice %arg7[%dma_start3A_401] : memref<1792xi32, #tpu.memory_space<vmem>> -> memref<50xi32, #tpu.memory_space<vmem>>
    %dma_start3A_403 = arith.constant 0 : i32
    %dma_start3A_404 = arith.constant 0 : i32
    %dma_start3A_405 = tpu.memref_slice %arg4[%dma_start3A_403, %dma_start3A_404] : memref<2000000x64xf32, #tpu.memory_space<hbm>> -> memref<2000000x64xf32, #tpu.memory_space<hbm>>
    tpu.enqueue_indirect_dma source(%dma_start3A_405 : memref<2000000x64xf32, #tpu.memory_space<hbm>>) target(%arg11 : memref<50x64xf32, #tpu.memory_space<vmem>>) offsets(%dma_start3A_402 : memref<50xi32, #tpu.memory_space<vmem>>) semaphore(%arg17 : memref<!tpu.dma_semaphore, #tpu.memory_space<semaphore_mem>>)
    %dma_wait3A_406 = arith.constant 392 : i32
    %dma_wait3A_407 = tpu.memref_slice %arg7[%dma_wait3A_406] : memref<1792xi32, #tpu.memory_space<vmem>> -> memref<50xi32, #tpu.memory_space<vmem>>
    %dma_wait3A_408 = arith.constant 0 : i32
    %dma_wait3A_409 = arith.constant 0 : i32
    %dma_wait3A_410 = tpu.memref_slice %arg4[%dma_wait3A_408, %dma_wait3A_409] : memref<2000000x64xf32, #tpu.memory_space<hbm>> -> memref<2000000x64xf32, #tpu.memory_space<hbm>>
    tpu.wait_indirect_dma semaphore(%arg18 : memref<!tpu.dma_semaphore, #tpu.memory_space<semaphore_mem>>) src(%dma_wait3A_410 : memref<2000000x64xf32, #tpu.memory_space<hbm>>) dst(%arg12 : memref<50x64xf32, #tpu.memory_space<vmem>>)
    %broadcast_in_dim3A_411 = arith.constant 0.000000e+00 : f32
    %broadcast_in_dim3A_412 = vector.broadcast %broadcast_in_dim3A_411 : f32 to vector<16xf32>
    %broadcast_in_dim3A_413 = arith.constant 0.000000e+00 : f32
    %broadcast_in_dim3A_414 = vector.broadcast %broadcast_in_dim3A_413 : f32 to vector<16xf32>
    %broadcast_in_dim3A_415 = arith.constant 0.000000e+00 : f32
    %broadcast_in_dim3A_416 = vector.broadcast %broadcast_in_dim3A_415 : f32 to vector<16xf32>
    %broadcast_in_dim3A_417 = arith.constant 0.000000e+00 : f32
    %broadcast_in_dim3A_418 = vector.broadcast %broadcast_in_dim3A_417 : f32 to vector<16xf32>
    %scan3A_419 = arith.constant 0 : i32
    %scan3A_420 = arith.constant 25 : i32
    %scan3A_421 = arith.addi %scan3A_419, %scan3A_420 : i32
    %scan3A_422 = arith.constant 1 : i32
    %scan3A_423:4 = scf.for %scan3A_1620 = %scan3A_419 to %scan3A_421 step %scan3A_422 iter_args(%scan3A_1621 = %broadcast_in_dim3A_412, %scan3A_1622 = %broadcast_in_dim3A_414, %scan3A_1623 = %broadcast_in_dim3A_416, %scan3A_1624 = %broadcast_in_dim3A_418) -> (vector<16xf32>, vector<16xf32>, vector<16xf32>, vector<16xf32>)  : i32 {
      %mul3A_1625 = arith.constant 2 : i32
      %mul3A_1626 = arith.muli %mul3A_1625, %scan3A_1620 : i32
      %get3A = arith.index_cast %mul3A_1626 : i32 to index
      %get3A_1627 = arith.constant 0 : index
      %get3A_1628 = tpu.vector_load %arg12[%get3A, %get3A_1627] {strides = array<i32>} : memref<50x64xf32, #tpu.memory_space<vmem>>, vector<1x16xf32>,
      %get3A_1629 = vector.shape_cast %get3A_1628 : vector<1x16xf32> to vector<16xf32>
      %add3A_1630 = arith.addf %scan3A_1621, %get3A_1629 : vector<16xf32>
      %mul3A_1631 = arith.constant 2 : i32
      %mul3A_1632 = arith.muli %mul3A_1631, %scan3A_1620 : i32
      %get3A_1633 = arith.index_cast %mul3A_1632 : i32 to index
      %get3A_1634 = arith.constant 16 : index
      %get3A_1635 = tpu.vector_load %arg12[%get3A_1633, %get3A_1634] {strides = array<i32>} : memref<50x64xf32, #tpu.memory_space<vmem>>, vector<1x16xf32>,
      %get3A_1636 = vector.shape_cast %get3A_1635 : vector<1x16xf32> to vector<16xf32>
      %add3A_1637 = arith.addf %scan3A_1622, %get3A_1636 : vector<16xf32>
      %mul3A_1638 = arith.constant 2 : i32
      %mul3A_1639 = arith.muli %mul3A_1638, %scan3A_1620 : i32
      %get3A_1640 = arith.index_cast %mul3A_1639 : i32 to index
      %get3A_1641 = arith.constant 32 : index
      %get3A_1642 = tpu.vector_load %arg12[%get3A_1640, %get3A_1641] {strides = array<i32>} : memref<50x64xf32, #tpu.memory_space<vmem>>, vector<1x16xf32>,
      %get3A_1643 = vector.shape_cast %get3A_1642 : vector<1x16xf32> to vector<16xf32>
      %add3A_1644 = arith.addf %scan3A_1623, %get3A_1643 : vector<16xf32>
      %mul3A_1645 = arith.constant 2 : i32
      %mul3A_1646 = arith.muli %mul3A_1645, %scan3A_1620 : i32
      %get3A_1647 = arith.index_cast %mul3A_1646 : i32 to index
      %get3A_1648 = arith.constant 48 : index
      %get3A_1649 = tpu.vector_load %arg12[%get3A_1647, %get3A_1648] {strides = array<i32>} : memref<50x64xf32, #tpu.memory_space<vmem>>, vector<1x16xf32>,
      %get3A_1650 = vector.shape_cast %get3A_1649 : vector<1x16xf32> to vector<16xf32>
      %add3A_1651 = arith.addf %scan3A_1624, %get3A_1650 : vector<16xf32>
      %mul3A_1652 = arith.constant 2 : i32
      %mul3A_1653 = arith.muli %mul3A_1652, %scan3A_1620 : i32
      %add3A_1654 = arith.constant 1 : i32
      %add3A_1655 = arith.addi %mul3A_1653, %add3A_1654 : i32
      %get3A_1656 = arith.index_cast %add3A_1655 : i32 to index
      %get3A_1657 = arith.constant 0 : index
      %get3A_1658 = tpu.vector_load %arg12[%get3A_1656, %get3A_1657] {strides = array<i32>} : memref<50x64xf32, #tpu.memory_space<vmem>>, vector<1x16xf32>,
      %get3A_1659 = vector.shape_cast %get3A_1658 : vector<1x16xf32> to vector<16xf32>
      %add3A_1660 = arith.addf %add3A_1630, %get3A_1659 : vector<16xf32>
      %mul3A_1661 = arith.constant 2 : i32
      %mul3A_1662 = arith.muli %mul3A_1661, %scan3A_1620 : i32
      %add3A_1663 = arith.constant 1 : i32
      %add3A_1664 = arith.addi %mul3A_1662, %add3A_1663 : i32
      %get3A_1665 = arith.index_cast %add3A_1664 : i32 to index
      %get3A_1666 = arith.constant 16 : index
      %get3A_1667 = tpu.vector_load %arg12[%get3A_1665, %get3A_1666] {strides = array<i32>} : memref<50x64xf32, #tpu.memory_space<vmem>>, vector<1x16xf32>,
      %get3A_1668 = vector.shape_cast %get3A_1667 : vector<1x16xf32> to vector<16xf32>
      %add3A_1669 = arith.addf %add3A_1637, %get3A_1668 : vector<16xf32>
      %mul3A_1670 = arith.constant 2 : i32
      %mul3A_1671 = arith.muli %mul3A_1670, %scan3A_1620 : i32
      %add3A_1672 = arith.constant 1 : i32
      %add3A_1673 = arith.addi %mul3A_1671, %add3A_1672 : i32
      %get3A_1674 = arith.index_cast %add3A_1673 : i32 to index
      %get3A_1675 = arith.constant 32 : index
      %get3A_1676 = tpu.vector_load %arg12[%get3A_1674, %get3A_1675] {strides = array<i32>} : memref<50x64xf32, #tpu.memory_space<vmem>>, vector<1x16xf32>,
      %get3A_1677 = vector.shape_cast %get3A_1676 : vector<1x16xf32> to vector<16xf32>
      %add3A_1678 = arith.addf %add3A_1644, %get3A_1677 : vector<16xf32>
      %mul3A_1679 = arith.constant 2 : i32
      %mul3A_1680 = arith.muli %mul3A_1679, %scan3A_1620 : i32
      %add3A_1681 = arith.constant 1 : i32
      %add3A_1682 = arith.addi %mul3A_1680, %add3A_1681 : i32
      %get3A_1683 = arith.index_cast %add3A_1682 : i32 to index
      %get3A_1684 = arith.constant 48 : index
      %get3A_1685 = tpu.vector_load %arg12[%get3A_1683, %get3A_1684] {strides = array<i32>} : memref<50x64xf32, #tpu.memory_space<vmem>>, vector<1x16xf32>,
      %get3A_1686 = vector.shape_cast %get3A_1685 : vector<1x16xf32> to vector<16xf32>
      %add3A_1687 = arith.addf %add3A_1651, %get3A_1686 : vector<16xf32>
      scf.yield %add3A_1660, %add3A_1669, %add3A_1678, %add3A_1687 : vector<16xf32>, vector<16xf32>, vector<16xf32>, vector<16xf32>
    }
    %scan3A_424 = arith.constant 25 : i32
    %swap3A_425 = arith.constant 7 : i32
    %swap3A_426 = arith.index_cast %swap3A_425 : i32 to index
    %swap3A_427 = arith.constant 0 : index
    %swap3A_428 = tpu.vector_load %arg9[%swap3A_426, %swap3A_427] {strides = array<i32>} : memref<32x64xf32, #tpu.memory_space<vmem>>, vector<1x16xf32>,
    %swap3A_429 = vector.shape_cast %swap3A_428 : vector<1x16xf32> to vector<16xf32>
    %swap3A_430 = vector.shape_cast %scan3A_423#0 : vector<16xf32> to vector<1x16xf32>
    tpu.vector_store %arg9[%swap3A_426, %swap3A_427], %swap3A_430 {strides = array<i32>} : memref<32x64xf32, #tpu.memory_space<vmem>>, vector<1x16xf32>,
    %swap3A_431 = arith.constant 7 : i32
    %swap3A_432 = arith.index_cast %swap3A_431 : i32 to index
    %swap3A_433 = arith.constant 16 : index
    %swap3A_434 = tpu.vector_load %arg9[%swap3A_432, %swap3A_433] {strides = array<i32>} : memref<32x64xf32, #tpu.memory_space<vmem>>, vector<1x16xf32>,
    %swap3A_435 = vector.shape_cast %swap3A_434 : vector<1x16xf32> to vector<16xf32>
    %swap3A_436 = vector.shape_cast %scan3A_423#1 : vector<16xf32> to vector<1x16xf32>
    tpu.vector_store %arg9[%swap3A_432, %swap3A_433], %swap3A_436 {strides = array<i32>} : memref<32x64xf32, #tpu.memory_space<vmem>>, vector<1x16xf32>,
    %swap3A_437 = arith.constant 7 : i32
    %swap3A_438 = arith.index_cast %swap3A_437 : i32 to index
    %swap3A_439 = arith.constant 32 : index
    %swap3A_440 = tpu.vector_load %arg9[%swap3A_438, %swap3A_439] {strides = array<i32>} : memref<32x64xf32, #tpu.memory_space<vmem>>, vector<1x16xf32>,
    %swap3A_441 = vector.shape_cast %swap3A_440 : vector<1x16xf32> to vector<16xf32>
    %swap3A_442 = vector.shape_cast %scan3A_423#2 : vector<16xf32> to vector<1x16xf32>
    tpu.vector_store %arg9[%swap3A_438, %swap3A_439], %swap3A_442 {strides = array<i32>} : memref<32x64xf32, #tpu.memory_space<vmem>>, vector<1x16xf32>,
    %swap3A_443 = arith.constant 7 : i32
    %swap3A_444 = arith.index_cast %swap3A_443 : i32 to index
    %swap3A_445 = arith.constant 48 : index
    %swap3A_446 = tpu.vector_load %arg9[%swap3A_444, %swap3A_445] {strides = array<i32>} : memref<32x64xf32, #tpu.memory_space<vmem>>, vector<1x16xf32>,
    %swap3A_447 = vector.shape_cast %swap3A_446 : vector<1x16xf32> to vector<16xf32>
    %swap3A_448 = vector.shape_cast %scan3A_423#3 : vector<16xf32> to vector<1x16xf32>
    tpu.vector_store %arg9[%swap3A_444, %swap3A_445], %swap3A_448 {strides = array<i32>} : memref<32x64xf32, #tpu.memory_space<vmem>>, vector<1x16xf32>,
    %dma_start3A_449 = arith.constant 728 : i32
    %dma_start3A_450 = tpu.memref_slice %arg7[%dma_start3A_449] : memref<1792xi32, #tpu.memory_space<vmem>> -> memref<50xi32, #tpu.memory_space<vmem>>
    %dma_start3A_451 = arith.constant 0 : i32
    %dma_start3A_452 = arith.constant 0 : i32
    %dma_start3A_453 = tpu.memref_slice %arg4[%dma_start3A_451, %dma_start3A_452] : memref<2000000x64xf32, #tpu.memory_space<hbm>> -> memref<2000000x64xf32, #tpu.memory_space<hbm>>
    tpu.enqueue_indirect_dma source(%dma_start3A_453 : memref<2000000x64xf32, #tpu.memory_space<hbm>>) target(%arg12 : memref<50x64xf32, #tpu.memory_space<vmem>>) offsets(%dma_start3A_450 : memref<50xi32, #tpu.memory_space<vmem>>) semaphore(%arg18 : memref<!tpu.dma_semaphore, #tpu.memory_space<semaphore_mem>>)
    %dma_wait3A_454 = arith.constant 448 : i32
    %dma_wait3A_455 = tpu.memref_slice %arg7[%dma_wait3A_454] : memref<1792xi32, #tpu.memory_space<vmem>> -> memref<50xi32, #tpu.memory_space<vmem>>
    %dma_wait3A_456 = arith.constant 0 : i32
    %dma_wait3A_457 = arith.constant 0 : i32
    %dma_wait3A_458 = tpu.memref_slice %arg4[%dma_wait3A_456, %dma_wait3A_457] : memref<2000000x64xf32, #tpu.memory_space<hbm>> -> memref<2000000x64xf32, #tpu.memory_space<hbm>>
    tpu.wait_indirect_dma semaphore(%arg19 : memref<!tpu.dma_semaphore, #tpu.memory_space<semaphore_mem>>) src(%dma_wait3A_458 : memref<2000000x64xf32, #tpu.memory_space<hbm>>) dst(%arg13 : memref<50x64xf32, #tpu.memory_space<vmem>>)
    %broadcast_in_dim3A_459 = arith.constant 0.000000e+00 : f32
    %broadcast_in_dim3A_460 = vector.broadcast %broadcast_in_dim3A_459 : f32 to vector<16xf32>
    %broadcast_in_dim3A_461 = arith.constant 0.000000e+00 : f32
    %broadcast_in_dim3A_462 = vector.broadcast %broadcast_in_dim3A_461 : f32 to vector<16xf32>
    %broadcast_in_dim3A_463 = arith.constant 0.000000e+00 : f32
    %broadcast_in_dim3A_464 = vector.broadcast %broadcast_in_dim3A_463 : f32 to vector<16xf32>
    %broadcast_in_dim3A_465 = arith.constant 0.000000e+00 : f32
    %broadcast_in_dim3A_466 = vector.broadcast %broadcast_in_dim3A_465 : f32 to vector<16xf32>
    %scan3A_467 = arith.constant 0 : i32
    %scan3A_468 = arith.constant 25 : i32
    %scan3A_469 = arith.addi %scan3A_467, %scan3A_468 : i32
    %scan3A_470 = arith.constant 1 : i32
    %scan3A_471:4 = scf.for %scan3A_1620 = %scan3A_467 to %scan3A_469 step %scan3A_470 iter_args(%scan3A_1621 = %broadcast_in_dim3A_460, %scan3A_1622 = %broadcast_in_dim3A_462, %scan3A_1623 = %broadcast_in_dim3A_464, %scan3A_1624 = %broadcast_in_dim3A_466) -> (vector<16xf32>, vector<16xf32>, vector<16xf32>, vector<16xf32>)  : i32 {
      %mul3A_1625 = arith.constant 2 : i32
      %mul3A_1626 = arith.muli %mul3A_1625, %scan3A_1620 : i32
      %get3A = arith.index_cast %mul3A_1626 : i32 to index
      %get3A_1627 = arith.constant 0 : index
      %get3A_1628 = tpu.vector_load %arg13[%get3A, %get3A_1627] {strides = array<i32>} : memref<50x64xf32, #tpu.memory_space<vmem>>, vector<1x16xf32>,
      %get3A_1629 = vector.shape_cast %get3A_1628 : vector<1x16xf32> to vector<16xf32>
      %add3A_1630 = arith.addf %scan3A_1621, %get3A_1629 : vector<16xf32>
      %mul3A_1631 = arith.constant 2 : i32
      %mul3A_1632 = arith.muli %mul3A_1631, %scan3A_1620 : i32
      %get3A_1633 = arith.index_cast %mul3A_1632 : i32 to index
      %get3A_1634 = arith.constant 16 : index
      %get3A_1635 = tpu.vector_load %arg13[%get3A_1633, %get3A_1634] {strides = array<i32>} : memref<50x64xf32, #tpu.memory_space<vmem>>, vector<1x16xf32>,
      %get3A_1636 = vector.shape_cast %get3A_1635 : vector<1x16xf32> to vector<16xf32>
      %add3A_1637 = arith.addf %scan3A_1622, %get3A_1636 : vector<16xf32>
      %mul3A_1638 = arith.constant 2 : i32
      %mul3A_1639 = arith.muli %mul3A_1638, %scan3A_1620 : i32
      %get3A_1640 = arith.index_cast %mul3A_1639 : i32 to index
      %get3A_1641 = arith.constant 32 : index
      %get3A_1642 = tpu.vector_load %arg13[%get3A_1640, %get3A_1641] {strides = array<i32>} : memref<50x64xf32, #tpu.memory_space<vmem>>, vector<1x16xf32>,
      %get3A_1643 = vector.shape_cast %get3A_1642 : vector<1x16xf32> to vector<16xf32>
      %add3A_1644 = arith.addf %scan3A_1623, %get3A_1643 : vector<16xf32>
      %mul3A_1645 = arith.constant 2 : i32
      %mul3A_1646 = arith.muli %mul3A_1645, %scan3A_1620 : i32
      %get3A_1647 = arith.index_cast %mul3A_1646 : i32 to index
      %get3A_1648 = arith.constant 48 : index
      %get3A_1649 = tpu.vector_load %arg13[%get3A_1647, %get3A_1648] {strides = array<i32>} : memref<50x64xf32, #tpu.memory_space<vmem>>, vector<1x16xf32>,
      %get3A_1650 = vector.shape_cast %get3A_1649 : vector<1x16xf32> to vector<16xf32>
      %add3A_1651 = arith.addf %scan3A_1624, %get3A_1650 : vector<16xf32>
      %mul3A_1652 = arith.constant 2 : i32
      %mul3A_1653 = arith.muli %mul3A_1652, %scan3A_1620 : i32
      %add3A_1654 = arith.constant 1 : i32
      %add3A_1655 = arith.addi %mul3A_1653, %add3A_1654 : i32
      %get3A_1656 = arith.index_cast %add3A_1655 : i32 to index
      %get3A_1657 = arith.constant 0 : index
      %get3A_1658 = tpu.vector_load %arg13[%get3A_1656, %get3A_1657] {strides = array<i32>} : memref<50x64xf32, #tpu.memory_space<vmem>>, vector<1x16xf32>,
      %get3A_1659 = vector.shape_cast %get3A_1658 : vector<1x16xf32> to vector<16xf32>
      %add3A_1660 = arith.addf %add3A_1630, %get3A_1659 : vector<16xf32>
      %mul3A_1661 = arith.constant 2 : i32
      %mul3A_1662 = arith.muli %mul3A_1661, %scan3A_1620 : i32
      %add3A_1663 = arith.constant 1 : i32
      %add3A_1664 = arith.addi %mul3A_1662, %add3A_1663 : i32
      %get3A_1665 = arith.index_cast %add3A_1664 : i32 to index
      %get3A_1666 = arith.constant 16 : index
      %get3A_1667 = tpu.vector_load %arg13[%get3A_1665, %get3A_1666] {strides = array<i32>} : memref<50x64xf32, #tpu.memory_space<vmem>>, vector<1x16xf32>,
      %get3A_1668 = vector.shape_cast %get3A_1667 : vector<1x16xf32> to vector<16xf32>
      %add3A_1669 = arith.addf %add3A_1637, %get3A_1668 : vector<16xf32>
      %mul3A_1670 = arith.constant 2 : i32
      %mul3A_1671 = arith.muli %mul3A_1670, %scan3A_1620 : i32
      %add3A_1672 = arith.constant 1 : i32
      %add3A_1673 = arith.addi %mul3A_1671, %add3A_1672 : i32
      %get3A_1674 = arith.index_cast %add3A_1673 : i32 to index
      %get3A_1675 = arith.constant 32 : index
      %get3A_1676 = tpu.vector_load %arg13[%get3A_1674, %get3A_1675] {strides = array<i32>} : memref<50x64xf32, #tpu.memory_space<vmem>>, vector<1x16xf32>,
      %get3A_1677 = vector.shape_cast %get3A_1676 : vector<1x16xf32> to vector<16xf32>
      %add3A_1678 = arith.addf %add3A_1644, %get3A_1677 : vector<16xf32>
      %mul3A_1679 = arith.constant 2 : i32
      %mul3A_1680 = arith.muli %mul3A_1679, %scan3A_1620 : i32
      %add3A_1681 = arith.constant 1 : i32
      %add3A_1682 = arith.addi %mul3A_1680, %add3A_1681 : i32
      %get3A_1683 = arith.index_cast %add3A_1682 : i32 to index
      %get3A_1684 = arith.constant 48 : index
      %get3A_1685 = tpu.vector_load %arg13[%get3A_1683, %get3A_1684] {strides = array<i32>} : memref<50x64xf32, #tpu.memory_space<vmem>>, vector<1x16xf32>,
      %get3A_1686 = vector.shape_cast %get3A_1685 : vector<1x16xf32> to vector<16xf32>
      %add3A_1687 = arith.addf %add3A_1651, %get3A_1686 : vector<16xf32>
      scf.yield %add3A_1660, %add3A_1669, %add3A_1678, %add3A_1687 : vector<16xf32>, vector<16xf32>, vector<16xf32>, vector<16xf32>
    }
    %scan3A_472 = arith.constant 25 : i32
    %swap3A_473 = arith.constant 8 : i32
    %swap3A_474 = arith.index_cast %swap3A_473 : i32 to index
    %swap3A_475 = arith.constant 0 : index
    %swap3A_476 = tpu.vector_load %arg9[%swap3A_474, %swap3A_475] {strides = array<i32>} : memref<32x64xf32, #tpu.memory_space<vmem>>, vector<1x16xf32>,
    %swap3A_477 = vector.shape_cast %swap3A_476 : vector<1x16xf32> to vector<16xf32>
    %swap3A_478 = vector.shape_cast %scan3A_471#0 : vector<16xf32> to vector<1x16xf32>
    tpu.vector_store %arg9[%swap3A_474, %swap3A_475], %swap3A_478 {strides = array<i32>} : memref<32x64xf32, #tpu.memory_space<vmem>>, vector<1x16xf32>,
    %swap3A_479 = arith.constant 8 : i32
    %swap3A_480 = arith.index_cast %swap3A_479 : i32 to index
    %swap3A_481 = arith.constant 16 : index
    %swap3A_482 = tpu.vector_load %arg9[%swap3A_480, %swap3A_481] {strides = array<i32>} : memref<32x64xf32, #tpu.memory_space<vmem>>, vector<1x16xf32>,
    %swap3A_483 = vector.shape_cast %swap3A_482 : vector<1x16xf32> to vector<16xf32>
    %swap3A_484 = vector.shape_cast %scan3A_471#1 : vector<16xf32> to vector<1x16xf32>
    tpu.vector_store %arg9[%swap3A_480, %swap3A_481], %swap3A_484 {strides = array<i32>} : memref<32x64xf32, #tpu.memory_space<vmem>>, vector<1x16xf32>,
    %swap3A_485 = arith.constant 8 : i32
    %swap3A_486 = arith.index_cast %swap3A_485 : i32 to index
    %swap3A_487 = arith.constant 32 : index
    %swap3A_488 = tpu.vector_load %arg9[%swap3A_486, %swap3A_487] {strides = array<i32>} : memref<32x64xf32, #tpu.memory_space<vmem>>, vector<1x16xf32>,
    %swap3A_489 = vector.shape_cast %swap3A_488 : vector<1x16xf32> to vector<16xf32>
    %swap3A_490 = vector.shape_cast %scan3A_471#2 : vector<16xf32> to vector<1x16xf32>
    tpu.vector_store %arg9[%swap3A_486, %swap3A_487], %swap3A_490 {strides = array<i32>} : memref<32x64xf32, #tpu.memory_space<vmem>>, vector<1x16xf32>,
    %swap3A_491 = arith.constant 8 : i32
    %swap3A_492 = arith.index_cast %swap3A_491 : i32 to index
    %swap3A_493 = arith.constant 48 : index
    %swap3A_494 = tpu.vector_load %arg9[%swap3A_492, %swap3A_493] {strides = array<i32>} : memref<32x64xf32, #tpu.memory_space<vmem>>, vector<1x16xf32>,
    %swap3A_495 = vector.shape_cast %swap3A_494 : vector<1x16xf32> to vector<16xf32>
    %swap3A_496 = vector.shape_cast %scan3A_471#3 : vector<16xf32> to vector<1x16xf32>
    tpu.vector_store %arg9[%swap3A_492, %swap3A_493], %swap3A_496 {strides = array<i32>} : memref<32x64xf32, #tpu.memory_space<vmem>>, vector<1x16xf32>,
    %dma_start3A_497 = arith.constant 784 : i32
    %dma_start3A_498 = tpu.memref_slice %arg7[%dma_start3A_497] : memref<1792xi32, #tpu.memory_space<vmem>> -> memref<50xi32, #tpu.memory_space<vmem>>
    %dma_start3A_499 = arith.constant 0 : i32
    %dma_start3A_500 = arith.constant 0 : i32
    %dma_start3A_501 = tpu.memref_slice %arg4[%dma_start3A_499, %dma_start3A_500] : memref<2000000x64xf32, #tpu.memory_space<hbm>> -> memref<2000000x64xf32, #tpu.memory_space<hbm>>
    tpu.enqueue_indirect_dma source(%dma_start3A_501 : memref<2000000x64xf32, #tpu.memory_space<hbm>>) target(%arg13 : memref<50x64xf32, #tpu.memory_space<vmem>>) offsets(%dma_start3A_498 : memref<50xi32, #tpu.memory_space<vmem>>) semaphore(%arg19 : memref<!tpu.dma_semaphore, #tpu.memory_space<semaphore_mem>>)
    %dma_wait3A_502 = arith.constant 504 : i32
    %dma_wait3A_503 = tpu.memref_slice %arg7[%dma_wait3A_502] : memref<1792xi32, #tpu.memory_space<vmem>> -> memref<50xi32, #tpu.memory_space<vmem>>
    %dma_wait3A_504 = arith.constant 0 : i32
    %dma_wait3A_505 = arith.constant 0 : i32
    %dma_wait3A_506 = tpu.memref_slice %arg4[%dma_wait3A_504, %dma_wait3A_505] : memref<2000000x64xf32, #tpu.memory_space<hbm>> -> memref<2000000x64xf32, #tpu.memory_space<hbm>>
    tpu.wait_indirect_dma semaphore(%arg20 : memref<!tpu.dma_semaphore, #tpu.memory_space<semaphore_mem>>) src(%dma_wait3A_506 : memref<2000000x64xf32, #tpu.memory_space<hbm>>) dst(%arg14 : memref<50x64xf32, #tpu.memory_space<vmem>>)
    %broadcast_in_dim3A_507 = arith.constant 0.000000e+00 : f32
    %broadcast_in_dim3A_508 = vector.broadcast %broadcast_in_dim3A_507 : f32 to vector<16xf32>
    %broadcast_in_dim3A_509 = arith.constant 0.000000e+00 : f32
    %broadcast_in_dim3A_510 = vector.broadcast %broadcast_in_dim3A_509 : f32 to vector<16xf32>
    %broadcast_in_dim3A_511 = arith.constant 0.000000e+00 : f32
    %broadcast_in_dim3A_512 = vector.broadcast %broadcast_in_dim3A_511 : f32 to vector<16xf32>
    %broadcast_in_dim3A_513 = arith.constant 0.000000e+00 : f32
    %broadcast_in_dim3A_514 = vector.broadcast %broadcast_in_dim3A_513 : f32 to vector<16xf32>
    %scan3A_515 = arith.constant 0 : i32
    %scan3A_516 = arith.constant 25 : i32
    %scan3A_517 = arith.addi %scan3A_515, %scan3A_516 : i32
    %scan3A_518 = arith.constant 1 : i32
    %scan3A_519:4 = scf.for %scan3A_1620 = %scan3A_515 to %scan3A_517 step %scan3A_518 iter_args(%scan3A_1621 = %broadcast_in_dim3A_508, %scan3A_1622 = %broadcast_in_dim3A_510, %scan3A_1623 = %broadcast_in_dim3A_512, %scan3A_1624 = %broadcast_in_dim3A_514) -> (vector<16xf32>, vector<16xf32>, vector<16xf32>, vector<16xf32>)  : i32 {
      %mul3A_1625 = arith.constant 2 : i32
      %mul3A_1626 = arith.muli %mul3A_1625, %scan3A_1620 : i32
      %get3A = arith.index_cast %mul3A_1626 : i32 to index
      %get3A_1627 = arith.constant 0 : index
      %get3A_1628 = tpu.vector_load %arg14[%get3A, %get3A_1627] {strides = array<i32>} : memref<50x64xf32, #tpu.memory_space<vmem>>, vector<1x16xf32>,
      %get3A_1629 = vector.shape_cast %get3A_1628 : vector<1x16xf32> to vector<16xf32>
      %add3A_1630 = arith.addf %scan3A_1621, %get3A_1629 : vector<16xf32>
      %mul3A_1631 = arith.constant 2 : i32
      %mul3A_1632 = arith.muli %mul3A_1631, %scan3A_1620 : i32
      %get3A_1633 = arith.index_cast %mul3A_1632 : i32 to index
      %get3A_1634 = arith.constant 16 : index
      %get3A_1635 = tpu.vector_load %arg14[%get3A_1633, %get3A_1634] {strides = array<i32>} : memref<50x64xf32, #tpu.memory_space<vmem>>, vector<1x16xf32>,
      %get3A_1636 = vector.shape_cast %get3A_1635 : vector<1x16xf32> to vector<16xf32>
      %add3A_1637 = arith.addf %scan3A_1622, %get3A_1636 : vector<16xf32>
      %mul3A_1638 = arith.constant 2 : i32
      %mul3A_1639 = arith.muli %mul3A_1638, %scan3A_1620 : i32
      %get3A_1640 = arith.index_cast %mul3A_1639 : i32 to index
      %get3A_1641 = arith.constant 32 : index
      %get3A_1642 = tpu.vector_load %arg14[%get3A_1640, %get3A_1641] {strides = array<i32>} : memref<50x64xf32, #tpu.memory_space<vmem>>, vector<1x16xf32>,
      %get3A_1643 = vector.shape_cast %get3A_1642 : vector<1x16xf32> to vector<16xf32>
      %add3A_1644 = arith.addf %scan3A_1623, %get3A_1643 : vector<16xf32>
      %mul3A_1645 = arith.constant 2 : i32
      %mul3A_1646 = arith.muli %mul3A_1645, %scan3A_1620 : i32
      %get3A_1647 = arith.index_cast %mul3A_1646 : i32 to index
      %get3A_1648 = arith.constant 48 : index
      %get3A_1649 = tpu.vector_load %arg14[%get3A_1647, %get3A_1648] {strides = array<i32>} : memref<50x64xf32, #tpu.memory_space<vmem>>, vector<1x16xf32>,
      %get3A_1650 = vector.shape_cast %get3A_1649 : vector<1x16xf32> to vector<16xf32>
      %add3A_1651 = arith.addf %scan3A_1624, %get3A_1650 : vector<16xf32>
      %mul3A_1652 = arith.constant 2 : i32
      %mul3A_1653 = arith.muli %mul3A_1652, %scan3A_1620 : i32
      %add3A_1654 = arith.constant 1 : i32
      %add3A_1655 = arith.addi %mul3A_1653, %add3A_1654 : i32
      %get3A_1656 = arith.index_cast %add3A_1655 : i32 to index
      %get3A_1657 = arith.constant 0 : index
      %get3A_1658 = tpu.vector_load %arg14[%get3A_1656, %get3A_1657] {strides = array<i32>} : memref<50x64xf32, #tpu.memory_space<vmem>>, vector<1x16xf32>,
      %get3A_1659 = vector.shape_cast %get3A_1658 : vector<1x16xf32> to vector<16xf32>
      %add3A_1660 = arith.addf %add3A_1630, %get3A_1659 : vector<16xf32>
      %mul3A_1661 = arith.constant 2 : i32
      %mul3A_1662 = arith.muli %mul3A_1661, %scan3A_1620 : i32
      %add3A_1663 = arith.constant 1 : i32
      %add3A_1664 = arith.addi %mul3A_1662, %add3A_1663 : i32
      %get3A_1665 = arith.index_cast %add3A_1664 : i32 to index
      %get3A_1666 = arith.constant 16 : index
      %get3A_1667 = tpu.vector_load %arg14[%get3A_1665, %get3A_1666] {strides = array<i32>} : memref<50x64xf32, #tpu.memory_space<vmem>>, vector<1x16xf32>,
      %get3A_1668 = vector.shape_cast %get3A_1667 : vector<1x16xf32> to vector<16xf32>
      %add3A_1669 = arith.addf %add3A_1637, %get3A_1668 : vector<16xf32>
      %mul3A_1670 = arith.constant 2 : i32
      %mul3A_1671 = arith.muli %mul3A_1670, %scan3A_1620 : i32
      %add3A_1672 = arith.constant 1 : i32
      %add3A_1673 = arith.addi %mul3A_1671, %add3A_1672 : i32
      %get3A_1674 = arith.index_cast %add3A_1673 : i32 to index
      %get3A_1675 = arith.constant 32 : index
      %get3A_1676 = tpu.vector_load %arg14[%get3A_1674, %get3A_1675] {strides = array<i32>} : memref<50x64xf32, #tpu.memory_space<vmem>>, vector<1x16xf32>,
      %get3A_1677 = vector.shape_cast %get3A_1676 : vector<1x16xf32> to vector<16xf32>
      %add3A_1678 = arith.addf %add3A_1644, %get3A_1677 : vector<16xf32>
      %mul3A_1679 = arith.constant 2 : i32
      %mul3A_1680 = arith.muli %mul3A_1679, %scan3A_1620 : i32
      %add3A_1681 = arith.constant 1 : i32
      %add3A_1682 = arith.addi %mul3A_1680, %add3A_1681 : i32
      %get3A_1683 = arith.index_cast %add3A_1682 : i32 to index
      %get3A_1684 = arith.constant 48 : index
      %get3A_1685 = tpu.vector_load %arg14[%get3A_1683, %get3A_1684] {strides = array<i32>} : memref<50x64xf32, #tpu.memory_space<vmem>>, vector<1x16xf32>,
      %get3A_1686 = vector.shape_cast %get3A_1685 : vector<1x16xf32> to vector<16xf32>
      %add3A_1687 = arith.addf %add3A_1651, %get3A_1686 : vector<16xf32>
      scf.yield %add3A_1660, %add3A_1669, %add3A_1678, %add3A_1687 : vector<16xf32>, vector<16xf32>, vector<16xf32>, vector<16xf32>
    }
    %scan3A_520 = arith.constant 25 : i32
    %swap3A_521 = arith.constant 9 : i32
    %swap3A_522 = arith.index_cast %swap3A_521 : i32 to index
    %swap3A_523 = arith.constant 0 : index
    %swap3A_524 = tpu.vector_load %arg9[%swap3A_522, %swap3A_523] {strides = array<i32>} : memref<32x64xf32, #tpu.memory_space<vmem>>, vector<1x16xf32>,
    %swap3A_525 = vector.shape_cast %swap3A_524 : vector<1x16xf32> to vector<16xf32>
    %swap3A_526 = vector.shape_cast %scan3A_519#0 : vector<16xf32> to vector<1x16xf32>
    tpu.vector_store %arg9[%swap3A_522, %swap3A_523], %swap3A_526 {strides = array<i32>} : memref<32x64xf32, #tpu.memory_space<vmem>>, vector<1x16xf32>,
    %swap3A_527 = arith.constant 9 : i32
    %swap3A_528 = arith.index_cast %swap3A_527 : i32 to index
    %swap3A_529 = arith.constant 16 : index
    %swap3A_530 = tpu.vector_load %arg9[%swap3A_528, %swap3A_529] {strides = array<i32>} : memref<32x64xf32, #tpu.memory_space<vmem>>, vector<1x16xf32>,
    %swap3A_531 = vector.shape_cast %swap3A_530 : vector<1x16xf32> to vector<16xf32>
    %swap3A_532 = vector.shape_cast %scan3A_519#1 : vector<16xf32> to vector<1x16xf32>
    tpu.vector_store %arg9[%swap3A_528, %swap3A_529], %swap3A_532 {strides = array<i32>} : memref<32x64xf32, #tpu.memory_space<vmem>>, vector<1x16xf32>,
    %swap3A_533 = arith.constant 9 : i32
    %swap3A_534 = arith.index_cast %swap3A_533 : i32 to index
    %swap3A_535 = arith.constant 32 : index
    %swap3A_536 = tpu.vector_load %arg9[%swap3A_534, %swap3A_535] {strides = array<i32>} : memref<32x64xf32, #tpu.memory_space<vmem>>, vector<1x16xf32>,
    %swap3A_537 = vector.shape_cast %swap3A_536 : vector<1x16xf32> to vector<16xf32>
    %swap3A_538 = vector.shape_cast %scan3A_519#2 : vector<16xf32> to vector<1x16xf32>
    tpu.vector_store %arg9[%swap3A_534, %swap3A_535], %swap3A_538 {strides = array<i32>} : memref<32x64xf32, #tpu.memory_space<vmem>>, vector<1x16xf32>,
    %swap3A_539 = arith.constant 9 : i32
    %swap3A_540 = arith.index_cast %swap3A_539 : i32 to index
    %swap3A_541 = arith.constant 48 : index
    %swap3A_542 = tpu.vector_load %arg9[%swap3A_540, %swap3A_541] {strides = array<i32>} : memref<32x64xf32, #tpu.memory_space<vmem>>, vector<1x16xf32>,
    %swap3A_543 = vector.shape_cast %swap3A_542 : vector<1x16xf32> to vector<16xf32>
    %swap3A_544 = vector.shape_cast %scan3A_519#3 : vector<16xf32> to vector<1x16xf32>
    tpu.vector_store %arg9[%swap3A_540, %swap3A_541], %swap3A_544 {strides = array<i32>} : memref<32x64xf32, #tpu.memory_space<vmem>>, vector<1x16xf32>,
    %dma_start3A_545 = arith.constant 840 : i32
    %dma_start3A_546 = tpu.memref_slice %arg7[%dma_start3A_545] : memref<1792xi32, #tpu.memory_space<vmem>> -> memref<50xi32, #tpu.memory_space<vmem>>
    %dma_start3A_547 = arith.constant 0 : i32
    %dma_start3A_548 = arith.constant 0 : i32
    %dma_start3A_549 = tpu.memref_slice %arg4[%dma_start3A_547, %dma_start3A_548] : memref<2000000x64xf32, #tpu.memory_space<hbm>> -> memref<2000000x64xf32, #tpu.memory_space<hbm>>
    tpu.enqueue_indirect_dma source(%dma_start3A_549 : memref<2000000x64xf32, #tpu.memory_space<hbm>>) target(%arg14 : memref<50x64xf32, #tpu.memory_space<vmem>>) offsets(%dma_start3A_546 : memref<50xi32, #tpu.memory_space<vmem>>) semaphore(%arg20 : memref<!tpu.dma_semaphore, #tpu.memory_space<semaphore_mem>>)
    %dma_wait3A_550 = arith.constant 560 : i32
    %dma_wait3A_551 = tpu.memref_slice %arg7[%dma_wait3A_550] : memref<1792xi32, #tpu.memory_space<vmem>> -> memref<50xi32, #tpu.memory_space<vmem>>
    %dma_wait3A_552 = arith.constant 0 : i32
    %dma_wait3A_553 = arith.constant 0 : i32
    %dma_wait3A_554 = tpu.memref_slice %arg4[%dma_wait3A_552, %dma_wait3A_553] : memref<2000000x64xf32, #tpu.memory_space<hbm>> -> memref<2000000x64xf32, #tpu.memory_space<hbm>>
    tpu.wait_indirect_dma semaphore(%arg21 : memref<!tpu.dma_semaphore, #tpu.memory_space<semaphore_mem>>) src(%dma_wait3A_554 : memref<2000000x64xf32, #tpu.memory_space<hbm>>) dst(%arg15 : memref<50x64xf32, #tpu.memory_space<vmem>>)
    %broadcast_in_dim3A_555 = arith.constant 0.000000e+00 : f32
    %broadcast_in_dim3A_556 = vector.broadcast %broadcast_in_dim3A_555 : f32 to vector<16xf32>
    %broadcast_in_dim3A_557 = arith.constant 0.000000e+00 : f32
    %broadcast_in_dim3A_558 = vector.broadcast %broadcast_in_dim3A_557 : f32 to vector<16xf32>
    %broadcast_in_dim3A_559 = arith.constant 0.000000e+00 : f32
    %broadcast_in_dim3A_560 = vector.broadcast %broadcast_in_dim3A_559 : f32 to vector<16xf32>
    %broadcast_in_dim3A_561 = arith.constant 0.000000e+00 : f32
    %broadcast_in_dim3A_562 = vector.broadcast %broadcast_in_dim3A_561 : f32 to vector<16xf32>
    %scan3A_563 = arith.constant 0 : i32
    %scan3A_564 = arith.constant 25 : i32
    %scan3A_565 = arith.addi %scan3A_563, %scan3A_564 : i32
    %scan3A_566 = arith.constant 1 : i32
    %scan3A_567:4 = scf.for %scan3A_1620 = %scan3A_563 to %scan3A_565 step %scan3A_566 iter_args(%scan3A_1621 = %broadcast_in_dim3A_556, %scan3A_1622 = %broadcast_in_dim3A_558, %scan3A_1623 = %broadcast_in_dim3A_560, %scan3A_1624 = %broadcast_in_dim3A_562) -> (vector<16xf32>, vector<16xf32>, vector<16xf32>, vector<16xf32>)  : i32 {
      %mul3A_1625 = arith.constant 2 : i32
      %mul3A_1626 = arith.muli %mul3A_1625, %scan3A_1620 : i32
      %get3A = arith.index_cast %mul3A_1626 : i32 to index
      %get3A_1627 = arith.constant 0 : index
      %get3A_1628 = tpu.vector_load %arg15[%get3A, %get3A_1627] {strides = array<i32>} : memref<50x64xf32, #tpu.memory_space<vmem>>, vector<1x16xf32>,
      %get3A_1629 = vector.shape_cast %get3A_1628 : vector<1x16xf32> to vector<16xf32>
      %add3A_1630 = arith.addf %scan3A_1621, %get3A_1629 : vector<16xf32>
      %mul3A_1631 = arith.constant 2 : i32
      %mul3A_1632 = arith.muli %mul3A_1631, %scan3A_1620 : i32
      %get3A_1633 = arith.index_cast %mul3A_1632 : i32 to index
      %get3A_1634 = arith.constant 16 : index
      %get3A_1635 = tpu.vector_load %arg15[%get3A_1633, %get3A_1634] {strides = array<i32>} : memref<50x64xf32, #tpu.memory_space<vmem>>, vector<1x16xf32>,
      %get3A_1636 = vector.shape_cast %get3A_1635 : vector<1x16xf32> to vector<16xf32>
      %add3A_1637 = arith.addf %scan3A_1622, %get3A_1636 : vector<16xf32>
      %mul3A_1638 = arith.constant 2 : i32
      %mul3A_1639 = arith.muli %mul3A_1638, %scan3A_1620 : i32
      %get3A_1640 = arith.index_cast %mul3A_1639 : i32 to index
      %get3A_1641 = arith.constant 32 : index
      %get3A_1642 = tpu.vector_load %arg15[%get3A_1640, %get3A_1641] {strides = array<i32>} : memref<50x64xf32, #tpu.memory_space<vmem>>, vector<1x16xf32>,
      %get3A_1643 = vector.shape_cast %get3A_1642 : vector<1x16xf32> to vector<16xf32>
      %add3A_1644 = arith.addf %scan3A_1623, %get3A_1643 : vector<16xf32>
      %mul3A_1645 = arith.constant 2 : i32
      %mul3A_1646 = arith.muli %mul3A_1645, %scan3A_1620 : i32
      %get3A_1647 = arith.index_cast %mul3A_1646 : i32 to index
      %get3A_1648 = arith.constant 48 : index
      %get3A_1649 = tpu.vector_load %arg15[%get3A_1647, %get3A_1648] {strides = array<i32>} : memref<50x64xf32, #tpu.memory_space<vmem>>, vector<1x16xf32>,
      %get3A_1650 = vector.shape_cast %get3A_1649 : vector<1x16xf32> to vector<16xf32>
      %add3A_1651 = arith.addf %scan3A_1624, %get3A_1650 : vector<16xf32>
      %mul3A_1652 = arith.constant 2 : i32
      %mul3A_1653 = arith.muli %mul3A_1652, %scan3A_1620 : i32
      %add3A_1654 = arith.constant 1 : i32
      %add3A_1655 = arith.addi %mul3A_1653, %add3A_1654 : i32
      %get3A_1656 = arith.index_cast %add3A_1655 : i32 to index
      %get3A_1657 = arith.constant 0 : index
      %get3A_1658 = tpu.vector_load %arg15[%get3A_1656, %get3A_1657] {strides = array<i32>} : memref<50x64xf32, #tpu.memory_space<vmem>>, vector<1x16xf32>,
      %get3A_1659 = vector.shape_cast %get3A_1658 : vector<1x16xf32> to vector<16xf32>
      %add3A_1660 = arith.addf %add3A_1630, %get3A_1659 : vector<16xf32>
      %mul3A_1661 = arith.constant 2 : i32
      %mul3A_1662 = arith.muli %mul3A_1661, %scan3A_1620 : i32
      %add3A_1663 = arith.constant 1 : i32
      %add3A_1664 = arith.addi %mul3A_1662, %add3A_1663 : i32
      %get3A_1665 = arith.index_cast %add3A_1664 : i32 to index
      %get3A_1666 = arith.constant 16 : index
      %get3A_1667 = tpu.vector_load %arg15[%get3A_1665, %get3A_1666] {strides = array<i32>} : memref<50x64xf32, #tpu.memory_space<vmem>>, vector<1x16xf32>,
      %get3A_1668 = vector.shape_cast %get3A_1667 : vector<1x16xf32> to vector<16xf32>
      %add3A_1669 = arith.addf %add3A_1637, %get3A_1668 : vector<16xf32>
      %mul3A_1670 = arith.constant 2 : i32
      %mul3A_1671 = arith.muli %mul3A_1670, %scan3A_1620 : i32
      %add3A_1672 = arith.constant 1 : i32
      %add3A_1673 = arith.addi %mul3A_1671, %add3A_1672 : i32
      %get3A_1674 = arith.index_cast %add3A_1673 : i32 to index
      %get3A_1675 = arith.constant 32 : index
      %get3A_1676 = tpu.vector_load %arg15[%get3A_1674, %get3A_1675] {strides = array<i32>} : memref<50x64xf32, #tpu.memory_space<vmem>>, vector<1x16xf32>,
      %get3A_1677 = vector.shape_cast %get3A_1676 : vector<1x16xf32> to vector<16xf32>
      %add3A_1678 = arith.addf %add3A_1644, %get3A_1677 : vector<16xf32>
      %mul3A_1679 = arith.constant 2 : i32
      %mul3A_1680 = arith.muli %mul3A_1679, %scan3A_1620 : i32
      %add3A_1681 = arith.constant 1 : i32
      %add3A_1682 = arith.addi %mul3A_1680, %add3A_1681 : i32
      %get3A_1683 = arith.index_cast %add3A_1682 : i32 to index
      %get3A_1684 = arith.constant 48 : index
      %get3A_1685 = tpu.vector_load %arg15[%get3A_1683, %get3A_1684] {strides = array<i32>} : memref<50x64xf32, #tpu.memory_space<vmem>>, vector<1x16xf32>,
      %get3A_1686 = vector.shape_cast %get3A_1685 : vector<1x16xf32> to vector<16xf32>
      %add3A_1687 = arith.addf %add3A_1651, %get3A_1686 : vector<16xf32>
      scf.yield %add3A_1660, %add3A_1669, %add3A_1678, %add3A_1687 : vector<16xf32>, vector<16xf32>, vector<16xf32>, vector<16xf32>
    }
    %scan3A_568 = arith.constant 25 : i32
    %swap3A_569 = arith.constant 10 : i32
    %swap3A_570 = arith.index_cast %swap3A_569 : i32 to index
    %swap3A_571 = arith.constant 0 : index
    %swap3A_572 = tpu.vector_load %arg9[%swap3A_570, %swap3A_571] {strides = array<i32>} : memref<32x64xf32, #tpu.memory_space<vmem>>, vector<1x16xf32>,
    %swap3A_573 = vector.shape_cast %swap3A_572 : vector<1x16xf32> to vector<16xf32>
    %swap3A_574 = vector.shape_cast %scan3A_567#0 : vector<16xf32> to vector<1x16xf32>
    tpu.vector_store %arg9[%swap3A_570, %swap3A_571], %swap3A_574 {strides = array<i32>} : memref<32x64xf32, #tpu.memory_space<vmem>>, vector<1x16xf32>,
    %swap3A_575 = arith.constant 10 : i32
    %swap3A_576 = arith.index_cast %swap3A_575 : i32 to index
    %swap3A_577 = arith.constant 16 : index
    %swap3A_578 = tpu.vector_load %arg9[%swap3A_576, %swap3A_577] {strides = array<i32>} : memref<32x64xf32, #tpu.memory_space<vmem>>, vector<1x16xf32>,
    %swap3A_579 = vector.shape_cast %swap3A_578 : vector<1x16xf32> to vector<16xf32>
    %swap3A_580 = vector.shape_cast %scan3A_567#1 : vector<16xf32> to vector<1x16xf32>
    tpu.vector_store %arg9[%swap3A_576, %swap3A_577], %swap3A_580 {strides = array<i32>} : memref<32x64xf32, #tpu.memory_space<vmem>>, vector<1x16xf32>,
    %swap3A_581 = arith.constant 10 : i32
    %swap3A_582 = arith.index_cast %swap3A_581 : i32 to index
    %swap3A_583 = arith.constant 32 : index
    %swap3A_584 = tpu.vector_load %arg9[%swap3A_582, %swap3A_583] {strides = array<i32>} : memref<32x64xf32, #tpu.memory_space<vmem>>, vector<1x16xf32>,
    %swap3A_585 = vector.shape_cast %swap3A_584 : vector<1x16xf32> to vector<16xf32>
    %swap3A_586 = vector.shape_cast %scan3A_567#2 : vector<16xf32> to vector<1x16xf32>
    tpu.vector_store %arg9[%swap3A_582, %swap3A_583], %swap3A_586 {strides = array<i32>} : memref<32x64xf32, #tpu.memory_space<vmem>>, vector<1x16xf32>,
    %swap3A_587 = arith.constant 10 : i32
    %swap3A_588 = arith.index_cast %swap3A_587 : i32 to index
    %swap3A_589 = arith.constant 48 : index
    %swap3A_590 = tpu.vector_load %arg9[%swap3A_588, %swap3A_589] {strides = array<i32>} : memref<32x64xf32, #tpu.memory_space<vmem>>, vector<1x16xf32>,
    %swap3A_591 = vector.shape_cast %swap3A_590 : vector<1x16xf32> to vector<16xf32>
    %swap3A_592 = vector.shape_cast %scan3A_567#3 : vector<16xf32> to vector<1x16xf32>
    tpu.vector_store %arg9[%swap3A_588, %swap3A_589], %swap3A_592 {strides = array<i32>} : memref<32x64xf32, #tpu.memory_space<vmem>>, vector<1x16xf32>,
    %dma_start3A_593 = arith.constant 896 : i32
    %dma_start3A_594 = tpu.memref_slice %arg7[%dma_start3A_593] : memref<1792xi32, #tpu.memory_space<vmem>> -> memref<50xi32, #tpu.memory_space<vmem>>
    %dma_start3A_595 = arith.constant 0 : i32
    %dma_start3A_596 = arith.constant 0 : i32
    %dma_start3A_597 = tpu.memref_slice %arg4[%dma_start3A_595, %dma_start3A_596] : memref<2000000x64xf32, #tpu.memory_space<hbm>> -> memref<2000000x64xf32, #tpu.memory_space<hbm>>
    tpu.enqueue_indirect_dma source(%dma_start3A_597 : memref<2000000x64xf32, #tpu.memory_space<hbm>>) target(%arg15 : memref<50x64xf32, #tpu.memory_space<vmem>>) offsets(%dma_start3A_594 : memref<50xi32, #tpu.memory_space<vmem>>) semaphore(%arg21 : memref<!tpu.dma_semaphore, #tpu.memory_space<semaphore_mem>>)
    %dma_wait3A_598 = arith.constant 616 : i32
    %dma_wait3A_599 = tpu.memref_slice %arg7[%dma_wait3A_598] : memref<1792xi32, #tpu.memory_space<vmem>> -> memref<50xi32, #tpu.memory_space<vmem>>
    %dma_wait3A_600 = arith.constant 0 : i32
    %dma_wait3A_601 = arith.constant 0 : i32
    %dma_wait3A_602 = tpu.memref_slice %arg4[%dma_wait3A_600, %dma_wait3A_601] : memref<2000000x64xf32, #tpu.memory_space<hbm>> -> memref<2000000x64xf32, #tpu.memory_space<hbm>>
    tpu.wait_indirect_dma semaphore(%arg22 : memref<!tpu.dma_semaphore, #tpu.memory_space<semaphore_mem>>) src(%dma_wait3A_602 : memref<2000000x64xf32, #tpu.memory_space<hbm>>) dst(%arg16 : memref<50x64xf32, #tpu.memory_space<vmem>>)
    %broadcast_in_dim3A_603 = arith.constant 0.000000e+00 : f32
    %broadcast_in_dim3A_604 = vector.broadcast %broadcast_in_dim3A_603 : f32 to vector<16xf32>
    %broadcast_in_dim3A_605 = arith.constant 0.000000e+00 : f32
    %broadcast_in_dim3A_606 = vector.broadcast %broadcast_in_dim3A_605 : f32 to vector<16xf32>
    %broadcast_in_dim3A_607 = arith.constant 0.000000e+00 : f32
    %broadcast_in_dim3A_608 = vector.broadcast %broadcast_in_dim3A_607 : f32 to vector<16xf32>
    %broadcast_in_dim3A_609 = arith.constant 0.000000e+00 : f32
    %broadcast_in_dim3A_610 = vector.broadcast %broadcast_in_dim3A_609 : f32 to vector<16xf32>
    %scan3A_611 = arith.constant 0 : i32
    %scan3A_612 = arith.constant 25 : i32
    %scan3A_613 = arith.addi %scan3A_611, %scan3A_612 : i32
    %scan3A_614 = arith.constant 1 : i32
    %scan3A_615:4 = scf.for %scan3A_1620 = %scan3A_611 to %scan3A_613 step %scan3A_614 iter_args(%scan3A_1621 = %broadcast_in_dim3A_604, %scan3A_1622 = %broadcast_in_dim3A_606, %scan3A_1623 = %broadcast_in_dim3A_608, %scan3A_1624 = %broadcast_in_dim3A_610) -> (vector<16xf32>, vector<16xf32>, vector<16xf32>, vector<16xf32>)  : i32 {
      %mul3A_1625 = arith.constant 2 : i32
      %mul3A_1626 = arith.muli %mul3A_1625, %scan3A_1620 : i32
      %get3A = arith.index_cast %mul3A_1626 : i32 to index
      %get3A_1627 = arith.constant 0 : index
      %get3A_1628 = tpu.vector_load %arg16[%get3A, %get3A_1627] {strides = array<i32>} : memref<50x64xf32, #tpu.memory_space<vmem>>, vector<1x16xf32>,
      %get3A_1629 = vector.shape_cast %get3A_1628 : vector<1x16xf32> to vector<16xf32>
      %add3A_1630 = arith.addf %scan3A_1621, %get3A_1629 : vector<16xf32>
      %mul3A_1631 = arith.constant 2 : i32
      %mul3A_1632 = arith.muli %mul3A_1631, %scan3A_1620 : i32
      %get3A_1633 = arith.index_cast %mul3A_1632 : i32 to index
      %get3A_1634 = arith.constant 16 : index
      %get3A_1635 = tpu.vector_load %arg16[%get3A_1633, %get3A_1634] {strides = array<i32>} : memref<50x64xf32, #tpu.memory_space<vmem>>, vector<1x16xf32>,
      %get3A_1636 = vector.shape_cast %get3A_1635 : vector<1x16xf32> to vector<16xf32>
      %add3A_1637 = arith.addf %scan3A_1622, %get3A_1636 : vector<16xf32>
      %mul3A_1638 = arith.constant 2 : i32
      %mul3A_1639 = arith.muli %mul3A_1638, %scan3A_1620 : i32
      %get3A_1640 = arith.index_cast %mul3A_1639 : i32 to index
      %get3A_1641 = arith.constant 32 : index
      %get3A_1642 = tpu.vector_load %arg16[%get3A_1640, %get3A_1641] {strides = array<i32>} : memref<50x64xf32, #tpu.memory_space<vmem>>, vector<1x16xf32>,
      %get3A_1643 = vector.shape_cast %get3A_1642 : vector<1x16xf32> to vector<16xf32>
      %add3A_1644 = arith.addf %scan3A_1623, %get3A_1643 : vector<16xf32>
      %mul3A_1645 = arith.constant 2 : i32
      %mul3A_1646 = arith.muli %mul3A_1645, %scan3A_1620 : i32
      %get3A_1647 = arith.index_cast %mul3A_1646 : i32 to index
      %get3A_1648 = arith.constant 48 : index
      %get3A_1649 = tpu.vector_load %arg16[%get3A_1647, %get3A_1648] {strides = array<i32>} : memref<50x64xf32, #tpu.memory_space<vmem>>, vector<1x16xf32>,
      %get3A_1650 = vector.shape_cast %get3A_1649 : vector<1x16xf32> to vector<16xf32>
      %add3A_1651 = arith.addf %scan3A_1624, %get3A_1650 : vector<16xf32>
      %mul3A_1652 = arith.constant 2 : i32
      %mul3A_1653 = arith.muli %mul3A_1652, %scan3A_1620 : i32
      %add3A_1654 = arith.constant 1 : i32
      %add3A_1655 = arith.addi %mul3A_1653, %add3A_1654 : i32
      %get3A_1656 = arith.index_cast %add3A_1655 : i32 to index
      %get3A_1657 = arith.constant 0 : index
      %get3A_1658 = tpu.vector_load %arg16[%get3A_1656, %get3A_1657] {strides = array<i32>} : memref<50x64xf32, #tpu.memory_space<vmem>>, vector<1x16xf32>,
      %get3A_1659 = vector.shape_cast %get3A_1658 : vector<1x16xf32> to vector<16xf32>
      %add3A_1660 = arith.addf %add3A_1630, %get3A_1659 : vector<16xf32>
      %mul3A_1661 = arith.constant 2 : i32
      %mul3A_1662 = arith.muli %mul3A_1661, %scan3A_1620 : i32
      %add3A_1663 = arith.constant 1 : i32
      %add3A_1664 = arith.addi %mul3A_1662, %add3A_1663 : i32
      %get3A_1665 = arith.index_cast %add3A_1664 : i32 to index
      %get3A_1666 = arith.constant 16 : index
      %get3A_1667 = tpu.vector_load %arg16[%get3A_1665, %get3A_1666] {strides = array<i32>} : memref<50x64xf32, #tpu.memory_space<vmem>>, vector<1x16xf32>,
      %get3A_1668 = vector.shape_cast %get3A_1667 : vector<1x16xf32> to vector<16xf32>
      %add3A_1669 = arith.addf %add3A_1637, %get3A_1668 : vector<16xf32>
      %mul3A_1670 = arith.constant 2 : i32
      %mul3A_1671 = arith.muli %mul3A_1670, %scan3A_1620 : i32
      %add3A_1672 = arith.constant 1 : i32
      %add3A_1673 = arith.addi %mul3A_1671, %add3A_1672 : i32
      %get3A_1674 = arith.index_cast %add3A_1673 : i32 to index
      %get3A_1675 = arith.constant 32 : index
      %get3A_1676 = tpu.vector_load %arg16[%get3A_1674, %get3A_1675] {strides = array<i32>} : memref<50x64xf32, #tpu.memory_space<vmem>>, vector<1x16xf32>,
      %get3A_1677 = vector.shape_cast %get3A_1676 : vector<1x16xf32> to vector<16xf32>
      %add3A_1678 = arith.addf %add3A_1644, %get3A_1677 : vector<16xf32>
      %mul3A_1679 = arith.constant 2 : i32
      %mul3A_1680 = arith.muli %mul3A_1679, %scan3A_1620 : i32
      %add3A_1681 = arith.constant 1 : i32
      %add3A_1682 = arith.addi %mul3A_1680, %add3A_1681 : i32
      %get3A_1683 = arith.index_cast %add3A_1682 : i32 to index
      %get3A_1684 = arith.constant 48 : index
      %get3A_1685 = tpu.vector_load %arg16[%get3A_1683, %get3A_1684] {strides = array<i32>} : memref<50x64xf32, #tpu.memory_space<vmem>>, vector<1x16xf32>,
      %get3A_1686 = vector.shape_cast %get3A_1685 : vector<1x16xf32> to vector<16xf32>
      %add3A_1687 = arith.addf %add3A_1651, %get3A_1686 : vector<16xf32>
      scf.yield %add3A_1660, %add3A_1669, %add3A_1678, %add3A_1687 : vector<16xf32>, vector<16xf32>, vector<16xf32>, vector<16xf32>
    }
    %scan3A_616 = arith.constant 25 : i32
    %swap3A_617 = arith.constant 11 : i32
    %swap3A_618 = arith.index_cast %swap3A_617 : i32 to index
    %swap3A_619 = arith.constant 0 : index
    %swap3A_620 = tpu.vector_load %arg9[%swap3A_618, %swap3A_619] {strides = array<i32>} : memref<32x64xf32, #tpu.memory_space<vmem>>, vector<1x16xf32>,
    %swap3A_621 = vector.shape_cast %swap3A_620 : vector<1x16xf32> to vector<16xf32>
    %swap3A_622 = vector.shape_cast %scan3A_615#0 : vector<16xf32> to vector<1x16xf32>
    tpu.vector_store %arg9[%swap3A_618, %swap3A_619], %swap3A_622 {strides = array<i32>} : memref<32x64xf32, #tpu.memory_space<vmem>>, vector<1x16xf32>,
    %swap3A_623 = arith.constant 11 : i32
    %swap3A_624 = arith.index_cast %swap3A_623 : i32 to index
    %swap3A_625 = arith.constant 16 : index
    %swap3A_626 = tpu.vector_load %arg9[%swap3A_624, %swap3A_625] {strides = array<i32>} : memref<32x64xf32, #tpu.memory_space<vmem>>, vector<1x16xf32>,
    %swap3A_627 = vector.shape_cast %swap3A_626 : vector<1x16xf32> to vector<16xf32>
    %swap3A_628 = vector.shape_cast %scan3A_615#1 : vector<16xf32> to vector<1x16xf32>
    tpu.vector_store %arg9[%swap3A_624, %swap3A_625], %swap3A_628 {strides = array<i32>} : memref<32x64xf32, #tpu.memory_space<vmem>>, vector<1x16xf32>,
    %swap3A_629 = arith.constant 11 : i32
    %swap3A_630 = arith.index_cast %swap3A_629 : i32 to index
    %swap3A_631 = arith.constant 32 : index
    %swap3A_632 = tpu.vector_load %arg9[%swap3A_630, %swap3A_631] {strides = array<i32>} : memref<32x64xf32, #tpu.memory_space<vmem>>, vector<1x16xf32>,
    %swap3A_633 = vector.shape_cast %swap3A_632 : vector<1x16xf32> to vector<16xf32>
    %swap3A_634 = vector.shape_cast %scan3A_615#2 : vector<16xf32> to vector<1x16xf32>
    tpu.vector_store %arg9[%swap3A_630, %swap3A_631], %swap3A_634 {strides = array<i32>} : memref<32x64xf32, #tpu.memory_space<vmem>>, vector<1x16xf32>,
    %swap3A_635 = arith.constant 11 : i32
    %swap3A_636 = arith.index_cast %swap3A_635 : i32 to index
    %swap3A_637 = arith.constant 48 : index
    %swap3A_638 = tpu.vector_load %arg9[%swap3A_636, %swap3A_637] {strides = array<i32>} : memref<32x64xf32, #tpu.memory_space<vmem>>, vector<1x16xf32>,
    %swap3A_639 = vector.shape_cast %swap3A_638 : vector<1x16xf32> to vector<16xf32>
    %swap3A_640 = vector.shape_cast %scan3A_615#3 : vector<16xf32> to vector<1x16xf32>
    tpu.vector_store %arg9[%swap3A_636, %swap3A_637], %swap3A_640 {strides = array<i32>} : memref<32x64xf32, #tpu.memory_space<vmem>>, vector<1x16xf32>,
    %dma_start3A_641 = arith.constant 952 : i32
    %dma_start3A_642 = tpu.memref_slice %arg7[%dma_start3A_641] : memref<1792xi32, #tpu.memory_space<vmem>> -> memref<50xi32, #tpu.memory_space<vmem>>
    %dma_start3A_643 = arith.constant 0 : i32
    %dma_start3A_644 = arith.constant 0 : i32
    %dma_start3A_645 = tpu.memref_slice %arg4[%dma_start3A_643, %dma_start3A_644] : memref<2000000x64xf32, #tpu.memory_space<hbm>> -> memref<2000000x64xf32, #tpu.memory_space<hbm>>
    tpu.enqueue_indirect_dma source(%dma_start3A_645 : memref<2000000x64xf32, #tpu.memory_space<hbm>>) target(%arg16 : memref<50x64xf32, #tpu.memory_space<vmem>>) offsets(%dma_start3A_642 : memref<50xi32, #tpu.memory_space<vmem>>) semaphore(%arg22 : memref<!tpu.dma_semaphore, #tpu.memory_space<semaphore_mem>>)
    %dma_wait3A_646 = arith.constant 672 : i32
    %dma_wait3A_647 = tpu.memref_slice %arg7[%dma_wait3A_646] : memref<1792xi32, #tpu.memory_space<vmem>> -> memref<50xi32, #tpu.memory_space<vmem>>
    %dma_wait3A_648 = arith.constant 0 : i32
    %dma_wait3A_649 = arith.constant 0 : i32
    %dma_wait3A_650 = tpu.memref_slice %arg4[%dma_wait3A_648, %dma_wait3A_649] : memref<2000000x64xf32, #tpu.memory_space<hbm>> -> memref<2000000x64xf32, #tpu.memory_space<hbm>>
    tpu.wait_indirect_dma semaphore(%arg17 : memref<!tpu.dma_semaphore, #tpu.memory_space<semaphore_mem>>) src(%dma_wait3A_650 : memref<2000000x64xf32, #tpu.memory_space<hbm>>) dst(%arg11 : memref<50x64xf32, #tpu.memory_space<vmem>>)
    %broadcast_in_dim3A_651 = arith.constant 0.000000e+00 : f32
    %broadcast_in_dim3A_652 = vector.broadcast %broadcast_in_dim3A_651 : f32 to vector<16xf32>
    %broadcast_in_dim3A_653 = arith.constant 0.000000e+00 : f32
    %broadcast_in_dim3A_654 = vector.broadcast %broadcast_in_dim3A_653 : f32 to vector<16xf32>
    %broadcast_in_dim3A_655 = arith.constant 0.000000e+00 : f32
    %broadcast_in_dim3A_656 = vector.broadcast %broadcast_in_dim3A_655 : f32 to vector<16xf32>
    %broadcast_in_dim3A_657 = arith.constant 0.000000e+00 : f32
    %broadcast_in_dim3A_658 = vector.broadcast %broadcast_in_dim3A_657 : f32 to vector<16xf32>
    %scan3A_659 = arith.constant 0 : i32
    %scan3A_660 = arith.constant 25 : i32
    %scan3A_661 = arith.addi %scan3A_659, %scan3A_660 : i32
    %scan3A_662 = arith.constant 1 : i32
    %scan3A_663:4 = scf.for %scan3A_1620 = %scan3A_659 to %scan3A_661 step %scan3A_662 iter_args(%scan3A_1621 = %broadcast_in_dim3A_652, %scan3A_1622 = %broadcast_in_dim3A_654, %scan3A_1623 = %broadcast_in_dim3A_656, %scan3A_1624 = %broadcast_in_dim3A_658) -> (vector<16xf32>, vector<16xf32>, vector<16xf32>, vector<16xf32>)  : i32 {
      %mul3A_1625 = arith.constant 2 : i32
      %mul3A_1626 = arith.muli %mul3A_1625, %scan3A_1620 : i32
      %get3A = arith.index_cast %mul3A_1626 : i32 to index
      %get3A_1627 = arith.constant 0 : index
      %get3A_1628 = tpu.vector_load %arg11[%get3A, %get3A_1627] {strides = array<i32>} : memref<50x64xf32, #tpu.memory_space<vmem>>, vector<1x16xf32>,
      %get3A_1629 = vector.shape_cast %get3A_1628 : vector<1x16xf32> to vector<16xf32>
      %add3A_1630 = arith.addf %scan3A_1621, %get3A_1629 : vector<16xf32>
      %mul3A_1631 = arith.constant 2 : i32
      %mul3A_1632 = arith.muli %mul3A_1631, %scan3A_1620 : i32
      %get3A_1633 = arith.index_cast %mul3A_1632 : i32 to index
      %get3A_1634 = arith.constant 16 : index
      %get3A_1635 = tpu.vector_load %arg11[%get3A_1633, %get3A_1634] {strides = array<i32>} : memref<50x64xf32, #tpu.memory_space<vmem>>, vector<1x16xf32>,
      %get3A_1636 = vector.shape_cast %get3A_1635 : vector<1x16xf32> to vector<16xf32>
      %add3A_1637 = arith.addf %scan3A_1622, %get3A_1636 : vector<16xf32>
      %mul3A_1638 = arith.constant 2 : i32
      %mul3A_1639 = arith.muli %mul3A_1638, %scan3A_1620 : i32
      %get3A_1640 = arith.index_cast %mul3A_1639 : i32 to index
      %get3A_1641 = arith.constant 32 : index
      %get3A_1642 = tpu.vector_load %arg11[%get3A_1640, %get3A_1641] {strides = array<i32>} : memref<50x64xf32, #tpu.memory_space<vmem>>, vector<1x16xf32>,
      %get3A_1643 = vector.shape_cast %get3A_1642 : vector<1x16xf32> to vector<16xf32>
      %add3A_1644 = arith.addf %scan3A_1623, %get3A_1643 : vector<16xf32>
      %mul3A_1645 = arith.constant 2 : i32
      %mul3A_1646 = arith.muli %mul3A_1645, %scan3A_1620 : i32
      %get3A_1647 = arith.index_cast %mul3A_1646 : i32 to index
      %get3A_1648 = arith.constant 48 : index
      %get3A_1649 = tpu.vector_load %arg11[%get3A_1647, %get3A_1648] {strides = array<i32>} : memref<50x64xf32, #tpu.memory_space<vmem>>, vector<1x16xf32>,
      %get3A_1650 = vector.shape_cast %get3A_1649 : vector<1x16xf32> to vector<16xf32>
      %add3A_1651 = arith.addf %scan3A_1624, %get3A_1650 : vector<16xf32>
      %mul3A_1652 = arith.constant 2 : i32
      %mul3A_1653 = arith.muli %mul3A_1652, %scan3A_1620 : i32
      %add3A_1654 = arith.constant 1 : i32
      %add3A_1655 = arith.addi %mul3A_1653, %add3A_1654 : i32
      %get3A_1656 = arith.index_cast %add3A_1655 : i32 to index
      %get3A_1657 = arith.constant 0 : index
      %get3A_1658 = tpu.vector_load %arg11[%get3A_1656, %get3A_1657] {strides = array<i32>} : memref<50x64xf32, #tpu.memory_space<vmem>>, vector<1x16xf32>,
      %get3A_1659 = vector.shape_cast %get3A_1658 : vector<1x16xf32> to vector<16xf32>
      %add3A_1660 = arith.addf %add3A_1630, %get3A_1659 : vector<16xf32>
      %mul3A_1661 = arith.constant 2 : i32
      %mul3A_1662 = arith.muli %mul3A_1661, %scan3A_1620 : i32
      %add3A_1663 = arith.constant 1 : i32
      %add3A_1664 = arith.addi %mul3A_1662, %add3A_1663 : i32
      %get3A_1665 = arith.index_cast %add3A_1664 : i32 to index
      %get3A_1666 = arith.constant 16 : index
      %get3A_1667 = tpu.vector_load %arg11[%get3A_1665, %get3A_1666] {strides = array<i32>} : memref<50x64xf32, #tpu.memory_space<vmem>>, vector<1x16xf32>,
      %get3A_1668 = vector.shape_cast %get3A_1667 : vector<1x16xf32> to vector<16xf32>
      %add3A_1669 = arith.addf %add3A_1637, %get3A_1668 : vector<16xf32>
      %mul3A_1670 = arith.constant 2 : i32
      %mul3A_1671 = arith.muli %mul3A_1670, %scan3A_1620 : i32
      %add3A_1672 = arith.constant 1 : i32
      %add3A_1673 = arith.addi %mul3A_1671, %add3A_1672 : i32
      %get3A_1674 = arith.index_cast %add3A_1673 : i32 to index
      %get3A_1675 = arith.constant 32 : index
      %get3A_1676 = tpu.vector_load %arg11[%get3A_1674, %get3A_1675] {strides = array<i32>} : memref<50x64xf32, #tpu.memory_space<vmem>>, vector<1x16xf32>,
      %get3A_1677 = vector.shape_cast %get3A_1676 : vector<1x16xf32> to vector<16xf32>
      %add3A_1678 = arith.addf %add3A_1644, %get3A_1677 : vector<16xf32>
      %mul3A_1679 = arith.constant 2 : i32
      %mul3A_1680 = arith.muli %mul3A_1679, %scan3A_1620 : i32
      %add3A_1681 = arith.constant 1 : i32
      %add3A_1682 = arith.addi %mul3A_1680, %add3A_1681 : i32
      %get3A_1683 = arith.index_cast %add3A_1682 : i32 to index
      %get3A_1684 = arith.constant 48 : index
      %get3A_1685 = tpu.vector_load %arg11[%get3A_1683, %get3A_1684] {strides = array<i32>} : memref<50x64xf32, #tpu.memory_space<vmem>>, vector<1x16xf32>,
      %get3A_1686 = vector.shape_cast %get3A_1685 : vector<1x16xf32> to vector<16xf32>
      %add3A_1687 = arith.addf %add3A_1651, %get3A_1686 : vector<16xf32>
      scf.yield %add3A_1660, %add3A_1669, %add3A_1678, %add3A_1687 : vector<16xf32>, vector<16xf32>, vector<16xf32>, vector<16xf32>
    }
    %scan3A_664 = arith.constant 25 : i32
    %swap3A_665 = arith.constant 12 : i32
    %swap3A_666 = arith.index_cast %swap3A_665 : i32 to index
    %swap3A_667 = arith.constant 0 : index
    %swap3A_668 = tpu.vector_load %arg9[%swap3A_666, %swap3A_667] {strides = array<i32>} : memref<32x64xf32, #tpu.memory_space<vmem>>, vector<1x16xf32>,
    %swap3A_669 = vector.shape_cast %swap3A_668 : vector<1x16xf32> to vector<16xf32>
    %swap3A_670 = vector.shape_cast %scan3A_663#0 : vector<16xf32> to vector<1x16xf32>
    tpu.vector_store %arg9[%swap3A_666, %swap3A_667], %swap3A_670 {strides = array<i32>} : memref<32x64xf32, #tpu.memory_space<vmem>>, vector<1x16xf32>,
    %swap3A_671 = arith.constant 12 : i32
    %swap3A_672 = arith.index_cast %swap3A_671 : i32 to index
    %swap3A_673 = arith.constant 16 : index
    %swap3A_674 = tpu.vector_load %arg9[%swap3A_672, %swap3A_673] {strides = array<i32>} : memref<32x64xf32, #tpu.memory_space<vmem>>, vector<1x16xf32>,
    %swap3A_675 = vector.shape_cast %swap3A_674 : vector<1x16xf32> to vector<16xf32>
    %swap3A_676 = vector.shape_cast %scan3A_663#1 : vector<16xf32> to vector<1x16xf32>
    tpu.vector_store %arg9[%swap3A_672, %swap3A_673], %swap3A_676 {strides = array<i32>} : memref<32x64xf32, #tpu.memory_space<vmem>>, vector<1x16xf32>,
    %swap3A_677 = arith.constant 12 : i32
    %swap3A_678 = arith.index_cast %swap3A_677 : i32 to index
    %swap3A_679 = arith.constant 32 : index
    %swap3A_680 = tpu.vector_load %arg9[%swap3A_678, %swap3A_679] {strides = array<i32>} : memref<32x64xf32, #tpu.memory_space<vmem>>, vector<1x16xf32>,
    %swap3A_681 = vector.shape_cast %swap3A_680 : vector<1x16xf32> to vector<16xf32>
    %swap3A_682 = vector.shape_cast %scan3A_663#2 : vector<16xf32> to vector<1x16xf32>
    tpu.vector_store %arg9[%swap3A_678, %swap3A_679], %swap3A_682 {strides = array<i32>} : memref<32x64xf32, #tpu.memory_space<vmem>>, vector<1x16xf32>,
    %swap3A_683 = arith.constant 12 : i32
    %swap3A_684 = arith.index_cast %swap3A_683 : i32 to index
    %swap3A_685 = arith.constant 48 : index
    %swap3A_686 = tpu.vector_load %arg9[%swap3A_684, %swap3A_685] {strides = array<i32>} : memref<32x64xf32, #tpu.memory_space<vmem>>, vector<1x16xf32>,
    %swap3A_687 = vector.shape_cast %swap3A_686 : vector<1x16xf32> to vector<16xf32>
    %swap3A_688 = vector.shape_cast %scan3A_663#3 : vector<16xf32> to vector<1x16xf32>
    tpu.vector_store %arg9[%swap3A_684, %swap3A_685], %swap3A_688 {strides = array<i32>} : memref<32x64xf32, #tpu.memory_space<vmem>>, vector<1x16xf32>,
    %dma_start3A_689 = arith.constant 1008 : i32
    %dma_start3A_690 = tpu.memref_slice %arg7[%dma_start3A_689] : memref<1792xi32, #tpu.memory_space<vmem>> -> memref<50xi32, #tpu.memory_space<vmem>>
    %dma_start3A_691 = arith.constant 0 : i32
    %dma_start3A_692 = arith.constant 0 : i32
    %dma_start3A_693 = tpu.memref_slice %arg4[%dma_start3A_691, %dma_start3A_692] : memref<2000000x64xf32, #tpu.memory_space<hbm>> -> memref<2000000x64xf32, #tpu.memory_space<hbm>>
    tpu.enqueue_indirect_dma source(%dma_start3A_693 : memref<2000000x64xf32, #tpu.memory_space<hbm>>) target(%arg11 : memref<50x64xf32, #tpu.memory_space<vmem>>) offsets(%dma_start3A_690 : memref<50xi32, #tpu.memory_space<vmem>>) semaphore(%arg17 : memref<!tpu.dma_semaphore, #tpu.memory_space<semaphore_mem>>)
    %dma_wait3A_694 = arith.constant 728 : i32
    %dma_wait3A_695 = tpu.memref_slice %arg7[%dma_wait3A_694] : memref<1792xi32, #tpu.memory_space<vmem>> -> memref<50xi32, #tpu.memory_space<vmem>>
    %dma_wait3A_696 = arith.constant 0 : i32
    %dma_wait3A_697 = arith.constant 0 : i32
    %dma_wait3A_698 = tpu.memref_slice %arg4[%dma_wait3A_696, %dma_wait3A_697] : memref<2000000x64xf32, #tpu.memory_space<hbm>> -> memref<2000000x64xf32, #tpu.memory_space<hbm>>
    tpu.wait_indirect_dma semaphore(%arg18 : memref<!tpu.dma_semaphore, #tpu.memory_space<semaphore_mem>>) src(%dma_wait3A_698 : memref<2000000x64xf32, #tpu.memory_space<hbm>>) dst(%arg12 : memref<50x64xf32, #tpu.memory_space<vmem>>)
    %broadcast_in_dim3A_699 = arith.constant 0.000000e+00 : f32
    %broadcast_in_dim3A_700 = vector.broadcast %broadcast_in_dim3A_699 : f32 to vector<16xf32>
    %broadcast_in_dim3A_701 = arith.constant 0.000000e+00 : f32
    %broadcast_in_dim3A_702 = vector.broadcast %broadcast_in_dim3A_701 : f32 to vector<16xf32>
    %broadcast_in_dim3A_703 = arith.constant 0.000000e+00 : f32
    %broadcast_in_dim3A_704 = vector.broadcast %broadcast_in_dim3A_703 : f32 to vector<16xf32>
    %broadcast_in_dim3A_705 = arith.constant 0.000000e+00 : f32
    %broadcast_in_dim3A_706 = vector.broadcast %broadcast_in_dim3A_705 : f32 to vector<16xf32>
    %scan3A_707 = arith.constant 0 : i32
    %scan3A_708 = arith.constant 25 : i32
    %scan3A_709 = arith.addi %scan3A_707, %scan3A_708 : i32
    %scan3A_710 = arith.constant 1 : i32
    %scan3A_711:4 = scf.for %scan3A_1620 = %scan3A_707 to %scan3A_709 step %scan3A_710 iter_args(%scan3A_1621 = %broadcast_in_dim3A_700, %scan3A_1622 = %broadcast_in_dim3A_702, %scan3A_1623 = %broadcast_in_dim3A_704, %scan3A_1624 = %broadcast_in_dim3A_706) -> (vector<16xf32>, vector<16xf32>, vector<16xf32>, vector<16xf32>)  : i32 {
      %mul3A_1625 = arith.constant 2 : i32
      %mul3A_1626 = arith.muli %mul3A_1625, %scan3A_1620 : i32
      %get3A = arith.index_cast %mul3A_1626 : i32 to index
      %get3A_1627 = arith.constant 0 : index
      %get3A_1628 = tpu.vector_load %arg12[%get3A, %get3A_1627] {strides = array<i32>} : memref<50x64xf32, #tpu.memory_space<vmem>>, vector<1x16xf32>,
      %get3A_1629 = vector.shape_cast %get3A_1628 : vector<1x16xf32> to vector<16xf32>
      %add3A_1630 = arith.addf %scan3A_1621, %get3A_1629 : vector<16xf32>
      %mul3A_1631 = arith.constant 2 : i32
      %mul3A_1632 = arith.muli %mul3A_1631, %scan3A_1620 : i32
      %get3A_1633 = arith.index_cast %mul3A_1632 : i32 to index
      %get3A_1634 = arith.constant 16 : index
      %get3A_1635 = tpu.vector_load %arg12[%get3A_1633, %get3A_1634] {strides = array<i32>} : memref<50x64xf32, #tpu.memory_space<vmem>>, vector<1x16xf32>,
      %get3A_1636 = vector.shape_cast %get3A_1635 : vector<1x16xf32> to vector<16xf32>
      %add3A_1637 = arith.addf %scan3A_1622, %get3A_1636 : vector<16xf32>
      %mul3A_1638 = arith.constant 2 : i32
      %mul3A_1639 = arith.muli %mul3A_1638, %scan3A_1620 : i32
      %get3A_1640 = arith.index_cast %mul3A_1639 : i32 to index
      %get3A_1641 = arith.constant 32 : index
      %get3A_1642 = tpu.vector_load %arg12[%get3A_1640, %get3A_1641] {strides = array<i32>} : memref<50x64xf32, #tpu.memory_space<vmem>>, vector<1x16xf32>,
      %get3A_1643 = vector.shape_cast %get3A_1642 : vector<1x16xf32> to vector<16xf32>
      %add3A_1644 = arith.addf %scan3A_1623, %get3A_1643 : vector<16xf32>
      %mul3A_1645 = arith.constant 2 : i32
      %mul3A_1646 = arith.muli %mul3A_1645, %scan3A_1620 : i32
      %get3A_1647 = arith.index_cast %mul3A_1646 : i32 to index
      %get3A_1648 = arith.constant 48 : index
      %get3A_1649 = tpu.vector_load %arg12[%get3A_1647, %get3A_1648] {strides = array<i32>} : memref<50x64xf32, #tpu.memory_space<vmem>>, vector<1x16xf32>,
      %get3A_1650 = vector.shape_cast %get3A_1649 : vector<1x16xf32> to vector<16xf32>
      %add3A_1651 = arith.addf %scan3A_1624, %get3A_1650 : vector<16xf32>
      %mul3A_1652 = arith.constant 2 : i32
      %mul3A_1653 = arith.muli %mul3A_1652, %scan3A_1620 : i32
      %add3A_1654 = arith.constant 1 : i32
      %add3A_1655 = arith.addi %mul3A_1653, %add3A_1654 : i32
      %get3A_1656 = arith.index_cast %add3A_1655 : i32 to index
      %get3A_1657 = arith.constant 0 : index
      %get3A_1658 = tpu.vector_load %arg12[%get3A_1656, %get3A_1657] {strides = array<i32>} : memref<50x64xf32, #tpu.memory_space<vmem>>, vector<1x16xf32>,
      %get3A_1659 = vector.shape_cast %get3A_1658 : vector<1x16xf32> to vector<16xf32>
      %add3A_1660 = arith.addf %add3A_1630, %get3A_1659 : vector<16xf32>
      %mul3A_1661 = arith.constant 2 : i32
      %mul3A_1662 = arith.muli %mul3A_1661, %scan3A_1620 : i32
      %add3A_1663 = arith.constant 1 : i32
      %add3A_1664 = arith.addi %mul3A_1662, %add3A_1663 : i32
      %get3A_1665 = arith.index_cast %add3A_1664 : i32 to index
      %get3A_1666 = arith.constant 16 : index
      %get3A_1667 = tpu.vector_load %arg12[%get3A_1665, %get3A_1666] {strides = array<i32>} : memref<50x64xf32, #tpu.memory_space<vmem>>, vector<1x16xf32>,
      %get3A_1668 = vector.shape_cast %get3A_1667 : vector<1x16xf32> to vector<16xf32>
      %add3A_1669 = arith.addf %add3A_1637, %get3A_1668 : vector<16xf32>
      %mul3A_1670 = arith.constant 2 : i32
      %mul3A_1671 = arith.muli %mul3A_1670, %scan3A_1620 : i32
      %add3A_1672 = arith.constant 1 : i32
      %add3A_1673 = arith.addi %mul3A_1671, %add3A_1672 : i32
      %get3A_1674 = arith.index_cast %add3A_1673 : i32 to index
      %get3A_1675 = arith.constant 32 : index
      %get3A_1676 = tpu.vector_load %arg12[%get3A_1674, %get3A_1675] {strides = array<i32>} : memref<50x64xf32, #tpu.memory_space<vmem>>, vector<1x16xf32>,
      %get3A_1677 = vector.shape_cast %get3A_1676 : vector<1x16xf32> to vector<16xf32>
      %add3A_1678 = arith.addf %add3A_1644, %get3A_1677 : vector<16xf32>
      %mul3A_1679 = arith.constant 2 : i32
      %mul3A_1680 = arith.muli %mul3A_1679, %scan3A_1620 : i32
      %add3A_1681 = arith.constant 1 : i32
      %add3A_1682 = arith.addi %mul3A_1680, %add3A_1681 : i32
      %get3A_1683 = arith.index_cast %add3A_1682 : i32 to index
      %get3A_1684 = arith.constant 48 : index
      %get3A_1685 = tpu.vector_load %arg12[%get3A_1683, %get3A_1684] {strides = array<i32>} : memref<50x64xf32, #tpu.memory_space<vmem>>, vector<1x16xf32>,
      %get3A_1686 = vector.shape_cast %get3A_1685 : vector<1x16xf32> to vector<16xf32>
      %add3A_1687 = arith.addf %add3A_1651, %get3A_1686 : vector<16xf32>
      scf.yield %add3A_1660, %add3A_1669, %add3A_1678, %add3A_1687 : vector<16xf32>, vector<16xf32>, vector<16xf32>, vector<16xf32>
    }
    %scan3A_712 = arith.constant 25 : i32
    %swap3A_713 = arith.constant 13 : i32
    %swap3A_714 = arith.index_cast %swap3A_713 : i32 to index
    %swap3A_715 = arith.constant 0 : index
    %swap3A_716 = tpu.vector_load %arg9[%swap3A_714, %swap3A_715] {strides = array<i32>} : memref<32x64xf32, #tpu.memory_space<vmem>>, vector<1x16xf32>,
    %swap3A_717 = vector.shape_cast %swap3A_716 : vector<1x16xf32> to vector<16xf32>
    %swap3A_718 = vector.shape_cast %scan3A_711#0 : vector<16xf32> to vector<1x16xf32>
    tpu.vector_store %arg9[%swap3A_714, %swap3A_715], %swap3A_718 {strides = array<i32>} : memref<32x64xf32, #tpu.memory_space<vmem>>, vector<1x16xf32>,
    %swap3A_719 = arith.constant 13 : i32
    %swap3A_720 = arith.index_cast %swap3A_719 : i32 to index
    %swap3A_721 = arith.constant 16 : index
    %swap3A_722 = tpu.vector_load %arg9[%swap3A_720, %swap3A_721] {strides = array<i32>} : memref<32x64xf32, #tpu.memory_space<vmem>>, vector<1x16xf32>,
    %swap3A_723 = vector.shape_cast %swap3A_722 : vector<1x16xf32> to vector<16xf32>
    %swap3A_724 = vector.shape_cast %scan3A_711#1 : vector<16xf32> to vector<1x16xf32>
    tpu.vector_store %arg9[%swap3A_720, %swap3A_721], %swap3A_724 {strides = array<i32>} : memref<32x64xf32, #tpu.memory_space<vmem>>, vector<1x16xf32>,
    %swap3A_725 = arith.constant 13 : i32
    %swap3A_726 = arith.index_cast %swap3A_725 : i32 to index
    %swap3A_727 = arith.constant 32 : index
    %swap3A_728 = tpu.vector_load %arg9[%swap3A_726, %swap3A_727] {strides = array<i32>} : memref<32x64xf32, #tpu.memory_space<vmem>>, vector<1x16xf32>,
    %swap3A_729 = vector.shape_cast %swap3A_728 : vector<1x16xf32> to vector<16xf32>
    %swap3A_730 = vector.shape_cast %scan3A_711#2 : vector<16xf32> to vector<1x16xf32>
    tpu.vector_store %arg9[%swap3A_726, %swap3A_727], %swap3A_730 {strides = array<i32>} : memref<32x64xf32, #tpu.memory_space<vmem>>, vector<1x16xf32>,
    %swap3A_731 = arith.constant 13 : i32
    %swap3A_732 = arith.index_cast %swap3A_731 : i32 to index
    %swap3A_733 = arith.constant 48 : index
    %swap3A_734 = tpu.vector_load %arg9[%swap3A_732, %swap3A_733] {strides = array<i32>} : memref<32x64xf32, #tpu.memory_space<vmem>>, vector<1x16xf32>,
    %swap3A_735 = vector.shape_cast %swap3A_734 : vector<1x16xf32> to vector<16xf32>
    %swap3A_736 = vector.shape_cast %scan3A_711#3 : vector<16xf32> to vector<1x16xf32>
    tpu.vector_store %arg9[%swap3A_732, %swap3A_733], %swap3A_736 {strides = array<i32>} : memref<32x64xf32, #tpu.memory_space<vmem>>, vector<1x16xf32>,
    %dma_start3A_737 = arith.constant 1064 : i32
    %dma_start3A_738 = tpu.memref_slice %arg7[%dma_start3A_737] : memref<1792xi32, #tpu.memory_space<vmem>> -> memref<50xi32, #tpu.memory_space<vmem>>
    %dma_start3A_739 = arith.constant 0 : i32
    %dma_start3A_740 = arith.constant 0 : i32
    %dma_start3A_741 = tpu.memref_slice %arg4[%dma_start3A_739, %dma_start3A_740] : memref<2000000x64xf32, #tpu.memory_space<hbm>> -> memref<2000000x64xf32, #tpu.memory_space<hbm>>
    tpu.enqueue_indirect_dma source(%dma_start3A_741 : memref<2000000x64xf32, #tpu.memory_space<hbm>>) target(%arg12 : memref<50x64xf32, #tpu.memory_space<vmem>>) offsets(%dma_start3A_738 : memref<50xi32, #tpu.memory_space<vmem>>) semaphore(%arg18 : memref<!tpu.dma_semaphore, #tpu.memory_space<semaphore_mem>>)
    %dma_wait3A_742 = arith.constant 784 : i32
    %dma_wait3A_743 = tpu.memref_slice %arg7[%dma_wait3A_742] : memref<1792xi32, #tpu.memory_space<vmem>> -> memref<50xi32, #tpu.memory_space<vmem>>
    %dma_wait3A_744 = arith.constant 0 : i32
    %dma_wait3A_745 = arith.constant 0 : i32
    %dma_wait3A_746 = tpu.memref_slice %arg4[%dma_wait3A_744, %dma_wait3A_745] : memref<2000000x64xf32, #tpu.memory_space<hbm>> -> memref<2000000x64xf32, #tpu.memory_space<hbm>>
    tpu.wait_indirect_dma semaphore(%arg19 : memref<!tpu.dma_semaphore, #tpu.memory_space<semaphore_mem>>) src(%dma_wait3A_746 : memref<2000000x64xf32, #tpu.memory_space<hbm>>) dst(%arg13 : memref<50x64xf32, #tpu.memory_space<vmem>>)
    %broadcast_in_dim3A_747 = arith.constant 0.000000e+00 : f32
    %broadcast_in_dim3A_748 = vector.broadcast %broadcast_in_dim3A_747 : f32 to vector<16xf32>
    %broadcast_in_dim3A_749 = arith.constant 0.000000e+00 : f32
    %broadcast_in_dim3A_750 = vector.broadcast %broadcast_in_dim3A_749 : f32 to vector<16xf32>
    %broadcast_in_dim3A_751 = arith.constant 0.000000e+00 : f32
    %broadcast_in_dim3A_752 = vector.broadcast %broadcast_in_dim3A_751 : f32 to vector<16xf32>
    %broadcast_in_dim3A_753 = arith.constant 0.000000e+00 : f32
    %broadcast_in_dim3A_754 = vector.broadcast %broadcast_in_dim3A_753 : f32 to vector<16xf32>
    %scan3A_755 = arith.constant 0 : i32
    %scan3A_756 = arith.constant 25 : i32
    %scan3A_757 = arith.addi %scan3A_755, %scan3A_756 : i32
    %scan3A_758 = arith.constant 1 : i32
    %scan3A_759:4 = scf.for %scan3A_1620 = %scan3A_755 to %scan3A_757 step %scan3A_758 iter_args(%scan3A_1621 = %broadcast_in_dim3A_748, %scan3A_1622 = %broadcast_in_dim3A_750, %scan3A_1623 = %broadcast_in_dim3A_752, %scan3A_1624 = %broadcast_in_dim3A_754) -> (vector<16xf32>, vector<16xf32>, vector<16xf32>, vector<16xf32>)  : i32 {
      %mul3A_1625 = arith.constant 2 : i32
      %mul3A_1626 = arith.muli %mul3A_1625, %scan3A_1620 : i32
      %get3A = arith.index_cast %mul3A_1626 : i32 to index
      %get3A_1627 = arith.constant 0 : index
      %get3A_1628 = tpu.vector_load %arg13[%get3A, %get3A_1627] {strides = array<i32>} : memref<50x64xf32, #tpu.memory_space<vmem>>, vector<1x16xf32>,
      %get3A_1629 = vector.shape_cast %get3A_1628 : vector<1x16xf32> to vector<16xf32>
      %add3A_1630 = arith.addf %scan3A_1621, %get3A_1629 : vector<16xf32>
      %mul3A_1631 = arith.constant 2 : i32
      %mul3A_1632 = arith.muli %mul3A_1631, %scan3A_1620 : i32
      %get3A_1633 = arith.index_cast %mul3A_1632 : i32 to index
      %get3A_1634 = arith.constant 16 : index
      %get3A_1635 = tpu.vector_load %arg13[%get3A_1633, %get3A_1634] {strides = array<i32>} : memref<50x64xf32, #tpu.memory_space<vmem>>, vector<1x16xf32>,
      %get3A_1636 = vector.shape_cast %get3A_1635 : vector<1x16xf32> to vector<16xf32>
      %add3A_1637 = arith.addf %scan3A_1622, %get3A_1636 : vector<16xf32>
      %mul3A_1638 = arith.constant 2 : i32
      %mul3A_1639 = arith.muli %mul3A_1638, %scan3A_1620 : i32
      %get3A_1640 = arith.index_cast %mul3A_1639 : i32 to index
      %get3A_1641 = arith.constant 32 : index
      %get3A_1642 = tpu.vector_load %arg13[%get3A_1640, %get3A_1641] {strides = array<i32>} : memref<50x64xf32, #tpu.memory_space<vmem>>, vector<1x16xf32>,
      %get3A_1643 = vector.shape_cast %get3A_1642 : vector<1x16xf32> to vector<16xf32>
      %add3A_1644 = arith.addf %scan3A_1623, %get3A_1643 : vector<16xf32>
      %mul3A_1645 = arith.constant 2 : i32
      %mul3A_1646 = arith.muli %mul3A_1645, %scan3A_1620 : i32
      %get3A_1647 = arith.index_cast %mul3A_1646 : i32 to index
      %get3A_1648 = arith.constant 48 : index
      %get3A_1649 = tpu.vector_load %arg13[%get3A_1647, %get3A_1648] {strides = array<i32>} : memref<50x64xf32, #tpu.memory_space<vmem>>, vector<1x16xf32>,
      %get3A_1650 = vector.shape_cast %get3A_1649 : vector<1x16xf32> to vector<16xf32>
      %add3A_1651 = arith.addf %scan3A_1624, %get3A_1650 : vector<16xf32>
      %mul3A_1652 = arith.constant 2 : i32
      %mul3A_1653 = arith.muli %mul3A_1652, %scan3A_1620 : i32
      %add3A_1654 = arith.constant 1 : i32
      %add3A_1655 = arith.addi %mul3A_1653, %add3A_1654 : i32
      %get3A_1656 = arith.index_cast %add3A_1655 : i32 to index
      %get3A_1657 = arith.constant 0 : index
      %get3A_1658 = tpu.vector_load %arg13[%get3A_1656, %get3A_1657] {strides = array<i32>} : memref<50x64xf32, #tpu.memory_space<vmem>>, vector<1x16xf32>,
      %get3A_1659 = vector.shape_cast %get3A_1658 : vector<1x16xf32> to vector<16xf32>
      %add3A_1660 = arith.addf %add3A_1630, %get3A_1659 : vector<16xf32>
      %mul3A_1661 = arith.constant 2 : i32
      %mul3A_1662 = arith.muli %mul3A_1661, %scan3A_1620 : i32
      %add3A_1663 = arith.constant 1 : i32
      %add3A_1664 = arith.addi %mul3A_1662, %add3A_1663 : i32
      %get3A_1665 = arith.index_cast %add3A_1664 : i32 to index
      %get3A_1666 = arith.constant 16 : index
      %get3A_1667 = tpu.vector_load %arg13[%get3A_1665, %get3A_1666] {strides = array<i32>} : memref<50x64xf32, #tpu.memory_space<vmem>>, vector<1x16xf32>,
      %get3A_1668 = vector.shape_cast %get3A_1667 : vector<1x16xf32> to vector<16xf32>
      %add3A_1669 = arith.addf %add3A_1637, %get3A_1668 : vector<16xf32>
      %mul3A_1670 = arith.constant 2 : i32
      %mul3A_1671 = arith.muli %mul3A_1670, %scan3A_1620 : i32
      %add3A_1672 = arith.constant 1 : i32
      %add3A_1673 = arith.addi %mul3A_1671, %add3A_1672 : i32
      %get3A_1674 = arith.index_cast %add3A_1673 : i32 to index
      %get3A_1675 = arith.constant 32 : index
      %get3A_1676 = tpu.vector_load %arg13[%get3A_1674, %get3A_1675] {strides = array<i32>} : memref<50x64xf32, #tpu.memory_space<vmem>>, vector<1x16xf32>,
      %get3A_1677 = vector.shape_cast %get3A_1676 : vector<1x16xf32> to vector<16xf32>
      %add3A_1678 = arith.addf %add3A_1644, %get3A_1677 : vector<16xf32>
      %mul3A_1679 = arith.constant 2 : i32
      %mul3A_1680 = arith.muli %mul3A_1679, %scan3A_1620 : i32
      %add3A_1681 = arith.constant 1 : i32
      %add3A_1682 = arith.addi %mul3A_1680, %add3A_1681 : i32
      %get3A_1683 = arith.index_cast %add3A_1682 : i32 to index
      %get3A_1684 = arith.constant 48 : index
      %get3A_1685 = tpu.vector_load %arg13[%get3A_1683, %get3A_1684] {strides = array<i32>} : memref<50x64xf32, #tpu.memory_space<vmem>>, vector<1x16xf32>,
      %get3A_1686 = vector.shape_cast %get3A_1685 : vector<1x16xf32> to vector<16xf32>
      %add3A_1687 = arith.addf %add3A_1651, %get3A_1686 : vector<16xf32>
      scf.yield %add3A_1660, %add3A_1669, %add3A_1678, %add3A_1687 : vector<16xf32>, vector<16xf32>, vector<16xf32>, vector<16xf32>
    }
    %scan3A_760 = arith.constant 25 : i32
    %swap3A_761 = arith.constant 14 : i32
    %swap3A_762 = arith.index_cast %swap3A_761 : i32 to index
    %swap3A_763 = arith.constant 0 : index
    %swap3A_764 = tpu.vector_load %arg9[%swap3A_762, %swap3A_763] {strides = array<i32>} : memref<32x64xf32, #tpu.memory_space<vmem>>, vector<1x16xf32>,
    %swap3A_765 = vector.shape_cast %swap3A_764 : vector<1x16xf32> to vector<16xf32>
    %swap3A_766 = vector.shape_cast %scan3A_759#0 : vector<16xf32> to vector<1x16xf32>
    tpu.vector_store %arg9[%swap3A_762, %swap3A_763], %swap3A_766 {strides = array<i32>} : memref<32x64xf32, #tpu.memory_space<vmem>>, vector<1x16xf32>,
    %swap3A_767 = arith.constant 14 : i32
    %swap3A_768 = arith.index_cast %swap3A_767 : i32 to index
    %swap3A_769 = arith.constant 16 : index
    %swap3A_770 = tpu.vector_load %arg9[%swap3A_768, %swap3A_769] {strides = array<i32>} : memref<32x64xf32, #tpu.memory_space<vmem>>, vector<1x16xf32>,
    %swap3A_771 = vector.shape_cast %swap3A_770 : vector<1x16xf32> to vector<16xf32>
    %swap3A_772 = vector.shape_cast %scan3A_759#1 : vector<16xf32> to vector<1x16xf32>
    tpu.vector_store %arg9[%swap3A_768, %swap3A_769], %swap3A_772 {strides = array<i32>} : memref<32x64xf32, #tpu.memory_space<vmem>>, vector<1x16xf32>,
    %swap3A_773 = arith.constant 14 : i32
    %swap3A_774 = arith.index_cast %swap3A_773 : i32 to index
    %swap3A_775 = arith.constant 32 : index
    %swap3A_776 = tpu.vector_load %arg9[%swap3A_774, %swap3A_775] {strides = array<i32>} : memref<32x64xf32, #tpu.memory_space<vmem>>, vector<1x16xf32>,
    %swap3A_777 = vector.shape_cast %swap3A_776 : vector<1x16xf32> to vector<16xf32>
    %swap3A_778 = vector.shape_cast %scan3A_759#2 : vector<16xf32> to vector<1x16xf32>
    tpu.vector_store %arg9[%swap3A_774, %swap3A_775], %swap3A_778 {strides = array<i32>} : memref<32x64xf32, #tpu.memory_space<vmem>>, vector<1x16xf32>,
    %swap3A_779 = arith.constant 14 : i32
    %swap3A_780 = arith.index_cast %swap3A_779 : i32 to index
    %swap3A_781 = arith.constant 48 : index
    %swap3A_782 = tpu.vector_load %arg9[%swap3A_780, %swap3A_781] {strides = array<i32>} : memref<32x64xf32, #tpu.memory_space<vmem>>, vector<1x16xf32>,
    %swap3A_783 = vector.shape_cast %swap3A_782 : vector<1x16xf32> to vector<16xf32>
    %swap3A_784 = vector.shape_cast %scan3A_759#3 : vector<16xf32> to vector<1x16xf32>
    tpu.vector_store %arg9[%swap3A_780, %swap3A_781], %swap3A_784 {strides = array<i32>} : memref<32x64xf32, #tpu.memory_space<vmem>>, vector<1x16xf32>,
    %dma_start3A_785 = arith.constant 1120 : i32
    %dma_start3A_786 = tpu.memref_slice %arg7[%dma_start3A_785] : memref<1792xi32, #tpu.memory_space<vmem>> -> memref<50xi32, #tpu.memory_space<vmem>>
    %dma_start3A_787 = arith.constant 0 : i32
    %dma_start3A_788 = arith.constant 0 : i32
    %dma_start3A_789 = tpu.memref_slice %arg4[%dma_start3A_787, %dma_start3A_788] : memref<2000000x64xf32, #tpu.memory_space<hbm>> -> memref<2000000x64xf32, #tpu.memory_space<hbm>>
    tpu.enqueue_indirect_dma source(%dma_start3A_789 : memref<2000000x64xf32, #tpu.memory_space<hbm>>) target(%arg13 : memref<50x64xf32, #tpu.memory_space<vmem>>) offsets(%dma_start3A_786 : memref<50xi32, #tpu.memory_space<vmem>>) semaphore(%arg19 : memref<!tpu.dma_semaphore, #tpu.memory_space<semaphore_mem>>)
    %dma_wait3A_790 = arith.constant 840 : i32
    %dma_wait3A_791 = tpu.memref_slice %arg7[%dma_wait3A_790] : memref<1792xi32, #tpu.memory_space<vmem>> -> memref<50xi32, #tpu.memory_space<vmem>>
    %dma_wait3A_792 = arith.constant 0 : i32
    %dma_wait3A_793 = arith.constant 0 : i32
    %dma_wait3A_794 = tpu.memref_slice %arg4[%dma_wait3A_792, %dma_wait3A_793] : memref<2000000x64xf32, #tpu.memory_space<hbm>> -> memref<2000000x64xf32, #tpu.memory_space<hbm>>
    tpu.wait_indirect_dma semaphore(%arg20 : memref<!tpu.dma_semaphore, #tpu.memory_space<semaphore_mem>>) src(%dma_wait3A_794 : memref<2000000x64xf32, #tpu.memory_space<hbm>>) dst(%arg14 : memref<50x64xf32, #tpu.memory_space<vmem>>)
    %broadcast_in_dim3A_795 = arith.constant 0.000000e+00 : f32
    %broadcast_in_dim3A_796 = vector.broadcast %broadcast_in_dim3A_795 : f32 to vector<16xf32>
    %broadcast_in_dim3A_797 = arith.constant 0.000000e+00 : f32
    %broadcast_in_dim3A_798 = vector.broadcast %broadcast_in_dim3A_797 : f32 to vector<16xf32>
    %broadcast_in_dim3A_799 = arith.constant 0.000000e+00 : f32
    %broadcast_in_dim3A_800 = vector.broadcast %broadcast_in_dim3A_799 : f32 to vector<16xf32>
    %broadcast_in_dim3A_801 = arith.constant 0.000000e+00 : f32
    %broadcast_in_dim3A_802 = vector.broadcast %broadcast_in_dim3A_801 : f32 to vector<16xf32>
    %scan3A_803 = arith.constant 0 : i32
    %scan3A_804 = arith.constant 25 : i32
    %scan3A_805 = arith.addi %scan3A_803, %scan3A_804 : i32
    %scan3A_806 = arith.constant 1 : i32
    %scan3A_807:4 = scf.for %scan3A_1620 = %scan3A_803 to %scan3A_805 step %scan3A_806 iter_args(%scan3A_1621 = %broadcast_in_dim3A_796, %scan3A_1622 = %broadcast_in_dim3A_798, %scan3A_1623 = %broadcast_in_dim3A_800, %scan3A_1624 = %broadcast_in_dim3A_802) -> (vector<16xf32>, vector<16xf32>, vector<16xf32>, vector<16xf32>)  : i32 {
      %mul3A_1625 = arith.constant 2 : i32
      %mul3A_1626 = arith.muli %mul3A_1625, %scan3A_1620 : i32
      %get3A = arith.index_cast %mul3A_1626 : i32 to index
      %get3A_1627 = arith.constant 0 : index
      %get3A_1628 = tpu.vector_load %arg14[%get3A, %get3A_1627] {strides = array<i32>} : memref<50x64xf32, #tpu.memory_space<vmem>>, vector<1x16xf32>,
      %get3A_1629 = vector.shape_cast %get3A_1628 : vector<1x16xf32> to vector<16xf32>
      %add3A_1630 = arith.addf %scan3A_1621, %get3A_1629 : vector<16xf32>
      %mul3A_1631 = arith.constant 2 : i32
      %mul3A_1632 = arith.muli %mul3A_1631, %scan3A_1620 : i32
      %get3A_1633 = arith.index_cast %mul3A_1632 : i32 to index
      %get3A_1634 = arith.constant 16 : index
      %get3A_1635 = tpu.vector_load %arg14[%get3A_1633, %get3A_1634] {strides = array<i32>} : memref<50x64xf32, #tpu.memory_space<vmem>>, vector<1x16xf32>,
      %get3A_1636 = vector.shape_cast %get3A_1635 : vector<1x16xf32> to vector<16xf32>
      %add3A_1637 = arith.addf %scan3A_1622, %get3A_1636 : vector<16xf32>
      %mul3A_1638 = arith.constant 2 : i32
      %mul3A_1639 = arith.muli %mul3A_1638, %scan3A_1620 : i32
      %get3A_1640 = arith.index_cast %mul3A_1639 : i32 to index
      %get3A_1641 = arith.constant 32 : index
      %get3A_1642 = tpu.vector_load %arg14[%get3A_1640, %get3A_1641] {strides = array<i32>} : memref<50x64xf32, #tpu.memory_space<vmem>>, vector<1x16xf32>,
      %get3A_1643 = vector.shape_cast %get3A_1642 : vector<1x16xf32> to vector<16xf32>
      %add3A_1644 = arith.addf %scan3A_1623, %get3A_1643 : vector<16xf32>
      %mul3A_1645 = arith.constant 2 : i32
      %mul3A_1646 = arith.muli %mul3A_1645, %scan3A_1620 : i32
      %get3A_1647 = arith.index_cast %mul3A_1646 : i32 to index
      %get3A_1648 = arith.constant 48 : index
      %get3A_1649 = tpu.vector_load %arg14[%get3A_1647, %get3A_1648] {strides = array<i32>} : memref<50x64xf32, #tpu.memory_space<vmem>>, vector<1x16xf32>,
      %get3A_1650 = vector.shape_cast %get3A_1649 : vector<1x16xf32> to vector<16xf32>
      %add3A_1651 = arith.addf %scan3A_1624, %get3A_1650 : vector<16xf32>
      %mul3A_1652 = arith.constant 2 : i32
      %mul3A_1653 = arith.muli %mul3A_1652, %scan3A_1620 : i32
      %add3A_1654 = arith.constant 1 : i32
      %add3A_1655 = arith.addi %mul3A_1653, %add3A_1654 : i32
      %get3A_1656 = arith.index_cast %add3A_1655 : i32 to index
      %get3A_1657 = arith.constant 0 : index
      %get3A_1658 = tpu.vector_load %arg14[%get3A_1656, %get3A_1657] {strides = array<i32>} : memref<50x64xf32, #tpu.memory_space<vmem>>, vector<1x16xf32>,
      %get3A_1659 = vector.shape_cast %get3A_1658 : vector<1x16xf32> to vector<16xf32>
      %add3A_1660 = arith.addf %add3A_1630, %get3A_1659 : vector<16xf32>
      %mul3A_1661 = arith.constant 2 : i32
      %mul3A_1662 = arith.muli %mul3A_1661, %scan3A_1620 : i32
      %add3A_1663 = arith.constant 1 : i32
      %add3A_1664 = arith.addi %mul3A_1662, %add3A_1663 : i32
      %get3A_1665 = arith.index_cast %add3A_1664 : i32 to index
      %get3A_1666 = arith.constant 16 : index
      %get3A_1667 = tpu.vector_load %arg14[%get3A_1665, %get3A_1666] {strides = array<i32>} : memref<50x64xf32, #tpu.memory_space<vmem>>, vector<1x16xf32>,
      %get3A_1668 = vector.shape_cast %get3A_1667 : vector<1x16xf32> to vector<16xf32>
      %add3A_1669 = arith.addf %add3A_1637, %get3A_1668 : vector<16xf32>
      %mul3A_1670 = arith.constant 2 : i32
      %mul3A_1671 = arith.muli %mul3A_1670, %scan3A_1620 : i32
      %add3A_1672 = arith.constant 1 : i32
      %add3A_1673 = arith.addi %mul3A_1671, %add3A_1672 : i32
      %get3A_1674 = arith.index_cast %add3A_1673 : i32 to index
      %get3A_1675 = arith.constant 32 : index
      %get3A_1676 = tpu.vector_load %arg14[%get3A_1674, %get3A_1675] {strides = array<i32>} : memref<50x64xf32, #tpu.memory_space<vmem>>, vector<1x16xf32>,
      %get3A_1677 = vector.shape_cast %get3A_1676 : vector<1x16xf32> to vector<16xf32>
      %add3A_1678 = arith.addf %add3A_1644, %get3A_1677 : vector<16xf32>
      %mul3A_1679 = arith.constant 2 : i32
      %mul3A_1680 = arith.muli %mul3A_1679, %scan3A_1620 : i32
      %add3A_1681 = arith.constant 1 : i32
      %add3A_1682 = arith.addi %mul3A_1680, %add3A_1681 : i32
      %get3A_1683 = arith.index_cast %add3A_1682 : i32 to index
      %get3A_1684 = arith.constant 48 : index
      %get3A_1685 = tpu.vector_load %arg14[%get3A_1683, %get3A_1684] {strides = array<i32>} : memref<50x64xf32, #tpu.memory_space<vmem>>, vector<1x16xf32>,
      %get3A_1686 = vector.shape_cast %get3A_1685 : vector<1x16xf32> to vector<16xf32>
      %add3A_1687 = arith.addf %add3A_1651, %get3A_1686 : vector<16xf32>
      scf.yield %add3A_1660, %add3A_1669, %add3A_1678, %add3A_1687 : vector<16xf32>, vector<16xf32>, vector<16xf32>, vector<16xf32>
    }
    %scan3A_808 = arith.constant 25 : i32
    %swap3A_809 = arith.constant 15 : i32
    %swap3A_810 = arith.index_cast %swap3A_809 : i32 to index
    %swap3A_811 = arith.constant 0 : index
    %swap3A_812 = tpu.vector_load %arg9[%swap3A_810, %swap3A_811] {strides = array<i32>} : memref<32x64xf32, #tpu.memory_space<vmem>>, vector<1x16xf32>,
    %swap3A_813 = vector.shape_cast %swap3A_812 : vector<1x16xf32> to vector<16xf32>
    %swap3A_814 = vector.shape_cast %scan3A_807#0 : vector<16xf32> to vector<1x16xf32>
    tpu.vector_store %arg9[%swap3A_810, %swap3A_811], %swap3A_814 {strides = array<i32>} : memref<32x64xf32, #tpu.memory_space<vmem>>, vector<1x16xf32>,
    %swap3A_815 = arith.constant 15 : i32
    %swap3A_816 = arith.index_cast %swap3A_815 : i32 to index
    %swap3A_817 = arith.constant 16 : index
    %swap3A_818 = tpu.vector_load %arg9[%swap3A_816, %swap3A_817] {strides = array<i32>} : memref<32x64xf32, #tpu.memory_space<vmem>>, vector<1x16xf32>,
    %swap3A_819 = vector.shape_cast %swap3A_818 : vector<1x16xf32> to vector<16xf32>
    %swap3A_820 = vector.shape_cast %scan3A_807#1 : vector<16xf32> to vector<1x16xf32>
    tpu.vector_store %arg9[%swap3A_816, %swap3A_817], %swap3A_820 {strides = array<i32>} : memref<32x64xf32, #tpu.memory_space<vmem>>, vector<1x16xf32>,
    %swap3A_821 = arith.constant 15 : i32
    %swap3A_822 = arith.index_cast %swap3A_821 : i32 to index
    %swap3A_823 = arith.constant 32 : index
    %swap3A_824 = tpu.vector_load %arg9[%swap3A_822, %swap3A_823] {strides = array<i32>} : memref<32x64xf32, #tpu.memory_space<vmem>>, vector<1x16xf32>,
    %swap3A_825 = vector.shape_cast %swap3A_824 : vector<1x16xf32> to vector<16xf32>
    %swap3A_826 = vector.shape_cast %scan3A_807#2 : vector<16xf32> to vector<1x16xf32>
    tpu.vector_store %arg9[%swap3A_822, %swap3A_823], %swap3A_826 {strides = array<i32>} : memref<32x64xf32, #tpu.memory_space<vmem>>, vector<1x16xf32>,
    %swap3A_827 = arith.constant 15 : i32
    %swap3A_828 = arith.index_cast %swap3A_827 : i32 to index
    %swap3A_829 = arith.constant 48 : index
    %swap3A_830 = tpu.vector_load %arg9[%swap3A_828, %swap3A_829] {strides = array<i32>} : memref<32x64xf32, #tpu.memory_space<vmem>>, vector<1x16xf32>,
    %swap3A_831 = vector.shape_cast %swap3A_830 : vector<1x16xf32> to vector<16xf32>
    %swap3A_832 = vector.shape_cast %scan3A_807#3 : vector<16xf32> to vector<1x16xf32>
    tpu.vector_store %arg9[%swap3A_828, %swap3A_829], %swap3A_832 {strides = array<i32>} : memref<32x64xf32, #tpu.memory_space<vmem>>, vector<1x16xf32>,
    %dma_start3A_833 = arith.constant 1176 : i32
    %dma_start3A_834 = tpu.memref_slice %arg7[%dma_start3A_833] : memref<1792xi32, #tpu.memory_space<vmem>> -> memref<50xi32, #tpu.memory_space<vmem>>
    %dma_start3A_835 = arith.constant 0 : i32
    %dma_start3A_836 = arith.constant 0 : i32
    %dma_start3A_837 = tpu.memref_slice %arg4[%dma_start3A_835, %dma_start3A_836] : memref<2000000x64xf32, #tpu.memory_space<hbm>> -> memref<2000000x64xf32, #tpu.memory_space<hbm>>
    tpu.enqueue_indirect_dma source(%dma_start3A_837 : memref<2000000x64xf32, #tpu.memory_space<hbm>>) target(%arg14 : memref<50x64xf32, #tpu.memory_space<vmem>>) offsets(%dma_start3A_834 : memref<50xi32, #tpu.memory_space<vmem>>) semaphore(%arg20 : memref<!tpu.dma_semaphore, #tpu.memory_space<semaphore_mem>>)
    %dma_wait3A_838 = arith.constant 896 : i32
    %dma_wait3A_839 = tpu.memref_slice %arg7[%dma_wait3A_838] : memref<1792xi32, #tpu.memory_space<vmem>> -> memref<50xi32, #tpu.memory_space<vmem>>
    %dma_wait3A_840 = arith.constant 0 : i32
    %dma_wait3A_841 = arith.constant 0 : i32
    %dma_wait3A_842 = tpu.memref_slice %arg4[%dma_wait3A_840, %dma_wait3A_841] : memref<2000000x64xf32, #tpu.memory_space<hbm>> -> memref<2000000x64xf32, #tpu.memory_space<hbm>>
    tpu.wait_indirect_dma semaphore(%arg21 : memref<!tpu.dma_semaphore, #tpu.memory_space<semaphore_mem>>) src(%dma_wait3A_842 : memref<2000000x64xf32, #tpu.memory_space<hbm>>) dst(%arg15 : memref<50x64xf32, #tpu.memory_space<vmem>>)
    %broadcast_in_dim3A_843 = arith.constant 0.000000e+00 : f32
    %broadcast_in_dim3A_844 = vector.broadcast %broadcast_in_dim3A_843 : f32 to vector<16xf32>
    %broadcast_in_dim3A_845 = arith.constant 0.000000e+00 : f32
    %broadcast_in_dim3A_846 = vector.broadcast %broadcast_in_dim3A_845 : f32 to vector<16xf32>
    %broadcast_in_dim3A_847 = arith.constant 0.000000e+00 : f32
    %broadcast_in_dim3A_848 = vector.broadcast %broadcast_in_dim3A_847 : f32 to vector<16xf32>
    %broadcast_in_dim3A_849 = arith.constant 0.000000e+00 : f32
    %broadcast_in_dim3A_850 = vector.broadcast %broadcast_in_dim3A_849 : f32 to vector<16xf32>
    %scan3A_851 = arith.constant 0 : i32
    %scan3A_852 = arith.constant 25 : i32
    %scan3A_853 = arith.addi %scan3A_851, %scan3A_852 : i32
    %scan3A_854 = arith.constant 1 : i32
    %scan3A_855:4 = scf.for %scan3A_1620 = %scan3A_851 to %scan3A_853 step %scan3A_854 iter_args(%scan3A_1621 = %broadcast_in_dim3A_844, %scan3A_1622 = %broadcast_in_dim3A_846, %scan3A_1623 = %broadcast_in_dim3A_848, %scan3A_1624 = %broadcast_in_dim3A_850) -> (vector<16xf32>, vector<16xf32>, vector<16xf32>, vector<16xf32>)  : i32 {
      %mul3A_1625 = arith.constant 2 : i32
      %mul3A_1626 = arith.muli %mul3A_1625, %scan3A_1620 : i32
      %get3A = arith.index_cast %mul3A_1626 : i32 to index
      %get3A_1627 = arith.constant 0 : index
      %get3A_1628 = tpu.vector_load %arg15[%get3A, %get3A_1627] {strides = array<i32>} : memref<50x64xf32, #tpu.memory_space<vmem>>, vector<1x16xf32>,
      %get3A_1629 = vector.shape_cast %get3A_1628 : vector<1x16xf32> to vector<16xf32>
      %add3A_1630 = arith.addf %scan3A_1621, %get3A_1629 : vector<16xf32>
      %mul3A_1631 = arith.constant 2 : i32
      %mul3A_1632 = arith.muli %mul3A_1631, %scan3A_1620 : i32
      %get3A_1633 = arith.index_cast %mul3A_1632 : i32 to index
      %get3A_1634 = arith.constant 16 : index
      %get3A_1635 = tpu.vector_load %arg15[%get3A_1633, %get3A_1634] {strides = array<i32>} : memref<50x64xf32, #tpu.memory_space<vmem>>, vector<1x16xf32>,
      %get3A_1636 = vector.shape_cast %get3A_1635 : vector<1x16xf32> to vector<16xf32>
      %add3A_1637 = arith.addf %scan3A_1622, %get3A_1636 : vector<16xf32>
      %mul3A_1638 = arith.constant 2 : i32
      %mul3A_1639 = arith.muli %mul3A_1638, %scan3A_1620 : i32
      %get3A_1640 = arith.index_cast %mul3A_1639 : i32 to index
      %get3A_1641 = arith.constant 32 : index
      %get3A_1642 = tpu.vector_load %arg15[%get3A_1640, %get3A_1641] {strides = array<i32>} : memref<50x64xf32, #tpu.memory_space<vmem>>, vector<1x16xf32>,
      %get3A_1643 = vector.shape_cast %get3A_1642 : vector<1x16xf32> to vector<16xf32>
      %add3A_1644 = arith.addf %scan3A_1623, %get3A_1643 : vector<16xf32>
      %mul3A_1645 = arith.constant 2 : i32
      %mul3A_1646 = arith.muli %mul3A_1645, %scan3A_1620 : i32
      %get3A_1647 = arith.index_cast %mul3A_1646 : i32 to index
      %get3A_1648 = arith.constant 48 : index
      %get3A_1649 = tpu.vector_load %arg15[%get3A_1647, %get3A_1648] {strides = array<i32>} : memref<50x64xf32, #tpu.memory_space<vmem>>, vector<1x16xf32>,
      %get3A_1650 = vector.shape_cast %get3A_1649 : vector<1x16xf32> to vector<16xf32>
      %add3A_1651 = arith.addf %scan3A_1624, %get3A_1650 : vector<16xf32>
      %mul3A_1652 = arith.constant 2 : i32
      %mul3A_1653 = arith.muli %mul3A_1652, %scan3A_1620 : i32
      %add3A_1654 = arith.constant 1 : i32
      %add3A_1655 = arith.addi %mul3A_1653, %add3A_1654 : i32
      %get3A_1656 = arith.index_cast %add3A_1655 : i32 to index
      %get3A_1657 = arith.constant 0 : index
      %get3A_1658 = tpu.vector_load %arg15[%get3A_1656, %get3A_1657] {strides = array<i32>} : memref<50x64xf32, #tpu.memory_space<vmem>>, vector<1x16xf32>,
      %get3A_1659 = vector.shape_cast %get3A_1658 : vector<1x16xf32> to vector<16xf32>
      %add3A_1660 = arith.addf %add3A_1630, %get3A_1659 : vector<16xf32>
      %mul3A_1661 = arith.constant 2 : i32
      %mul3A_1662 = arith.muli %mul3A_1661, %scan3A_1620 : i32
      %add3A_1663 = arith.constant 1 : i32
      %add3A_1664 = arith.addi %mul3A_1662, %add3A_1663 : i32
      %get3A_1665 = arith.index_cast %add3A_1664 : i32 to index
      %get3A_1666 = arith.constant 16 : index
      %get3A_1667 = tpu.vector_load %arg15[%get3A_1665, %get3A_1666] {strides = array<i32>} : memref<50x64xf32, #tpu.memory_space<vmem>>, vector<1x16xf32>,
      %get3A_1668 = vector.shape_cast %get3A_1667 : vector<1x16xf32> to vector<16xf32>
      %add3A_1669 = arith.addf %add3A_1637, %get3A_1668 : vector<16xf32>
      %mul3A_1670 = arith.constant 2 : i32
      %mul3A_1671 = arith.muli %mul3A_1670, %scan3A_1620 : i32
      %add3A_1672 = arith.constant 1 : i32
      %add3A_1673 = arith.addi %mul3A_1671, %add3A_1672 : i32
      %get3A_1674 = arith.index_cast %add3A_1673 : i32 to index
      %get3A_1675 = arith.constant 32 : index
      %get3A_1676 = tpu.vector_load %arg15[%get3A_1674, %get3A_1675] {strides = array<i32>} : memref<50x64xf32, #tpu.memory_space<vmem>>, vector<1x16xf32>,
      %get3A_1677 = vector.shape_cast %get3A_1676 : vector<1x16xf32> to vector<16xf32>
      %add3A_1678 = arith.addf %add3A_1644, %get3A_1677 : vector<16xf32>
      %mul3A_1679 = arith.constant 2 : i32
      %mul3A_1680 = arith.muli %mul3A_1679, %scan3A_1620 : i32
      %add3A_1681 = arith.constant 1 : i32
      %add3A_1682 = arith.addi %mul3A_1680, %add3A_1681 : i32
      %get3A_1683 = arith.index_cast %add3A_1682 : i32 to index
      %get3A_1684 = arith.constant 48 : index
      %get3A_1685 = tpu.vector_load %arg15[%get3A_1683, %get3A_1684] {strides = array<i32>} : memref<50x64xf32, #tpu.memory_space<vmem>>, vector<1x16xf32>,
      %get3A_1686 = vector.shape_cast %get3A_1685 : vector<1x16xf32> to vector<16xf32>
      %add3A_1687 = arith.addf %add3A_1651, %get3A_1686 : vector<16xf32>
      scf.yield %add3A_1660, %add3A_1669, %add3A_1678, %add3A_1687 : vector<16xf32>, vector<16xf32>, vector<16xf32>, vector<16xf32>
    }
    %scan3A_856 = arith.constant 25 : i32
    %swap3A_857 = arith.constant 16 : i32
    %swap3A_858 = arith.index_cast %swap3A_857 : i32 to index
    %swap3A_859 = arith.constant 0 : index
    %swap3A_860 = tpu.vector_load %arg9[%swap3A_858, %swap3A_859] {strides = array<i32>} : memref<32x64xf32, #tpu.memory_space<vmem>>, vector<1x16xf32>,
    %swap3A_861 = vector.shape_cast %swap3A_860 : vector<1x16xf32> to vector<16xf32>
    %swap3A_862 = vector.shape_cast %scan3A_855#0 : vector<16xf32> to vector<1x16xf32>
    tpu.vector_store %arg9[%swap3A_858, %swap3A_859], %swap3A_862 {strides = array<i32>} : memref<32x64xf32, #tpu.memory_space<vmem>>, vector<1x16xf32>,
    %swap3A_863 = arith.constant 16 : i32
    %swap3A_864 = arith.index_cast %swap3A_863 : i32 to index
    %swap3A_865 = arith.constant 16 : index
    %swap3A_866 = tpu.vector_load %arg9[%swap3A_864, %swap3A_865] {strides = array<i32>} : memref<32x64xf32, #tpu.memory_space<vmem>>, vector<1x16xf32>,
    %swap3A_867 = vector.shape_cast %swap3A_866 : vector<1x16xf32> to vector<16xf32>
    %swap3A_868 = vector.shape_cast %scan3A_855#1 : vector<16xf32> to vector<1x16xf32>
    tpu.vector_store %arg9[%swap3A_864, %swap3A_865], %swap3A_868 {strides = array<i32>} : memref<32x64xf32, #tpu.memory_space<vmem>>, vector<1x16xf32>,
    %swap3A_869 = arith.constant 16 : i32
    %swap3A_870 = arith.index_cast %swap3A_869 : i32 to index
    %swap3A_871 = arith.constant 32 : index
    %swap3A_872 = tpu.vector_load %arg9[%swap3A_870, %swap3A_871] {strides = array<i32>} : memref<32x64xf32, #tpu.memory_space<vmem>>, vector<1x16xf32>,
    %swap3A_873 = vector.shape_cast %swap3A_872 : vector<1x16xf32> to vector<16xf32>
    %swap3A_874 = vector.shape_cast %scan3A_855#2 : vector<16xf32> to vector<1x16xf32>
    tpu.vector_store %arg9[%swap3A_870, %swap3A_871], %swap3A_874 {strides = array<i32>} : memref<32x64xf32, #tpu.memory_space<vmem>>, vector<1x16xf32>,
    %swap3A_875 = arith.constant 16 : i32
    %swap3A_876 = arith.index_cast %swap3A_875 : i32 to index
    %swap3A_877 = arith.constant 48 : index
    %swap3A_878 = tpu.vector_load %arg9[%swap3A_876, %swap3A_877] {strides = array<i32>} : memref<32x64xf32, #tpu.memory_space<vmem>>, vector<1x16xf32>,
    %swap3A_879 = vector.shape_cast %swap3A_878 : vector<1x16xf32> to vector<16xf32>
    %swap3A_880 = vector.shape_cast %scan3A_855#3 : vector<16xf32> to vector<1x16xf32>
    tpu.vector_store %arg9[%swap3A_876, %swap3A_877], %swap3A_880 {strides = array<i32>} : memref<32x64xf32, #tpu.memory_space<vmem>>, vector<1x16xf32>,
    %dma_start3A_881 = arith.constant 1232 : i32
    %dma_start3A_882 = tpu.memref_slice %arg7[%dma_start3A_881] : memref<1792xi32, #tpu.memory_space<vmem>> -> memref<50xi32, #tpu.memory_space<vmem>>
    %dma_start3A_883 = arith.constant 0 : i32
    %dma_start3A_884 = arith.constant 0 : i32
    %dma_start3A_885 = tpu.memref_slice %arg4[%dma_start3A_883, %dma_start3A_884] : memref<2000000x64xf32, #tpu.memory_space<hbm>> -> memref<2000000x64xf32, #tpu.memory_space<hbm>>
    tpu.enqueue_indirect_dma source(%dma_start3A_885 : memref<2000000x64xf32, #tpu.memory_space<hbm>>) target(%arg15 : memref<50x64xf32, #tpu.memory_space<vmem>>) offsets(%dma_start3A_882 : memref<50xi32, #tpu.memory_space<vmem>>) semaphore(%arg21 : memref<!tpu.dma_semaphore, #tpu.memory_space<semaphore_mem>>)
    %dma_wait3A_886 = arith.constant 952 : i32
    %dma_wait3A_887 = tpu.memref_slice %arg7[%dma_wait3A_886] : memref<1792xi32, #tpu.memory_space<vmem>> -> memref<50xi32, #tpu.memory_space<vmem>>
    %dma_wait3A_888 = arith.constant 0 : i32
    %dma_wait3A_889 = arith.constant 0 : i32
    %dma_wait3A_890 = tpu.memref_slice %arg4[%dma_wait3A_888, %dma_wait3A_889] : memref<2000000x64xf32, #tpu.memory_space<hbm>> -> memref<2000000x64xf32, #tpu.memory_space<hbm>>
    tpu.wait_indirect_dma semaphore(%arg22 : memref<!tpu.dma_semaphore, #tpu.memory_space<semaphore_mem>>) src(%dma_wait3A_890 : memref<2000000x64xf32, #tpu.memory_space<hbm>>) dst(%arg16 : memref<50x64xf32, #tpu.memory_space<vmem>>)
    %broadcast_in_dim3A_891 = arith.constant 0.000000e+00 : f32
    %broadcast_in_dim3A_892 = vector.broadcast %broadcast_in_dim3A_891 : f32 to vector<16xf32>
    %broadcast_in_dim3A_893 = arith.constant 0.000000e+00 : f32
    %broadcast_in_dim3A_894 = vector.broadcast %broadcast_in_dim3A_893 : f32 to vector<16xf32>
    %broadcast_in_dim3A_895 = arith.constant 0.000000e+00 : f32
    %broadcast_in_dim3A_896 = vector.broadcast %broadcast_in_dim3A_895 : f32 to vector<16xf32>
    %broadcast_in_dim3A_897 = arith.constant 0.000000e+00 : f32
    %broadcast_in_dim3A_898 = vector.broadcast %broadcast_in_dim3A_897 : f32 to vector<16xf32>
    %scan3A_899 = arith.constant 0 : i32
    %scan3A_900 = arith.constant 25 : i32
    %scan3A_901 = arith.addi %scan3A_899, %scan3A_900 : i32
    %scan3A_902 = arith.constant 1 : i32
    %scan3A_903:4 = scf.for %scan3A_1620 = %scan3A_899 to %scan3A_901 step %scan3A_902 iter_args(%scan3A_1621 = %broadcast_in_dim3A_892, %scan3A_1622 = %broadcast_in_dim3A_894, %scan3A_1623 = %broadcast_in_dim3A_896, %scan3A_1624 = %broadcast_in_dim3A_898) -> (vector<16xf32>, vector<16xf32>, vector<16xf32>, vector<16xf32>)  : i32 {
      %mul3A_1625 = arith.constant 2 : i32
      %mul3A_1626 = arith.muli %mul3A_1625, %scan3A_1620 : i32
      %get3A = arith.index_cast %mul3A_1626 : i32 to index
      %get3A_1627 = arith.constant 0 : index
      %get3A_1628 = tpu.vector_load %arg16[%get3A, %get3A_1627] {strides = array<i32>} : memref<50x64xf32, #tpu.memory_space<vmem>>, vector<1x16xf32>,
      %get3A_1629 = vector.shape_cast %get3A_1628 : vector<1x16xf32> to vector<16xf32>
      %add3A_1630 = arith.addf %scan3A_1621, %get3A_1629 : vector<16xf32>
      %mul3A_1631 = arith.constant 2 : i32
      %mul3A_1632 = arith.muli %mul3A_1631, %scan3A_1620 : i32
      %get3A_1633 = arith.index_cast %mul3A_1632 : i32 to index
      %get3A_1634 = arith.constant 16 : index
      %get3A_1635 = tpu.vector_load %arg16[%get3A_1633, %get3A_1634] {strides = array<i32>} : memref<50x64xf32, #tpu.memory_space<vmem>>, vector<1x16xf32>,
      %get3A_1636 = vector.shape_cast %get3A_1635 : vector<1x16xf32> to vector<16xf32>
      %add3A_1637 = arith.addf %scan3A_1622, %get3A_1636 : vector<16xf32>
      %mul3A_1638 = arith.constant 2 : i32
      %mul3A_1639 = arith.muli %mul3A_1638, %scan3A_1620 : i32
      %get3A_1640 = arith.index_cast %mul3A_1639 : i32 to index
      %get3A_1641 = arith.constant 32 : index
      %get3A_1642 = tpu.vector_load %arg16[%get3A_1640, %get3A_1641] {strides = array<i32>} : memref<50x64xf32, #tpu.memory_space<vmem>>, vector<1x16xf32>,
      %get3A_1643 = vector.shape_cast %get3A_1642 : vector<1x16xf32> to vector<16xf32>
      %add3A_1644 = arith.addf %scan3A_1623, %get3A_1643 : vector<16xf32>
      %mul3A_1645 = arith.constant 2 : i32
      %mul3A_1646 = arith.muli %mul3A_1645, %scan3A_1620 : i32
      %get3A_1647 = arith.index_cast %mul3A_1646 : i32 to index
      %get3A_1648 = arith.constant 48 : index
      %get3A_1649 = tpu.vector_load %arg16[%get3A_1647, %get3A_1648] {strides = array<i32>} : memref<50x64xf32, #tpu.memory_space<vmem>>, vector<1x16xf32>,
      %get3A_1650 = vector.shape_cast %get3A_1649 : vector<1x16xf32> to vector<16xf32>
      %add3A_1651 = arith.addf %scan3A_1624, %get3A_1650 : vector<16xf32>
      %mul3A_1652 = arith.constant 2 : i32
      %mul3A_1653 = arith.muli %mul3A_1652, %scan3A_1620 : i32
      %add3A_1654 = arith.constant 1 : i32
      %add3A_1655 = arith.addi %mul3A_1653, %add3A_1654 : i32
      %get3A_1656 = arith.index_cast %add3A_1655 : i32 to index
      %get3A_1657 = arith.constant 0 : index
      %get3A_1658 = tpu.vector_load %arg16[%get3A_1656, %get3A_1657] {strides = array<i32>} : memref<50x64xf32, #tpu.memory_space<vmem>>, vector<1x16xf32>,
      %get3A_1659 = vector.shape_cast %get3A_1658 : vector<1x16xf32> to vector<16xf32>
      %add3A_1660 = arith.addf %add3A_1630, %get3A_1659 : vector<16xf32>
      %mul3A_1661 = arith.constant 2 : i32
      %mul3A_1662 = arith.muli %mul3A_1661, %scan3A_1620 : i32
      %add3A_1663 = arith.constant 1 : i32
      %add3A_1664 = arith.addi %mul3A_1662, %add3A_1663 : i32
      %get3A_1665 = arith.index_cast %add3A_1664 : i32 to index
      %get3A_1666 = arith.constant 16 : index
      %get3A_1667 = tpu.vector_load %arg16[%get3A_1665, %get3A_1666] {strides = array<i32>} : memref<50x64xf32, #tpu.memory_space<vmem>>, vector<1x16xf32>,
      %get3A_1668 = vector.shape_cast %get3A_1667 : vector<1x16xf32> to vector<16xf32>
      %add3A_1669 = arith.addf %add3A_1637, %get3A_1668 : vector<16xf32>
      %mul3A_1670 = arith.constant 2 : i32
      %mul3A_1671 = arith.muli %mul3A_1670, %scan3A_1620 : i32
      %add3A_1672 = arith.constant 1 : i32
      %add3A_1673 = arith.addi %mul3A_1671, %add3A_1672 : i32
      %get3A_1674 = arith.index_cast %add3A_1673 : i32 to index
      %get3A_1675 = arith.constant 32 : index
      %get3A_1676 = tpu.vector_load %arg16[%get3A_1674, %get3A_1675] {strides = array<i32>} : memref<50x64xf32, #tpu.memory_space<vmem>>, vector<1x16xf32>,
      %get3A_1677 = vector.shape_cast %get3A_1676 : vector<1x16xf32> to vector<16xf32>
      %add3A_1678 = arith.addf %add3A_1644, %get3A_1677 : vector<16xf32>
      %mul3A_1679 = arith.constant 2 : i32
      %mul3A_1680 = arith.muli %mul3A_1679, %scan3A_1620 : i32
      %add3A_1681 = arith.constant 1 : i32
      %add3A_1682 = arith.addi %mul3A_1680, %add3A_1681 : i32
      %get3A_1683 = arith.index_cast %add3A_1682 : i32 to index
      %get3A_1684 = arith.constant 48 : index
      %get3A_1685 = tpu.vector_load %arg16[%get3A_1683, %get3A_1684] {strides = array<i32>} : memref<50x64xf32, #tpu.memory_space<vmem>>, vector<1x16xf32>,
      %get3A_1686 = vector.shape_cast %get3A_1685 : vector<1x16xf32> to vector<16xf32>
      %add3A_1687 = arith.addf %add3A_1651, %get3A_1686 : vector<16xf32>
      scf.yield %add3A_1660, %add3A_1669, %add3A_1678, %add3A_1687 : vector<16xf32>, vector<16xf32>, vector<16xf32>, vector<16xf32>
    }
    %scan3A_904 = arith.constant 25 : i32
    %swap3A_905 = arith.constant 17 : i32
    %swap3A_906 = arith.index_cast %swap3A_905 : i32 to index
    %swap3A_907 = arith.constant 0 : index
    %swap3A_908 = tpu.vector_load %arg9[%swap3A_906, %swap3A_907] {strides = array<i32>} : memref<32x64xf32, #tpu.memory_space<vmem>>, vector<1x16xf32>,
    %swap3A_909 = vector.shape_cast %swap3A_908 : vector<1x16xf32> to vector<16xf32>
    %swap3A_910 = vector.shape_cast %scan3A_903#0 : vector<16xf32> to vector<1x16xf32>
    tpu.vector_store %arg9[%swap3A_906, %swap3A_907], %swap3A_910 {strides = array<i32>} : memref<32x64xf32, #tpu.memory_space<vmem>>, vector<1x16xf32>,
    %swap3A_911 = arith.constant 17 : i32
    %swap3A_912 = arith.index_cast %swap3A_911 : i32 to index
    %swap3A_913 = arith.constant 16 : index
    %swap3A_914 = tpu.vector_load %arg9[%swap3A_912, %swap3A_913] {strides = array<i32>} : memref<32x64xf32, #tpu.memory_space<vmem>>, vector<1x16xf32>,
    %swap3A_915 = vector.shape_cast %swap3A_914 : vector<1x16xf32> to vector<16xf32>
    %swap3A_916 = vector.shape_cast %scan3A_903#1 : vector<16xf32> to vector<1x16xf32>
    tpu.vector_store %arg9[%swap3A_912, %swap3A_913], %swap3A_916 {strides = array<i32>} : memref<32x64xf32, #tpu.memory_space<vmem>>, vector<1x16xf32>,
    %swap3A_917 = arith.constant 17 : i32
    %swap3A_918 = arith.index_cast %swap3A_917 : i32 to index
    %swap3A_919 = arith.constant 32 : index
    %swap3A_920 = tpu.vector_load %arg9[%swap3A_918, %swap3A_919] {strides = array<i32>} : memref<32x64xf32, #tpu.memory_space<vmem>>, vector<1x16xf32>,
    %swap3A_921 = vector.shape_cast %swap3A_920 : vector<1x16xf32> to vector<16xf32>
    %swap3A_922 = vector.shape_cast %scan3A_903#2 : vector<16xf32> to vector<1x16xf32>
    tpu.vector_store %arg9[%swap3A_918, %swap3A_919], %swap3A_922 {strides = array<i32>} : memref<32x64xf32, #tpu.memory_space<vmem>>, vector<1x16xf32>,
    %swap3A_923 = arith.constant 17 : i32
    %swap3A_924 = arith.index_cast %swap3A_923 : i32 to index
    %swap3A_925 = arith.constant 48 : index
    %swap3A_926 = tpu.vector_load %arg9[%swap3A_924, %swap3A_925] {strides = array<i32>} : memref<32x64xf32, #tpu.memory_space<vmem>>, vector<1x16xf32>,
    %swap3A_927 = vector.shape_cast %swap3A_926 : vector<1x16xf32> to vector<16xf32>
    %swap3A_928 = vector.shape_cast %scan3A_903#3 : vector<16xf32> to vector<1x16xf32>
    tpu.vector_store %arg9[%swap3A_924, %swap3A_925], %swap3A_928 {strides = array<i32>} : memref<32x64xf32, #tpu.memory_space<vmem>>, vector<1x16xf32>,
    %dma_start3A_929 = arith.constant 1288 : i32
    %dma_start3A_930 = tpu.memref_slice %arg7[%dma_start3A_929] : memref<1792xi32, #tpu.memory_space<vmem>> -> memref<50xi32, #tpu.memory_space<vmem>>
    %dma_start3A_931 = arith.constant 0 : i32
    %dma_start3A_932 = arith.constant 0 : i32
    %dma_start3A_933 = tpu.memref_slice %arg4[%dma_start3A_931, %dma_start3A_932] : memref<2000000x64xf32, #tpu.memory_space<hbm>> -> memref<2000000x64xf32, #tpu.memory_space<hbm>>
    tpu.enqueue_indirect_dma source(%dma_start3A_933 : memref<2000000x64xf32, #tpu.memory_space<hbm>>) target(%arg16 : memref<50x64xf32, #tpu.memory_space<vmem>>) offsets(%dma_start3A_930 : memref<50xi32, #tpu.memory_space<vmem>>) semaphore(%arg22 : memref<!tpu.dma_semaphore, #tpu.memory_space<semaphore_mem>>)
    %dma_wait3A_934 = arith.constant 1008 : i32
    %dma_wait3A_935 = tpu.memref_slice %arg7[%dma_wait3A_934] : memref<1792xi32, #tpu.memory_space<vmem>> -> memref<50xi32, #tpu.memory_space<vmem>>
    %dma_wait3A_936 = arith.constant 0 : i32
    %dma_wait3A_937 = arith.constant 0 : i32
    %dma_wait3A_938 = tpu.memref_slice %arg4[%dma_wait3A_936, %dma_wait3A_937] : memref<2000000x64xf32, #tpu.memory_space<hbm>> -> memref<2000000x64xf32, #tpu.memory_space<hbm>>
    tpu.wait_indirect_dma semaphore(%arg17 : memref<!tpu.dma_semaphore, #tpu.memory_space<semaphore_mem>>) src(%dma_wait3A_938 : memref<2000000x64xf32, #tpu.memory_space<hbm>>) dst(%arg11 : memref<50x64xf32, #tpu.memory_space<vmem>>)
    %broadcast_in_dim3A_939 = arith.constant 0.000000e+00 : f32
    %broadcast_in_dim3A_940 = vector.broadcast %broadcast_in_dim3A_939 : f32 to vector<16xf32>
    %broadcast_in_dim3A_941 = arith.constant 0.000000e+00 : f32
    %broadcast_in_dim3A_942 = vector.broadcast %broadcast_in_dim3A_941 : f32 to vector<16xf32>
    %broadcast_in_dim3A_943 = arith.constant 0.000000e+00 : f32
    %broadcast_in_dim3A_944 = vector.broadcast %broadcast_in_dim3A_943 : f32 to vector<16xf32>
    %broadcast_in_dim3A_945 = arith.constant 0.000000e+00 : f32
    %broadcast_in_dim3A_946 = vector.broadcast %broadcast_in_dim3A_945 : f32 to vector<16xf32>
    %scan3A_947 = arith.constant 0 : i32
    %scan3A_948 = arith.constant 25 : i32
    %scan3A_949 = arith.addi %scan3A_947, %scan3A_948 : i32
    %scan3A_950 = arith.constant 1 : i32
    %scan3A_951:4 = scf.for %scan3A_1620 = %scan3A_947 to %scan3A_949 step %scan3A_950 iter_args(%scan3A_1621 = %broadcast_in_dim3A_940, %scan3A_1622 = %broadcast_in_dim3A_942, %scan3A_1623 = %broadcast_in_dim3A_944, %scan3A_1624 = %broadcast_in_dim3A_946) -> (vector<16xf32>, vector<16xf32>, vector<16xf32>, vector<16xf32>)  : i32 {
      %mul3A_1625 = arith.constant 2 : i32
      %mul3A_1626 = arith.muli %mul3A_1625, %scan3A_1620 : i32
      %get3A = arith.index_cast %mul3A_1626 : i32 to index
      %get3A_1627 = arith.constant 0 : index
      %get3A_1628 = tpu.vector_load %arg11[%get3A, %get3A_1627] {strides = array<i32>} : memref<50x64xf32, #tpu.memory_space<vmem>>, vector<1x16xf32>,
      %get3A_1629 = vector.shape_cast %get3A_1628 : vector<1x16xf32> to vector<16xf32>
      %add3A_1630 = arith.addf %scan3A_1621, %get3A_1629 : vector<16xf32>
      %mul3A_1631 = arith.constant 2 : i32
      %mul3A_1632 = arith.muli %mul3A_1631, %scan3A_1620 : i32
      %get3A_1633 = arith.index_cast %mul3A_1632 : i32 to index
      %get3A_1634 = arith.constant 16 : index
      %get3A_1635 = tpu.vector_load %arg11[%get3A_1633, %get3A_1634] {strides = array<i32>} : memref<50x64xf32, #tpu.memory_space<vmem>>, vector<1x16xf32>,
      %get3A_1636 = vector.shape_cast %get3A_1635 : vector<1x16xf32> to vector<16xf32>
      %add3A_1637 = arith.addf %scan3A_1622, %get3A_1636 : vector<16xf32>
      %mul3A_1638 = arith.constant 2 : i32
      %mul3A_1639 = arith.muli %mul3A_1638, %scan3A_1620 : i32
      %get3A_1640 = arith.index_cast %mul3A_1639 : i32 to index
      %get3A_1641 = arith.constant 32 : index
      %get3A_1642 = tpu.vector_load %arg11[%get3A_1640, %get3A_1641] {strides = array<i32>} : memref<50x64xf32, #tpu.memory_space<vmem>>, vector<1x16xf32>,
      %get3A_1643 = vector.shape_cast %get3A_1642 : vector<1x16xf32> to vector<16xf32>
      %add3A_1644 = arith.addf %scan3A_1623, %get3A_1643 : vector<16xf32>
      %mul3A_1645 = arith.constant 2 : i32
      %mul3A_1646 = arith.muli %mul3A_1645, %scan3A_1620 : i32
      %get3A_1647 = arith.index_cast %mul3A_1646 : i32 to index
      %get3A_1648 = arith.constant 48 : index
      %get3A_1649 = tpu.vector_load %arg11[%get3A_1647, %get3A_1648] {strides = array<i32>} : memref<50x64xf32, #tpu.memory_space<vmem>>, vector<1x16xf32>,
      %get3A_1650 = vector.shape_cast %get3A_1649 : vector<1x16xf32> to vector<16xf32>
      %add3A_1651 = arith.addf %scan3A_1624, %get3A_1650 : vector<16xf32>
      %mul3A_1652 = arith.constant 2 : i32
      %mul3A_1653 = arith.muli %mul3A_1652, %scan3A_1620 : i32
      %add3A_1654 = arith.constant 1 : i32
      %add3A_1655 = arith.addi %mul3A_1653, %add3A_1654 : i32
      %get3A_1656 = arith.index_cast %add3A_1655 : i32 to index
      %get3A_1657 = arith.constant 0 : index
      %get3A_1658 = tpu.vector_load %arg11[%get3A_1656, %get3A_1657] {strides = array<i32>} : memref<50x64xf32, #tpu.memory_space<vmem>>, vector<1x16xf32>,
      %get3A_1659 = vector.shape_cast %get3A_1658 : vector<1x16xf32> to vector<16xf32>
      %add3A_1660 = arith.addf %add3A_1630, %get3A_1659 : vector<16xf32>
      %mul3A_1661 = arith.constant 2 : i32
      %mul3A_1662 = arith.muli %mul3A_1661, %scan3A_1620 : i32
      %add3A_1663 = arith.constant 1 : i32
      %add3A_1664 = arith.addi %mul3A_1662, %add3A_1663 : i32
      %get3A_1665 = arith.index_cast %add3A_1664 : i32 to index
      %get3A_1666 = arith.constant 16 : index
      %get3A_1667 = tpu.vector_load %arg11[%get3A_1665, %get3A_1666] {strides = array<i32>} : memref<50x64xf32, #tpu.memory_space<vmem>>, vector<1x16xf32>,
      %get3A_1668 = vector.shape_cast %get3A_1667 : vector<1x16xf32> to vector<16xf32>
      %add3A_1669 = arith.addf %add3A_1637, %get3A_1668 : vector<16xf32>
      %mul3A_1670 = arith.constant 2 : i32
      %mul3A_1671 = arith.muli %mul3A_1670, %scan3A_1620 : i32
      %add3A_1672 = arith.constant 1 : i32
      %add3A_1673 = arith.addi %mul3A_1671, %add3A_1672 : i32
      %get3A_1674 = arith.index_cast %add3A_1673 : i32 to index
      %get3A_1675 = arith.constant 32 : index
      %get3A_1676 = tpu.vector_load %arg11[%get3A_1674, %get3A_1675] {strides = array<i32>} : memref<50x64xf32, #tpu.memory_space<vmem>>, vector<1x16xf32>,
      %get3A_1677 = vector.shape_cast %get3A_1676 : vector<1x16xf32> to vector<16xf32>
      %add3A_1678 = arith.addf %add3A_1644, %get3A_1677 : vector<16xf32>
      %mul3A_1679 = arith.constant 2 : i32
      %mul3A_1680 = arith.muli %mul3A_1679, %scan3A_1620 : i32
      %add3A_1681 = arith.constant 1 : i32
      %add3A_1682 = arith.addi %mul3A_1680, %add3A_1681 : i32
      %get3A_1683 = arith.index_cast %add3A_1682 : i32 to index
      %get3A_1684 = arith.constant 48 : index
      %get3A_1685 = tpu.vector_load %arg11[%get3A_1683, %get3A_1684] {strides = array<i32>} : memref<50x64xf32, #tpu.memory_space<vmem>>, vector<1x16xf32>,
      %get3A_1686 = vector.shape_cast %get3A_1685 : vector<1x16xf32> to vector<16xf32>
      %add3A_1687 = arith.addf %add3A_1651, %get3A_1686 : vector<16xf32>
      scf.yield %add3A_1660, %add3A_1669, %add3A_1678, %add3A_1687 : vector<16xf32>, vector<16xf32>, vector<16xf32>, vector<16xf32>
    }
    %scan3A_952 = arith.constant 25 : i32
    %swap3A_953 = arith.constant 18 : i32
    %swap3A_954 = arith.index_cast %swap3A_953 : i32 to index
    %swap3A_955 = arith.constant 0 : index
    %swap3A_956 = tpu.vector_load %arg9[%swap3A_954, %swap3A_955] {strides = array<i32>} : memref<32x64xf32, #tpu.memory_space<vmem>>, vector<1x16xf32>,
    %swap3A_957 = vector.shape_cast %swap3A_956 : vector<1x16xf32> to vector<16xf32>
    %swap3A_958 = vector.shape_cast %scan3A_951#0 : vector<16xf32> to vector<1x16xf32>
    tpu.vector_store %arg9[%swap3A_954, %swap3A_955], %swap3A_958 {strides = array<i32>} : memref<32x64xf32, #tpu.memory_space<vmem>>, vector<1x16xf32>,
    %swap3A_959 = arith.constant 18 : i32
    %swap3A_960 = arith.index_cast %swap3A_959 : i32 to index
    %swap3A_961 = arith.constant 16 : index
    %swap3A_962 = tpu.vector_load %arg9[%swap3A_960, %swap3A_961] {strides = array<i32>} : memref<32x64xf32, #tpu.memory_space<vmem>>, vector<1x16xf32>,
    %swap3A_963 = vector.shape_cast %swap3A_962 : vector<1x16xf32> to vector<16xf32>
    %swap3A_964 = vector.shape_cast %scan3A_951#1 : vector<16xf32> to vector<1x16xf32>
    tpu.vector_store %arg9[%swap3A_960, %swap3A_961], %swap3A_964 {strides = array<i32>} : memref<32x64xf32, #tpu.memory_space<vmem>>, vector<1x16xf32>,
    %swap3A_965 = arith.constant 18 : i32
    %swap3A_966 = arith.index_cast %swap3A_965 : i32 to index
    %swap3A_967 = arith.constant 32 : index
    %swap3A_968 = tpu.vector_load %arg9[%swap3A_966, %swap3A_967] {strides = array<i32>} : memref<32x64xf32, #tpu.memory_space<vmem>>, vector<1x16xf32>,
    %swap3A_969 = vector.shape_cast %swap3A_968 : vector<1x16xf32> to vector<16xf32>
    %swap3A_970 = vector.shape_cast %scan3A_951#2 : vector<16xf32> to vector<1x16xf32>
    tpu.vector_store %arg9[%swap3A_966, %swap3A_967], %swap3A_970 {strides = array<i32>} : memref<32x64xf32, #tpu.memory_space<vmem>>, vector<1x16xf32>,
    %swap3A_971 = arith.constant 18 : i32
    %swap3A_972 = arith.index_cast %swap3A_971 : i32 to index
    %swap3A_973 = arith.constant 48 : index
    %swap3A_974 = tpu.vector_load %arg9[%swap3A_972, %swap3A_973] {strides = array<i32>} : memref<32x64xf32, #tpu.memory_space<vmem>>, vector<1x16xf32>,
    %swap3A_975 = vector.shape_cast %swap3A_974 : vector<1x16xf32> to vector<16xf32>
    %swap3A_976 = vector.shape_cast %scan3A_951#3 : vector<16xf32> to vector<1x16xf32>
    tpu.vector_store %arg9[%swap3A_972, %swap3A_973], %swap3A_976 {strides = array<i32>} : memref<32x64xf32, #tpu.memory_space<vmem>>, vector<1x16xf32>,
    %dma_start3A_977 = arith.constant 1344 : i32
    %dma_start3A_978 = tpu.memref_slice %arg7[%dma_start3A_977] : memref<1792xi32, #tpu.memory_space<vmem>> -> memref<50xi32, #tpu.memory_space<vmem>>
    %dma_start3A_979 = arith.constant 0 : i32
    %dma_start3A_980 = arith.constant 0 : i32
    %dma_start3A_981 = tpu.memref_slice %arg4[%dma_start3A_979, %dma_start3A_980] : memref<2000000x64xf32, #tpu.memory_space<hbm>> -> memref<2000000x64xf32, #tpu.memory_space<hbm>>
    tpu.enqueue_indirect_dma source(%dma_start3A_981 : memref<2000000x64xf32, #tpu.memory_space<hbm>>) target(%arg11 : memref<50x64xf32, #tpu.memory_space<vmem>>) offsets(%dma_start3A_978 : memref<50xi32, #tpu.memory_space<vmem>>) semaphore(%arg17 : memref<!tpu.dma_semaphore, #tpu.memory_space<semaphore_mem>>)
    %dma_wait3A_982 = arith.constant 1064 : i32
    %dma_wait3A_983 = tpu.memref_slice %arg7[%dma_wait3A_982] : memref<1792xi32, #tpu.memory_space<vmem>> -> memref<50xi32, #tpu.memory_space<vmem>>
    %dma_wait3A_984 = arith.constant 0 : i32
    %dma_wait3A_985 = arith.constant 0 : i32
    %dma_wait3A_986 = tpu.memref_slice %arg4[%dma_wait3A_984, %dma_wait3A_985] : memref<2000000x64xf32, #tpu.memory_space<hbm>> -> memref<2000000x64xf32, #tpu.memory_space<hbm>>
    tpu.wait_indirect_dma semaphore(%arg18 : memref<!tpu.dma_semaphore, #tpu.memory_space<semaphore_mem>>) src(%dma_wait3A_986 : memref<2000000x64xf32, #tpu.memory_space<hbm>>) dst(%arg12 : memref<50x64xf32, #tpu.memory_space<vmem>>)
    %broadcast_in_dim3A_987 = arith.constant 0.000000e+00 : f32
    %broadcast_in_dim3A_988 = vector.broadcast %broadcast_in_dim3A_987 : f32 to vector<16xf32>
    %broadcast_in_dim3A_989 = arith.constant 0.000000e+00 : f32
    %broadcast_in_dim3A_990 = vector.broadcast %broadcast_in_dim3A_989 : f32 to vector<16xf32>
    %broadcast_in_dim3A_991 = arith.constant 0.000000e+00 : f32
    %broadcast_in_dim3A_992 = vector.broadcast %broadcast_in_dim3A_991 : f32 to vector<16xf32>
    %broadcast_in_dim3A_993 = arith.constant 0.000000e+00 : f32
    %broadcast_in_dim3A_994 = vector.broadcast %broadcast_in_dim3A_993 : f32 to vector<16xf32>
    %scan3A_995 = arith.constant 0 : i32
    %scan3A_996 = arith.constant 25 : i32
    %scan3A_997 = arith.addi %scan3A_995, %scan3A_996 : i32
    %scan3A_998 = arith.constant 1 : i32
    %scan3A_999:4 = scf.for %scan3A_1620 = %scan3A_995 to %scan3A_997 step %scan3A_998 iter_args(%scan3A_1621 = %broadcast_in_dim3A_988, %scan3A_1622 = %broadcast_in_dim3A_990, %scan3A_1623 = %broadcast_in_dim3A_992, %scan3A_1624 = %broadcast_in_dim3A_994) -> (vector<16xf32>, vector<16xf32>, vector<16xf32>, vector<16xf32>)  : i32 {
      %mul3A_1625 = arith.constant 2 : i32
      %mul3A_1626 = arith.muli %mul3A_1625, %scan3A_1620 : i32
      %get3A = arith.index_cast %mul3A_1626 : i32 to index
      %get3A_1627 = arith.constant 0 : index
      %get3A_1628 = tpu.vector_load %arg12[%get3A, %get3A_1627] {strides = array<i32>} : memref<50x64xf32, #tpu.memory_space<vmem>>, vector<1x16xf32>,
      %get3A_1629 = vector.shape_cast %get3A_1628 : vector<1x16xf32> to vector<16xf32>
      %add3A_1630 = arith.addf %scan3A_1621, %get3A_1629 : vector<16xf32>
      %mul3A_1631 = arith.constant 2 : i32
      %mul3A_1632 = arith.muli %mul3A_1631, %scan3A_1620 : i32
      %get3A_1633 = arith.index_cast %mul3A_1632 : i32 to index
      %get3A_1634 = arith.constant 16 : index
      %get3A_1635 = tpu.vector_load %arg12[%get3A_1633, %get3A_1634] {strides = array<i32>} : memref<50x64xf32, #tpu.memory_space<vmem>>, vector<1x16xf32>,
      %get3A_1636 = vector.shape_cast %get3A_1635 : vector<1x16xf32> to vector<16xf32>
      %add3A_1637 = arith.addf %scan3A_1622, %get3A_1636 : vector<16xf32>
      %mul3A_1638 = arith.constant 2 : i32
      %mul3A_1639 = arith.muli %mul3A_1638, %scan3A_1620 : i32
      %get3A_1640 = arith.index_cast %mul3A_1639 : i32 to index
      %get3A_1641 = arith.constant 32 : index
      %get3A_1642 = tpu.vector_load %arg12[%get3A_1640, %get3A_1641] {strides = array<i32>} : memref<50x64xf32, #tpu.memory_space<vmem>>, vector<1x16xf32>,
      %get3A_1643 = vector.shape_cast %get3A_1642 : vector<1x16xf32> to vector<16xf32>
      %add3A_1644 = arith.addf %scan3A_1623, %get3A_1643 : vector<16xf32>
      %mul3A_1645 = arith.constant 2 : i32
      %mul3A_1646 = arith.muli %mul3A_1645, %scan3A_1620 : i32
      %get3A_1647 = arith.index_cast %mul3A_1646 : i32 to index
      %get3A_1648 = arith.constant 48 : index
      %get3A_1649 = tpu.vector_load %arg12[%get3A_1647, %get3A_1648] {strides = array<i32>} : memref<50x64xf32, #tpu.memory_space<vmem>>, vector<1x16xf32>,
      %get3A_1650 = vector.shape_cast %get3A_1649 : vector<1x16xf32> to vector<16xf32>
      %add3A_1651 = arith.addf %scan3A_1624, %get3A_1650 : vector<16xf32>
      %mul3A_1652 = arith.constant 2 : i32
      %mul3A_1653 = arith.muli %mul3A_1652, %scan3A_1620 : i32
      %add3A_1654 = arith.constant 1 : i32
      %add3A_1655 = arith.addi %mul3A_1653, %add3A_1654 : i32
      %get3A_1656 = arith.index_cast %add3A_1655 : i32 to index
      %get3A_1657 = arith.constant 0 : index
      %get3A_1658 = tpu.vector_load %arg12[%get3A_1656, %get3A_1657] {strides = array<i32>} : memref<50x64xf32, #tpu.memory_space<vmem>>, vector<1x16xf32>,
      %get3A_1659 = vector.shape_cast %get3A_1658 : vector<1x16xf32> to vector<16xf32>
      %add3A_1660 = arith.addf %add3A_1630, %get3A_1659 : vector<16xf32>
      %mul3A_1661 = arith.constant 2 : i32
      %mul3A_1662 = arith.muli %mul3A_1661, %scan3A_1620 : i32
      %add3A_1663 = arith.constant 1 : i32
      %add3A_1664 = arith.addi %mul3A_1662, %add3A_1663 : i32
      %get3A_1665 = arith.index_cast %add3A_1664 : i32 to index
      %get3A_1666 = arith.constant 16 : index
      %get3A_1667 = tpu.vector_load %arg12[%get3A_1665, %get3A_1666] {strides = array<i32>} : memref<50x64xf32, #tpu.memory_space<vmem>>, vector<1x16xf32>,
      %get3A_1668 = vector.shape_cast %get3A_1667 : vector<1x16xf32> to vector<16xf32>
      %add3A_1669 = arith.addf %add3A_1637, %get3A_1668 : vector<16xf32>
      %mul3A_1670 = arith.constant 2 : i32
      %mul3A_1671 = arith.muli %mul3A_1670, %scan3A_1620 : i32
      %add3A_1672 = arith.constant 1 : i32
      %add3A_1673 = arith.addi %mul3A_1671, %add3A_1672 : i32
      %get3A_1674 = arith.index_cast %add3A_1673 : i32 to index
      %get3A_1675 = arith.constant 32 : index
      %get3A_1676 = tpu.vector_load %arg12[%get3A_1674, %get3A_1675] {strides = array<i32>} : memref<50x64xf32, #tpu.memory_space<vmem>>, vector<1x16xf32>,
      %get3A_1677 = vector.shape_cast %get3A_1676 : vector<1x16xf32> to vector<16xf32>
      %add3A_1678 = arith.addf %add3A_1644, %get3A_1677 : vector<16xf32>
      %mul3A_1679 = arith.constant 2 : i32
      %mul3A_1680 = arith.muli %mul3A_1679, %scan3A_1620 : i32
      %add3A_1681 = arith.constant 1 : i32
      %add3A_1682 = arith.addi %mul3A_1680, %add3A_1681 : i32
      %get3A_1683 = arith.index_cast %add3A_1682 : i32 to index
      %get3A_1684 = arith.constant 48 : index
      %get3A_1685 = tpu.vector_load %arg12[%get3A_1683, %get3A_1684] {strides = array<i32>} : memref<50x64xf32, #tpu.memory_space<vmem>>, vector<1x16xf32>,
      %get3A_1686 = vector.shape_cast %get3A_1685 : vector<1x16xf32> to vector<16xf32>
      %add3A_1687 = arith.addf %add3A_1651, %get3A_1686 : vector<16xf32>
      scf.yield %add3A_1660, %add3A_1669, %add3A_1678, %add3A_1687 : vector<16xf32>, vector<16xf32>, vector<16xf32>, vector<16xf32>
    }
    %scan3A_1000 = arith.constant 25 : i32
    %swap3A_1001 = arith.constant 19 : i32
    %swap3A_1002 = arith.index_cast %swap3A_1001 : i32 to index
    %swap3A_1003 = arith.constant 0 : index
    %swap3A_1004 = tpu.vector_load %arg9[%swap3A_1002, %swap3A_1003] {strides = array<i32>} : memref<32x64xf32, #tpu.memory_space<vmem>>, vector<1x16xf32>,
    %swap3A_1005 = vector.shape_cast %swap3A_1004 : vector<1x16xf32> to vector<16xf32>
    %swap3A_1006 = vector.shape_cast %scan3A_999#0 : vector<16xf32> to vector<1x16xf32>
    tpu.vector_store %arg9[%swap3A_1002, %swap3A_1003], %swap3A_1006 {strides = array<i32>} : memref<32x64xf32, #tpu.memory_space<vmem>>, vector<1x16xf32>,
    %swap3A_1007 = arith.constant 19 : i32
    %swap3A_1008 = arith.index_cast %swap3A_1007 : i32 to index
    %swap3A_1009 = arith.constant 16 : index
    %swap3A_1010 = tpu.vector_load %arg9[%swap3A_1008, %swap3A_1009] {strides = array<i32>} : memref<32x64xf32, #tpu.memory_space<vmem>>, vector<1x16xf32>,
    %swap3A_1011 = vector.shape_cast %swap3A_1010 : vector<1x16xf32> to vector<16xf32>
    %swap3A_1012 = vector.shape_cast %scan3A_999#1 : vector<16xf32> to vector<1x16xf32>
    tpu.vector_store %arg9[%swap3A_1008, %swap3A_1009], %swap3A_1012 {strides = array<i32>} : memref<32x64xf32, #tpu.memory_space<vmem>>, vector<1x16xf32>,
    %swap3A_1013 = arith.constant 19 : i32
    %swap3A_1014 = arith.index_cast %swap3A_1013 : i32 to index
    %swap3A_1015 = arith.constant 32 : index
    %swap3A_1016 = tpu.vector_load %arg9[%swap3A_1014, %swap3A_1015] {strides = array<i32>} : memref<32x64xf32, #tpu.memory_space<vmem>>, vector<1x16xf32>,
    %swap3A_1017 = vector.shape_cast %swap3A_1016 : vector<1x16xf32> to vector<16xf32>
    %swap3A_1018 = vector.shape_cast %scan3A_999#2 : vector<16xf32> to vector<1x16xf32>
    tpu.vector_store %arg9[%swap3A_1014, %swap3A_1015], %swap3A_1018 {strides = array<i32>} : memref<32x64xf32, #tpu.memory_space<vmem>>, vector<1x16xf32>,
    %swap3A_1019 = arith.constant 19 : i32
    %swap3A_1020 = arith.index_cast %swap3A_1019 : i32 to index
    %swap3A_1021 = arith.constant 48 : index
    %swap3A_1022 = tpu.vector_load %arg9[%swap3A_1020, %swap3A_1021] {strides = array<i32>} : memref<32x64xf32, #tpu.memory_space<vmem>>, vector<1x16xf32>,
    %swap3A_1023 = vector.shape_cast %swap3A_1022 : vector<1x16xf32> to vector<16xf32>
    %swap3A_1024 = vector.shape_cast %scan3A_999#3 : vector<16xf32> to vector<1x16xf32>
    tpu.vector_store %arg9[%swap3A_1020, %swap3A_1021], %swap3A_1024 {strides = array<i32>} : memref<32x64xf32, #tpu.memory_space<vmem>>, vector<1x16xf32>,
    %dma_start3A_1025 = arith.constant 1400 : i32
    %dma_start3A_1026 = tpu.memref_slice %arg7[%dma_start3A_1025] : memref<1792xi32, #tpu.memory_space<vmem>> -> memref<50xi32, #tpu.memory_space<vmem>>
    %dma_start3A_1027 = arith.constant 0 : i32
    %dma_start3A_1028 = arith.constant 0 : i32
    %dma_start3A_1029 = tpu.memref_slice %arg4[%dma_start3A_1027, %dma_start3A_1028] : memref<2000000x64xf32, #tpu.memory_space<hbm>> -> memref<2000000x64xf32, #tpu.memory_space<hbm>>
    tpu.enqueue_indirect_dma source(%dma_start3A_1029 : memref<2000000x64xf32, #tpu.memory_space<hbm>>) target(%arg12 : memref<50x64xf32, #tpu.memory_space<vmem>>) offsets(%dma_start3A_1026 : memref<50xi32, #tpu.memory_space<vmem>>) semaphore(%arg18 : memref<!tpu.dma_semaphore, #tpu.memory_space<semaphore_mem>>)
    %dma_wait3A_1030 = arith.constant 1120 : i32
    %dma_wait3A_1031 = tpu.memref_slice %arg7[%dma_wait3A_1030] : memref<1792xi32, #tpu.memory_space<vmem>> -> memref<50xi32, #tpu.memory_space<vmem>>
    %dma_wait3A_1032 = arith.constant 0 : i32
    %dma_wait3A_1033 = arith.constant 0 : i32
    %dma_wait3A_1034 = tpu.memref_slice %arg4[%dma_wait3A_1032, %dma_wait3A_1033] : memref<2000000x64xf32, #tpu.memory_space<hbm>> -> memref<2000000x64xf32, #tpu.memory_space<hbm>>
    tpu.wait_indirect_dma semaphore(%arg19 : memref<!tpu.dma_semaphore, #tpu.memory_space<semaphore_mem>>) src(%dma_wait3A_1034 : memref<2000000x64xf32, #tpu.memory_space<hbm>>) dst(%arg13 : memref<50x64xf32, #tpu.memory_space<vmem>>)
    %broadcast_in_dim3A_1035 = arith.constant 0.000000e+00 : f32
    %broadcast_in_dim3A_1036 = vector.broadcast %broadcast_in_dim3A_1035 : f32 to vector<16xf32>
    %broadcast_in_dim3A_1037 = arith.constant 0.000000e+00 : f32
    %broadcast_in_dim3A_1038 = vector.broadcast %broadcast_in_dim3A_1037 : f32 to vector<16xf32>
    %broadcast_in_dim3A_1039 = arith.constant 0.000000e+00 : f32
    %broadcast_in_dim3A_1040 = vector.broadcast %broadcast_in_dim3A_1039 : f32 to vector<16xf32>
    %broadcast_in_dim3A_1041 = arith.constant 0.000000e+00 : f32
    %broadcast_in_dim3A_1042 = vector.broadcast %broadcast_in_dim3A_1041 : f32 to vector<16xf32>
    %scan3A_1043 = arith.constant 0 : i32
    %scan3A_1044 = arith.constant 25 : i32
    %scan3A_1045 = arith.addi %scan3A_1043, %scan3A_1044 : i32
    %scan3A_1046 = arith.constant 1 : i32
    %scan3A_1047:4 = scf.for %scan3A_1620 = %scan3A_1043 to %scan3A_1045 step %scan3A_1046 iter_args(%scan3A_1621 = %broadcast_in_dim3A_1036, %scan3A_1622 = %broadcast_in_dim3A_1038, %scan3A_1623 = %broadcast_in_dim3A_1040, %scan3A_1624 = %broadcast_in_dim3A_1042) -> (vector<16xf32>, vector<16xf32>, vector<16xf32>, vector<16xf32>)  : i32 {
      %mul3A_1625 = arith.constant 2 : i32
      %mul3A_1626 = arith.muli %mul3A_1625, %scan3A_1620 : i32
      %get3A = arith.index_cast %mul3A_1626 : i32 to index
      %get3A_1627 = arith.constant 0 : index
      %get3A_1628 = tpu.vector_load %arg13[%get3A, %get3A_1627] {strides = array<i32>} : memref<50x64xf32, #tpu.memory_space<vmem>>, vector<1x16xf32>,
      %get3A_1629 = vector.shape_cast %get3A_1628 : vector<1x16xf32> to vector<16xf32>
      %add3A_1630 = arith.addf %scan3A_1621, %get3A_1629 : vector<16xf32>
      %mul3A_1631 = arith.constant 2 : i32
      %mul3A_1632 = arith.muli %mul3A_1631, %scan3A_1620 : i32
      %get3A_1633 = arith.index_cast %mul3A_1632 : i32 to index
      %get3A_1634 = arith.constant 16 : index
      %get3A_1635 = tpu.vector_load %arg13[%get3A_1633, %get3A_1634] {strides = array<i32>} : memref<50x64xf32, #tpu.memory_space<vmem>>, vector<1x16xf32>,
      %get3A_1636 = vector.shape_cast %get3A_1635 : vector<1x16xf32> to vector<16xf32>
      %add3A_1637 = arith.addf %scan3A_1622, %get3A_1636 : vector<16xf32>
      %mul3A_1638 = arith.constant 2 : i32
      %mul3A_1639 = arith.muli %mul3A_1638, %scan3A_1620 : i32
      %get3A_1640 = arith.index_cast %mul3A_1639 : i32 to index
      %get3A_1641 = arith.constant 32 : index
      %get3A_1642 = tpu.vector_load %arg13[%get3A_1640, %get3A_1641] {strides = array<i32>} : memref<50x64xf32, #tpu.memory_space<vmem>>, vector<1x16xf32>,
      %get3A_1643 = vector.shape_cast %get3A_1642 : vector<1x16xf32> to vector<16xf32>
      %add3A_1644 = arith.addf %scan3A_1623, %get3A_1643 : vector<16xf32>
      %mul3A_1645 = arith.constant 2 : i32
      %mul3A_1646 = arith.muli %mul3A_1645, %scan3A_1620 : i32
      %get3A_1647 = arith.index_cast %mul3A_1646 : i32 to index
      %get3A_1648 = arith.constant 48 : index
      %get3A_1649 = tpu.vector_load %arg13[%get3A_1647, %get3A_1648] {strides = array<i32>} : memref<50x64xf32, #tpu.memory_space<vmem>>, vector<1x16xf32>,
      %get3A_1650 = vector.shape_cast %get3A_1649 : vector<1x16xf32> to vector<16xf32>
      %add3A_1651 = arith.addf %scan3A_1624, %get3A_1650 : vector<16xf32>
      %mul3A_1652 = arith.constant 2 : i32
      %mul3A_1653 = arith.muli %mul3A_1652, %scan3A_1620 : i32
      %add3A_1654 = arith.constant 1 : i32
      %add3A_1655 = arith.addi %mul3A_1653, %add3A_1654 : i32
      %get3A_1656 = arith.index_cast %add3A_1655 : i32 to index
      %get3A_1657 = arith.constant 0 : index
      %get3A_1658 = tpu.vector_load %arg13[%get3A_1656, %get3A_1657] {strides = array<i32>} : memref<50x64xf32, #tpu.memory_space<vmem>>, vector<1x16xf32>,
      %get3A_1659 = vector.shape_cast %get3A_1658 : vector<1x16xf32> to vector<16xf32>
      %add3A_1660 = arith.addf %add3A_1630, %get3A_1659 : vector<16xf32>
      %mul3A_1661 = arith.constant 2 : i32
      %mul3A_1662 = arith.muli %mul3A_1661, %scan3A_1620 : i32
      %add3A_1663 = arith.constant 1 : i32
      %add3A_1664 = arith.addi %mul3A_1662, %add3A_1663 : i32
      %get3A_1665 = arith.index_cast %add3A_1664 : i32 to index
      %get3A_1666 = arith.constant 16 : index
      %get3A_1667 = tpu.vector_load %arg13[%get3A_1665, %get3A_1666] {strides = array<i32>} : memref<50x64xf32, #tpu.memory_space<vmem>>, vector<1x16xf32>,
      %get3A_1668 = vector.shape_cast %get3A_1667 : vector<1x16xf32> to vector<16xf32>
      %add3A_1669 = arith.addf %add3A_1637, %get3A_1668 : vector<16xf32>
      %mul3A_1670 = arith.constant 2 : i32
      %mul3A_1671 = arith.muli %mul3A_1670, %scan3A_1620 : i32
      %add3A_1672 = arith.constant 1 : i32
      %add3A_1673 = arith.addi %mul3A_1671, %add3A_1672 : i32
      %get3A_1674 = arith.index_cast %add3A_1673 : i32 to index
      %get3A_1675 = arith.constant 32 : index
      %get3A_1676 = tpu.vector_load %arg13[%get3A_1674, %get3A_1675] {strides = array<i32>} : memref<50x64xf32, #tpu.memory_space<vmem>>, vector<1x16xf32>,
      %get3A_1677 = vector.shape_cast %get3A_1676 : vector<1x16xf32> to vector<16xf32>
      %add3A_1678 = arith.addf %add3A_1644, %get3A_1677 : vector<16xf32>
      %mul3A_1679 = arith.constant 2 : i32
      %mul3A_1680 = arith.muli %mul3A_1679, %scan3A_1620 : i32
      %add3A_1681 = arith.constant 1 : i32
      %add3A_1682 = arith.addi %mul3A_1680, %add3A_1681 : i32
      %get3A_1683 = arith.index_cast %add3A_1682 : i32 to index
      %get3A_1684 = arith.constant 48 : index
      %get3A_1685 = tpu.vector_load %arg13[%get3A_1683, %get3A_1684] {strides = array<i32>} : memref<50x64xf32, #tpu.memory_space<vmem>>, vector<1x16xf32>,
      %get3A_1686 = vector.shape_cast %get3A_1685 : vector<1x16xf32> to vector<16xf32>
      %add3A_1687 = arith.addf %add3A_1651, %get3A_1686 : vector<16xf32>
      scf.yield %add3A_1660, %add3A_1669, %add3A_1678, %add3A_1687 : vector<16xf32>, vector<16xf32>, vector<16xf32>, vector<16xf32>
    }
    %scan3A_1048 = arith.constant 25 : i32
    %swap3A_1049 = arith.constant 20 : i32
    %swap3A_1050 = arith.index_cast %swap3A_1049 : i32 to index
    %swap3A_1051 = arith.constant 0 : index
    %swap3A_1052 = tpu.vector_load %arg9[%swap3A_1050, %swap3A_1051] {strides = array<i32>} : memref<32x64xf32, #tpu.memory_space<vmem>>, vector<1x16xf32>,
    %swap3A_1053 = vector.shape_cast %swap3A_1052 : vector<1x16xf32> to vector<16xf32>
    %swap3A_1054 = vector.shape_cast %scan3A_1047#0 : vector<16xf32> to vector<1x16xf32>
    tpu.vector_store %arg9[%swap3A_1050, %swap3A_1051], %swap3A_1054 {strides = array<i32>} : memref<32x64xf32, #tpu.memory_space<vmem>>, vector<1x16xf32>,
    %swap3A_1055 = arith.constant 20 : i32
    %swap3A_1056 = arith.index_cast %swap3A_1055 : i32 to index
    %swap3A_1057 = arith.constant 16 : index
    %swap3A_1058 = tpu.vector_load %arg9[%swap3A_1056, %swap3A_1057] {strides = array<i32>} : memref<32x64xf32, #tpu.memory_space<vmem>>, vector<1x16xf32>,
    %swap3A_1059 = vector.shape_cast %swap3A_1058 : vector<1x16xf32> to vector<16xf32>
    %swap3A_1060 = vector.shape_cast %scan3A_1047#1 : vector<16xf32> to vector<1x16xf32>
    tpu.vector_store %arg9[%swap3A_1056, %swap3A_1057], %swap3A_1060 {strides = array<i32>} : memref<32x64xf32, #tpu.memory_space<vmem>>, vector<1x16xf32>,
    %swap3A_1061 = arith.constant 20 : i32
    %swap3A_1062 = arith.index_cast %swap3A_1061 : i32 to index
    %swap3A_1063 = arith.constant 32 : index
    %swap3A_1064 = tpu.vector_load %arg9[%swap3A_1062, %swap3A_1063] {strides = array<i32>} : memref<32x64xf32, #tpu.memory_space<vmem>>, vector<1x16xf32>,
    %swap3A_1065 = vector.shape_cast %swap3A_1064 : vector<1x16xf32> to vector<16xf32>
    %swap3A_1066 = vector.shape_cast %scan3A_1047#2 : vector<16xf32> to vector<1x16xf32>
    tpu.vector_store %arg9[%swap3A_1062, %swap3A_1063], %swap3A_1066 {strides = array<i32>} : memref<32x64xf32, #tpu.memory_space<vmem>>, vector<1x16xf32>,
    %swap3A_1067 = arith.constant 20 : i32
    %swap3A_1068 = arith.index_cast %swap3A_1067 : i32 to index
    %swap3A_1069 = arith.constant 48 : index
    %swap3A_1070 = tpu.vector_load %arg9[%swap3A_1068, %swap3A_1069] {strides = array<i32>} : memref<32x64xf32, #tpu.memory_space<vmem>>, vector<1x16xf32>,
    %swap3A_1071 = vector.shape_cast %swap3A_1070 : vector<1x16xf32> to vector<16xf32>
    %swap3A_1072 = vector.shape_cast %scan3A_1047#3 : vector<16xf32> to vector<1x16xf32>
    tpu.vector_store %arg9[%swap3A_1068, %swap3A_1069], %swap3A_1072 {strides = array<i32>} : memref<32x64xf32, #tpu.memory_space<vmem>>, vector<1x16xf32>,
    %dma_start3A_1073 = arith.constant 1456 : i32
    %dma_start3A_1074 = tpu.memref_slice %arg7[%dma_start3A_1073] : memref<1792xi32, #tpu.memory_space<vmem>> -> memref<50xi32, #tpu.memory_space<vmem>>
    %dma_start3A_1075 = arith.constant 0 : i32
    %dma_start3A_1076 = arith.constant 0 : i32
    %dma_start3A_1077 = tpu.memref_slice %arg4[%dma_start3A_1075, %dma_start3A_1076] : memref<2000000x64xf32, #tpu.memory_space<hbm>> -> memref<2000000x64xf32, #tpu.memory_space<hbm>>
    tpu.enqueue_indirect_dma source(%dma_start3A_1077 : memref<2000000x64xf32, #tpu.memory_space<hbm>>) target(%arg13 : memref<50x64xf32, #tpu.memory_space<vmem>>) offsets(%dma_start3A_1074 : memref<50xi32, #tpu.memory_space<vmem>>) semaphore(%arg19 : memref<!tpu.dma_semaphore, #tpu.memory_space<semaphore_mem>>)
    %dma_wait3A_1078 = arith.constant 1176 : i32
    %dma_wait3A_1079 = tpu.memref_slice %arg7[%dma_wait3A_1078] : memref<1792xi32, #tpu.memory_space<vmem>> -> memref<50xi32, #tpu.memory_space<vmem>>
    %dma_wait3A_1080 = arith.constant 0 : i32
    %dma_wait3A_1081 = arith.constant 0 : i32
    %dma_wait3A_1082 = tpu.memref_slice %arg4[%dma_wait3A_1080, %dma_wait3A_1081] : memref<2000000x64xf32, #tpu.memory_space<hbm>> -> memref<2000000x64xf32, #tpu.memory_space<hbm>>
    tpu.wait_indirect_dma semaphore(%arg20 : memref<!tpu.dma_semaphore, #tpu.memory_space<semaphore_mem>>) src(%dma_wait3A_1082 : memref<2000000x64xf32, #tpu.memory_space<hbm>>) dst(%arg14 : memref<50x64xf32, #tpu.memory_space<vmem>>)
    %broadcast_in_dim3A_1083 = arith.constant 0.000000e+00 : f32
    %broadcast_in_dim3A_1084 = vector.broadcast %broadcast_in_dim3A_1083 : f32 to vector<16xf32>
    %broadcast_in_dim3A_1085 = arith.constant 0.000000e+00 : f32
    %broadcast_in_dim3A_1086 = vector.broadcast %broadcast_in_dim3A_1085 : f32 to vector<16xf32>
    %broadcast_in_dim3A_1087 = arith.constant 0.000000e+00 : f32
    %broadcast_in_dim3A_1088 = vector.broadcast %broadcast_in_dim3A_1087 : f32 to vector<16xf32>
    %broadcast_in_dim3A_1089 = arith.constant 0.000000e+00 : f32
    %broadcast_in_dim3A_1090 = vector.broadcast %broadcast_in_dim3A_1089 : f32 to vector<16xf32>
    %scan3A_1091 = arith.constant 0 : i32
    %scan3A_1092 = arith.constant 25 : i32
    %scan3A_1093 = arith.addi %scan3A_1091, %scan3A_1092 : i32
    %scan3A_1094 = arith.constant 1 : i32
    %scan3A_1095:4 = scf.for %scan3A_1620 = %scan3A_1091 to %scan3A_1093 step %scan3A_1094 iter_args(%scan3A_1621 = %broadcast_in_dim3A_1084, %scan3A_1622 = %broadcast_in_dim3A_1086, %scan3A_1623 = %broadcast_in_dim3A_1088, %scan3A_1624 = %broadcast_in_dim3A_1090) -> (vector<16xf32>, vector<16xf32>, vector<16xf32>, vector<16xf32>)  : i32 {
      %mul3A_1625 = arith.constant 2 : i32
      %mul3A_1626 = arith.muli %mul3A_1625, %scan3A_1620 : i32
      %get3A = arith.index_cast %mul3A_1626 : i32 to index
      %get3A_1627 = arith.constant 0 : index
      %get3A_1628 = tpu.vector_load %arg14[%get3A, %get3A_1627] {strides = array<i32>} : memref<50x64xf32, #tpu.memory_space<vmem>>, vector<1x16xf32>,
      %get3A_1629 = vector.shape_cast %get3A_1628 : vector<1x16xf32> to vector<16xf32>
      %add3A_1630 = arith.addf %scan3A_1621, %get3A_1629 : vector<16xf32>
      %mul3A_1631 = arith.constant 2 : i32
      %mul3A_1632 = arith.muli %mul3A_1631, %scan3A_1620 : i32
      %get3A_1633 = arith.index_cast %mul3A_1632 : i32 to index
      %get3A_1634 = arith.constant 16 : index
      %get3A_1635 = tpu.vector_load %arg14[%get3A_1633, %get3A_1634] {strides = array<i32>} : memref<50x64xf32, #tpu.memory_space<vmem>>, vector<1x16xf32>,
      %get3A_1636 = vector.shape_cast %get3A_1635 : vector<1x16xf32> to vector<16xf32>
      %add3A_1637 = arith.addf %scan3A_1622, %get3A_1636 : vector<16xf32>
      %mul3A_1638 = arith.constant 2 : i32
      %mul3A_1639 = arith.muli %mul3A_1638, %scan3A_1620 : i32
      %get3A_1640 = arith.index_cast %mul3A_1639 : i32 to index
      %get3A_1641 = arith.constant 32 : index
      %get3A_1642 = tpu.vector_load %arg14[%get3A_1640, %get3A_1641] {strides = array<i32>} : memref<50x64xf32, #tpu.memory_space<vmem>>, vector<1x16xf32>,
      %get3A_1643 = vector.shape_cast %get3A_1642 : vector<1x16xf32> to vector<16xf32>
      %add3A_1644 = arith.addf %scan3A_1623, %get3A_1643 : vector<16xf32>
      %mul3A_1645 = arith.constant 2 : i32
      %mul3A_1646 = arith.muli %mul3A_1645, %scan3A_1620 : i32
      %get3A_1647 = arith.index_cast %mul3A_1646 : i32 to index
      %get3A_1648 = arith.constant 48 : index
      %get3A_1649 = tpu.vector_load %arg14[%get3A_1647, %get3A_1648] {strides = array<i32>} : memref<50x64xf32, #tpu.memory_space<vmem>>, vector<1x16xf32>,
      %get3A_1650 = vector.shape_cast %get3A_1649 : vector<1x16xf32> to vector<16xf32>
      %add3A_1651 = arith.addf %scan3A_1624, %get3A_1650 : vector<16xf32>
      %mul3A_1652 = arith.constant 2 : i32
      %mul3A_1653 = arith.muli %mul3A_1652, %scan3A_1620 : i32
      %add3A_1654 = arith.constant 1 : i32
      %add3A_1655 = arith.addi %mul3A_1653, %add3A_1654 : i32
      %get3A_1656 = arith.index_cast %add3A_1655 : i32 to index
      %get3A_1657 = arith.constant 0 : index
      %get3A_1658 = tpu.vector_load %arg14[%get3A_1656, %get3A_1657] {strides = array<i32>} : memref<50x64xf32, #tpu.memory_space<vmem>>, vector<1x16xf32>,
      %get3A_1659 = vector.shape_cast %get3A_1658 : vector<1x16xf32> to vector<16xf32>
      %add3A_1660 = arith.addf %add3A_1630, %get3A_1659 : vector<16xf32>
      %mul3A_1661 = arith.constant 2 : i32
      %mul3A_1662 = arith.muli %mul3A_1661, %scan3A_1620 : i32
      %add3A_1663 = arith.constant 1 : i32
      %add3A_1664 = arith.addi %mul3A_1662, %add3A_1663 : i32
      %get3A_1665 = arith.index_cast %add3A_1664 : i32 to index
      %get3A_1666 = arith.constant 16 : index
      %get3A_1667 = tpu.vector_load %arg14[%get3A_1665, %get3A_1666] {strides = array<i32>} : memref<50x64xf32, #tpu.memory_space<vmem>>, vector<1x16xf32>,
      %get3A_1668 = vector.shape_cast %get3A_1667 : vector<1x16xf32> to vector<16xf32>
      %add3A_1669 = arith.addf %add3A_1637, %get3A_1668 : vector<16xf32>
      %mul3A_1670 = arith.constant 2 : i32
      %mul3A_1671 = arith.muli %mul3A_1670, %scan3A_1620 : i32
      %add3A_1672 = arith.constant 1 : i32
      %add3A_1673 = arith.addi %mul3A_1671, %add3A_1672 : i32
      %get3A_1674 = arith.index_cast %add3A_1673 : i32 to index
      %get3A_1675 = arith.constant 32 : index
      %get3A_1676 = tpu.vector_load %arg14[%get3A_1674, %get3A_1675] {strides = array<i32>} : memref<50x64xf32, #tpu.memory_space<vmem>>, vector<1x16xf32>,
      %get3A_1677 = vector.shape_cast %get3A_1676 : vector<1x16xf32> to vector<16xf32>
      %add3A_1678 = arith.addf %add3A_1644, %get3A_1677 : vector<16xf32>
      %mul3A_1679 = arith.constant 2 : i32
      %mul3A_1680 = arith.muli %mul3A_1679, %scan3A_1620 : i32
      %add3A_1681 = arith.constant 1 : i32
      %add3A_1682 = arith.addi %mul3A_1680, %add3A_1681 : i32
      %get3A_1683 = arith.index_cast %add3A_1682 : i32 to index
      %get3A_1684 = arith.constant 48 : index
      %get3A_1685 = tpu.vector_load %arg14[%get3A_1683, %get3A_1684] {strides = array<i32>} : memref<50x64xf32, #tpu.memory_space<vmem>>, vector<1x16xf32>,
      %get3A_1686 = vector.shape_cast %get3A_1685 : vector<1x16xf32> to vector<16xf32>
      %add3A_1687 = arith.addf %add3A_1651, %get3A_1686 : vector<16xf32>
      scf.yield %add3A_1660, %add3A_1669, %add3A_1678, %add3A_1687 : vector<16xf32>, vector<16xf32>, vector<16xf32>, vector<16xf32>
    }
    %scan3A_1096 = arith.constant 25 : i32
    %swap3A_1097 = arith.constant 21 : i32
    %swap3A_1098 = arith.index_cast %swap3A_1097 : i32 to index
    %swap3A_1099 = arith.constant 0 : index
    %swap3A_1100 = tpu.vector_load %arg9[%swap3A_1098, %swap3A_1099] {strides = array<i32>} : memref<32x64xf32, #tpu.memory_space<vmem>>, vector<1x16xf32>,
    %swap3A_1101 = vector.shape_cast %swap3A_1100 : vector<1x16xf32> to vector<16xf32>
    %swap3A_1102 = vector.shape_cast %scan3A_1095#0 : vector<16xf32> to vector<1x16xf32>
    tpu.vector_store %arg9[%swap3A_1098, %swap3A_1099], %swap3A_1102 {strides = array<i32>} : memref<32x64xf32, #tpu.memory_space<vmem>>, vector<1x16xf32>,
    %swap3A_1103 = arith.constant 21 : i32
    %swap3A_1104 = arith.index_cast %swap3A_1103 : i32 to index
    %swap3A_1105 = arith.constant 16 : index
    %swap3A_1106 = tpu.vector_load %arg9[%swap3A_1104, %swap3A_1105] {strides = array<i32>} : memref<32x64xf32, #tpu.memory_space<vmem>>, vector<1x16xf32>,
    %swap3A_1107 = vector.shape_cast %swap3A_1106 : vector<1x16xf32> to vector<16xf32>
    %swap3A_1108 = vector.shape_cast %scan3A_1095#1 : vector<16xf32> to vector<1x16xf32>
    tpu.vector_store %arg9[%swap3A_1104, %swap3A_1105], %swap3A_1108 {strides = array<i32>} : memref<32x64xf32, #tpu.memory_space<vmem>>, vector<1x16xf32>,
    %swap3A_1109 = arith.constant 21 : i32
    %swap3A_1110 = arith.index_cast %swap3A_1109 : i32 to index
    %swap3A_1111 = arith.constant 32 : index
    %swap3A_1112 = tpu.vector_load %arg9[%swap3A_1110, %swap3A_1111] {strides = array<i32>} : memref<32x64xf32, #tpu.memory_space<vmem>>, vector<1x16xf32>,
    %swap3A_1113 = vector.shape_cast %swap3A_1112 : vector<1x16xf32> to vector<16xf32>
    %swap3A_1114 = vector.shape_cast %scan3A_1095#2 : vector<16xf32> to vector<1x16xf32>
    tpu.vector_store %arg9[%swap3A_1110, %swap3A_1111], %swap3A_1114 {strides = array<i32>} : memref<32x64xf32, #tpu.memory_space<vmem>>, vector<1x16xf32>,
    %swap3A_1115 = arith.constant 21 : i32
    %swap3A_1116 = arith.index_cast %swap3A_1115 : i32 to index
    %swap3A_1117 = arith.constant 48 : index
    %swap3A_1118 = tpu.vector_load %arg9[%swap3A_1116, %swap3A_1117] {strides = array<i32>} : memref<32x64xf32, #tpu.memory_space<vmem>>, vector<1x16xf32>,
    %swap3A_1119 = vector.shape_cast %swap3A_1118 : vector<1x16xf32> to vector<16xf32>
    %swap3A_1120 = vector.shape_cast %scan3A_1095#3 : vector<16xf32> to vector<1x16xf32>
    tpu.vector_store %arg9[%swap3A_1116, %swap3A_1117], %swap3A_1120 {strides = array<i32>} : memref<32x64xf32, #tpu.memory_space<vmem>>, vector<1x16xf32>,
    %dma_start3A_1121 = arith.constant 1512 : i32
    %dma_start3A_1122 = tpu.memref_slice %arg7[%dma_start3A_1121] : memref<1792xi32, #tpu.memory_space<vmem>> -> memref<50xi32, #tpu.memory_space<vmem>>
    %dma_start3A_1123 = arith.constant 0 : i32
    %dma_start3A_1124 = arith.constant 0 : i32
    %dma_start3A_1125 = tpu.memref_slice %arg4[%dma_start3A_1123, %dma_start3A_1124] : memref<2000000x64xf32, #tpu.memory_space<hbm>> -> memref<2000000x64xf32, #tpu.memory_space<hbm>>
    tpu.enqueue_indirect_dma source(%dma_start3A_1125 : memref<2000000x64xf32, #tpu.memory_space<hbm>>) target(%arg14 : memref<50x64xf32, #tpu.memory_space<vmem>>) offsets(%dma_start3A_1122 : memref<50xi32, #tpu.memory_space<vmem>>) semaphore(%arg20 : memref<!tpu.dma_semaphore, #tpu.memory_space<semaphore_mem>>)
    %dma_wait3A_1126 = arith.constant 1232 : i32
    %dma_wait3A_1127 = tpu.memref_slice %arg7[%dma_wait3A_1126] : memref<1792xi32, #tpu.memory_space<vmem>> -> memref<50xi32, #tpu.memory_space<vmem>>
    %dma_wait3A_1128 = arith.constant 0 : i32
    %dma_wait3A_1129 = arith.constant 0 : i32
    %dma_wait3A_1130 = tpu.memref_slice %arg4[%dma_wait3A_1128, %dma_wait3A_1129] : memref<2000000x64xf32, #tpu.memory_space<hbm>> -> memref<2000000x64xf32, #tpu.memory_space<hbm>>
    tpu.wait_indirect_dma semaphore(%arg21 : memref<!tpu.dma_semaphore, #tpu.memory_space<semaphore_mem>>) src(%dma_wait3A_1130 : memref<2000000x64xf32, #tpu.memory_space<hbm>>) dst(%arg15 : memref<50x64xf32, #tpu.memory_space<vmem>>)
    %broadcast_in_dim3A_1131 = arith.constant 0.000000e+00 : f32
    %broadcast_in_dim3A_1132 = vector.broadcast %broadcast_in_dim3A_1131 : f32 to vector<16xf32>
    %broadcast_in_dim3A_1133 = arith.constant 0.000000e+00 : f32
    %broadcast_in_dim3A_1134 = vector.broadcast %broadcast_in_dim3A_1133 : f32 to vector<16xf32>
    %broadcast_in_dim3A_1135 = arith.constant 0.000000e+00 : f32
    %broadcast_in_dim3A_1136 = vector.broadcast %broadcast_in_dim3A_1135 : f32 to vector<16xf32>
    %broadcast_in_dim3A_1137 = arith.constant 0.000000e+00 : f32
    %broadcast_in_dim3A_1138 = vector.broadcast %broadcast_in_dim3A_1137 : f32 to vector<16xf32>
    %scan3A_1139 = arith.constant 0 : i32
    %scan3A_1140 = arith.constant 25 : i32
    %scan3A_1141 = arith.addi %scan3A_1139, %scan3A_1140 : i32
    %scan3A_1142 = arith.constant 1 : i32
    %scan3A_1143:4 = scf.for %scan3A_1620 = %scan3A_1139 to %scan3A_1141 step %scan3A_1142 iter_args(%scan3A_1621 = %broadcast_in_dim3A_1132, %scan3A_1622 = %broadcast_in_dim3A_1134, %scan3A_1623 = %broadcast_in_dim3A_1136, %scan3A_1624 = %broadcast_in_dim3A_1138) -> (vector<16xf32>, vector<16xf32>, vector<16xf32>, vector<16xf32>)  : i32 {
      %mul3A_1625 = arith.constant 2 : i32
      %mul3A_1626 = arith.muli %mul3A_1625, %scan3A_1620 : i32
      %get3A = arith.index_cast %mul3A_1626 : i32 to index
      %get3A_1627 = arith.constant 0 : index
      %get3A_1628 = tpu.vector_load %arg15[%get3A, %get3A_1627] {strides = array<i32>} : memref<50x64xf32, #tpu.memory_space<vmem>>, vector<1x16xf32>,
      %get3A_1629 = vector.shape_cast %get3A_1628 : vector<1x16xf32> to vector<16xf32>
      %add3A_1630 = arith.addf %scan3A_1621, %get3A_1629 : vector<16xf32>
      %mul3A_1631 = arith.constant 2 : i32
      %mul3A_1632 = arith.muli %mul3A_1631, %scan3A_1620 : i32
      %get3A_1633 = arith.index_cast %mul3A_1632 : i32 to index
      %get3A_1634 = arith.constant 16 : index
      %get3A_1635 = tpu.vector_load %arg15[%get3A_1633, %get3A_1634] {strides = array<i32>} : memref<50x64xf32, #tpu.memory_space<vmem>>, vector<1x16xf32>,
      %get3A_1636 = vector.shape_cast %get3A_1635 : vector<1x16xf32> to vector<16xf32>
      %add3A_1637 = arith.addf %scan3A_1622, %get3A_1636 : vector<16xf32>
      %mul3A_1638 = arith.constant 2 : i32
      %mul3A_1639 = arith.muli %mul3A_1638, %scan3A_1620 : i32
      %get3A_1640 = arith.index_cast %mul3A_1639 : i32 to index
      %get3A_1641 = arith.constant 32 : index
      %get3A_1642 = tpu.vector_load %arg15[%get3A_1640, %get3A_1641] {strides = array<i32>} : memref<50x64xf32, #tpu.memory_space<vmem>>, vector<1x16xf32>,
      %get3A_1643 = vector.shape_cast %get3A_1642 : vector<1x16xf32> to vector<16xf32>
      %add3A_1644 = arith.addf %scan3A_1623, %get3A_1643 : vector<16xf32>
      %mul3A_1645 = arith.constant 2 : i32
      %mul3A_1646 = arith.muli %mul3A_1645, %scan3A_1620 : i32
      %get3A_1647 = arith.index_cast %mul3A_1646 : i32 to index
      %get3A_1648 = arith.constant 48 : index
      %get3A_1649 = tpu.vector_load %arg15[%get3A_1647, %get3A_1648] {strides = array<i32>} : memref<50x64xf32, #tpu.memory_space<vmem>>, vector<1x16xf32>,
      %get3A_1650 = vector.shape_cast %get3A_1649 : vector<1x16xf32> to vector<16xf32>
      %add3A_1651 = arith.addf %scan3A_1624, %get3A_1650 : vector<16xf32>
      %mul3A_1652 = arith.constant 2 : i32
      %mul3A_1653 = arith.muli %mul3A_1652, %scan3A_1620 : i32
      %add3A_1654 = arith.constant 1 : i32
      %add3A_1655 = arith.addi %mul3A_1653, %add3A_1654 : i32
      %get3A_1656 = arith.index_cast %add3A_1655 : i32 to index
      %get3A_1657 = arith.constant 0 : index
      %get3A_1658 = tpu.vector_load %arg15[%get3A_1656, %get3A_1657] {strides = array<i32>} : memref<50x64xf32, #tpu.memory_space<vmem>>, vector<1x16xf32>,
      %get3A_1659 = vector.shape_cast %get3A_1658 : vector<1x16xf32> to vector<16xf32>
      %add3A_1660 = arith.addf %add3A_1630, %get3A_1659 : vector<16xf32>
      %mul3A_1661 = arith.constant 2 : i32
      %mul3A_1662 = arith.muli %mul3A_1661, %scan3A_1620 : i32
      %add3A_1663 = arith.constant 1 : i32
      %add3A_1664 = arith.addi %mul3A_1662, %add3A_1663 : i32
      %get3A_1665 = arith.index_cast %add3A_1664 : i32 to index
      %get3A_1666 = arith.constant 16 : index
      %get3A_1667 = tpu.vector_load %arg15[%get3A_1665, %get3A_1666] {strides = array<i32>} : memref<50x64xf32, #tpu.memory_space<vmem>>, vector<1x16xf32>,
      %get3A_1668 = vector.shape_cast %get3A_1667 : vector<1x16xf32> to vector<16xf32>
      %add3A_1669 = arith.addf %add3A_1637, %get3A_1668 : vector<16xf32>
      %mul3A_1670 = arith.constant 2 : i32
      %mul3A_1671 = arith.muli %mul3A_1670, %scan3A_1620 : i32
      %add3A_1672 = arith.constant 1 : i32
      %add3A_1673 = arith.addi %mul3A_1671, %add3A_1672 : i32
      %get3A_1674 = arith.index_cast %add3A_1673 : i32 to index
      %get3A_1675 = arith.constant 32 : index
      %get3A_1676 = tpu.vector_load %arg15[%get3A_1674, %get3A_1675] {strides = array<i32>} : memref<50x64xf32, #tpu.memory_space<vmem>>, vector<1x16xf32>,
      %get3A_1677 = vector.shape_cast %get3A_1676 : vector<1x16xf32> to vector<16xf32>
      %add3A_1678 = arith.addf %add3A_1644, %get3A_1677 : vector<16xf32>
      %mul3A_1679 = arith.constant 2 : i32
      %mul3A_1680 = arith.muli %mul3A_1679, %scan3A_1620 : i32
      %add3A_1681 = arith.constant 1 : i32
      %add3A_1682 = arith.addi %mul3A_1680, %add3A_1681 : i32
      %get3A_1683 = arith.index_cast %add3A_1682 : i32 to index
      %get3A_1684 = arith.constant 48 : index
      %get3A_1685 = tpu.vector_load %arg15[%get3A_1683, %get3A_1684] {strides = array<i32>} : memref<50x64xf32, #tpu.memory_space<vmem>>, vector<1x16xf32>,
      %get3A_1686 = vector.shape_cast %get3A_1685 : vector<1x16xf32> to vector<16xf32>
      %add3A_1687 = arith.addf %add3A_1651, %get3A_1686 : vector<16xf32>
      scf.yield %add3A_1660, %add3A_1669, %add3A_1678, %add3A_1687 : vector<16xf32>, vector<16xf32>, vector<16xf32>, vector<16xf32>
    }
    %scan3A_1144 = arith.constant 25 : i32
    %swap3A_1145 = arith.constant 22 : i32
    %swap3A_1146 = arith.index_cast %swap3A_1145 : i32 to index
    %swap3A_1147 = arith.constant 0 : index
    %swap3A_1148 = tpu.vector_load %arg9[%swap3A_1146, %swap3A_1147] {strides = array<i32>} : memref<32x64xf32, #tpu.memory_space<vmem>>, vector<1x16xf32>,
    %swap3A_1149 = vector.shape_cast %swap3A_1148 : vector<1x16xf32> to vector<16xf32>
    %swap3A_1150 = vector.shape_cast %scan3A_1143#0 : vector<16xf32> to vector<1x16xf32>
    tpu.vector_store %arg9[%swap3A_1146, %swap3A_1147], %swap3A_1150 {strides = array<i32>} : memref<32x64xf32, #tpu.memory_space<vmem>>, vector<1x16xf32>,
    %swap3A_1151 = arith.constant 22 : i32
    %swap3A_1152 = arith.index_cast %swap3A_1151 : i32 to index
    %swap3A_1153 = arith.constant 16 : index
    %swap3A_1154 = tpu.vector_load %arg9[%swap3A_1152, %swap3A_1153] {strides = array<i32>} : memref<32x64xf32, #tpu.memory_space<vmem>>, vector<1x16xf32>,
    %swap3A_1155 = vector.shape_cast %swap3A_1154 : vector<1x16xf32> to vector<16xf32>
    %swap3A_1156 = vector.shape_cast %scan3A_1143#1 : vector<16xf32> to vector<1x16xf32>
    tpu.vector_store %arg9[%swap3A_1152, %swap3A_1153], %swap3A_1156 {strides = array<i32>} : memref<32x64xf32, #tpu.memory_space<vmem>>, vector<1x16xf32>,
    %swap3A_1157 = arith.constant 22 : i32
    %swap3A_1158 = arith.index_cast %swap3A_1157 : i32 to index
    %swap3A_1159 = arith.constant 32 : index
    %swap3A_1160 = tpu.vector_load %arg9[%swap3A_1158, %swap3A_1159] {strides = array<i32>} : memref<32x64xf32, #tpu.memory_space<vmem>>, vector<1x16xf32>,
    %swap3A_1161 = vector.shape_cast %swap3A_1160 : vector<1x16xf32> to vector<16xf32>
    %swap3A_1162 = vector.shape_cast %scan3A_1143#2 : vector<16xf32> to vector<1x16xf32>
    tpu.vector_store %arg9[%swap3A_1158, %swap3A_1159], %swap3A_1162 {strides = array<i32>} : memref<32x64xf32, #tpu.memory_space<vmem>>, vector<1x16xf32>,
    %swap3A_1163 = arith.constant 22 : i32
    %swap3A_1164 = arith.index_cast %swap3A_1163 : i32 to index
    %swap3A_1165 = arith.constant 48 : index
    %swap3A_1166 = tpu.vector_load %arg9[%swap3A_1164, %swap3A_1165] {strides = array<i32>} : memref<32x64xf32, #tpu.memory_space<vmem>>, vector<1x16xf32>,
    %swap3A_1167 = vector.shape_cast %swap3A_1166 : vector<1x16xf32> to vector<16xf32>
    %swap3A_1168 = vector.shape_cast %scan3A_1143#3 : vector<16xf32> to vector<1x16xf32>
    tpu.vector_store %arg9[%swap3A_1164, %swap3A_1165], %swap3A_1168 {strides = array<i32>} : memref<32x64xf32, #tpu.memory_space<vmem>>, vector<1x16xf32>,
    %dma_start3A_1169 = arith.constant 1568 : i32
    %dma_start3A_1170 = tpu.memref_slice %arg7[%dma_start3A_1169] : memref<1792xi32, #tpu.memory_space<vmem>> -> memref<50xi32, #tpu.memory_space<vmem>>
    %dma_start3A_1171 = arith.constant 0 : i32
    %dma_start3A_1172 = arith.constant 0 : i32
    %dma_start3A_1173 = tpu.memref_slice %arg4[%dma_start3A_1171, %dma_start3A_1172] : memref<2000000x64xf32, #tpu.memory_space<hbm>> -> memref<2000000x64xf32, #tpu.memory_space<hbm>>
    tpu.enqueue_indirect_dma source(%dma_start3A_1173 : memref<2000000x64xf32, #tpu.memory_space<hbm>>) target(%arg15 : memref<50x64xf32, #tpu.memory_space<vmem>>) offsets(%dma_start3A_1170 : memref<50xi32, #tpu.memory_space<vmem>>) semaphore(%arg21 : memref<!tpu.dma_semaphore, #tpu.memory_space<semaphore_mem>>)
    %dma_wait3A_1174 = arith.constant 1288 : i32
    %dma_wait3A_1175 = tpu.memref_slice %arg7[%dma_wait3A_1174] : memref<1792xi32, #tpu.memory_space<vmem>> -> memref<50xi32, #tpu.memory_space<vmem>>
    %dma_wait3A_1176 = arith.constant 0 : i32
    %dma_wait3A_1177 = arith.constant 0 : i32
    %dma_wait3A_1178 = tpu.memref_slice %arg4[%dma_wait3A_1176, %dma_wait3A_1177] : memref<2000000x64xf32, #tpu.memory_space<hbm>> -> memref<2000000x64xf32, #tpu.memory_space<hbm>>
    tpu.wait_indirect_dma semaphore(%arg22 : memref<!tpu.dma_semaphore, #tpu.memory_space<semaphore_mem>>) src(%dma_wait3A_1178 : memref<2000000x64xf32, #tpu.memory_space<hbm>>) dst(%arg16 : memref<50x64xf32, #tpu.memory_space<vmem>>)
    %broadcast_in_dim3A_1179 = arith.constant 0.000000e+00 : f32
    %broadcast_in_dim3A_1180 = vector.broadcast %broadcast_in_dim3A_1179 : f32 to vector<16xf32>
    %broadcast_in_dim3A_1181 = arith.constant 0.000000e+00 : f32
    %broadcast_in_dim3A_1182 = vector.broadcast %broadcast_in_dim3A_1181 : f32 to vector<16xf32>
    %broadcast_in_dim3A_1183 = arith.constant 0.000000e+00 : f32
    %broadcast_in_dim3A_1184 = vector.broadcast %broadcast_in_dim3A_1183 : f32 to vector<16xf32>
    %broadcast_in_dim3A_1185 = arith.constant 0.000000e+00 : f32
    %broadcast_in_dim3A_1186 = vector.broadcast %broadcast_in_dim3A_1185 : f32 to vector<16xf32>
    %scan3A_1187 = arith.constant 0 : i32
    %scan3A_1188 = arith.constant 25 : i32
    %scan3A_1189 = arith.addi %scan3A_1187, %scan3A_1188 : i32
    %scan3A_1190 = arith.constant 1 : i32
    %scan3A_1191:4 = scf.for %scan3A_1620 = %scan3A_1187 to %scan3A_1189 step %scan3A_1190 iter_args(%scan3A_1621 = %broadcast_in_dim3A_1180, %scan3A_1622 = %broadcast_in_dim3A_1182, %scan3A_1623 = %broadcast_in_dim3A_1184, %scan3A_1624 = %broadcast_in_dim3A_1186) -> (vector<16xf32>, vector<16xf32>, vector<16xf32>, vector<16xf32>)  : i32 {
      %mul3A_1625 = arith.constant 2 : i32
      %mul3A_1626 = arith.muli %mul3A_1625, %scan3A_1620 : i32
      %get3A = arith.index_cast %mul3A_1626 : i32 to index
      %get3A_1627 = arith.constant 0 : index
      %get3A_1628 = tpu.vector_load %arg16[%get3A, %get3A_1627] {strides = array<i32>} : memref<50x64xf32, #tpu.memory_space<vmem>>, vector<1x16xf32>,
      %get3A_1629 = vector.shape_cast %get3A_1628 : vector<1x16xf32> to vector<16xf32>
      %add3A_1630 = arith.addf %scan3A_1621, %get3A_1629 : vector<16xf32>
      %mul3A_1631 = arith.constant 2 : i32
      %mul3A_1632 = arith.muli %mul3A_1631, %scan3A_1620 : i32
      %get3A_1633 = arith.index_cast %mul3A_1632 : i32 to index
      %get3A_1634 = arith.constant 16 : index
      %get3A_1635 = tpu.vector_load %arg16[%get3A_1633, %get3A_1634] {strides = array<i32>} : memref<50x64xf32, #tpu.memory_space<vmem>>, vector<1x16xf32>,
      %get3A_1636 = vector.shape_cast %get3A_1635 : vector<1x16xf32> to vector<16xf32>
      %add3A_1637 = arith.addf %scan3A_1622, %get3A_1636 : vector<16xf32>
      %mul3A_1638 = arith.constant 2 : i32
      %mul3A_1639 = arith.muli %mul3A_1638, %scan3A_1620 : i32
      %get3A_1640 = arith.index_cast %mul3A_1639 : i32 to index
      %get3A_1641 = arith.constant 32 : index
      %get3A_1642 = tpu.vector_load %arg16[%get3A_1640, %get3A_1641] {strides = array<i32>} : memref<50x64xf32, #tpu.memory_space<vmem>>, vector<1x16xf32>,
      %get3A_1643 = vector.shape_cast %get3A_1642 : vector<1x16xf32> to vector<16xf32>
      %add3A_1644 = arith.addf %scan3A_1623, %get3A_1643 : vector<16xf32>
      %mul3A_1645 = arith.constant 2 : i32
      %mul3A_1646 = arith.muli %mul3A_1645, %scan3A_1620 : i32
      %get3A_1647 = arith.index_cast %mul3A_1646 : i32 to index
      %get3A_1648 = arith.constant 48 : index
      %get3A_1649 = tpu.vector_load %arg16[%get3A_1647, %get3A_1648] {strides = array<i32>} : memref<50x64xf32, #tpu.memory_space<vmem>>, vector<1x16xf32>,
      %get3A_1650 = vector.shape_cast %get3A_1649 : vector<1x16xf32> to vector<16xf32>
      %add3A_1651 = arith.addf %scan3A_1624, %get3A_1650 : vector<16xf32>
      %mul3A_1652 = arith.constant 2 : i32
      %mul3A_1653 = arith.muli %mul3A_1652, %scan3A_1620 : i32
      %add3A_1654 = arith.constant 1 : i32
      %add3A_1655 = arith.addi %mul3A_1653, %add3A_1654 : i32
      %get3A_1656 = arith.index_cast %add3A_1655 : i32 to index
      %get3A_1657 = arith.constant 0 : index
      %get3A_1658 = tpu.vector_load %arg16[%get3A_1656, %get3A_1657] {strides = array<i32>} : memref<50x64xf32, #tpu.memory_space<vmem>>, vector<1x16xf32>,
      %get3A_1659 = vector.shape_cast %get3A_1658 : vector<1x16xf32> to vector<16xf32>
      %add3A_1660 = arith.addf %add3A_1630, %get3A_1659 : vector<16xf32>
      %mul3A_1661 = arith.constant 2 : i32
      %mul3A_1662 = arith.muli %mul3A_1661, %scan3A_1620 : i32
      %add3A_1663 = arith.constant 1 : i32
      %add3A_1664 = arith.addi %mul3A_1662, %add3A_1663 : i32
      %get3A_1665 = arith.index_cast %add3A_1664 : i32 to index
      %get3A_1666 = arith.constant 16 : index
      %get3A_1667 = tpu.vector_load %arg16[%get3A_1665, %get3A_1666] {strides = array<i32>} : memref<50x64xf32, #tpu.memory_space<vmem>>, vector<1x16xf32>,
      %get3A_1668 = vector.shape_cast %get3A_1667 : vector<1x16xf32> to vector<16xf32>
      %add3A_1669 = arith.addf %add3A_1637, %get3A_1668 : vector<16xf32>
      %mul3A_1670 = arith.constant 2 : i32
      %mul3A_1671 = arith.muli %mul3A_1670, %scan3A_1620 : i32
      %add3A_1672 = arith.constant 1 : i32
      %add3A_1673 = arith.addi %mul3A_1671, %add3A_1672 : i32
      %get3A_1674 = arith.index_cast %add3A_1673 : i32 to index
      %get3A_1675 = arith.constant 32 : index
      %get3A_1676 = tpu.vector_load %arg16[%get3A_1674, %get3A_1675] {strides = array<i32>} : memref<50x64xf32, #tpu.memory_space<vmem>>, vector<1x16xf32>,
      %get3A_1677 = vector.shape_cast %get3A_1676 : vector<1x16xf32> to vector<16xf32>
      %add3A_1678 = arith.addf %add3A_1644, %get3A_1677 : vector<16xf32>
      %mul3A_1679 = arith.constant 2 : i32
      %mul3A_1680 = arith.muli %mul3A_1679, %scan3A_1620 : i32
      %add3A_1681 = arith.constant 1 : i32
      %add3A_1682 = arith.addi %mul3A_1680, %add3A_1681 : i32
      %get3A_1683 = arith.index_cast %add3A_1682 : i32 to index
      %get3A_1684 = arith.constant 48 : index
      %get3A_1685 = tpu.vector_load %arg16[%get3A_1683, %get3A_1684] {strides = array<i32>} : memref<50x64xf32, #tpu.memory_space<vmem>>, vector<1x16xf32>,
      %get3A_1686 = vector.shape_cast %get3A_1685 : vector<1x16xf32> to vector<16xf32>
      %add3A_1687 = arith.addf %add3A_1651, %get3A_1686 : vector<16xf32>
      scf.yield %add3A_1660, %add3A_1669, %add3A_1678, %add3A_1687 : vector<16xf32>, vector<16xf32>, vector<16xf32>, vector<16xf32>
    }
    %scan3A_1192 = arith.constant 25 : i32
    %swap3A_1193 = arith.constant 23 : i32
    %swap3A_1194 = arith.index_cast %swap3A_1193 : i32 to index
    %swap3A_1195 = arith.constant 0 : index
    %swap3A_1196 = tpu.vector_load %arg9[%swap3A_1194, %swap3A_1195] {strides = array<i32>} : memref<32x64xf32, #tpu.memory_space<vmem>>, vector<1x16xf32>,
    %swap3A_1197 = vector.shape_cast %swap3A_1196 : vector<1x16xf32> to vector<16xf32>
    %swap3A_1198 = vector.shape_cast %scan3A_1191#0 : vector<16xf32> to vector<1x16xf32>
    tpu.vector_store %arg9[%swap3A_1194, %swap3A_1195], %swap3A_1198 {strides = array<i32>} : memref<32x64xf32, #tpu.memory_space<vmem>>, vector<1x16xf32>,
    %swap3A_1199 = arith.constant 23 : i32
    %swap3A_1200 = arith.index_cast %swap3A_1199 : i32 to index
    %swap3A_1201 = arith.constant 16 : index
    %swap3A_1202 = tpu.vector_load %arg9[%swap3A_1200, %swap3A_1201] {strides = array<i32>} : memref<32x64xf32, #tpu.memory_space<vmem>>, vector<1x16xf32>,
    %swap3A_1203 = vector.shape_cast %swap3A_1202 : vector<1x16xf32> to vector<16xf32>
    %swap3A_1204 = vector.shape_cast %scan3A_1191#1 : vector<16xf32> to vector<1x16xf32>
    tpu.vector_store %arg9[%swap3A_1200, %swap3A_1201], %swap3A_1204 {strides = array<i32>} : memref<32x64xf32, #tpu.memory_space<vmem>>, vector<1x16xf32>,
    %swap3A_1205 = arith.constant 23 : i32
    %swap3A_1206 = arith.index_cast %swap3A_1205 : i32 to index
    %swap3A_1207 = arith.constant 32 : index
    %swap3A_1208 = tpu.vector_load %arg9[%swap3A_1206, %swap3A_1207] {strides = array<i32>} : memref<32x64xf32, #tpu.memory_space<vmem>>, vector<1x16xf32>,
    %swap3A_1209 = vector.shape_cast %swap3A_1208 : vector<1x16xf32> to vector<16xf32>
    %swap3A_1210 = vector.shape_cast %scan3A_1191#2 : vector<16xf32> to vector<1x16xf32>
    tpu.vector_store %arg9[%swap3A_1206, %swap3A_1207], %swap3A_1210 {strides = array<i32>} : memref<32x64xf32, #tpu.memory_space<vmem>>, vector<1x16xf32>,
    %swap3A_1211 = arith.constant 23 : i32
    %swap3A_1212 = arith.index_cast %swap3A_1211 : i32 to index
    %swap3A_1213 = arith.constant 48 : index
    %swap3A_1214 = tpu.vector_load %arg9[%swap3A_1212, %swap3A_1213] {strides = array<i32>} : memref<32x64xf32, #tpu.memory_space<vmem>>, vector<1x16xf32>,
    %swap3A_1215 = vector.shape_cast %swap3A_1214 : vector<1x16xf32> to vector<16xf32>
    %swap3A_1216 = vector.shape_cast %scan3A_1191#3 : vector<16xf32> to vector<1x16xf32>
    tpu.vector_store %arg9[%swap3A_1212, %swap3A_1213], %swap3A_1216 {strides = array<i32>} : memref<32x64xf32, #tpu.memory_space<vmem>>, vector<1x16xf32>,
    %dma_start3A_1217 = arith.constant 1624 : i32
    %dma_start3A_1218 = tpu.memref_slice %arg7[%dma_start3A_1217] : memref<1792xi32, #tpu.memory_space<vmem>> -> memref<50xi32, #tpu.memory_space<vmem>>
    %dma_start3A_1219 = arith.constant 0 : i32
    %dma_start3A_1220 = arith.constant 0 : i32
    %dma_start3A_1221 = tpu.memref_slice %arg4[%dma_start3A_1219, %dma_start3A_1220] : memref<2000000x64xf32, #tpu.memory_space<hbm>> -> memref<2000000x64xf32, #tpu.memory_space<hbm>>
    tpu.enqueue_indirect_dma source(%dma_start3A_1221 : memref<2000000x64xf32, #tpu.memory_space<hbm>>) target(%arg16 : memref<50x64xf32, #tpu.memory_space<vmem>>) offsets(%dma_start3A_1218 : memref<50xi32, #tpu.memory_space<vmem>>) semaphore(%arg22 : memref<!tpu.dma_semaphore, #tpu.memory_space<semaphore_mem>>)
    %dma_wait3A_1222 = arith.constant 1344 : i32
    %dma_wait3A_1223 = tpu.memref_slice %arg7[%dma_wait3A_1222] : memref<1792xi32, #tpu.memory_space<vmem>> -> memref<50xi32, #tpu.memory_space<vmem>>
    %dma_wait3A_1224 = arith.constant 0 : i32
    %dma_wait3A_1225 = arith.constant 0 : i32
    %dma_wait3A_1226 = tpu.memref_slice %arg4[%dma_wait3A_1224, %dma_wait3A_1225] : memref<2000000x64xf32, #tpu.memory_space<hbm>> -> memref<2000000x64xf32, #tpu.memory_space<hbm>>
    tpu.wait_indirect_dma semaphore(%arg17 : memref<!tpu.dma_semaphore, #tpu.memory_space<semaphore_mem>>) src(%dma_wait3A_1226 : memref<2000000x64xf32, #tpu.memory_space<hbm>>) dst(%arg11 : memref<50x64xf32, #tpu.memory_space<vmem>>)
    %broadcast_in_dim3A_1227 = arith.constant 0.000000e+00 : f32
    %broadcast_in_dim3A_1228 = vector.broadcast %broadcast_in_dim3A_1227 : f32 to vector<16xf32>
    %broadcast_in_dim3A_1229 = arith.constant 0.000000e+00 : f32
    %broadcast_in_dim3A_1230 = vector.broadcast %broadcast_in_dim3A_1229 : f32 to vector<16xf32>
    %broadcast_in_dim3A_1231 = arith.constant 0.000000e+00 : f32
    %broadcast_in_dim3A_1232 = vector.broadcast %broadcast_in_dim3A_1231 : f32 to vector<16xf32>
    %broadcast_in_dim3A_1233 = arith.constant 0.000000e+00 : f32
    %broadcast_in_dim3A_1234 = vector.broadcast %broadcast_in_dim3A_1233 : f32 to vector<16xf32>
    %scan3A_1235 = arith.constant 0 : i32
    %scan3A_1236 = arith.constant 25 : i32
    %scan3A_1237 = arith.addi %scan3A_1235, %scan3A_1236 : i32
    %scan3A_1238 = arith.constant 1 : i32
    %scan3A_1239:4 = scf.for %scan3A_1620 = %scan3A_1235 to %scan3A_1237 step %scan3A_1238 iter_args(%scan3A_1621 = %broadcast_in_dim3A_1228, %scan3A_1622 = %broadcast_in_dim3A_1230, %scan3A_1623 = %broadcast_in_dim3A_1232, %scan3A_1624 = %broadcast_in_dim3A_1234) -> (vector<16xf32>, vector<16xf32>, vector<16xf32>, vector<16xf32>)  : i32 {
      %mul3A_1625 = arith.constant 2 : i32
      %mul3A_1626 = arith.muli %mul3A_1625, %scan3A_1620 : i32
      %get3A = arith.index_cast %mul3A_1626 : i32 to index
      %get3A_1627 = arith.constant 0 : index
      %get3A_1628 = tpu.vector_load %arg11[%get3A, %get3A_1627] {strides = array<i32>} : memref<50x64xf32, #tpu.memory_space<vmem>>, vector<1x16xf32>,
      %get3A_1629 = vector.shape_cast %get3A_1628 : vector<1x16xf32> to vector<16xf32>
      %add3A_1630 = arith.addf %scan3A_1621, %get3A_1629 : vector<16xf32>
      %mul3A_1631 = arith.constant 2 : i32
      %mul3A_1632 = arith.muli %mul3A_1631, %scan3A_1620 : i32
      %get3A_1633 = arith.index_cast %mul3A_1632 : i32 to index
      %get3A_1634 = arith.constant 16 : index
      %get3A_1635 = tpu.vector_load %arg11[%get3A_1633, %get3A_1634] {strides = array<i32>} : memref<50x64xf32, #tpu.memory_space<vmem>>, vector<1x16xf32>,
      %get3A_1636 = vector.shape_cast %get3A_1635 : vector<1x16xf32> to vector<16xf32>
      %add3A_1637 = arith.addf %scan3A_1622, %get3A_1636 : vector<16xf32>
      %mul3A_1638 = arith.constant 2 : i32
      %mul3A_1639 = arith.muli %mul3A_1638, %scan3A_1620 : i32
      %get3A_1640 = arith.index_cast %mul3A_1639 : i32 to index
      %get3A_1641 = arith.constant 32 : index
      %get3A_1642 = tpu.vector_load %arg11[%get3A_1640, %get3A_1641] {strides = array<i32>} : memref<50x64xf32, #tpu.memory_space<vmem>>, vector<1x16xf32>,
      %get3A_1643 = vector.shape_cast %get3A_1642 : vector<1x16xf32> to vector<16xf32>
      %add3A_1644 = arith.addf %scan3A_1623, %get3A_1643 : vector<16xf32>
      %mul3A_1645 = arith.constant 2 : i32
      %mul3A_1646 = arith.muli %mul3A_1645, %scan3A_1620 : i32
      %get3A_1647 = arith.index_cast %mul3A_1646 : i32 to index
      %get3A_1648 = arith.constant 48 : index
      %get3A_1649 = tpu.vector_load %arg11[%get3A_1647, %get3A_1648] {strides = array<i32>} : memref<50x64xf32, #tpu.memory_space<vmem>>, vector<1x16xf32>,
      %get3A_1650 = vector.shape_cast %get3A_1649 : vector<1x16xf32> to vector<16xf32>
      %add3A_1651 = arith.addf %scan3A_1624, %get3A_1650 : vector<16xf32>
      %mul3A_1652 = arith.constant 2 : i32
      %mul3A_1653 = arith.muli %mul3A_1652, %scan3A_1620 : i32
      %add3A_1654 = arith.constant 1 : i32
      %add3A_1655 = arith.addi %mul3A_1653, %add3A_1654 : i32
      %get3A_1656 = arith.index_cast %add3A_1655 : i32 to index
      %get3A_1657 = arith.constant 0 : index
      %get3A_1658 = tpu.vector_load %arg11[%get3A_1656, %get3A_1657] {strides = array<i32>} : memref<50x64xf32, #tpu.memory_space<vmem>>, vector<1x16xf32>,
      %get3A_1659 = vector.shape_cast %get3A_1658 : vector<1x16xf32> to vector<16xf32>
      %add3A_1660 = arith.addf %add3A_1630, %get3A_1659 : vector<16xf32>
      %mul3A_1661 = arith.constant 2 : i32
      %mul3A_1662 = arith.muli %mul3A_1661, %scan3A_1620 : i32
      %add3A_1663 = arith.constant 1 : i32
      %add3A_1664 = arith.addi %mul3A_1662, %add3A_1663 : i32
      %get3A_1665 = arith.index_cast %add3A_1664 : i32 to index
      %get3A_1666 = arith.constant 16 : index
      %get3A_1667 = tpu.vector_load %arg11[%get3A_1665, %get3A_1666] {strides = array<i32>} : memref<50x64xf32, #tpu.memory_space<vmem>>, vector<1x16xf32>,
      %get3A_1668 = vector.shape_cast %get3A_1667 : vector<1x16xf32> to vector<16xf32>
      %add3A_1669 = arith.addf %add3A_1637, %get3A_1668 : vector<16xf32>
      %mul3A_1670 = arith.constant 2 : i32
      %mul3A_1671 = arith.muli %mul3A_1670, %scan3A_1620 : i32
      %add3A_1672 = arith.constant 1 : i32
      %add3A_1673 = arith.addi %mul3A_1671, %add3A_1672 : i32
      %get3A_1674 = arith.index_cast %add3A_1673 : i32 to index
      %get3A_1675 = arith.constant 32 : index
      %get3A_1676 = tpu.vector_load %arg11[%get3A_1674, %get3A_1675] {strides = array<i32>} : memref<50x64xf32, #tpu.memory_space<vmem>>, vector<1x16xf32>,
      %get3A_1677 = vector.shape_cast %get3A_1676 : vector<1x16xf32> to vector<16xf32>
      %add3A_1678 = arith.addf %add3A_1644, %get3A_1677 : vector<16xf32>
      %mul3A_1679 = arith.constant 2 : i32
      %mul3A_1680 = arith.muli %mul3A_1679, %scan3A_1620 : i32
      %add3A_1681 = arith.constant 1 : i32
      %add3A_1682 = arith.addi %mul3A_1680, %add3A_1681 : i32
      %get3A_1683 = arith.index_cast %add3A_1682 : i32 to index
      %get3A_1684 = arith.constant 48 : index
      %get3A_1685 = tpu.vector_load %arg11[%get3A_1683, %get3A_1684] {strides = array<i32>} : memref<50x64xf32, #tpu.memory_space<vmem>>, vector<1x16xf32>,
      %get3A_1686 = vector.shape_cast %get3A_1685 : vector<1x16xf32> to vector<16xf32>
      %add3A_1687 = arith.addf %add3A_1651, %get3A_1686 : vector<16xf32>
      scf.yield %add3A_1660, %add3A_1669, %add3A_1678, %add3A_1687 : vector<16xf32>, vector<16xf32>, vector<16xf32>, vector<16xf32>
    }
    %scan3A_1240 = arith.constant 25 : i32
    %swap3A_1241 = arith.constant 24 : i32
    %swap3A_1242 = arith.index_cast %swap3A_1241 : i32 to index
    %swap3A_1243 = arith.constant 0 : index
    %swap3A_1244 = tpu.vector_load %arg9[%swap3A_1242, %swap3A_1243] {strides = array<i32>} : memref<32x64xf32, #tpu.memory_space<vmem>>, vector<1x16xf32>,
    %swap3A_1245 = vector.shape_cast %swap3A_1244 : vector<1x16xf32> to vector<16xf32>
    %swap3A_1246 = vector.shape_cast %scan3A_1239#0 : vector<16xf32> to vector<1x16xf32>
    tpu.vector_store %arg9[%swap3A_1242, %swap3A_1243], %swap3A_1246 {strides = array<i32>} : memref<32x64xf32, #tpu.memory_space<vmem>>, vector<1x16xf32>,
    %swap3A_1247 = arith.constant 24 : i32
    %swap3A_1248 = arith.index_cast %swap3A_1247 : i32 to index
    %swap3A_1249 = arith.constant 16 : index
    %swap3A_1250 = tpu.vector_load %arg9[%swap3A_1248, %swap3A_1249] {strides = array<i32>} : memref<32x64xf32, #tpu.memory_space<vmem>>, vector<1x16xf32>,
    %swap3A_1251 = vector.shape_cast %swap3A_1250 : vector<1x16xf32> to vector<16xf32>
    %swap3A_1252 = vector.shape_cast %scan3A_1239#1 : vector<16xf32> to vector<1x16xf32>
    tpu.vector_store %arg9[%swap3A_1248, %swap3A_1249], %swap3A_1252 {strides = array<i32>} : memref<32x64xf32, #tpu.memory_space<vmem>>, vector<1x16xf32>,
    %swap3A_1253 = arith.constant 24 : i32
    %swap3A_1254 = arith.index_cast %swap3A_1253 : i32 to index
    %swap3A_1255 = arith.constant 32 : index
    %swap3A_1256 = tpu.vector_load %arg9[%swap3A_1254, %swap3A_1255] {strides = array<i32>} : memref<32x64xf32, #tpu.memory_space<vmem>>, vector<1x16xf32>,
    %swap3A_1257 = vector.shape_cast %swap3A_1256 : vector<1x16xf32> to vector<16xf32>
    %swap3A_1258 = vector.shape_cast %scan3A_1239#2 : vector<16xf32> to vector<1x16xf32>
    tpu.vector_store %arg9[%swap3A_1254, %swap3A_1255], %swap3A_1258 {strides = array<i32>} : memref<32x64xf32, #tpu.memory_space<vmem>>, vector<1x16xf32>,
    %swap3A_1259 = arith.constant 24 : i32
    %swap3A_1260 = arith.index_cast %swap3A_1259 : i32 to index
    %swap3A_1261 = arith.constant 48 : index
    %swap3A_1262 = tpu.vector_load %arg9[%swap3A_1260, %swap3A_1261] {strides = array<i32>} : memref<32x64xf32, #tpu.memory_space<vmem>>, vector<1x16xf32>,
    %swap3A_1263 = vector.shape_cast %swap3A_1262 : vector<1x16xf32> to vector<16xf32>
    %swap3A_1264 = vector.shape_cast %scan3A_1239#3 : vector<16xf32> to vector<1x16xf32>
    tpu.vector_store %arg9[%swap3A_1260, %swap3A_1261], %swap3A_1264 {strides = array<i32>} : memref<32x64xf32, #tpu.memory_space<vmem>>, vector<1x16xf32>,
    %dma_start3A_1265 = arith.constant 1680 : i32
    %dma_start3A_1266 = tpu.memref_slice %arg7[%dma_start3A_1265] : memref<1792xi32, #tpu.memory_space<vmem>> -> memref<50xi32, #tpu.memory_space<vmem>>
    %dma_start3A_1267 = arith.constant 0 : i32
    %dma_start3A_1268 = arith.constant 0 : i32
    %dma_start3A_1269 = tpu.memref_slice %arg4[%dma_start3A_1267, %dma_start3A_1268] : memref<2000000x64xf32, #tpu.memory_space<hbm>> -> memref<2000000x64xf32, #tpu.memory_space<hbm>>
    tpu.enqueue_indirect_dma source(%dma_start3A_1269 : memref<2000000x64xf32, #tpu.memory_space<hbm>>) target(%arg11 : memref<50x64xf32, #tpu.memory_space<vmem>>) offsets(%dma_start3A_1266 : memref<50xi32, #tpu.memory_space<vmem>>) semaphore(%arg17 : memref<!tpu.dma_semaphore, #tpu.memory_space<semaphore_mem>>)
    %dma_wait3A_1270 = arith.constant 1400 : i32
    %dma_wait3A_1271 = tpu.memref_slice %arg7[%dma_wait3A_1270] : memref<1792xi32, #tpu.memory_space<vmem>> -> memref<50xi32, #tpu.memory_space<vmem>>
    %dma_wait3A_1272 = arith.constant 0 : i32
    %dma_wait3A_1273 = arith.constant 0 : i32
    %dma_wait3A_1274 = tpu.memref_slice %arg4[%dma_wait3A_1272, %dma_wait3A_1273] : memref<2000000x64xf32, #tpu.memory_space<hbm>> -> memref<2000000x64xf32, #tpu.memory_space<hbm>>
    tpu.wait_indirect_dma semaphore(%arg18 : memref<!tpu.dma_semaphore, #tpu.memory_space<semaphore_mem>>) src(%dma_wait3A_1274 : memref<2000000x64xf32, #tpu.memory_space<hbm>>) dst(%arg12 : memref<50x64xf32, #tpu.memory_space<vmem>>)
    %broadcast_in_dim3A_1275 = arith.constant 0.000000e+00 : f32
    %broadcast_in_dim3A_1276 = vector.broadcast %broadcast_in_dim3A_1275 : f32 to vector<16xf32>
    %broadcast_in_dim3A_1277 = arith.constant 0.000000e+00 : f32
    %broadcast_in_dim3A_1278 = vector.broadcast %broadcast_in_dim3A_1277 : f32 to vector<16xf32>
    %broadcast_in_dim3A_1279 = arith.constant 0.000000e+00 : f32
    %broadcast_in_dim3A_1280 = vector.broadcast %broadcast_in_dim3A_1279 : f32 to vector<16xf32>
    %broadcast_in_dim3A_1281 = arith.constant 0.000000e+00 : f32
    %broadcast_in_dim3A_1282 = vector.broadcast %broadcast_in_dim3A_1281 : f32 to vector<16xf32>
    %scan3A_1283 = arith.constant 0 : i32
    %scan3A_1284 = arith.constant 25 : i32
    %scan3A_1285 = arith.addi %scan3A_1283, %scan3A_1284 : i32
    %scan3A_1286 = arith.constant 1 : i32
    %scan3A_1287:4 = scf.for %scan3A_1620 = %scan3A_1283 to %scan3A_1285 step %scan3A_1286 iter_args(%scan3A_1621 = %broadcast_in_dim3A_1276, %scan3A_1622 = %broadcast_in_dim3A_1278, %scan3A_1623 = %broadcast_in_dim3A_1280, %scan3A_1624 = %broadcast_in_dim3A_1282) -> (vector<16xf32>, vector<16xf32>, vector<16xf32>, vector<16xf32>)  : i32 {
      %mul3A_1625 = arith.constant 2 : i32
      %mul3A_1626 = arith.muli %mul3A_1625, %scan3A_1620 : i32
      %get3A = arith.index_cast %mul3A_1626 : i32 to index
      %get3A_1627 = arith.constant 0 : index
      %get3A_1628 = tpu.vector_load %arg12[%get3A, %get3A_1627] {strides = array<i32>} : memref<50x64xf32, #tpu.memory_space<vmem>>, vector<1x16xf32>,
      %get3A_1629 = vector.shape_cast %get3A_1628 : vector<1x16xf32> to vector<16xf32>
      %add3A_1630 = arith.addf %scan3A_1621, %get3A_1629 : vector<16xf32>
      %mul3A_1631 = arith.constant 2 : i32
      %mul3A_1632 = arith.muli %mul3A_1631, %scan3A_1620 : i32
      %get3A_1633 = arith.index_cast %mul3A_1632 : i32 to index
      %get3A_1634 = arith.constant 16 : index
      %get3A_1635 = tpu.vector_load %arg12[%get3A_1633, %get3A_1634] {strides = array<i32>} : memref<50x64xf32, #tpu.memory_space<vmem>>, vector<1x16xf32>,
      %get3A_1636 = vector.shape_cast %get3A_1635 : vector<1x16xf32> to vector<16xf32>
      %add3A_1637 = arith.addf %scan3A_1622, %get3A_1636 : vector<16xf32>
      %mul3A_1638 = arith.constant 2 : i32
      %mul3A_1639 = arith.muli %mul3A_1638, %scan3A_1620 : i32
      %get3A_1640 = arith.index_cast %mul3A_1639 : i32 to index
      %get3A_1641 = arith.constant 32 : index
      %get3A_1642 = tpu.vector_load %arg12[%get3A_1640, %get3A_1641] {strides = array<i32>} : memref<50x64xf32, #tpu.memory_space<vmem>>, vector<1x16xf32>,
      %get3A_1643 = vector.shape_cast %get3A_1642 : vector<1x16xf32> to vector<16xf32>
      %add3A_1644 = arith.addf %scan3A_1623, %get3A_1643 : vector<16xf32>
      %mul3A_1645 = arith.constant 2 : i32
      %mul3A_1646 = arith.muli %mul3A_1645, %scan3A_1620 : i32
      %get3A_1647 = arith.index_cast %mul3A_1646 : i32 to index
      %get3A_1648 = arith.constant 48 : index
      %get3A_1649 = tpu.vector_load %arg12[%get3A_1647, %get3A_1648] {strides = array<i32>} : memref<50x64xf32, #tpu.memory_space<vmem>>, vector<1x16xf32>,
      %get3A_1650 = vector.shape_cast %get3A_1649 : vector<1x16xf32> to vector<16xf32>
      %add3A_1651 = arith.addf %scan3A_1624, %get3A_1650 : vector<16xf32>
      %mul3A_1652 = arith.constant 2 : i32
      %mul3A_1653 = arith.muli %mul3A_1652, %scan3A_1620 : i32
      %add3A_1654 = arith.constant 1 : i32
      %add3A_1655 = arith.addi %mul3A_1653, %add3A_1654 : i32
      %get3A_1656 = arith.index_cast %add3A_1655 : i32 to index
      %get3A_1657 = arith.constant 0 : index
      %get3A_1658 = tpu.vector_load %arg12[%get3A_1656, %get3A_1657] {strides = array<i32>} : memref<50x64xf32, #tpu.memory_space<vmem>>, vector<1x16xf32>,
      %get3A_1659 = vector.shape_cast %get3A_1658 : vector<1x16xf32> to vector<16xf32>
      %add3A_1660 = arith.addf %add3A_1630, %get3A_1659 : vector<16xf32>
      %mul3A_1661 = arith.constant 2 : i32
      %mul3A_1662 = arith.muli %mul3A_1661, %scan3A_1620 : i32
      %add3A_1663 = arith.constant 1 : i32
      %add3A_1664 = arith.addi %mul3A_1662, %add3A_1663 : i32
      %get3A_1665 = arith.index_cast %add3A_1664 : i32 to index
      %get3A_1666 = arith.constant 16 : index
      %get3A_1667 = tpu.vector_load %arg12[%get3A_1665, %get3A_1666] {strides = array<i32>} : memref<50x64xf32, #tpu.memory_space<vmem>>, vector<1x16xf32>,
      %get3A_1668 = vector.shape_cast %get3A_1667 : vector<1x16xf32> to vector<16xf32>
      %add3A_1669 = arith.addf %add3A_1637, %get3A_1668 : vector<16xf32>
      %mul3A_1670 = arith.constant 2 : i32
      %mul3A_1671 = arith.muli %mul3A_1670, %scan3A_1620 : i32
      %add3A_1672 = arith.constant 1 : i32
      %add3A_1673 = arith.addi %mul3A_1671, %add3A_1672 : i32
      %get3A_1674 = arith.index_cast %add3A_1673 : i32 to index
      %get3A_1675 = arith.constant 32 : index
      %get3A_1676 = tpu.vector_load %arg12[%get3A_1674, %get3A_1675] {strides = array<i32>} : memref<50x64xf32, #tpu.memory_space<vmem>>, vector<1x16xf32>,
      %get3A_1677 = vector.shape_cast %get3A_1676 : vector<1x16xf32> to vector<16xf32>
      %add3A_1678 = arith.addf %add3A_1644, %get3A_1677 : vector<16xf32>
      %mul3A_1679 = arith.constant 2 : i32
      %mul3A_1680 = arith.muli %mul3A_1679, %scan3A_1620 : i32
      %add3A_1681 = arith.constant 1 : i32
      %add3A_1682 = arith.addi %mul3A_1680, %add3A_1681 : i32
      %get3A_1683 = arith.index_cast %add3A_1682 : i32 to index
      %get3A_1684 = arith.constant 48 : index
      %get3A_1685 = tpu.vector_load %arg12[%get3A_1683, %get3A_1684] {strides = array<i32>} : memref<50x64xf32, #tpu.memory_space<vmem>>, vector<1x16xf32>,
      %get3A_1686 = vector.shape_cast %get3A_1685 : vector<1x16xf32> to vector<16xf32>
      %add3A_1687 = arith.addf %add3A_1651, %get3A_1686 : vector<16xf32>
      scf.yield %add3A_1660, %add3A_1669, %add3A_1678, %add3A_1687 : vector<16xf32>, vector<16xf32>, vector<16xf32>, vector<16xf32>
    }
    %scan3A_1288 = arith.constant 25 : i32
    %swap3A_1289 = arith.constant 25 : i32
    %swap3A_1290 = arith.index_cast %swap3A_1289 : i32 to index
    %swap3A_1291 = arith.constant 0 : index
    %swap3A_1292 = tpu.vector_load %arg9[%swap3A_1290, %swap3A_1291] {strides = array<i32>} : memref<32x64xf32, #tpu.memory_space<vmem>>, vector<1x16xf32>,
    %swap3A_1293 = vector.shape_cast %swap3A_1292 : vector<1x16xf32> to vector<16xf32>
    %swap3A_1294 = vector.shape_cast %scan3A_1287#0 : vector<16xf32> to vector<1x16xf32>
    tpu.vector_store %arg9[%swap3A_1290, %swap3A_1291], %swap3A_1294 {strides = array<i32>} : memref<32x64xf32, #tpu.memory_space<vmem>>, vector<1x16xf32>,
    %swap3A_1295 = arith.constant 25 : i32
    %swap3A_1296 = arith.index_cast %swap3A_1295 : i32 to index
    %swap3A_1297 = arith.constant 16 : index
    %swap3A_1298 = tpu.vector_load %arg9[%swap3A_1296, %swap3A_1297] {strides = array<i32>} : memref<32x64xf32, #tpu.memory_space<vmem>>, vector<1x16xf32>,
    %swap3A_1299 = vector.shape_cast %swap3A_1298 : vector<1x16xf32> to vector<16xf32>
    %swap3A_1300 = vector.shape_cast %scan3A_1287#1 : vector<16xf32> to vector<1x16xf32>
    tpu.vector_store %arg9[%swap3A_1296, %swap3A_1297], %swap3A_1300 {strides = array<i32>} : memref<32x64xf32, #tpu.memory_space<vmem>>, vector<1x16xf32>,
    %swap3A_1301 = arith.constant 25 : i32
    %swap3A_1302 = arith.index_cast %swap3A_1301 : i32 to index
    %swap3A_1303 = arith.constant 32 : index
    %swap3A_1304 = tpu.vector_load %arg9[%swap3A_1302, %swap3A_1303] {strides = array<i32>} : memref<32x64xf32, #tpu.memory_space<vmem>>, vector<1x16xf32>,
    %swap3A_1305 = vector.shape_cast %swap3A_1304 : vector<1x16xf32> to vector<16xf32>
    %swap3A_1306 = vector.shape_cast %scan3A_1287#2 : vector<16xf32> to vector<1x16xf32>
    tpu.vector_store %arg9[%swap3A_1302, %swap3A_1303], %swap3A_1306 {strides = array<i32>} : memref<32x64xf32, #tpu.memory_space<vmem>>, vector<1x16xf32>,
    %swap3A_1307 = arith.constant 25 : i32
    %swap3A_1308 = arith.index_cast %swap3A_1307 : i32 to index
    %swap3A_1309 = arith.constant 48 : index
    %swap3A_1310 = tpu.vector_load %arg9[%swap3A_1308, %swap3A_1309] {strides = array<i32>} : memref<32x64xf32, #tpu.memory_space<vmem>>, vector<1x16xf32>,
    %swap3A_1311 = vector.shape_cast %swap3A_1310 : vector<1x16xf32> to vector<16xf32>
    %swap3A_1312 = vector.shape_cast %scan3A_1287#3 : vector<16xf32> to vector<1x16xf32>
    tpu.vector_store %arg9[%swap3A_1308, %swap3A_1309], %swap3A_1312 {strides = array<i32>} : memref<32x64xf32, #tpu.memory_space<vmem>>, vector<1x16xf32>,
    %dma_start3A_1313 = arith.constant 1736 : i32
    %dma_start3A_1314 = tpu.memref_slice %arg7[%dma_start3A_1313] : memref<1792xi32, #tpu.memory_space<vmem>> -> memref<50xi32, #tpu.memory_space<vmem>>
    %dma_start3A_1315 = arith.constant 0 : i32
    %dma_start3A_1316 = arith.constant 0 : i32
    %dma_start3A_1317 = tpu.memref_slice %arg4[%dma_start3A_1315, %dma_start3A_1316] : memref<2000000x64xf32, #tpu.memory_space<hbm>> -> memref<2000000x64xf32, #tpu.memory_space<hbm>>
    tpu.enqueue_indirect_dma source(%dma_start3A_1317 : memref<2000000x64xf32, #tpu.memory_space<hbm>>) target(%arg12 : memref<50x64xf32, #tpu.memory_space<vmem>>) offsets(%dma_start3A_1314 : memref<50xi32, #tpu.memory_space<vmem>>) semaphore(%arg18 : memref<!tpu.dma_semaphore, #tpu.memory_space<semaphore_mem>>)
    %dma_wait3A_1318 = arith.constant 1456 : i32
    %dma_wait3A_1319 = tpu.memref_slice %arg7[%dma_wait3A_1318] : memref<1792xi32, #tpu.memory_space<vmem>> -> memref<50xi32, #tpu.memory_space<vmem>>
    %dma_wait3A_1320 = arith.constant 0 : i32
    %dma_wait3A_1321 = arith.constant 0 : i32
    %dma_wait3A_1322 = tpu.memref_slice %arg4[%dma_wait3A_1320, %dma_wait3A_1321] : memref<2000000x64xf32, #tpu.memory_space<hbm>> -> memref<2000000x64xf32, #tpu.memory_space<hbm>>
    tpu.wait_indirect_dma semaphore(%arg19 : memref<!tpu.dma_semaphore, #tpu.memory_space<semaphore_mem>>) src(%dma_wait3A_1322 : memref<2000000x64xf32, #tpu.memory_space<hbm>>) dst(%arg13 : memref<50x64xf32, #tpu.memory_space<vmem>>)
    %broadcast_in_dim3A_1323 = arith.constant 0.000000e+00 : f32
    %broadcast_in_dim3A_1324 = vector.broadcast %broadcast_in_dim3A_1323 : f32 to vector<16xf32>
    %broadcast_in_dim3A_1325 = arith.constant 0.000000e+00 : f32
    %broadcast_in_dim3A_1326 = vector.broadcast %broadcast_in_dim3A_1325 : f32 to vector<16xf32>
    %broadcast_in_dim3A_1327 = arith.constant 0.000000e+00 : f32
    %broadcast_in_dim3A_1328 = vector.broadcast %broadcast_in_dim3A_1327 : f32 to vector<16xf32>
    %broadcast_in_dim3A_1329 = arith.constant 0.000000e+00 : f32
    %broadcast_in_dim3A_1330 = vector.broadcast %broadcast_in_dim3A_1329 : f32 to vector<16xf32>
    %scan3A_1331 = arith.constant 0 : i32
    %scan3A_1332 = arith.constant 25 : i32
    %scan3A_1333 = arith.addi %scan3A_1331, %scan3A_1332 : i32
    %scan3A_1334 = arith.constant 1 : i32
    %scan3A_1335:4 = scf.for %scan3A_1620 = %scan3A_1331 to %scan3A_1333 step %scan3A_1334 iter_args(%scan3A_1621 = %broadcast_in_dim3A_1324, %scan3A_1622 = %broadcast_in_dim3A_1326, %scan3A_1623 = %broadcast_in_dim3A_1328, %scan3A_1624 = %broadcast_in_dim3A_1330) -> (vector<16xf32>, vector<16xf32>, vector<16xf32>, vector<16xf32>)  : i32 {
      %mul3A_1625 = arith.constant 2 : i32
      %mul3A_1626 = arith.muli %mul3A_1625, %scan3A_1620 : i32
      %get3A = arith.index_cast %mul3A_1626 : i32 to index
      %get3A_1627 = arith.constant 0 : index
      %get3A_1628 = tpu.vector_load %arg13[%get3A, %get3A_1627] {strides = array<i32>} : memref<50x64xf32, #tpu.memory_space<vmem>>, vector<1x16xf32>,
      %get3A_1629 = vector.shape_cast %get3A_1628 : vector<1x16xf32> to vector<16xf32>
      %add3A_1630 = arith.addf %scan3A_1621, %get3A_1629 : vector<16xf32>
      %mul3A_1631 = arith.constant 2 : i32
      %mul3A_1632 = arith.muli %mul3A_1631, %scan3A_1620 : i32
      %get3A_1633 = arith.index_cast %mul3A_1632 : i32 to index
      %get3A_1634 = arith.constant 16 : index
      %get3A_1635 = tpu.vector_load %arg13[%get3A_1633, %get3A_1634] {strides = array<i32>} : memref<50x64xf32, #tpu.memory_space<vmem>>, vector<1x16xf32>,
      %get3A_1636 = vector.shape_cast %get3A_1635 : vector<1x16xf32> to vector<16xf32>
      %add3A_1637 = arith.addf %scan3A_1622, %get3A_1636 : vector<16xf32>
      %mul3A_1638 = arith.constant 2 : i32
      %mul3A_1639 = arith.muli %mul3A_1638, %scan3A_1620 : i32
      %get3A_1640 = arith.index_cast %mul3A_1639 : i32 to index
      %get3A_1641 = arith.constant 32 : index
      %get3A_1642 = tpu.vector_load %arg13[%get3A_1640, %get3A_1641] {strides = array<i32>} : memref<50x64xf32, #tpu.memory_space<vmem>>, vector<1x16xf32>,
      %get3A_1643 = vector.shape_cast %get3A_1642 : vector<1x16xf32> to vector<16xf32>
      %add3A_1644 = arith.addf %scan3A_1623, %get3A_1643 : vector<16xf32>
      %mul3A_1645 = arith.constant 2 : i32
      %mul3A_1646 = arith.muli %mul3A_1645, %scan3A_1620 : i32
      %get3A_1647 = arith.index_cast %mul3A_1646 : i32 to index
      %get3A_1648 = arith.constant 48 : index
      %get3A_1649 = tpu.vector_load %arg13[%get3A_1647, %get3A_1648] {strides = array<i32>} : memref<50x64xf32, #tpu.memory_space<vmem>>, vector<1x16xf32>,
      %get3A_1650 = vector.shape_cast %get3A_1649 : vector<1x16xf32> to vector<16xf32>
      %add3A_1651 = arith.addf %scan3A_1624, %get3A_1650 : vector<16xf32>
      %mul3A_1652 = arith.constant 2 : i32
      %mul3A_1653 = arith.muli %mul3A_1652, %scan3A_1620 : i32
      %add3A_1654 = arith.constant 1 : i32
      %add3A_1655 = arith.addi %mul3A_1653, %add3A_1654 : i32
      %get3A_1656 = arith.index_cast %add3A_1655 : i32 to index
      %get3A_1657 = arith.constant 0 : index
      %get3A_1658 = tpu.vector_load %arg13[%get3A_1656, %get3A_1657] {strides = array<i32>} : memref<50x64xf32, #tpu.memory_space<vmem>>, vector<1x16xf32>,
      %get3A_1659 = vector.shape_cast %get3A_1658 : vector<1x16xf32> to vector<16xf32>
      %add3A_1660 = arith.addf %add3A_1630, %get3A_1659 : vector<16xf32>
      %mul3A_1661 = arith.constant 2 : i32
      %mul3A_1662 = arith.muli %mul3A_1661, %scan3A_1620 : i32
      %add3A_1663 = arith.constant 1 : i32
      %add3A_1664 = arith.addi %mul3A_1662, %add3A_1663 : i32
      %get3A_1665 = arith.index_cast %add3A_1664 : i32 to index
      %get3A_1666 = arith.constant 16 : index
      %get3A_1667 = tpu.vector_load %arg13[%get3A_1665, %get3A_1666] {strides = array<i32>} : memref<50x64xf32, #tpu.memory_space<vmem>>, vector<1x16xf32>,
      %get3A_1668 = vector.shape_cast %get3A_1667 : vector<1x16xf32> to vector<16xf32>
      %add3A_1669 = arith.addf %add3A_1637, %get3A_1668 : vector<16xf32>
      %mul3A_1670 = arith.constant 2 : i32
      %mul3A_1671 = arith.muli %mul3A_1670, %scan3A_1620 : i32
      %add3A_1672 = arith.constant 1 : i32
      %add3A_1673 = arith.addi %mul3A_1671, %add3A_1672 : i32
      %get3A_1674 = arith.index_cast %add3A_1673 : i32 to index
      %get3A_1675 = arith.constant 32 : index
      %get3A_1676 = tpu.vector_load %arg13[%get3A_1674, %get3A_1675] {strides = array<i32>} : memref<50x64xf32, #tpu.memory_space<vmem>>, vector<1x16xf32>,
      %get3A_1677 = vector.shape_cast %get3A_1676 : vector<1x16xf32> to vector<16xf32>
      %add3A_1678 = arith.addf %add3A_1644, %get3A_1677 : vector<16xf32>
      %mul3A_1679 = arith.constant 2 : i32
      %mul3A_1680 = arith.muli %mul3A_1679, %scan3A_1620 : i32
      %add3A_1681 = arith.constant 1 : i32
      %add3A_1682 = arith.addi %mul3A_1680, %add3A_1681 : i32
      %get3A_1683 = arith.index_cast %add3A_1682 : i32 to index
      %get3A_1684 = arith.constant 48 : index
      %get3A_1685 = tpu.vector_load %arg13[%get3A_1683, %get3A_1684] {strides = array<i32>} : memref<50x64xf32, #tpu.memory_space<vmem>>, vector<1x16xf32>,
      %get3A_1686 = vector.shape_cast %get3A_1685 : vector<1x16xf32> to vector<16xf32>
      %add3A_1687 = arith.addf %add3A_1651, %get3A_1686 : vector<16xf32>
      scf.yield %add3A_1660, %add3A_1669, %add3A_1678, %add3A_1687 : vector<16xf32>, vector<16xf32>, vector<16xf32>, vector<16xf32>
    }
    %scan3A_1336 = arith.constant 25 : i32
    %swap3A_1337 = arith.constant 26 : i32
    %swap3A_1338 = arith.index_cast %swap3A_1337 : i32 to index
    %swap3A_1339 = arith.constant 0 : index
    %swap3A_1340 = tpu.vector_load %arg9[%swap3A_1338, %swap3A_1339] {strides = array<i32>} : memref<32x64xf32, #tpu.memory_space<vmem>>, vector<1x16xf32>,
    %swap3A_1341 = vector.shape_cast %swap3A_1340 : vector<1x16xf32> to vector<16xf32>
    %swap3A_1342 = vector.shape_cast %scan3A_1335#0 : vector<16xf32> to vector<1x16xf32>
    tpu.vector_store %arg9[%swap3A_1338, %swap3A_1339], %swap3A_1342 {strides = array<i32>} : memref<32x64xf32, #tpu.memory_space<vmem>>, vector<1x16xf32>,
    %swap3A_1343 = arith.constant 26 : i32
    %swap3A_1344 = arith.index_cast %swap3A_1343 : i32 to index
    %swap3A_1345 = arith.constant 16 : index
    %swap3A_1346 = tpu.vector_load %arg9[%swap3A_1344, %swap3A_1345] {strides = array<i32>} : memref<32x64xf32, #tpu.memory_space<vmem>>, vector<1x16xf32>,
    %swap3A_1347 = vector.shape_cast %swap3A_1346 : vector<1x16xf32> to vector<16xf32>
    %swap3A_1348 = vector.shape_cast %scan3A_1335#1 : vector<16xf32> to vector<1x16xf32>
    tpu.vector_store %arg9[%swap3A_1344, %swap3A_1345], %swap3A_1348 {strides = array<i32>} : memref<32x64xf32, #tpu.memory_space<vmem>>, vector<1x16xf32>,
    %swap3A_1349 = arith.constant 26 : i32
    %swap3A_1350 = arith.index_cast %swap3A_1349 : i32 to index
    %swap3A_1351 = arith.constant 32 : index
    %swap3A_1352 = tpu.vector_load %arg9[%swap3A_1350, %swap3A_1351] {strides = array<i32>} : memref<32x64xf32, #tpu.memory_space<vmem>>, vector<1x16xf32>,
    %swap3A_1353 = vector.shape_cast %swap3A_1352 : vector<1x16xf32> to vector<16xf32>
    %swap3A_1354 = vector.shape_cast %scan3A_1335#2 : vector<16xf32> to vector<1x16xf32>
    tpu.vector_store %arg9[%swap3A_1350, %swap3A_1351], %swap3A_1354 {strides = array<i32>} : memref<32x64xf32, #tpu.memory_space<vmem>>, vector<1x16xf32>,
    %swap3A_1355 = arith.constant 26 : i32
    %swap3A_1356 = arith.index_cast %swap3A_1355 : i32 to index
    %swap3A_1357 = arith.constant 48 : index
    %swap3A_1358 = tpu.vector_load %arg9[%swap3A_1356, %swap3A_1357] {strides = array<i32>} : memref<32x64xf32, #tpu.memory_space<vmem>>, vector<1x16xf32>,
    %swap3A_1359 = vector.shape_cast %swap3A_1358 : vector<1x16xf32> to vector<16xf32>
    %swap3A_1360 = vector.shape_cast %scan3A_1335#3 : vector<16xf32> to vector<1x16xf32>
    tpu.vector_store %arg9[%swap3A_1356, %swap3A_1357], %swap3A_1360 {strides = array<i32>} : memref<32x64xf32, #tpu.memory_space<vmem>>, vector<1x16xf32>,
    %dma_wait3A_1361 = arith.constant 1512 : i32
    %dma_wait3A_1362 = tpu.memref_slice %arg7[%dma_wait3A_1361] : memref<1792xi32, #tpu.memory_space<vmem>> -> memref<50xi32, #tpu.memory_space<vmem>>
    %dma_wait3A_1363 = arith.constant 0 : i32
    %dma_wait3A_1364 = arith.constant 0 : i32
    %dma_wait3A_1365 = tpu.memref_slice %arg4[%dma_wait3A_1363, %dma_wait3A_1364] : memref<2000000x64xf32, #tpu.memory_space<hbm>> -> memref<2000000x64xf32, #tpu.memory_space<hbm>>
    tpu.wait_indirect_dma semaphore(%arg20 : memref<!tpu.dma_semaphore, #tpu.memory_space<semaphore_mem>>) src(%dma_wait3A_1365 : memref<2000000x64xf32, #tpu.memory_space<hbm>>) dst(%arg14 : memref<50x64xf32, #tpu.memory_space<vmem>>)
    %broadcast_in_dim3A_1366 = arith.constant 0.000000e+00 : f32
    %broadcast_in_dim3A_1367 = vector.broadcast %broadcast_in_dim3A_1366 : f32 to vector<16xf32>
    %broadcast_in_dim3A_1368 = arith.constant 0.000000e+00 : f32
    %broadcast_in_dim3A_1369 = vector.broadcast %broadcast_in_dim3A_1368 : f32 to vector<16xf32>
    %broadcast_in_dim3A_1370 = arith.constant 0.000000e+00 : f32
    %broadcast_in_dim3A_1371 = vector.broadcast %broadcast_in_dim3A_1370 : f32 to vector<16xf32>
    %broadcast_in_dim3A_1372 = arith.constant 0.000000e+00 : f32
    %broadcast_in_dim3A_1373 = vector.broadcast %broadcast_in_dim3A_1372 : f32 to vector<16xf32>
    %scan3A_1374 = arith.constant 0 : i32
    %scan3A_1375 = arith.constant 25 : i32
    %scan3A_1376 = arith.addi %scan3A_1374, %scan3A_1375 : i32
    %scan3A_1377 = arith.constant 1 : i32
    %scan3A_1378:4 = scf.for %scan3A_1620 = %scan3A_1374 to %scan3A_1376 step %scan3A_1377 iter_args(%scan3A_1621 = %broadcast_in_dim3A_1367, %scan3A_1622 = %broadcast_in_dim3A_1369, %scan3A_1623 = %broadcast_in_dim3A_1371, %scan3A_1624 = %broadcast_in_dim3A_1373) -> (vector<16xf32>, vector<16xf32>, vector<16xf32>, vector<16xf32>)  : i32 {
      %mul3A_1625 = arith.constant 2 : i32
      %mul3A_1626 = arith.muli %mul3A_1625, %scan3A_1620 : i32
      %get3A = arith.index_cast %mul3A_1626 : i32 to index
      %get3A_1627 = arith.constant 0 : index
      %get3A_1628 = tpu.vector_load %arg14[%get3A, %get3A_1627] {strides = array<i32>} : memref<50x64xf32, #tpu.memory_space<vmem>>, vector<1x16xf32>,
      %get3A_1629 = vector.shape_cast %get3A_1628 : vector<1x16xf32> to vector<16xf32>
      %add3A_1630 = arith.addf %scan3A_1621, %get3A_1629 : vector<16xf32>
      %mul3A_1631 = arith.constant 2 : i32
      %mul3A_1632 = arith.muli %mul3A_1631, %scan3A_1620 : i32
      %get3A_1633 = arith.index_cast %mul3A_1632 : i32 to index
      %get3A_1634 = arith.constant 16 : index
      %get3A_1635 = tpu.vector_load %arg14[%get3A_1633, %get3A_1634] {strides = array<i32>} : memref<50x64xf32, #tpu.memory_space<vmem>>, vector<1x16xf32>,
      %get3A_1636 = vector.shape_cast %get3A_1635 : vector<1x16xf32> to vector<16xf32>
      %add3A_1637 = arith.addf %scan3A_1622, %get3A_1636 : vector<16xf32>
      %mul3A_1638 = arith.constant 2 : i32
      %mul3A_1639 = arith.muli %mul3A_1638, %scan3A_1620 : i32
      %get3A_1640 = arith.index_cast %mul3A_1639 : i32 to index
      %get3A_1641 = arith.constant 32 : index
      %get3A_1642 = tpu.vector_load %arg14[%get3A_1640, %get3A_1641] {strides = array<i32>} : memref<50x64xf32, #tpu.memory_space<vmem>>, vector<1x16xf32>,
      %get3A_1643 = vector.shape_cast %get3A_1642 : vector<1x16xf32> to vector<16xf32>
      %add3A_1644 = arith.addf %scan3A_1623, %get3A_1643 : vector<16xf32>
      %mul3A_1645 = arith.constant 2 : i32
      %mul3A_1646 = arith.muli %mul3A_1645, %scan3A_1620 : i32
      %get3A_1647 = arith.index_cast %mul3A_1646 : i32 to index
      %get3A_1648 = arith.constant 48 : index
      %get3A_1649 = tpu.vector_load %arg14[%get3A_1647, %get3A_1648] {strides = array<i32>} : memref<50x64xf32, #tpu.memory_space<vmem>>, vector<1x16xf32>,
      %get3A_1650 = vector.shape_cast %get3A_1649 : vector<1x16xf32> to vector<16xf32>
      %add3A_1651 = arith.addf %scan3A_1624, %get3A_1650 : vector<16xf32>
      %mul3A_1652 = arith.constant 2 : i32
      %mul3A_1653 = arith.muli %mul3A_1652, %scan3A_1620 : i32
      %add3A_1654 = arith.constant 1 : i32
      %add3A_1655 = arith.addi %mul3A_1653, %add3A_1654 : i32
      %get3A_1656 = arith.index_cast %add3A_1655 : i32 to index
      %get3A_1657 = arith.constant 0 : index
      %get3A_1658 = tpu.vector_load %arg14[%get3A_1656, %get3A_1657] {strides = array<i32>} : memref<50x64xf32, #tpu.memory_space<vmem>>, vector<1x16xf32>,
      %get3A_1659 = vector.shape_cast %get3A_1658 : vector<1x16xf32> to vector<16xf32>
      %add3A_1660 = arith.addf %add3A_1630, %get3A_1659 : vector<16xf32>
      %mul3A_1661 = arith.constant 2 : i32
      %mul3A_1662 = arith.muli %mul3A_1661, %scan3A_1620 : i32
      %add3A_1663 = arith.constant 1 : i32
      %add3A_1664 = arith.addi %mul3A_1662, %add3A_1663 : i32
      %get3A_1665 = arith.index_cast %add3A_1664 : i32 to index
      %get3A_1666 = arith.constant 16 : index
      %get3A_1667 = tpu.vector_load %arg14[%get3A_1665, %get3A_1666] {strides = array<i32>} : memref<50x64xf32, #tpu.memory_space<vmem>>, vector<1x16xf32>,
      %get3A_1668 = vector.shape_cast %get3A_1667 : vector<1x16xf32> to vector<16xf32>
      %add3A_1669 = arith.addf %add3A_1637, %get3A_1668 : vector<16xf32>
      %mul3A_1670 = arith.constant 2 : i32
      %mul3A_1671 = arith.muli %mul3A_1670, %scan3A_1620 : i32
      %add3A_1672 = arith.constant 1 : i32
      %add3A_1673 = arith.addi %mul3A_1671, %add3A_1672 : i32
      %get3A_1674 = arith.index_cast %add3A_1673 : i32 to index
      %get3A_1675 = arith.constant 32 : index
      %get3A_1676 = tpu.vector_load %arg14[%get3A_1674, %get3A_1675] {strides = array<i32>} : memref<50x64xf32, #tpu.memory_space<vmem>>, vector<1x16xf32>,
      %get3A_1677 = vector.shape_cast %get3A_1676 : vector<1x16xf32> to vector<16xf32>
      %add3A_1678 = arith.addf %add3A_1644, %get3A_1677 : vector<16xf32>
      %mul3A_1679 = arith.constant 2 : i32
      %mul3A_1680 = arith.muli %mul3A_1679, %scan3A_1620 : i32
      %add3A_1681 = arith.constant 1 : i32
      %add3A_1682 = arith.addi %mul3A_1680, %add3A_1681 : i32
      %get3A_1683 = arith.index_cast %add3A_1682 : i32 to index
      %get3A_1684 = arith.constant 48 : index
      %get3A_1685 = tpu.vector_load %arg14[%get3A_1683, %get3A_1684] {strides = array<i32>} : memref<50x64xf32, #tpu.memory_space<vmem>>, vector<1x16xf32>,
      %get3A_1686 = vector.shape_cast %get3A_1685 : vector<1x16xf32> to vector<16xf32>
      %add3A_1687 = arith.addf %add3A_1651, %get3A_1686 : vector<16xf32>
      scf.yield %add3A_1660, %add3A_1669, %add3A_1678, %add3A_1687 : vector<16xf32>, vector<16xf32>, vector<16xf32>, vector<16xf32>
    }
    %scan3A_1379 = arith.constant 25 : i32
    %swap3A_1380 = arith.constant 27 : i32
    %swap3A_1381 = arith.index_cast %swap3A_1380 : i32 to index
    %swap3A_1382 = arith.constant 0 : index
    %swap3A_1383 = tpu.vector_load %arg9[%swap3A_1381, %swap3A_1382] {strides = array<i32>} : memref<32x64xf32, #tpu.memory_space<vmem>>, vector<1x16xf32>,
    %swap3A_1384 = vector.shape_cast %swap3A_1383 : vector<1x16xf32> to vector<16xf32>
    %swap3A_1385 = vector.shape_cast %scan3A_1378#0 : vector<16xf32> to vector<1x16xf32>
    tpu.vector_store %arg9[%swap3A_1381, %swap3A_1382], %swap3A_1385 {strides = array<i32>} : memref<32x64xf32, #tpu.memory_space<vmem>>, vector<1x16xf32>,
    %swap3A_1386 = arith.constant 27 : i32
    %swap3A_1387 = arith.index_cast %swap3A_1386 : i32 to index
    %swap3A_1388 = arith.constant 16 : index
    %swap3A_1389 = tpu.vector_load %arg9[%swap3A_1387, %swap3A_1388] {strides = array<i32>} : memref<32x64xf32, #tpu.memory_space<vmem>>, vector<1x16xf32>,
    %swap3A_1390 = vector.shape_cast %swap3A_1389 : vector<1x16xf32> to vector<16xf32>
    %swap3A_1391 = vector.shape_cast %scan3A_1378#1 : vector<16xf32> to vector<1x16xf32>
    tpu.vector_store %arg9[%swap3A_1387, %swap3A_1388], %swap3A_1391 {strides = array<i32>} : memref<32x64xf32, #tpu.memory_space<vmem>>, vector<1x16xf32>,
    %swap3A_1392 = arith.constant 27 : i32
    %swap3A_1393 = arith.index_cast %swap3A_1392 : i32 to index
    %swap3A_1394 = arith.constant 32 : index
    %swap3A_1395 = tpu.vector_load %arg9[%swap3A_1393, %swap3A_1394] {strides = array<i32>} : memref<32x64xf32, #tpu.memory_space<vmem>>, vector<1x16xf32>,
    %swap3A_1396 = vector.shape_cast %swap3A_1395 : vector<1x16xf32> to vector<16xf32>
    %swap3A_1397 = vector.shape_cast %scan3A_1378#2 : vector<16xf32> to vector<1x16xf32>
    tpu.vector_store %arg9[%swap3A_1393, %swap3A_1394], %swap3A_1397 {strides = array<i32>} : memref<32x64xf32, #tpu.memory_space<vmem>>, vector<1x16xf32>,
    %swap3A_1398 = arith.constant 27 : i32
    %swap3A_1399 = arith.index_cast %swap3A_1398 : i32 to index
    %swap3A_1400 = arith.constant 48 : index
    %swap3A_1401 = tpu.vector_load %arg9[%swap3A_1399, %swap3A_1400] {strides = array<i32>} : memref<32x64xf32, #tpu.memory_space<vmem>>, vector<1x16xf32>,
    %swap3A_1402 = vector.shape_cast %swap3A_1401 : vector<1x16xf32> to vector<16xf32>
    %swap3A_1403 = vector.shape_cast %scan3A_1378#3 : vector<16xf32> to vector<1x16xf32>
    tpu.vector_store %arg9[%swap3A_1399, %swap3A_1400], %swap3A_1403 {strides = array<i32>} : memref<32x64xf32, #tpu.memory_space<vmem>>, vector<1x16xf32>,
    %dma_wait3A_1404 = arith.constant 1568 : i32
    %dma_wait3A_1405 = tpu.memref_slice %arg7[%dma_wait3A_1404] : memref<1792xi32, #tpu.memory_space<vmem>> -> memref<50xi32, #tpu.memory_space<vmem>>
    %dma_wait3A_1406 = arith.constant 0 : i32
    %dma_wait3A_1407 = arith.constant 0 : i32
    %dma_wait3A_1408 = tpu.memref_slice %arg4[%dma_wait3A_1406, %dma_wait3A_1407] : memref<2000000x64xf32, #tpu.memory_space<hbm>> -> memref<2000000x64xf32, #tpu.memory_space<hbm>>
    tpu.wait_indirect_dma semaphore(%arg21 : memref<!tpu.dma_semaphore, #tpu.memory_space<semaphore_mem>>) src(%dma_wait3A_1408 : memref<2000000x64xf32, #tpu.memory_space<hbm>>) dst(%arg15 : memref<50x64xf32, #tpu.memory_space<vmem>>)
    %broadcast_in_dim3A_1409 = arith.constant 0.000000e+00 : f32
    %broadcast_in_dim3A_1410 = vector.broadcast %broadcast_in_dim3A_1409 : f32 to vector<16xf32>
    %broadcast_in_dim3A_1411 = arith.constant 0.000000e+00 : f32
    %broadcast_in_dim3A_1412 = vector.broadcast %broadcast_in_dim3A_1411 : f32 to vector<16xf32>
    %broadcast_in_dim3A_1413 = arith.constant 0.000000e+00 : f32
    %broadcast_in_dim3A_1414 = vector.broadcast %broadcast_in_dim3A_1413 : f32 to vector<16xf32>
    %broadcast_in_dim3A_1415 = arith.constant 0.000000e+00 : f32
    %broadcast_in_dim3A_1416 = vector.broadcast %broadcast_in_dim3A_1415 : f32 to vector<16xf32>
    %scan3A_1417 = arith.constant 0 : i32
    %scan3A_1418 = arith.constant 25 : i32
    %scan3A_1419 = arith.addi %scan3A_1417, %scan3A_1418 : i32
    %scan3A_1420 = arith.constant 1 : i32
    %scan3A_1421:4 = scf.for %scan3A_1620 = %scan3A_1417 to %scan3A_1419 step %scan3A_1420 iter_args(%scan3A_1621 = %broadcast_in_dim3A_1410, %scan3A_1622 = %broadcast_in_dim3A_1412, %scan3A_1623 = %broadcast_in_dim3A_1414, %scan3A_1624 = %broadcast_in_dim3A_1416) -> (vector<16xf32>, vector<16xf32>, vector<16xf32>, vector<16xf32>)  : i32 {
      %mul3A_1625 = arith.constant 2 : i32
      %mul3A_1626 = arith.muli %mul3A_1625, %scan3A_1620 : i32
      %get3A = arith.index_cast %mul3A_1626 : i32 to index
      %get3A_1627 = arith.constant 0 : index
      %get3A_1628 = tpu.vector_load %arg15[%get3A, %get3A_1627] {strides = array<i32>} : memref<50x64xf32, #tpu.memory_space<vmem>>, vector<1x16xf32>,
      %get3A_1629 = vector.shape_cast %get3A_1628 : vector<1x16xf32> to vector<16xf32>
      %add3A_1630 = arith.addf %scan3A_1621, %get3A_1629 : vector<16xf32>
      %mul3A_1631 = arith.constant 2 : i32
      %mul3A_1632 = arith.muli %mul3A_1631, %scan3A_1620 : i32
      %get3A_1633 = arith.index_cast %mul3A_1632 : i32 to index
      %get3A_1634 = arith.constant 16 : index
      %get3A_1635 = tpu.vector_load %arg15[%get3A_1633, %get3A_1634] {strides = array<i32>} : memref<50x64xf32, #tpu.memory_space<vmem>>, vector<1x16xf32>,
      %get3A_1636 = vector.shape_cast %get3A_1635 : vector<1x16xf32> to vector<16xf32>
      %add3A_1637 = arith.addf %scan3A_1622, %get3A_1636 : vector<16xf32>
      %mul3A_1638 = arith.constant 2 : i32
      %mul3A_1639 = arith.muli %mul3A_1638, %scan3A_1620 : i32
      %get3A_1640 = arith.index_cast %mul3A_1639 : i32 to index
      %get3A_1641 = arith.constant 32 : index
      %get3A_1642 = tpu.vector_load %arg15[%get3A_1640, %get3A_1641] {strides = array<i32>} : memref<50x64xf32, #tpu.memory_space<vmem>>, vector<1x16xf32>,
      %get3A_1643 = vector.shape_cast %get3A_1642 : vector<1x16xf32> to vector<16xf32>
      %add3A_1644 = arith.addf %scan3A_1623, %get3A_1643 : vector<16xf32>
      %mul3A_1645 = arith.constant 2 : i32
      %mul3A_1646 = arith.muli %mul3A_1645, %scan3A_1620 : i32
      %get3A_1647 = arith.index_cast %mul3A_1646 : i32 to index
      %get3A_1648 = arith.constant 48 : index
      %get3A_1649 = tpu.vector_load %arg15[%get3A_1647, %get3A_1648] {strides = array<i32>} : memref<50x64xf32, #tpu.memory_space<vmem>>, vector<1x16xf32>,
      %get3A_1650 = vector.shape_cast %get3A_1649 : vector<1x16xf32> to vector<16xf32>
      %add3A_1651 = arith.addf %scan3A_1624, %get3A_1650 : vector<16xf32>
      %mul3A_1652 = arith.constant 2 : i32
      %mul3A_1653 = arith.muli %mul3A_1652, %scan3A_1620 : i32
      %add3A_1654 = arith.constant 1 : i32
      %add3A_1655 = arith.addi %mul3A_1653, %add3A_1654 : i32
      %get3A_1656 = arith.index_cast %add3A_1655 : i32 to index
      %get3A_1657 = arith.constant 0 : index
      %get3A_1658 = tpu.vector_load %arg15[%get3A_1656, %get3A_1657] {strides = array<i32>} : memref<50x64xf32, #tpu.memory_space<vmem>>, vector<1x16xf32>,
      %get3A_1659 = vector.shape_cast %get3A_1658 : vector<1x16xf32> to vector<16xf32>
      %add3A_1660 = arith.addf %add3A_1630, %get3A_1659 : vector<16xf32>
      %mul3A_1661 = arith.constant 2 : i32
      %mul3A_1662 = arith.muli %mul3A_1661, %scan3A_1620 : i32
      %add3A_1663 = arith.constant 1 : i32
      %add3A_1664 = arith.addi %mul3A_1662, %add3A_1663 : i32
      %get3A_1665 = arith.index_cast %add3A_1664 : i32 to index
      %get3A_1666 = arith.constant 16 : index
      %get3A_1667 = tpu.vector_load %arg15[%get3A_1665, %get3A_1666] {strides = array<i32>} : memref<50x64xf32, #tpu.memory_space<vmem>>, vector<1x16xf32>,
      %get3A_1668 = vector.shape_cast %get3A_1667 : vector<1x16xf32> to vector<16xf32>
      %add3A_1669 = arith.addf %add3A_1637, %get3A_1668 : vector<16xf32>
      %mul3A_1670 = arith.constant 2 : i32
      %mul3A_1671 = arith.muli %mul3A_1670, %scan3A_1620 : i32
      %add3A_1672 = arith.constant 1 : i32
      %add3A_1673 = arith.addi %mul3A_1671, %add3A_1672 : i32
      %get3A_1674 = arith.index_cast %add3A_1673 : i32 to index
      %get3A_1675 = arith.constant 32 : index
      %get3A_1676 = tpu.vector_load %arg15[%get3A_1674, %get3A_1675] {strides = array<i32>} : memref<50x64xf32, #tpu.memory_space<vmem>>, vector<1x16xf32>,
      %get3A_1677 = vector.shape_cast %get3A_1676 : vector<1x16xf32> to vector<16xf32>
      %add3A_1678 = arith.addf %add3A_1644, %get3A_1677 : vector<16xf32>
      %mul3A_1679 = arith.constant 2 : i32
      %mul3A_1680 = arith.muli %mul3A_1679, %scan3A_1620 : i32
      %add3A_1681 = arith.constant 1 : i32
      %add3A_1682 = arith.addi %mul3A_1680, %add3A_1681 : i32
      %get3A_1683 = arith.index_cast %add3A_1682 : i32 to index
      %get3A_1684 = arith.constant 48 : index
      %get3A_1685 = tpu.vector_load %arg15[%get3A_1683, %get3A_1684] {strides = array<i32>} : memref<50x64xf32, #tpu.memory_space<vmem>>, vector<1x16xf32>,
      %get3A_1686 = vector.shape_cast %get3A_1685 : vector<1x16xf32> to vector<16xf32>
      %add3A_1687 = arith.addf %add3A_1651, %get3A_1686 : vector<16xf32>
      scf.yield %add3A_1660, %add3A_1669, %add3A_1678, %add3A_1687 : vector<16xf32>, vector<16xf32>, vector<16xf32>, vector<16xf32>
    }
    %scan3A_1422 = arith.constant 25 : i32
    %swap3A_1423 = arith.constant 28 : i32
    %swap3A_1424 = arith.index_cast %swap3A_1423 : i32 to index
    %swap3A_1425 = arith.constant 0 : index
    %swap3A_1426 = tpu.vector_load %arg9[%swap3A_1424, %swap3A_1425] {strides = array<i32>} : memref<32x64xf32, #tpu.memory_space<vmem>>, vector<1x16xf32>,
    %swap3A_1427 = vector.shape_cast %swap3A_1426 : vector<1x16xf32> to vector<16xf32>
    %swap3A_1428 = vector.shape_cast %scan3A_1421#0 : vector<16xf32> to vector<1x16xf32>
    tpu.vector_store %arg9[%swap3A_1424, %swap3A_1425], %swap3A_1428 {strides = array<i32>} : memref<32x64xf32, #tpu.memory_space<vmem>>, vector<1x16xf32>,
    %swap3A_1429 = arith.constant 28 : i32
    %swap3A_1430 = arith.index_cast %swap3A_1429 : i32 to index
    %swap3A_1431 = arith.constant 16 : index
    %swap3A_1432 = tpu.vector_load %arg9[%swap3A_1430, %swap3A_1431] {strides = array<i32>} : memref<32x64xf32, #tpu.memory_space<vmem>>, vector<1x16xf32>,
    %swap3A_1433 = vector.shape_cast %swap3A_1432 : vector<1x16xf32> to vector<16xf32>
    %swap3A_1434 = vector.shape_cast %scan3A_1421#1 : vector<16xf32> to vector<1x16xf32>
    tpu.vector_store %arg9[%swap3A_1430, %swap3A_1431], %swap3A_1434 {strides = array<i32>} : memref<32x64xf32, #tpu.memory_space<vmem>>, vector<1x16xf32>,
    %swap3A_1435 = arith.constant 28 : i32
    %swap3A_1436 = arith.index_cast %swap3A_1435 : i32 to index
    %swap3A_1437 = arith.constant 32 : index
    %swap3A_1438 = tpu.vector_load %arg9[%swap3A_1436, %swap3A_1437] {strides = array<i32>} : memref<32x64xf32, #tpu.memory_space<vmem>>, vector<1x16xf32>,
    %swap3A_1439 = vector.shape_cast %swap3A_1438 : vector<1x16xf32> to vector<16xf32>
    %swap3A_1440 = vector.shape_cast %scan3A_1421#2 : vector<16xf32> to vector<1x16xf32>
    tpu.vector_store %arg9[%swap3A_1436, %swap3A_1437], %swap3A_1440 {strides = array<i32>} : memref<32x64xf32, #tpu.memory_space<vmem>>, vector<1x16xf32>,
    %swap3A_1441 = arith.constant 28 : i32
    %swap3A_1442 = arith.index_cast %swap3A_1441 : i32 to index
    %swap3A_1443 = arith.constant 48 : index
    %swap3A_1444 = tpu.vector_load %arg9[%swap3A_1442, %swap3A_1443] {strides = array<i32>} : memref<32x64xf32, #tpu.memory_space<vmem>>, vector<1x16xf32>,
    %swap3A_1445 = vector.shape_cast %swap3A_1444 : vector<1x16xf32> to vector<16xf32>
    %swap3A_1446 = vector.shape_cast %scan3A_1421#3 : vector<16xf32> to vector<1x16xf32>
    tpu.vector_store %arg9[%swap3A_1442, %swap3A_1443], %swap3A_1446 {strides = array<i32>} : memref<32x64xf32, #tpu.memory_space<vmem>>, vector<1x16xf32>,
    %dma_wait3A_1447 = arith.constant 1624 : i32
    %dma_wait3A_1448 = tpu.memref_slice %arg7[%dma_wait3A_1447] : memref<1792xi32, #tpu.memory_space<vmem>> -> memref<50xi32, #tpu.memory_space<vmem>>
    %dma_wait3A_1449 = arith.constant 0 : i32
    %dma_wait3A_1450 = arith.constant 0 : i32
    %dma_wait3A_1451 = tpu.memref_slice %arg4[%dma_wait3A_1449, %dma_wait3A_1450] : memref<2000000x64xf32, #tpu.memory_space<hbm>> -> memref<2000000x64xf32, #tpu.memory_space<hbm>>
    tpu.wait_indirect_dma semaphore(%arg22 : memref<!tpu.dma_semaphore, #tpu.memory_space<semaphore_mem>>) src(%dma_wait3A_1451 : memref<2000000x64xf32, #tpu.memory_space<hbm>>) dst(%arg16 : memref<50x64xf32, #tpu.memory_space<vmem>>)
    %broadcast_in_dim3A_1452 = arith.constant 0.000000e+00 : f32
    %broadcast_in_dim3A_1453 = vector.broadcast %broadcast_in_dim3A_1452 : f32 to vector<16xf32>
    %broadcast_in_dim3A_1454 = arith.constant 0.000000e+00 : f32
    %broadcast_in_dim3A_1455 = vector.broadcast %broadcast_in_dim3A_1454 : f32 to vector<16xf32>
    %broadcast_in_dim3A_1456 = arith.constant 0.000000e+00 : f32
    %broadcast_in_dim3A_1457 = vector.broadcast %broadcast_in_dim3A_1456 : f32 to vector<16xf32>
    %broadcast_in_dim3A_1458 = arith.constant 0.000000e+00 : f32
    %broadcast_in_dim3A_1459 = vector.broadcast %broadcast_in_dim3A_1458 : f32 to vector<16xf32>
    %scan3A_1460 = arith.constant 0 : i32
    %scan3A_1461 = arith.constant 25 : i32
    %scan3A_1462 = arith.addi %scan3A_1460, %scan3A_1461 : i32
    %scan3A_1463 = arith.constant 1 : i32
    %scan3A_1464:4 = scf.for %scan3A_1620 = %scan3A_1460 to %scan3A_1462 step %scan3A_1463 iter_args(%scan3A_1621 = %broadcast_in_dim3A_1453, %scan3A_1622 = %broadcast_in_dim3A_1455, %scan3A_1623 = %broadcast_in_dim3A_1457, %scan3A_1624 = %broadcast_in_dim3A_1459) -> (vector<16xf32>, vector<16xf32>, vector<16xf32>, vector<16xf32>)  : i32 {
      %mul3A_1625 = arith.constant 2 : i32
      %mul3A_1626 = arith.muli %mul3A_1625, %scan3A_1620 : i32
      %get3A = arith.index_cast %mul3A_1626 : i32 to index
      %get3A_1627 = arith.constant 0 : index
      %get3A_1628 = tpu.vector_load %arg16[%get3A, %get3A_1627] {strides = array<i32>} : memref<50x64xf32, #tpu.memory_space<vmem>>, vector<1x16xf32>,
      %get3A_1629 = vector.shape_cast %get3A_1628 : vector<1x16xf32> to vector<16xf32>
      %add3A_1630 = arith.addf %scan3A_1621, %get3A_1629 : vector<16xf32>
      %mul3A_1631 = arith.constant 2 : i32
      %mul3A_1632 = arith.muli %mul3A_1631, %scan3A_1620 : i32
      %get3A_1633 = arith.index_cast %mul3A_1632 : i32 to index
      %get3A_1634 = arith.constant 16 : index
      %get3A_1635 = tpu.vector_load %arg16[%get3A_1633, %get3A_1634] {strides = array<i32>} : memref<50x64xf32, #tpu.memory_space<vmem>>, vector<1x16xf32>,
      %get3A_1636 = vector.shape_cast %get3A_1635 : vector<1x16xf32> to vector<16xf32>
      %add3A_1637 = arith.addf %scan3A_1622, %get3A_1636 : vector<16xf32>
      %mul3A_1638 = arith.constant 2 : i32
      %mul3A_1639 = arith.muli %mul3A_1638, %scan3A_1620 : i32
      %get3A_1640 = arith.index_cast %mul3A_1639 : i32 to index
      %get3A_1641 = arith.constant 32 : index
      %get3A_1642 = tpu.vector_load %arg16[%get3A_1640, %get3A_1641] {strides = array<i32>} : memref<50x64xf32, #tpu.memory_space<vmem>>, vector<1x16xf32>,
      %get3A_1643 = vector.shape_cast %get3A_1642 : vector<1x16xf32> to vector<16xf32>
      %add3A_1644 = arith.addf %scan3A_1623, %get3A_1643 : vector<16xf32>
      %mul3A_1645 = arith.constant 2 : i32
      %mul3A_1646 = arith.muli %mul3A_1645, %scan3A_1620 : i32
      %get3A_1647 = arith.index_cast %mul3A_1646 : i32 to index
      %get3A_1648 = arith.constant 48 : index
      %get3A_1649 = tpu.vector_load %arg16[%get3A_1647, %get3A_1648] {strides = array<i32>} : memref<50x64xf32, #tpu.memory_space<vmem>>, vector<1x16xf32>,
      %get3A_1650 = vector.shape_cast %get3A_1649 : vector<1x16xf32> to vector<16xf32>
      %add3A_1651 = arith.addf %scan3A_1624, %get3A_1650 : vector<16xf32>
      %mul3A_1652 = arith.constant 2 : i32
      %mul3A_1653 = arith.muli %mul3A_1652, %scan3A_1620 : i32
      %add3A_1654 = arith.constant 1 : i32
      %add3A_1655 = arith.addi %mul3A_1653, %add3A_1654 : i32
      %get3A_1656 = arith.index_cast %add3A_1655 : i32 to index
      %get3A_1657 = arith.constant 0 : index
      %get3A_1658 = tpu.vector_load %arg16[%get3A_1656, %get3A_1657] {strides = array<i32>} : memref<50x64xf32, #tpu.memory_space<vmem>>, vector<1x16xf32>,
      %get3A_1659 = vector.shape_cast %get3A_1658 : vector<1x16xf32> to vector<16xf32>
      %add3A_1660 = arith.addf %add3A_1630, %get3A_1659 : vector<16xf32>
      %mul3A_1661 = arith.constant 2 : i32
      %mul3A_1662 = arith.muli %mul3A_1661, %scan3A_1620 : i32
      %add3A_1663 = arith.constant 1 : i32
      %add3A_1664 = arith.addi %mul3A_1662, %add3A_1663 : i32
      %get3A_1665 = arith.index_cast %add3A_1664 : i32 to index
      %get3A_1666 = arith.constant 16 : index
      %get3A_1667 = tpu.vector_load %arg16[%get3A_1665, %get3A_1666] {strides = array<i32>} : memref<50x64xf32, #tpu.memory_space<vmem>>, vector<1x16xf32>,
      %get3A_1668 = vector.shape_cast %get3A_1667 : vector<1x16xf32> to vector<16xf32>
      %add3A_1669 = arith.addf %add3A_1637, %get3A_1668 : vector<16xf32>
      %mul3A_1670 = arith.constant 2 : i32
      %mul3A_1671 = arith.muli %mul3A_1670, %scan3A_1620 : i32
      %add3A_1672 = arith.constant 1 : i32
      %add3A_1673 = arith.addi %mul3A_1671, %add3A_1672 : i32
      %get3A_1674 = arith.index_cast %add3A_1673 : i32 to index
      %get3A_1675 = arith.constant 32 : index
      %get3A_1676 = tpu.vector_load %arg16[%get3A_1674, %get3A_1675] {strides = array<i32>} : memref<50x64xf32, #tpu.memory_space<vmem>>, vector<1x16xf32>,
      %get3A_1677 = vector.shape_cast %get3A_1676 : vector<1x16xf32> to vector<16xf32>
      %add3A_1678 = arith.addf %add3A_1644, %get3A_1677 : vector<16xf32>
      %mul3A_1679 = arith.constant 2 : i32
      %mul3A_1680 = arith.muli %mul3A_1679, %scan3A_1620 : i32
      %add3A_1681 = arith.constant 1 : i32
      %add3A_1682 = arith.addi %mul3A_1680, %add3A_1681 : i32
      %get3A_1683 = arith.index_cast %add3A_1682 : i32 to index
      %get3A_1684 = arith.constant 48 : index
      %get3A_1685 = tpu.vector_load %arg16[%get3A_1683, %get3A_1684] {strides = array<i32>} : memref<50x64xf32, #tpu.memory_space<vmem>>, vector<1x16xf32>,
      %get3A_1686 = vector.shape_cast %get3A_1685 : vector<1x16xf32> to vector<16xf32>
      %add3A_1687 = arith.addf %add3A_1651, %get3A_1686 : vector<16xf32>
      scf.yield %add3A_1660, %add3A_1669, %add3A_1678, %add3A_1687 : vector<16xf32>, vector<16xf32>, vector<16xf32>, vector<16xf32>
    }
    %scan3A_1465 = arith.constant 25 : i32
    %swap3A_1466 = arith.constant 29 : i32
    %swap3A_1467 = arith.index_cast %swap3A_1466 : i32 to index
    %swap3A_1468 = arith.constant 0 : index
    %swap3A_1469 = tpu.vector_load %arg9[%swap3A_1467, %swap3A_1468] {strides = array<i32>} : memref<32x64xf32, #tpu.memory_space<vmem>>, vector<1x16xf32>,
    %swap3A_1470 = vector.shape_cast %swap3A_1469 : vector<1x16xf32> to vector<16xf32>
    %swap3A_1471 = vector.shape_cast %scan3A_1464#0 : vector<16xf32> to vector<1x16xf32>
    tpu.vector_store %arg9[%swap3A_1467, %swap3A_1468], %swap3A_1471 {strides = array<i32>} : memref<32x64xf32, #tpu.memory_space<vmem>>, vector<1x16xf32>,
    %swap3A_1472 = arith.constant 29 : i32
    %swap3A_1473 = arith.index_cast %swap3A_1472 : i32 to index
    %swap3A_1474 = arith.constant 16 : index
    %swap3A_1475 = tpu.vector_load %arg9[%swap3A_1473, %swap3A_1474] {strides = array<i32>} : memref<32x64xf32, #tpu.memory_space<vmem>>, vector<1x16xf32>,
    %swap3A_1476 = vector.shape_cast %swap3A_1475 : vector<1x16xf32> to vector<16xf32>
    %swap3A_1477 = vector.shape_cast %scan3A_1464#1 : vector<16xf32> to vector<1x16xf32>
    tpu.vector_store %arg9[%swap3A_1473, %swap3A_1474], %swap3A_1477 {strides = array<i32>} : memref<32x64xf32, #tpu.memory_space<vmem>>, vector<1x16xf32>,
    %swap3A_1478 = arith.constant 29 : i32
    %swap3A_1479 = arith.index_cast %swap3A_1478 : i32 to index
    %swap3A_1480 = arith.constant 32 : index
    %swap3A_1481 = tpu.vector_load %arg9[%swap3A_1479, %swap3A_1480] {strides = array<i32>} : memref<32x64xf32, #tpu.memory_space<vmem>>, vector<1x16xf32>,
    %swap3A_1482 = vector.shape_cast %swap3A_1481 : vector<1x16xf32> to vector<16xf32>
    %swap3A_1483 = vector.shape_cast %scan3A_1464#2 : vector<16xf32> to vector<1x16xf32>
    tpu.vector_store %arg9[%swap3A_1479, %swap3A_1480], %swap3A_1483 {strides = array<i32>} : memref<32x64xf32, #tpu.memory_space<vmem>>, vector<1x16xf32>,
    %swap3A_1484 = arith.constant 29 : i32
    %swap3A_1485 = arith.index_cast %swap3A_1484 : i32 to index
    %swap3A_1486 = arith.constant 48 : index
    %swap3A_1487 = tpu.vector_load %arg9[%swap3A_1485, %swap3A_1486] {strides = array<i32>} : memref<32x64xf32, #tpu.memory_space<vmem>>, vector<1x16xf32>,
    %swap3A_1488 = vector.shape_cast %swap3A_1487 : vector<1x16xf32> to vector<16xf32>
    %swap3A_1489 = vector.shape_cast %scan3A_1464#3 : vector<16xf32> to vector<1x16xf32>
    tpu.vector_store %arg9[%swap3A_1485, %swap3A_1486], %swap3A_1489 {strides = array<i32>} : memref<32x64xf32, #tpu.memory_space<vmem>>, vector<1x16xf32>,
    %dma_wait3A_1490 = arith.constant 1680 : i32
    %dma_wait3A_1491 = tpu.memref_slice %arg7[%dma_wait3A_1490] : memref<1792xi32, #tpu.memory_space<vmem>> -> memref<50xi32, #tpu.memory_space<vmem>>
    %dma_wait3A_1492 = arith.constant 0 : i32
    %dma_wait3A_1493 = arith.constant 0 : i32
    %dma_wait3A_1494 = tpu.memref_slice %arg4[%dma_wait3A_1492, %dma_wait3A_1493] : memref<2000000x64xf32, #tpu.memory_space<hbm>> -> memref<2000000x64xf32, #tpu.memory_space<hbm>>
    tpu.wait_indirect_dma semaphore(%arg17 : memref<!tpu.dma_semaphore, #tpu.memory_space<semaphore_mem>>) src(%dma_wait3A_1494 : memref<2000000x64xf32, #tpu.memory_space<hbm>>) dst(%arg11 : memref<50x64xf32, #tpu.memory_space<vmem>>)
    %broadcast_in_dim3A_1495 = arith.constant 0.000000e+00 : f32
    %broadcast_in_dim3A_1496 = vector.broadcast %broadcast_in_dim3A_1495 : f32 to vector<16xf32>
    %broadcast_in_dim3A_1497 = arith.constant 0.000000e+00 : f32
    %broadcast_in_dim3A_1498 = vector.broadcast %broadcast_in_dim3A_1497 : f32 to vector<16xf32>
    %broadcast_in_dim3A_1499 = arith.constant 0.000000e+00 : f32
    %broadcast_in_dim3A_1500 = vector.broadcast %broadcast_in_dim3A_1499 : f32 to vector<16xf32>
    %broadcast_in_dim3A_1501 = arith.constant 0.000000e+00 : f32
    %broadcast_in_dim3A_1502 = vector.broadcast %broadcast_in_dim3A_1501 : f32 to vector<16xf32>
    %scan3A_1503 = arith.constant 0 : i32
    %scan3A_1504 = arith.constant 25 : i32
    %scan3A_1505 = arith.addi %scan3A_1503, %scan3A_1504 : i32
    %scan3A_1506 = arith.constant 1 : i32
    %scan3A_1507:4 = scf.for %scan3A_1620 = %scan3A_1503 to %scan3A_1505 step %scan3A_1506 iter_args(%scan3A_1621 = %broadcast_in_dim3A_1496, %scan3A_1622 = %broadcast_in_dim3A_1498, %scan3A_1623 = %broadcast_in_dim3A_1500, %scan3A_1624 = %broadcast_in_dim3A_1502) -> (vector<16xf32>, vector<16xf32>, vector<16xf32>, vector<16xf32>)  : i32 {
      %mul3A_1625 = arith.constant 2 : i32
      %mul3A_1626 = arith.muli %mul3A_1625, %scan3A_1620 : i32
      %get3A = arith.index_cast %mul3A_1626 : i32 to index
      %get3A_1627 = arith.constant 0 : index
      %get3A_1628 = tpu.vector_load %arg11[%get3A, %get3A_1627] {strides = array<i32>} : memref<50x64xf32, #tpu.memory_space<vmem>>, vector<1x16xf32>,
      %get3A_1629 = vector.shape_cast %get3A_1628 : vector<1x16xf32> to vector<16xf32>
      %add3A_1630 = arith.addf %scan3A_1621, %get3A_1629 : vector<16xf32>
      %mul3A_1631 = arith.constant 2 : i32
      %mul3A_1632 = arith.muli %mul3A_1631, %scan3A_1620 : i32
      %get3A_1633 = arith.index_cast %mul3A_1632 : i32 to index
      %get3A_1634 = arith.constant 16 : index
      %get3A_1635 = tpu.vector_load %arg11[%get3A_1633, %get3A_1634] {strides = array<i32>} : memref<50x64xf32, #tpu.memory_space<vmem>>, vector<1x16xf32>,
      %get3A_1636 = vector.shape_cast %get3A_1635 : vector<1x16xf32> to vector<16xf32>
      %add3A_1637 = arith.addf %scan3A_1622, %get3A_1636 : vector<16xf32>
      %mul3A_1638 = arith.constant 2 : i32
      %mul3A_1639 = arith.muli %mul3A_1638, %scan3A_1620 : i32
      %get3A_1640 = arith.index_cast %mul3A_1639 : i32 to index
      %get3A_1641 = arith.constant 32 : index
      %get3A_1642 = tpu.vector_load %arg11[%get3A_1640, %get3A_1641] {strides = array<i32>} : memref<50x64xf32, #tpu.memory_space<vmem>>, vector<1x16xf32>,
      %get3A_1643 = vector.shape_cast %get3A_1642 : vector<1x16xf32> to vector<16xf32>
      %add3A_1644 = arith.addf %scan3A_1623, %get3A_1643 : vector<16xf32>
      %mul3A_1645 = arith.constant 2 : i32
      %mul3A_1646 = arith.muli %mul3A_1645, %scan3A_1620 : i32
      %get3A_1647 = arith.index_cast %mul3A_1646 : i32 to index
      %get3A_1648 = arith.constant 48 : index
      %get3A_1649 = tpu.vector_load %arg11[%get3A_1647, %get3A_1648] {strides = array<i32>} : memref<50x64xf32, #tpu.memory_space<vmem>>, vector<1x16xf32>,
      %get3A_1650 = vector.shape_cast %get3A_1649 : vector<1x16xf32> to vector<16xf32>
      %add3A_1651 = arith.addf %scan3A_1624, %get3A_1650 : vector<16xf32>
      %mul3A_1652 = arith.constant 2 : i32
      %mul3A_1653 = arith.muli %mul3A_1652, %scan3A_1620 : i32
      %add3A_1654 = arith.constant 1 : i32
      %add3A_1655 = arith.addi %mul3A_1653, %add3A_1654 : i32
      %get3A_1656 = arith.index_cast %add3A_1655 : i32 to index
      %get3A_1657 = arith.constant 0 : index
      %get3A_1658 = tpu.vector_load %arg11[%get3A_1656, %get3A_1657] {strides = array<i32>} : memref<50x64xf32, #tpu.memory_space<vmem>>, vector<1x16xf32>,
      %get3A_1659 = vector.shape_cast %get3A_1658 : vector<1x16xf32> to vector<16xf32>
      %add3A_1660 = arith.addf %add3A_1630, %get3A_1659 : vector<16xf32>
      %mul3A_1661 = arith.constant 2 : i32
      %mul3A_1662 = arith.muli %mul3A_1661, %scan3A_1620 : i32
      %add3A_1663 = arith.constant 1 : i32
      %add3A_1664 = arith.addi %mul3A_1662, %add3A_1663 : i32
      %get3A_1665 = arith.index_cast %add3A_1664 : i32 to index
      %get3A_1666 = arith.constant 16 : index
      %get3A_1667 = tpu.vector_load %arg11[%get3A_1665, %get3A_1666] {strides = array<i32>} : memref<50x64xf32, #tpu.memory_space<vmem>>, vector<1x16xf32>,
      %get3A_1668 = vector.shape_cast %get3A_1667 : vector<1x16xf32> to vector<16xf32>
      %add3A_1669 = arith.addf %add3A_1637, %get3A_1668 : vector<16xf32>
      %mul3A_1670 = arith.constant 2 : i32
      %mul3A_1671 = arith.muli %mul3A_1670, %scan3A_1620 : i32
      %add3A_1672 = arith.constant 1 : i32
      %add3A_1673 = arith.addi %mul3A_1671, %add3A_1672 : i32
      %get3A_1674 = arith.index_cast %add3A_1673 : i32 to index
      %get3A_1675 = arith.constant 32 : index
      %get3A_1676 = tpu.vector_load %arg11[%get3A_1674, %get3A_1675] {strides = array<i32>} : memref<50x64xf32, #tpu.memory_space<vmem>>, vector<1x16xf32>,
      %get3A_1677 = vector.shape_cast %get3A_1676 : vector<1x16xf32> to vector<16xf32>
      %add3A_1678 = arith.addf %add3A_1644, %get3A_1677 : vector<16xf32>
      %mul3A_1679 = arith.constant 2 : i32
      %mul3A_1680 = arith.muli %mul3A_1679, %scan3A_1620 : i32
      %add3A_1681 = arith.constant 1 : i32
      %add3A_1682 = arith.addi %mul3A_1680, %add3A_1681 : i32
      %get3A_1683 = arith.index_cast %add3A_1682 : i32 to index
      %get3A_1684 = arith.constant 48 : index
      %get3A_1685 = tpu.vector_load %arg11[%get3A_1683, %get3A_1684] {strides = array<i32>} : memref<50x64xf32, #tpu.memory_space<vmem>>, vector<1x16xf32>,
      %get3A_1686 = vector.shape_cast %get3A_1685 : vector<1x16xf32> to vector<16xf32>
      %add3A_1687 = arith.addf %add3A_1651, %get3A_1686 : vector<16xf32>
      scf.yield %add3A_1660, %add3A_1669, %add3A_1678, %add3A_1687 : vector<16xf32>, vector<16xf32>, vector<16xf32>, vector<16xf32>
    }
    %scan3A_1508 = arith.constant 25 : i32
    %swap3A_1509 = arith.constant 30 : i32
    %swap3A_1510 = arith.index_cast %swap3A_1509 : i32 to index
    %swap3A_1511 = arith.constant 0 : index
    %swap3A_1512 = tpu.vector_load %arg9[%swap3A_1510, %swap3A_1511] {strides = array<i32>} : memref<32x64xf32, #tpu.memory_space<vmem>>, vector<1x16xf32>,
    %swap3A_1513 = vector.shape_cast %swap3A_1512 : vector<1x16xf32> to vector<16xf32>
    %swap3A_1514 = vector.shape_cast %scan3A_1507#0 : vector<16xf32> to vector<1x16xf32>
    tpu.vector_store %arg9[%swap3A_1510, %swap3A_1511], %swap3A_1514 {strides = array<i32>} : memref<32x64xf32, #tpu.memory_space<vmem>>, vector<1x16xf32>,
    %swap3A_1515 = arith.constant 30 : i32
    %swap3A_1516 = arith.index_cast %swap3A_1515 : i32 to index
    %swap3A_1517 = arith.constant 16 : index
    %swap3A_1518 = tpu.vector_load %arg9[%swap3A_1516, %swap3A_1517] {strides = array<i32>} : memref<32x64xf32, #tpu.memory_space<vmem>>, vector<1x16xf32>,
    %swap3A_1519 = vector.shape_cast %swap3A_1518 : vector<1x16xf32> to vector<16xf32>
    %swap3A_1520 = vector.shape_cast %scan3A_1507#1 : vector<16xf32> to vector<1x16xf32>
    tpu.vector_store %arg9[%swap3A_1516, %swap3A_1517], %swap3A_1520 {strides = array<i32>} : memref<32x64xf32, #tpu.memory_space<vmem>>, vector<1x16xf32>,
    %swap3A_1521 = arith.constant 30 : i32
    %swap3A_1522 = arith.index_cast %swap3A_1521 : i32 to index
    %swap3A_1523 = arith.constant 32 : index
    %swap3A_1524 = tpu.vector_load %arg9[%swap3A_1522, %swap3A_1523] {strides = array<i32>} : memref<32x64xf32, #tpu.memory_space<vmem>>, vector<1x16xf32>,
    %swap3A_1525 = vector.shape_cast %swap3A_1524 : vector<1x16xf32> to vector<16xf32>
    %swap3A_1526 = vector.shape_cast %scan3A_1507#2 : vector<16xf32> to vector<1x16xf32>
    tpu.vector_store %arg9[%swap3A_1522, %swap3A_1523], %swap3A_1526 {strides = array<i32>} : memref<32x64xf32, #tpu.memory_space<vmem>>, vector<1x16xf32>,
    %swap3A_1527 = arith.constant 30 : i32
    %swap3A_1528 = arith.index_cast %swap3A_1527 : i32 to index
    %swap3A_1529 = arith.constant 48 : index
    %swap3A_1530 = tpu.vector_load %arg9[%swap3A_1528, %swap3A_1529] {strides = array<i32>} : memref<32x64xf32, #tpu.memory_space<vmem>>, vector<1x16xf32>,
    %swap3A_1531 = vector.shape_cast %swap3A_1530 : vector<1x16xf32> to vector<16xf32>
    %swap3A_1532 = vector.shape_cast %scan3A_1507#3 : vector<16xf32> to vector<1x16xf32>
    tpu.vector_store %arg9[%swap3A_1528, %swap3A_1529], %swap3A_1532 {strides = array<i32>} : memref<32x64xf32, #tpu.memory_space<vmem>>, vector<1x16xf32>,
    %dma_wait3A_1533 = arith.constant 1736 : i32
    %dma_wait3A_1534 = tpu.memref_slice %arg7[%dma_wait3A_1533] : memref<1792xi32, #tpu.memory_space<vmem>> -> memref<50xi32, #tpu.memory_space<vmem>>
    %dma_wait3A_1535 = arith.constant 0 : i32
    %dma_wait3A_1536 = arith.constant 0 : i32
    %dma_wait3A_1537 = tpu.memref_slice %arg4[%dma_wait3A_1535, %dma_wait3A_1536] : memref<2000000x64xf32, #tpu.memory_space<hbm>> -> memref<2000000x64xf32, #tpu.memory_space<hbm>>
    tpu.wait_indirect_dma semaphore(%arg18 : memref<!tpu.dma_semaphore, #tpu.memory_space<semaphore_mem>>) src(%dma_wait3A_1537 : memref<2000000x64xf32, #tpu.memory_space<hbm>>) dst(%arg12 : memref<50x64xf32, #tpu.memory_space<vmem>>)
    %broadcast_in_dim3A_1538 = arith.constant 0.000000e+00 : f32
    %broadcast_in_dim3A_1539 = vector.broadcast %broadcast_in_dim3A_1538 : f32 to vector<16xf32>
    %broadcast_in_dim3A_1540 = arith.constant 0.000000e+00 : f32
    %broadcast_in_dim3A_1541 = vector.broadcast %broadcast_in_dim3A_1540 : f32 to vector<16xf32>
    %broadcast_in_dim3A_1542 = arith.constant 0.000000e+00 : f32
    %broadcast_in_dim3A_1543 = vector.broadcast %broadcast_in_dim3A_1542 : f32 to vector<16xf32>
    %broadcast_in_dim3A_1544 = arith.constant 0.000000e+00 : f32
    %broadcast_in_dim3A_1545 = vector.broadcast %broadcast_in_dim3A_1544 : f32 to vector<16xf32>
    %scan3A_1546 = arith.constant 0 : i32
    %scan3A_1547 = arith.constant 25 : i32
    %scan3A_1548 = arith.addi %scan3A_1546, %scan3A_1547 : i32
    %scan3A_1549 = arith.constant 1 : i32
    %scan3A_1550:4 = scf.for %scan3A_1620 = %scan3A_1546 to %scan3A_1548 step %scan3A_1549 iter_args(%scan3A_1621 = %broadcast_in_dim3A_1539, %scan3A_1622 = %broadcast_in_dim3A_1541, %scan3A_1623 = %broadcast_in_dim3A_1543, %scan3A_1624 = %broadcast_in_dim3A_1545) -> (vector<16xf32>, vector<16xf32>, vector<16xf32>, vector<16xf32>)  : i32 {
      %mul3A_1625 = arith.constant 2 : i32
      %mul3A_1626 = arith.muli %mul3A_1625, %scan3A_1620 : i32
      %get3A = arith.index_cast %mul3A_1626 : i32 to index
      %get3A_1627 = arith.constant 0 : index
      %get3A_1628 = tpu.vector_load %arg12[%get3A, %get3A_1627] {strides = array<i32>} : memref<50x64xf32, #tpu.memory_space<vmem>>, vector<1x16xf32>,
      %get3A_1629 = vector.shape_cast %get3A_1628 : vector<1x16xf32> to vector<16xf32>
      %add3A_1630 = arith.addf %scan3A_1621, %get3A_1629 : vector<16xf32>
      %mul3A_1631 = arith.constant 2 : i32
      %mul3A_1632 = arith.muli %mul3A_1631, %scan3A_1620 : i32
      %get3A_1633 = arith.index_cast %mul3A_1632 : i32 to index
      %get3A_1634 = arith.constant 16 : index
      %get3A_1635 = tpu.vector_load %arg12[%get3A_1633, %get3A_1634] {strides = array<i32>} : memref<50x64xf32, #tpu.memory_space<vmem>>, vector<1x16xf32>,
      %get3A_1636 = vector.shape_cast %get3A_1635 : vector<1x16xf32> to vector<16xf32>
      %add3A_1637 = arith.addf %scan3A_1622, %get3A_1636 : vector<16xf32>
      %mul3A_1638 = arith.constant 2 : i32
      %mul3A_1639 = arith.muli %mul3A_1638, %scan3A_1620 : i32
      %get3A_1640 = arith.index_cast %mul3A_1639 : i32 to index
      %get3A_1641 = arith.constant 32 : index
      %get3A_1642 = tpu.vector_load %arg12[%get3A_1640, %get3A_1641] {strides = array<i32>} : memref<50x64xf32, #tpu.memory_space<vmem>>, vector<1x16xf32>,
      %get3A_1643 = vector.shape_cast %get3A_1642 : vector<1x16xf32> to vector<16xf32>
      %add3A_1644 = arith.addf %scan3A_1623, %get3A_1643 : vector<16xf32>
      %mul3A_1645 = arith.constant 2 : i32
      %mul3A_1646 = arith.muli %mul3A_1645, %scan3A_1620 : i32
      %get3A_1647 = arith.index_cast %mul3A_1646 : i32 to index
      %get3A_1648 = arith.constant 48 : index
      %get3A_1649 = tpu.vector_load %arg12[%get3A_1647, %get3A_1648] {strides = array<i32>} : memref<50x64xf32, #tpu.memory_space<vmem>>, vector<1x16xf32>,
      %get3A_1650 = vector.shape_cast %get3A_1649 : vector<1x16xf32> to vector<16xf32>
      %add3A_1651 = arith.addf %scan3A_1624, %get3A_1650 : vector<16xf32>
      %mul3A_1652 = arith.constant 2 : i32
      %mul3A_1653 = arith.muli %mul3A_1652, %scan3A_1620 : i32
      %add3A_1654 = arith.constant 1 : i32
      %add3A_1655 = arith.addi %mul3A_1653, %add3A_1654 : i32
      %get3A_1656 = arith.index_cast %add3A_1655 : i32 to index
      %get3A_1657 = arith.constant 0 : index
      %get3A_1658 = tpu.vector_load %arg12[%get3A_1656, %get3A_1657] {strides = array<i32>} : memref<50x64xf32, #tpu.memory_space<vmem>>, vector<1x16xf32>,
      %get3A_1659 = vector.shape_cast %get3A_1658 : vector<1x16xf32> to vector<16xf32>
      %add3A_1660 = arith.addf %add3A_1630, %get3A_1659 : vector<16xf32>
      %mul3A_1661 = arith.constant 2 : i32
      %mul3A_1662 = arith.muli %mul3A_1661, %scan3A_1620 : i32
      %add3A_1663 = arith.constant 1 : i32
      %add3A_1664 = arith.addi %mul3A_1662, %add3A_1663 : i32
      %get3A_1665 = arith.index_cast %add3A_1664 : i32 to index
      %get3A_1666 = arith.constant 16 : index
      %get3A_1667 = tpu.vector_load %arg12[%get3A_1665, %get3A_1666] {strides = array<i32>} : memref<50x64xf32, #tpu.memory_space<vmem>>, vector<1x16xf32>,
      %get3A_1668 = vector.shape_cast %get3A_1667 : vector<1x16xf32> to vector<16xf32>
      %add3A_1669 = arith.addf %add3A_1637, %get3A_1668 : vector<16xf32>
      %mul3A_1670 = arith.constant 2 : i32
      %mul3A_1671 = arith.muli %mul3A_1670, %scan3A_1620 : i32
      %add3A_1672 = arith.constant 1 : i32
      %add3A_1673 = arith.addi %mul3A_1671, %add3A_1672 : i32
      %get3A_1674 = arith.index_cast %add3A_1673 : i32 to index
      %get3A_1675 = arith.constant 32 : index
      %get3A_1676 = tpu.vector_load %arg12[%get3A_1674, %get3A_1675] {strides = array<i32>} : memref<50x64xf32, #tpu.memory_space<vmem>>, vector<1x16xf32>,
      %get3A_1677 = vector.shape_cast %get3A_1676 : vector<1x16xf32> to vector<16xf32>
      %add3A_1678 = arith.addf %add3A_1644, %get3A_1677 : vector<16xf32>
      %mul3A_1679 = arith.constant 2 : i32
      %mul3A_1680 = arith.muli %mul3A_1679, %scan3A_1620 : i32
      %add3A_1681 = arith.constant 1 : i32
      %add3A_1682 = arith.addi %mul3A_1680, %add3A_1681 : i32
      %get3A_1683 = arith.index_cast %add3A_1682 : i32 to index
      %get3A_1684 = arith.constant 48 : index
      %get3A_1685 = tpu.vector_load %arg12[%get3A_1683, %get3A_1684] {strides = array<i32>} : memref<50x64xf32, #tpu.memory_space<vmem>>, vector<1x16xf32>,
      %get3A_1686 = vector.shape_cast %get3A_1685 : vector<1x16xf32> to vector<16xf32>
      %add3A_1687 = arith.addf %add3A_1651, %get3A_1686 : vector<16xf32>
      scf.yield %add3A_1660, %add3A_1669, %add3A_1678, %add3A_1687 : vector<16xf32>, vector<16xf32>, vector<16xf32>, vector<16xf32>
    }
    %scan3A_1551 = arith.constant 25 : i32
    %swap3A_1552 = arith.constant 31 : i32
    %swap3A_1553 = arith.index_cast %swap3A_1552 : i32 to index
    %swap3A_1554 = arith.constant 0 : index
    %swap3A_1555 = tpu.vector_load %arg9[%swap3A_1553, %swap3A_1554] {strides = array<i32>} : memref<32x64xf32, #tpu.memory_space<vmem>>, vector<1x16xf32>,
    %swap3A_1556 = vector.shape_cast %swap3A_1555 : vector<1x16xf32> to vector<16xf32>
    %swap3A_1557 = vector.shape_cast %scan3A_1550#0 : vector<16xf32> to vector<1x16xf32>
    tpu.vector_store %arg9[%swap3A_1553, %swap3A_1554], %swap3A_1557 {strides = array<i32>} : memref<32x64xf32, #tpu.memory_space<vmem>>, vector<1x16xf32>,
    %swap3A_1558 = arith.constant 31 : i32
    %swap3A_1559 = arith.index_cast %swap3A_1558 : i32 to index
    %swap3A_1560 = arith.constant 16 : index
    %swap3A_1561 = tpu.vector_load %arg9[%swap3A_1559, %swap3A_1560] {strides = array<i32>} : memref<32x64xf32, #tpu.memory_space<vmem>>, vector<1x16xf32>,
    %swap3A_1562 = vector.shape_cast %swap3A_1561 : vector<1x16xf32> to vector<16xf32>
    %swap3A_1563 = vector.shape_cast %scan3A_1550#1 : vector<16xf32> to vector<1x16xf32>
    tpu.vector_store %arg9[%swap3A_1559, %swap3A_1560], %swap3A_1563 {strides = array<i32>} : memref<32x64xf32, #tpu.memory_space<vmem>>, vector<1x16xf32>,
    %swap3A_1564 = arith.constant 31 : i32
    %swap3A_1565 = arith.index_cast %swap3A_1564 : i32 to index
    %swap3A_1566 = arith.constant 32 : index
    %swap3A_1567 = tpu.vector_load %arg9[%swap3A_1565, %swap3A_1566] {strides = array<i32>} : memref<32x64xf32, #tpu.memory_space<vmem>>, vector<1x16xf32>,
    %swap3A_1568 = vector.shape_cast %swap3A_1567 : vector<1x16xf32> to vector<16xf32>
    %swap3A_1569 = vector.shape_cast %scan3A_1550#2 : vector<16xf32> to vector<1x16xf32>
    tpu.vector_store %arg9[%swap3A_1565, %swap3A_1566], %swap3A_1569 {strides = array<i32>} : memref<32x64xf32, #tpu.memory_space<vmem>>, vector<1x16xf32>,
    %swap3A_1570 = arith.constant 31 : i32
    %swap3A_1571 = arith.index_cast %swap3A_1570 : i32 to index
    %swap3A_1572 = arith.constant 48 : index
    %swap3A_1573 = tpu.vector_load %arg9[%swap3A_1571, %swap3A_1572] {strides = array<i32>} : memref<32x64xf32, #tpu.memory_space<vmem>>, vector<1x16xf32>,
    %swap3A_1574 = vector.shape_cast %swap3A_1573 : vector<1x16xf32> to vector<16xf32>
    %swap3A_1575 = vector.shape_cast %scan3A_1550#3 : vector<16xf32> to vector<1x16xf32>
    tpu.vector_store %arg9[%swap3A_1571, %swap3A_1572], %swap3A_1575 {strides = array<i32>} : memref<32x64xf32, #tpu.memory_space<vmem>>, vector<1x16xf32>,
    %mul3A_1576 = arith.constant 32 : i32
    %mul3A_1577 = arith.muli %add3A, %mul3A_1576 : i32
    "tpu.region"() ({
      %run_scoped3A = tpu.sem_alloc : memref<!tpu.dma_semaphore, #tpu.memory_space<semaphore_mem>>
      %dma_start3A_1620 = arith.constant 0 : i32
      %dma_start3A_1621 = tpu.memref_slice %arg5[%mul3A_1577, %dma_start3A_1620] : memref<1024x64xf32, #tpu.memory_space<hbm>> -> memref<32x64xf32, #tpu.memory_space<hbm>>
      %dma_start3A_1622 = arith.constant 0 : i32
      %dma_start3A_1623 = tpu.memref_slice %arg5[%mul3A_1577, %dma_start3A_1622] : memref<1024x64xf32, #tpu.memory_space<hbm>> -> memref<32x64xf32, #tpu.memory_space<hbm>>
      tpu.enqueue_dma source(%arg9 : memref<32x64xf32, #tpu.memory_space<vmem>>) target(%dma_start3A_1623 : memref<32x64xf32, #tpu.memory_space<hbm>>) target_semaphore(%run_scoped3A : memref<!tpu.dma_semaphore, #tpu.memory_space<semaphore_mem>>)
      %dma_wait3A_1624 = arith.constant 0 : i32
      %dma_wait3A_1625 = tpu.memref_slice %arg5[%mul3A_1577, %dma_wait3A_1624] : memref<1024x64xf32, #tpu.memory_space<hbm>> -> memref<32x64xf32, #tpu.memory_space<hbm>>
      %dma_wait3A_1626 = arith.constant 0 : i32
      %dma_wait3A_1627 = tpu.memref_slice %arg5[%mul3A_1577, %dma_wait3A_1626] : memref<1024x64xf32, #tpu.memory_space<hbm>> -> memref<32x64xf32, #tpu.memory_space<hbm>>
      tpu.wait_dma2 semaphore(%run_scoped3A : memref<!tpu.dma_semaphore, #tpu.memory_space<semaphore_mem>>) src(%arg9 : memref<32x64xf32, #tpu.memory_space<vmem>>) dst(%dma_wait3A_1627 : memref<32x64xf32, #tpu.memory_space<hbm>>)
      tpu.yield
    }) : () -> ()
    %dma_wait3A_1578 = arith.constant 0 : i32
    %dma_wait3A_1579 = arith.constant 0 : i32
    %dma_wait3A_1580 = tpu.memref_slice %arg10[%dma_wait3A_1578, %dma_wait3A_1579] : memref<320x64xf32, #tpu.memory_space<vmem>> -> memref<64x64xf32, #tpu.memory_space<vmem>>
    %dma_wait3A_1581 = arith.constant 0 : i32
    %dma_wait3A_1582 = tpu.memref_slice %arg8[%dma_wait3A_1581] : memref<320xi32, #tpu.memory_space<vmem>> -> memref<64xi32, #tpu.memory_space<vmem>>
    %dma_wait3A_1583 = arith.constant 0 : i32
    %dma_wait3A_1584 = arith.constant 0 : i32
    %dma_wait3A_1585 = tpu.memref_slice %arg4[%dma_wait3A_1583, %dma_wait3A_1584] : memref<2000000x64xf32, #tpu.memory_space<hbm>> -> memref<2000000x64xf32, #tpu.memory_space<hbm>>
    tpu.wait_indirect_dma semaphore(%arg23 : memref<!tpu.dma_semaphore, #tpu.memory_space<semaphore_mem>>) src(%dma_wait3A_1585 : memref<2000000x64xf32, #tpu.memory_space<hbm>>) dst(%dma_wait3A_1580 : memref<64x64xf32, #tpu.memory_space<vmem>>)
    %dma_wait3A_1586 = arith.constant 64 : i32
    %dma_wait3A_1587 = arith.constant 0 : i32
    %dma_wait3A_1588 = tpu.memref_slice %arg10[%dma_wait3A_1586, %dma_wait3A_1587] : memref<320x64xf32, #tpu.memory_space<vmem>> -> memref<64x64xf32, #tpu.memory_space<vmem>>
    %dma_wait3A_1589 = arith.constant 64 : i32
    %dma_wait3A_1590 = tpu.memref_slice %arg8[%dma_wait3A_1589] : memref<320xi32, #tpu.memory_space<vmem>> -> memref<64xi32, #tpu.memory_space<vmem>>
    %dma_wait3A_1591 = arith.constant 0 : i32
    %dma_wait3A_1592 = arith.constant 0 : i32
    %dma_wait3A_1593 = tpu.memref_slice %arg4[%dma_wait3A_1591, %dma_wait3A_1592] : memref<2000000x64xf32, #tpu.memory_space<hbm>> -> memref<2000000x64xf32, #tpu.memory_space<hbm>>
    tpu.wait_indirect_dma semaphore(%arg23 : memref<!tpu.dma_semaphore, #tpu.memory_space<semaphore_mem>>) src(%dma_wait3A_1593 : memref<2000000x64xf32, #tpu.memory_space<hbm>>) dst(%dma_wait3A_1588 : memref<64x64xf32, #tpu.memory_space<vmem>>)
    %dma_wait3A_1594 = arith.constant 128 : i32
    %dma_wait3A_1595 = arith.constant 0 : i32
    %dma_wait3A_1596 = tpu.memref_slice %arg10[%dma_wait3A_1594, %dma_wait3A_1595] : memref<320x64xf32, #tpu.memory_space<vmem>> -> memref<64x64xf32, #tpu.memory_space<vmem>>
    %dma_wait3A_1597 = arith.constant 128 : i32
    %dma_wait3A_1598 = tpu.memref_slice %arg8[%dma_wait3A_1597] : memref<320xi32, #tpu.memory_space<vmem>> -> memref<64xi32, #tpu.memory_space<vmem>>
    %dma_wait3A_1599 = arith.constant 0 : i32
    %dma_wait3A_1600 = arith.constant 0 : i32
    %dma_wait3A_1601 = tpu.memref_slice %arg4[%dma_wait3A_1599, %dma_wait3A_1600] : memref<2000000x64xf32, #tpu.memory_space<hbm>> -> memref<2000000x64xf32, #tpu.memory_space<hbm>>
    tpu.wait_indirect_dma semaphore(%arg23 : memref<!tpu.dma_semaphore, #tpu.memory_space<semaphore_mem>>) src(%dma_wait3A_1601 : memref<2000000x64xf32, #tpu.memory_space<hbm>>) dst(%dma_wait3A_1596 : memref<64x64xf32, #tpu.memory_space<vmem>>)
    %dma_wait3A_1602 = arith.constant 192 : i32
    %dma_wait3A_1603 = arith.constant 0 : i32
    %dma_wait3A_1604 = tpu.memref_slice %arg10[%dma_wait3A_1602, %dma_wait3A_1603] : memref<320x64xf32, #tpu.memory_space<vmem>> -> memref<64x64xf32, #tpu.memory_space<vmem>>
    %dma_wait3A_1605 = arith.constant 192 : i32
    %dma_wait3A_1606 = tpu.memref_slice %arg8[%dma_wait3A_1605] : memref<320xi32, #tpu.memory_space<vmem>> -> memref<64xi32, #tpu.memory_space<vmem>>
    %dma_wait3A_1607 = arith.constant 0 : i32
    %dma_wait3A_1608 = arith.constant 0 : i32
    %dma_wait3A_1609 = tpu.memref_slice %arg4[%dma_wait3A_1607, %dma_wait3A_1608] : memref<2000000x64xf32, #tpu.memory_space<hbm>> -> memref<2000000x64xf32, #tpu.memory_space<hbm>>
    tpu.wait_indirect_dma semaphore(%arg23 : memref<!tpu.dma_semaphore, #tpu.memory_space<semaphore_mem>>) src(%dma_wait3A_1609 : memref<2000000x64xf32, #tpu.memory_space<hbm>>) dst(%dma_wait3A_1604 : memref<64x64xf32, #tpu.memory_space<vmem>>)
    %dma_wait3A_1610 = arith.constant 256 : i32
    %dma_wait3A_1611 = arith.constant 0 : i32
    %dma_wait3A_1612 = tpu.memref_slice %arg10[%dma_wait3A_1610, %dma_wait3A_1611] : memref<320x64xf32, #tpu.memory_space<vmem>> -> memref<64x64xf32, #tpu.memory_space<vmem>>
    %dma_wait3A_1613 = arith.constant 256 : i32
    %dma_wait3A_1614 = tpu.memref_slice %arg8[%dma_wait3A_1613] : memref<320xi32, #tpu.memory_space<vmem>> -> memref<64xi32, #tpu.memory_space<vmem>>
    %dma_wait3A_1615 = arith.constant 0 : i32
    %dma_wait3A_1616 = arith.constant 0 : i32
    %dma_wait3A_1617 = tpu.memref_slice %arg4[%dma_wait3A_1615, %dma_wait3A_1616] : memref<2000000x64xf32, #tpu.memory_space<hbm>> -> memref<2000000x64xf32, #tpu.memory_space<hbm>>
    tpu.wait_indirect_dma semaphore(%arg23 : memref<!tpu.dma_semaphore, #tpu.memory_space<semaphore_mem>>) src(%dma_wait3A_1617 : memref<2000000x64xf32, #tpu.memory_space<hbm>>) dst(%dma_wait3A_1612 : memref<64x64xf32, #tpu.memory_space<vmem>>)
    %mul3A_1618 = arith.constant 320 : i32
    %mul3A_1619 = arith.muli %add3A, %mul3A_1618 : i32
    "tpu.region"() ({
      %run_scoped3A = tpu.sem_alloc : memref<!tpu.dma_semaphore, #tpu.memory_space<semaphore_mem>>
      %dma_start3A_1620 = arith.constant 0 : i32
      %dma_start3A_1621 = tpu.memref_slice %arg6[%mul3A_1619, %dma_start3A_1620] : memref<10240x64xf32, #tpu.memory_space<hbm>> -> memref<320x64xf32, #tpu.memory_space<hbm>>
      %dma_start3A_1622 = arith.constant 0 : i32
      %dma_start3A_1623 = tpu.memref_slice %arg6[%mul3A_1619, %dma_start3A_1622] : memref<10240x64xf32, #tpu.memory_space<hbm>> -> memref<320x64xf32, #tpu.memory_space<hbm>>
      tpu.enqueue_dma source(%arg10 : memref<320x64xf32, #tpu.memory_space<vmem>>) target(%dma_start3A_1623 : memref<320x64xf32, #tpu.memory_space<hbm>>) target_semaphore(%run_scoped3A : memref<!tpu.dma_semaphore, #tpu.memory_space<semaphore_mem>>)
      %dma_wait3A_1624 = arith.constant 0 : i32
      %dma_wait3A_1625 = tpu.memref_slice %arg6[%mul3A_1619, %dma_wait3A_1624] : memref<10240x64xf32, #tpu.memory_space<hbm>> -> memref<320x64xf32, #tpu.memory_space<hbm>>
      %dma_wait3A_1626 = arith.constant 0 : i32
      %dma_wait3A_1627 = tpu.memref_slice %arg6[%mul3A_1619, %dma_wait3A_1626] : memref<10240x64xf32, #tpu.memory_space<hbm>> -> memref<320x64xf32, #tpu.memory_space<hbm>>
      tpu.wait_dma2 semaphore(%run_scoped3A : memref<!tpu.dma_semaphore, #tpu.memory_space<semaphore_mem>>) src(%arg10 : memref<320x64xf32, #tpu.memory_space<vmem>>) dst(%dma_wait3A_1627 : memref<320x64xf32, #tpu.memory_space<hbm>>)
      tpu.yield
    }) : () -> ()
    return
  }
}

module attributes {stable_mosaic.version = 14 : i64} {
  func.func @_tc_body(%arg0: i32, %arg1: memref<1024x64xf32, #tpu.memory_space<vmem>>, %arg2: memref<1024x56xi32, #tpu.memory_space<vmem>>, %arg3: memref<56x1024xi32, #tpu.memory_space<vmem>>, %arg4: memref<2048x64xf32, #tpu.memory_space<vmem>>, %arg5: memref<1x2048x1xi8, #tpu.memory_space<vmem>>, %arg6: memref<2048x1024xf32, #tpu.memory_space<vmem>>, %arg7: memref<2048x1024xi8, #tpu.memory_space<vmem>>) attributes {dimension_semantics = [#tpu.dimension_semantics<arbitrary>], iteration_bounds = array<i64: 5>, scalar_prefetch = 0 : i64, scratch_operands = 0 : i64, tpu.core_type = #tpu.core_type<tc>, window_params = [{pipeline_mode = #tpu.pipeline_mode<synchronous>, transform_indices = @transform_0, window_bounds = array<i64: 1024, 64>}, {pipeline_mode = #tpu.pipeline_mode<synchronous>, transform_indices = @transform_1, window_bounds = array<i64: 1024, 56>}, {pipeline_mode = #tpu.pipeline_mode<synchronous>, transform_indices = @transform_2, window_bounds = array<i64: 56, 1024>}, {transform_indices = @transform_3, window_bounds = array<i64: 2048, 64>}, {transform_indices = @transform_4, window_bounds = array<i64: 1, 2048, 1>}, {transform_indices = @transform_5, window_bounds = array<i64: 2048, 1024>}, {transform_indices = @transform_6, window_bounds = array<i64: 2048, 1024>}]} {
    %get3A = arith.constant 0 : index
    %get3A_0 = arith.constant 0 : index
    %get3A_1 = vector.load %arg2[%get3A, %get3A_0] : memref<1024x56xi32, #tpu.memory_space<vmem>>, vector<1024x56xi32>
    %ne3A = arith.constant 0 : i32
    %ne3A_2 = vector.broadcast %ne3A : i32 to vector<1024x56xi32>
    %ne3A_3 = arith.cmpi ne, %get3A_1, %ne3A_2 : vector<1024x56xi32>
    %convert_element_type3A = arith.extui %ne3A_3 : vector<1024x56xi1> to vector<1024x56xi32>
    %convert_element_type3A_4 = arith.sitofp %convert_element_type3A : vector<1024x56xi32> to vector<1024x56xf32>
    %reduce_sum3A = arith.constant dense<0.000000e+00> : vector<1024xf32>
    %reduce_sum3A_5 = vector.multi_reduction <add>, %convert_element_type3A_4, %reduce_sum3A [1] : vector<1024x56xf32> to vector<1024xf32>
    %broadcast_in_dim3A = vector.shape_cast %reduce_sum3A_5 : vector<1024xf32> to vector<1024x1xf32>
    %get3A_6 = arith.constant 0 : index
    %get3A_7 = arith.constant 0 : index
    %get3A_8 = vector.load %arg1[%get3A_6, %get3A_7] : memref<1024x64xf32, #tpu.memory_space<vmem>>, vector<1024x64xf32>
    %div3A = vector.broadcast %broadcast_in_dim3A : vector<1024x1xf32> to vector<1024x64xf32>
    %div3A_9 = arith.divf %get3A_8, %div3A : vector<1024x64xf32>
    %mul3A = arith.mulf %div3A_9, %div3A_9 : vector<1024x64xf32>
    %reduce_sum3A_10 = arith.constant dense<0.000000e+00> : vector<1024xf32>
    %reduce_sum3A_11 = vector.multi_reduction <add>, %mul3A, %reduce_sum3A_10 [1] : vector<1024x64xf32> to vector<1024xf32>
    %broadcast_in_dim3A_12 = vector.shape_cast %reduce_sum3A_11 : vector<1024xf32> to vector<1024x1xf32>
    %sqrt3A = math.sqrt %broadcast_in_dim3A_12 : vector<1024x1xf32>
    %max3A = arith.constant 9.99999993E-9 : f32
    %max3A_13 = vector.broadcast %max3A : f32 to vector<1024x1xf32>
    %max3A_14 = arith.maximumf %sqrt3A, %max3A_13 : vector<1024x1xf32>
    %div3A_15 = vector.broadcast %max3A_14 : vector<1024x1xf32> to vector<1024x64xf32>
    %div3A_16 = arith.divf %div3A_9, %div3A_15 : vector<1024x64xf32>
    %get3A_17 = arith.constant 0 : index
    %get3A_18 = arith.constant 0 : index
    %get3A_19 = vector.load %arg3[%get3A_17, %get3A_18] : memref<56x1024xi32, #tpu.memory_space<vmem>>, vector<56x1024xi32>
    %ne3A_20 = arith.constant 0 : i32
    %ne3A_21 = vector.broadcast %ne3A_20 : i32 to vector<56x1024xi32>
    %ne3A_22 = arith.cmpi ne, %get3A_19, %ne3A_21 : vector<56x1024xi32>
    %convert_element_type3A_23 = arith.extui %ne3A_22 : vector<56x1024xi1> to vector<56x1024xi32>
    %reduce_sum3A_24 = arith.constant dense<0> : vector<1024xi32>
    %reduce_sum3A_25 = vector.multi_reduction <add>, %convert_element_type3A_23, %reduce_sum3A_24 [0] : vector<56x1024xi32> to vector<1024xi32>
    %broadcast_in_dim3A_26 = vector.shape_cast %reduce_sum3A_25 : vector<1024xi32> to vector<1x1024xi32>
    %gt3A = arith.constant 0 : i32
    %gt3A_27 = vector.broadcast %gt3A : i32 to vector<1x1024xi32>
    %gt3A_28 = arith.cmpi sgt, %broadcast_in_dim3A_26, %gt3A_27 : vector<1x1024xi32>
    %get3A_29 = arith.constant 0 : index
    %get3A_30 = arith.constant 0 : index
    %get3A_31 = vector.load %arg4[%get3A_29, %get3A_30] : memref<2048x64xf32, #tpu.memory_space<vmem>>, vector<2048x64xf32>
    %mul3A_32 = arith.mulf %get3A_31, %get3A_31 : vector<2048x64xf32>
    %reduce_sum3A_33 = arith.constant dense<0.000000e+00> : vector<2048xf32>
    %reduce_sum3A_34 = vector.multi_reduction <add>, %mul3A_32, %reduce_sum3A_33 [1] : vector<2048x64xf32> to vector<2048xf32>
    %broadcast_in_dim3A_35 = vector.shape_cast %reduce_sum3A_34 : vector<2048xf32> to vector<2048x1xf32>
    %sqrt3A_36 = math.sqrt %broadcast_in_dim3A_35 : vector<2048x1xf32>
    %max3A_37 = arith.constant 9.99999993E-9 : f32
    %max3A_38 = vector.broadcast %max3A_37 : f32 to vector<2048x1xf32>
    %max3A_39 = arith.maximumf %sqrt3A_36, %max3A_38 : vector<2048x1xf32>
    %div3A_40 = vector.broadcast %max3A_39 : vector<2048x1xf32> to vector<2048x64xf32>
    %div3A_41 = arith.divf %get3A_31, %div3A_40 : vector<2048x64xf32>
    %dot_general3A = arith.constant dense<0.000000e+00> : vector<2048x1024xf32>
    %dot_general3A_42 = tpu.matmul %div3A_41, %div3A_16, %dot_general3A {dimension_numbers = #tpu.dot_dimension_numbers<[1], [1], [0], [0], [0, 0, 1, 0], [], []>, transpose_lhs_hint = false} : vector<2048x64xf32>, vector<1024x64xf32>, vector<2048x1024xf32> -> vector<2048x1024xf32>
    %swap3A = arith.constant 0 : index
    %swap3A_43 = arith.constant 0 : index
    %swap3A_44 = vector.load %arg6[%swap3A, %swap3A_43] : memref<2048x1024xf32, #tpu.memory_space<vmem>>, vector<2048x1024xf32>
    tpu.vector_store %arg6[%swap3A, %swap3A_43], %dot_general3A_42 {strides = array<i32>} : memref<2048x1024xf32, #tpu.memory_space<vmem>>, vector<2048x1024xf32>,
    %get3A_45 = arith.constant 0 : index
    %get3A_46 = arith.constant 0 : index
    %get3A_47 = arith.constant 0 : index
    %get3A_48 = vector.load %arg5[%get3A_45, %get3A_46, %get3A_47] : memref<1x2048x1xi8, #tpu.memory_space<vmem>>, vector<1x2048x1xi8>
    %reshape3A = vector.shape_cast %get3A_48 : vector<1x2048x1xi8> to vector<2048x1xi8>
    %ne3A_49 = arith.constant 0 : i8
    %ne3A_50 = vector.broadcast %ne3A_49 : i8 to vector<2048x1xi8>
    %ne3A_51 = arith.cmpi ne, %reshape3A, %ne3A_50 : vector<2048x1xi8>
    %and3A = vector.broadcast %ne3A_51 : vector<2048x1xi1> to vector<2048x1024xi1>
    %and3A_52 = vector.broadcast %gt3A_28 : vector<1x1024xi1> to vector<2048x1024xi1>
    %and3A_53 = arith.andi %and3A, %and3A_52 : vector<2048x1024xi1>
    %convert_element_type3A_54 = arith.extui %and3A_53 : vector<2048x1024xi1> to vector<2048x1024xi8>
    %swap3A_55 = arith.constant 0 : index
    %swap3A_56 = arith.constant 0 : index
    %swap3A_57 = vector.load %arg7[%swap3A_55, %swap3A_56] : memref<2048x1024xi8, #tpu.memory_space<vmem>>, vector<2048x1024xi8>
    tpu.vector_store %arg7[%swap3A_55, %swap3A_56], %convert_element_type3A_54 {strides = array<i32>} : memref<2048x1024xi8, #tpu.memory_space<vmem>>, vector<2048x1024xi8>,
    return
  }
  func.func @transform_0(%arg0: i32) -> (i32, i32) {
    %c0_i32 = arith.constant 0 : i32
    %c0_i32_0 = arith.constant 0 : i32
    %c0_i32_1 = arith.constant 0 : i32
    return %c0_i32, %c0_i32_0 : i32, i32
  }
  func.func @transform_1(%arg0: i32) -> (i32, i32) {
    %c0_i32 = arith.constant 0 : i32
    %c0_i32_0 = arith.constant 0 : i32
    %c0_i32_1 = arith.constant 0 : i32
    return %c0_i32, %c0_i32_0 : i32, i32
  }
  func.func @transform_2(%arg0: i32) -> (i32, i32) {
    %c0_i32 = arith.constant 0 : i32
    %c0_i32_0 = arith.constant 0 : i32
    %c0_i32_1 = arith.constant 0 : i32
    return %c0_i32, %c0_i32_0 : i32, i32
  }
  func.func @transform_3(%arg0: i32) -> (i32, i32) {
    %c0_i32 = arith.constant 0 : i32
    %c0_i32_0 = arith.constant 0 : i32
    return %arg0, %c0_i32 : i32, i32
  }
  func.func @transform_4(%arg0: i32) -> (i32, i32, i32) {
    %c0_i32 = arith.constant 0 : i32
    %c0_i32_0 = arith.constant 0 : i32
    %c0_i32_1 = arith.constant 0 : i32
    return %arg0, %c0_i32, %c0_i32_0 : i32, i32, i32
  }
  func.func @transform_5(%arg0: i32) -> (i32, i32) {
    %c0_i32 = arith.constant 0 : i32
    %c0_i32_0 = arith.constant 0 : i32
    return %arg0, %c0_i32 : i32, i32
  }
  func.func @transform_6(%arg0: i32) -> (i32, i32) {
    %c0_i32 = arith.constant 0 : i32
    %c0_i32_0 = arith.constant 0 : i32
    return %arg0, %c0_i32 : i32, i32
  }
}

</mosaic_0001>

<sc_bundles>
// kernel: kernel.4.cloned.1.call-start
scs
__scs_entry_jumppad:
0x0: {  	(pc) =	sbr.rel $0x88, $3  }
0x1: {  	(tag) =	ssettag $0x0;
	lr =	simm.s32 $0x1  }
0x2: {  	[smem:$0x3F9E] =	sst lr;
	_ =	strace $0xD0000000  }
0x3: {  	_ = 	snop  }
0x4: {  	_ = 	snop  }
0x5: {  	_ = 	snop  }
0x6: {  	_ = 	snop  }
0x7: {  	_ = 	snop  }
__scs_overlays_trampoline_lowered:
0x8: {  	[smem:$0x3FAD] =	sst s0  }
0x9: {  	[smem:$0x3FAE] =	sst s1  }
0xa: {  	[smem:$0x3FAF] =	sst s2  }
0xb: {  	[smem:$0x3FB0] =	sst s3  }
0xc: {  	[smem:$0x3FB1] =	sst s4  }
0xd: {  	[smem:$0x3FB2] =	sst s5  }
0xe: {  	[smem:$0x3FB3] =	sst s6  }
0xf: {  	[smem:$0x3FB4] =	sst s7  }
0x10: {  	[smem:$0x3FB5] =	sst s8  }
0x11: {  	[smem:$0x3FB6] =	sst s9;
	s0 =	simm.s32 @!p0 $0x0  }
0x12: {  	s1 =	sld [smem:$0x3F9C];
	s0 =	simm.s32 @p0 $0x1  }
0x13: {  	[smem:$0x3FB7] =	sst s0;
	s0 =	simm.s32 @!p1 $0x0  }
0x14: {  	s2 =	sld [smem:$0x3F9B];
	s0 =	simm.s32 @p1 $0x1  }
0x15: {  	[smem:$0x3FB8] =	sst s0;
	s0 =	simm.s32 @!p2 $0x0  }
0x16: {  	s3 =	sld [smem:$0x3FDB];
	s0 =	simm.s32 @p2 $0x1  }
0x17: {  	s4 =	simm.s32 $0x1BF5;
	[smem:$0x3FBA] =	sst s0  }
0x18: {  	s0 =	sld [smem:$0x3F9D];
	_ =	swait.ge [sflag:s4], $0x0  }
0x19: {  	s7 =	sld [smem:$0x3F9E]  }
0x1a: {  	s8 =	sadd.s32 $0xFFFFE003, lr  }
0x1b: {  	s9 =	sadd.s32 $0xFFFFFEF7, lr;
	s5 =	simm.s32 $0xFFFFFFFF;
	p2 =	slt.u32 s8, $0xFFFFF086  }
0x1c: {  	p1 =	slt.u32 s9, $0xF7A;
	s5 =	simm.s32 @!p2 $0x0  }
0x1d: {  	s5 =	simm.s32 @p1 $0x1;
	p0 =	seq.s32 s7, s2  }
0x1e: {  	s7 =	smul.u32 @!p0 $0xF7A, s2;
	p2 =	seq.s32 @!p0 s5, $0x0  }
0x1f: {  	s9 =	smul.u32 $0xF7A, s1;
	s8 =	simm.s32 @!p0 $0x1BF5;
	p2 =	por !p2, p0  }
0x20: {  	[sflag:s8] =	ssyncset.s32 @!p0 $0xFFFFF086;
	s6 =	sadd.s32 @!p0 s3, s7;
	s7 =	simm.s32 @!p0 $0x108  }
0x21: {  	s3 =	sadd.s32 s3, s9;
	s6 =	sadd.s32 @!p0 $0x88, s6;
	s7 =	simm.s32 @p2 $0x1082  }
0x22: {  	[simem:s7], [sflag:s8] =	dma.local @!p0 [hbm:s6], $0xF7A  }
0x23: {  	s9 =	sor.u32 $0xD0000000, s2;
	s6 =	simm.s32 $0x108;
	_ =	swait.ge @!p0 [sflag:s8], $0x0  }
0x24: {  	s3 =	sadd.s32 $0x88, s3;
	s6 =	simm.s32 @!p1 $0x1082;
	[sflag:s4] =	ssyncset.s32 $0xFFFFF086  }
0x25: {  	[simem:s6], [sflag:s4] =	dma.local [hbm:s3], $0xF7A  }
0x26: {  	[smem:$0x3F9E] =	sst s1;
	(tag) =	ssettag s2;
	_ =	strace s9  }
0x27: {  	s1 =	sld [smem:$0x3FAE]  }
0x28: {  	s2 =	sld [smem:$0x3FAF]  }
0x29: {  	s4 =	sld [smem:$0x3FB1]  }
0x2a: {  	p0 =	seq.s32 s5, $0x0;
	s5 =	sld [smem:$0x3FB2]  }
0x2b: {  	s6 =	sld [smem:$0x3FB3]  }
0x2c: {  	s7 =	sld [smem:$0x3FB4]  }
0x2d: {  	s3 =	simm.s32 $0x108;
	s8 =	sld [smem:$0x3FB5]  }
0x2e: {  	s3 =	simm.s32 @!p0 $0x1082;
	s9 =	sld [smem:$0x3FB6]  }
0x2f: {  	lr =	sadd.s32 s0, s3;
	s0 =	sld [smem:$0x3FAD]  }
0x30: {  	s3 =	sld [smem:$0x3FB0]  }
0x31: {  	[smem:$0x3FB9] =	sst s10  }
0x32: {  	s10 =	sld [smem:$0x3FB7];
	_ =	sdelay $0x3  }
0x33: {  	p0 =	seq.s32 s10, $0x1;
	s10 =	sld [smem:$0x3FB9];
	_ =	sdelay $0x3  }
0x34: {  	[smem:$0x3FB9] =	sst s10  }
0x35: {  	s10 =	sld [smem:$0x3FB8];
	_ =	sdelay $0x3  }
0x36: {  	p1 =	seq.s32 s10, $0x1;
	s10 =	sld [smem:$0x3FB9];
	_ =	sdelay $0x3  }
0x37: {  	[smem:$0x3FB9] =	sst s10  }
0x38: {  	s10 =	sld [smem:$0x3FBA]  }
0x39: {  	_ = 	snop;
	(pc) =	sbr.ind lr, $3  }
0x3a: {  	_ = 	snop  }
0x3b: {  	_ = 	snop  }
0x3c: {  	p2 =	seq.s32 s10, $0x1;
	s10 =	sld [smem:$0x3FB9]  }
0x3d: {  	_ =	shalt  }
0x3e: {  	_ =	shalt  }
0x3f: {  	_ =	shalt  }
0x40: {  	_ =	shalt  }
0x41: {  	_ =	shalt  }
0x42: {  	_ =	shalt  }
0x43: {  	_ =	shalt  }
0x44: {  	_ =	shalt  }
0x45: {  	_ =	shalt  }
0x46: {  	_ =	shalt  }
0x47: {  	_ =	shalt  }
0x48: {  	_ =	shalt  }
0x49: {  	_ =	shalt  }
0x4a: {  	_ =	shalt  }
0x4b: {  	_ =	shalt  }
0x4c: {  	_ =	shalt  }
0x4d: {  	_ =	shalt  }
0x4e: {  	_ =	shalt  }
0x4f: {  	_ =	shalt  }
0x50: {  	_ =	shalt  }
0x51: {  	_ =	shalt  }
0x52: {  	_ =	shalt  }
0x53: {  	_ =	shalt  }
0x54: {  	_ =	shalt  }
0x55: {  	_ =	shalt  }
0x56: {  	_ =	shalt  }
0x57: {  	_ =	shalt  }
0x58: {  	_ =	shalt  }
0x59: {  	_ =	shalt  }
0x5a: {  	_ =	shalt  }
0x5b: {  	_ =	shalt  }
0x5c: {  	_ =	shalt  }
0x5d: {  	_ =	shalt  }
0x5e: {  	_ =	shalt  }
0x5f: {  	_ =	shalt  }
0x60: {  	_ =	shalt  }
0x61: {  	_ =	shalt  }
0x62: {  	_ =	shalt  }
0x63: {  	_ =	shalt  }
0x64: {  	_ =	shalt  }
0x65: {  	_ =	shalt  }
0x66: {  	_ =	shalt  }
0x67: {  	_ =	shalt  }
0x68: {  	_ =	shalt  }
0x69: {  	_ =	shalt  }
0x6a: {  	_ =	shalt  }
0x6b: {  	_ =	shalt  }
0x6c: {  	_ =	shalt  }
0x6d: {  	_ =	shalt  }
0x6e: {  	_ =	shalt  }
0x6f: {  	_ =	shalt  }
0x70: {  	_ =	shalt  }
0x71: {  	_ =	shalt  }
0x72: {  	_ =	shalt  }
0x73: {  	_ =	shalt  }
0x74: {  	_ =	shalt  }
0x75: {  	_ =	shalt  }
0x76: {  	_ =	shalt  }
0x77: {  	_ =	shalt  }
0x78: {  	_ =	shalt  }
0x79: {  	_ =	shalt  }
0x7a: {  	_ =	shalt  }
0x7b: {  	_ =	shalt  }
0x7c: {  	_ =	shalt  }
0x7d: {  	_ =	shalt  }
0x7e: {  	_ =	shalt  }
0x7f: {  	_ =	shalt  }
0x80: {  	_ =	shalt  }
0x81: {  	_ =	shalt  }
0x82: {  	_ =	shalt  }
0x83: {  	_ =	shalt  }
0x84: {  	_ =	shalt  }
0x85: {  	_ =	shalt  }
0x86: {  	_ =	shalt  }
0x87: {  	_ =	shalt  }
.Lfunc_end0:
.L_simem_size_0:
called_computation_lowered:
.L_overlay_start_0:
0x88: {  	s2 =	sld [smem:$0x3FD9]  }
0x89: {  	s3 =	sld [smem:$0x3FFE];
	_ =	sdelay $0x1  }
0x8a: {  	s1 =	srdreg.scid  }
0x8b: {  	s0 =	sand.u32 $0x1, s1  }
0x8c: {  	s14 =	sshll.u32 s0, $0xA;
	s2 =	sadd.s32 s3, s2  }
0x8d: {  	s2 =	sadd.s32 s2, s14  }
0x8e: {  	[smem:$0x3FC5] =	sst s2  }
0x8f: {  	_ = 	snop  }
0x90: {  	s2 =	sld [smem:$0x3FD0];
	_ =	sdelay $0x2  }
0x91: {  	s15 =	simm.s32 $0xA;
	s4 =	simm.s32 $0x10  }
0x92: {  	[smem:s4], [sflag:s15] =	dma.local [hbm:s2], $0x1  }
0x93: {  	_ =	swait.eq [sflag:s15], $0x1  }
0x94: {  	[sflag:s15] =	ssyncset.done $0x0  }
0x95: {  	s16 =	sld [smem:$0x10];
	[sflag:s15] =	ssyncadd.s32 $0xFFFFFFFF  }
0x96: {  	s17 =	sld [smem:$0x11];
	(tm) =	ssettm $0x1  }
0x97: {  	s18 =	sld [smem:$0x3FFB];
	_ =	sdelay $0x3  }
0x98: {  	_ =	strace s18  }
0x99: {  	s4 =	sld [smem:$0x3FFC];
	_ =	sdelay $0x3  }
0x9a: {  	_ =	strace s4  }
0x9b: {  	s4 =	sld [smem:$0x3FFD];
	_ =	sdelay $0x3  }
0x9c: {  	_ =	strace s4  }
0x9d: {  	_ =	strace $0x8FFFFFFF  }
0x9e: {  	s19 =	sld [smem:$0x3FDB];
	_ =	sdelay $0x1  }
0x9f: {  	s5 =	simm.s32 $_scs_section_size  }
0xa0: {  	s6 =	simm.s32 $_size__tile_overlayer_lowered;
	s7 =	simm.s32 $_tile_overlayer_lowered  }
0xa1: {  	s22 =	simm.s32 $0x1BFF;
	s21 =	sshll.u32 s7, $0x1;
	s4 =	sadd.s32 s5, s19  }
0xa2: {  	s8 =	simm.s32 $0x0;
	s20 =	sshll.u32 s6, $0x1;
	s6 =	sadd.s32 s21, s4  }
0xa3: {  	[timem:s8], [sflag:s22] =	dma.local [hbm:s6], s20  }
0xa4: {  	_ =	swait.ge [sflag:s22], s20  }
0xa5: {  	s5 =	ssub.s32 $0x0, s20;
	[sflag:s22] =	ssyncset.done $0x0  }
0xa6: {  	[sflag:s22] =	ssyncadd.s32 s5;
	_ =	sdelay $0x1  }
0xa7: {  	s23 =	simm.s32 $0x1B8B  }
0xa8: {  	_ =	swait.ge [sflag:s23], $0x1  }
0xa9: {  	[sflag:s23] =	ssyncset.done $0x0  }
0xaa: {  	s25 =	simm.s32 $0x1B8E;
	s24 =	sld [smem:$0x3FFE];
	[sflag:s23] =	ssyncadd.s32 $0xFFFFFFFF  }
0xab: {  	s26 =	simm.s32 $execute0_lowered;
	[smem:$0x3FD2] =	sst s25  }
0xac: {  	s6 =	sshll.u32 s26, $0x1;
	_ =	strace $0x80000046;
	[dreg:$0x1] =	wrdreg $0xFFFFFFFF  }
0xad: {  	s28 =	simm.s32 $_size_execute0_lowered;
	s4 =	sadd.s32 s4, s6;
	[dreg:$0x0] =	wrdreg $0x0  }
0xae: {  	s6 =	sshll.u32 s28, $0x1;
	[dreg:$0x2] =	wrdreg s4  }
0xaf: {  	[dreg:$0x3] =	wrdreg s6  }
0xb0: {  	[dreg:$0x4] =	wrdreg $0xC0  }
0xb1: {  	_ =	task [dreg:s8], $0x5FFFF  }
0xb2: {  	[dreg:$0x1] =	wrdreg $0xFFFFFFFF  }
0xb3: {  	[dreg:$0x0] =	wrdreg $0x60  }
0xb4: {  	[dreg:$0x2] =	wrdreg s24  }
0xb5: {  	[dreg:$0x3] =	wrdreg s16  }
0xb6: {  	[dreg:$0x4] =	wrdreg s17  }
0xb7: {  	[dreg:$0x5] =	wrdreg $0x9  }
0xb8: {  	_ =	task.clear_ibuf [dreg:s8], $0x6FFFF;
	_ =	strace $0x90000046  }
0xb9: {  	s29 =	simm.s32 $0x9;
	_ =	strace $0x80000048  }
0xba: {  	_ =	swait.ge [sflag:s29], $0x1  }
0xbb: {  	[sflag:s29] =	ssyncadd.s32 $0xFFFFFFFF  }
0xbc: {  	_ =	strace $0x90000048  }
0xbd: {  	_ =	sfence  }
0xbe: {  	s30 =	sld [smem:$0x0];
	_ =	sdelay $0x2  }
0xbf: {  	s31 =	sshll.u32 s1, $0xD;
	s1 =	sshrl.u32 s1, $0x2  }
0xc0: {  	s3 =	sand.u32 $0x4000, s31;
	s1 =	sadd.s32 s1, s30  }
0xc1: {  	s0 =	sor.u32 s3, s0;
	s1 =	sshll.u32 s1, $0x11  }
0xc2: {  	s0 =	sor.u32 s1, s0  }
0xc3: {  	s0 =	sadd.s32 $0x8F2B, s0  }
0xc4: {  	[sflag:s0] =	ssyncadd.remote.s32 $0x1  }
0xc5: {  	_ =	sfence.sel $0xFFFF  }
0xc6: {  	[dreg:$0x0] =	wrdreg $0xFFFFFFFF;
	(pc) =	sbr.abs _section_cstart, $3  }
0xc7: {  	[dreg:$0x1] =	wrdreg $0xFFFFFFFF  }
0xc8: {  	_ =	task.clear_ibuf [dreg:s8], $0x2FFFF;
	_ =	strace $0x9FFFFFFF  }
0xc9: {  	(tm) =	ssettm $0x7FFFFFFF  }
tec
execute0_lowered:
.L_overlay_start_1:
0x0: {  	(tag) =	ssettag $0x1  }
0x1: {  	s1 =	rddreg [dreg:$0x0]  }
0x2: {  	s0 =	srdreg.scid;
	s6 =	rddreg [dreg:$0x1]  }
0x3: {  	s3 =	stileid.u32;
	s7 =	rddreg [dreg:$0x2];
	s11 =	simm.s32 $0x40  }
0x4: {  	s12 =	simm.s32 $0x1040;
	s21 =	simm.s32 $0x32;
	s22 =	simm.s32 $0x6040  }
0x5: {  	s24 =	simm.s32 $0x6CC0;
	s29 =	simm.s32 $0x85C0;
	s31 =	simm.s32 $0x9240  }
0x6: {  	s13 =	simm.s32 $0x1;
	s15 =	simm.s32 $0x2;
	s17 =	simm.s32 $0x3  }
0x7: {  	s19 =	simm.s32 $0x4;
	s23 =	simm.s32 $0x5;
	s0 =	sand.u32 $0x1, s0  }
0x8: {  	s28 =	simm.s32 $0x6;
	s20 =	simm.s32 $0x690;
	s2 =	sshll.u32 s0, $0x4  }
0x9: {  	s30 =	simm.s32 $0x840;
	s14 =	simm.s32 $0x0;
	s5 =	sor.u32 s3, s2  }
0xa: {  	s0 =	ssub.s32 $0x2, s0;
	s2 =	simm.s32 $0x0;
	s3 =	smul.u32 $0xE0, s5  }
0xb: {  	s25 =	sshrl.u32 s0, $0x1;
	[smem:$0x7FF] =	sst s2;
	s4 =	smul.u32 $0x28, s5  }
0xc: {  	s10 =	smul.u32 $0xA00, s5;
	s0 =	ssub.s32 s0, s25;
	s26 =	sshll.u32 s5, $0x8  }
0xd: {  	s25 =	simm.s32 $0x6C8;
	_ =	strace $0x80000047;
	s6 =	sadd.s32 s6, s26  }
0xe: {  	s26 =	simm.s32 $0x7940;
	s8 =	sadd.s32 s3, s1;
	s9 =	sadd.s32 s4, s1  }
0xf: {  	s3 =	sadd.s32 $0x5800, s1;
	s7 =	sadd.s32 s7, s10;
	s10 =	simm.s32 $0x700  }
0x10: {  	s1 =	simm.s32 $0x7;
	s4 =	sadd.s32 $0x3000, s8;
	s5 =	sadd.s32 $0x5200, s9  }
0x11: {  	s8 =	smax.u32 s0, $0x1;
	s9 =	simm.s32 $0x8;
	s0 =	simm.s32 $0x9EC0  }
.LBB2_1:
0x12: {  	[tilespmem:s2], [sflag:$0x8] =	stream.linear.gather [hbm4b:s4+s2], $0x700, $0x38;
	[tilespmem:$0xAB40] =	vst v63  }
0x13: {  	_ =	swait.ge [sflag:s9], $0x700  }
0x14: {  	[sflag:s9] =	ssyncset.done $0x0  }
0x15: {  	[sflag:s9] =	ssyncadd.s32 $0xFFFFF900  }
0x16: {  	[tilespmem:s10], [sflag:$0x8] =	stream.linear.gather [hbm4b:s5+s2], $0x140, $0x38;
	[tilespmem:$0xAB40] =	vst v63  }
0x17: {  	_ =	swait.ge [sflag:s9], $0x140  }
0x18: {  	[sflag:s9] =	ssyncset.done $0x0  }
0x19: {  	[sflag:s9] =	ssyncadd.s32 $0xFFFFFEC0  }
0x1a: {  	[tilespmem:s12], [sflag:$0x7] =	stream.indirect.gather [hbm4b:s3+s11], $0x40, s10, s11, $0xb8;
	[tilespmem:$0xAB40] =	vst v63  }
0x1b: {  	s16 =	simm.s32 $0x740;
	s18 =	simm.s32 $0x2040  }
0x1c: {  	[tilespmem:s18], [sflag:$0x7] =	stream.indirect.gather [hbm4b:s3+s11], $0x40, s16, s11, $0xb8;
	[tilespmem:$0xAB40] =	vst v63  }
0x1d: {  	s16 =	simm.s32 $0x780;
	s18 =	simm.s32 $0x3040  }
0x1e: {  	[tilespmem:s18], [sflag:$0x7] =	stream.indirect.gather [hbm4b:s3+s11], $0x40, s16, s11, $0xb8;
	[tilespmem:$0xAB40] =	vst v63  }
0x1f: {  	s16 =	simm.s32 $0x7C0;
	s18 =	simm.s32 $0x4040  }
0x20: {  	[tilespmem:s18], [sflag:$0x7] =	stream.indirect.gather [hbm4b:s3+s11], $0x40, s16, s11, $0xb8;
	[tilespmem:$0xAB40] =	vst v63  }
0x21: {  	s16 =	simm.s32 $0x800;
	s18 =	simm.s32 $0x5040  }
0x22: {  	[tilespmem:s18], [sflag:$0x7] =	stream.indirect.gather [hbm4b:s3+s11], $0x40, s16, s11, $0xb8;
	[tilespmem:$0xAB40] =	vst v63  }
0x23: {  	_ = 	snop  }
0x24: {  	[tilespmem:s22], [sflag:$0x1] =	stream.indirect.gather [hbm4b:s3+s21], $0x40, s2, s21, $0xb8;
	[tilespmem:$0xAB40] =	vst v63  }
0x25: {  	s18 =	simm.s32 $0x38  }
0x26: {  	[tilespmem:s24], [sflag:$0x2] =	stream.indirect.gather [hbm4b:s3+s21], $0x40, s18, s21, $0xb8;
	[tilespmem:$0xAB40] =	vst v63  }
0x27: {  	s18 =	simm.s32 $0x70  }
0x28: {  	[tilespmem:s26], [sflag:$0x3] =	stream.indirect.gather [hbm4b:s3+s21], $0x40, s18, s21, $0xb8;
	[tilespmem:$0xAB40] =	vst v63  }
0x29: {  	s18 =	simm.s32 $0xA8  }
0x2a: {  	[tilespmem:s29], [sflag:$0x4] =	stream.indirect.gather [hbm4b:s3+s21], $0x40, s18, s21, $0xb8;
	[tilespmem:$0xAB40] =	vst v63  }
0x2b: {  	s18 =	simm.s32 $0xE0  }
0x2c: {  	[tilespmem:s31], [sflag:$0x5] =	stream.indirect.gather [hbm4b:s3+s21], $0x40, s18, s21, $0xb8;
	[tilespmem:$0xAB40] =	vst v63  }
0x2d: {  	s18 =	simm.s32 $0x118  }
0x2e: {  	[tilespmem:s0], [sflag:$0x6] =	stream.indirect.gather [hbm4b:s3+s21], $0x40, s18, s21, $0xb8;
	[tilespmem:$0xAB40] =	vst v63  }
0x2f: {  	_ =	swait.ge [sflag:s13], $0xC80  }
0x30: {  	[sflag:s13] =	ssyncset.done $0x0  }
0x31: {  	s16 =	simm.s32 $0x0;
	[sflag:s13] =	ssyncadd.s32 $0xFFFFF380  }
0x32: {  	v1 =	vld [tilespmem:s16+$0x6080]  }
0x33: {  	v0 =	vld [tilespmem:s16+$0x6090]  }
0x34: {  	v2 =	vld [tilespmem:s16+$0x6040]  }
0x35: {  	v5 =	vimm.f32 $0.0e+00;
	v3 =	vld [tilespmem:s16+$0x6050]  }
0x36: {  	v6 =	vimm.f32 $0.0e+00;
	v8 =	vimm.f32 $0.0e+00;
	v7 =	vimm.f32 $0.0e+00;
	s18 =	simm.s32 $0x200;
	v4 =	vld [tilespmem:s16+$0x6060]  }
.LBB2_2:
0x37: {  	p0 =	sne.s32 s18, $0x3000;
	v9 =	vld [tilespmem:s16+$0x6070];
	v10 =	vmov v1  }
0x38: {  	v11 =	vld [tilespmem:s16+$0x60A0];
	v12 =	vmov v0  }
0x39: {  	v13 =	vld [tilespmem:s16+$0x60B0];
	s16 =	sshra.s32 s18, $0x2  }
.Ltmp0:
0x3a: {  	v1 =	vld [tilespmem:s16+$0x6080];
	(pc) =	sbr.rel @p0 .LBB2_2-.Ltmp0, $4  }
0x3b: {  	v5 =	vadd.f32 v2, v5;
	v6 =	vadd.f32 v3, v6;
	v0 =	vld [tilespmem:s16+$0x6090]  }
0x3c: {  	v8 =	vadd.f32 v4, v8;
	v2 =	vld [tilespmem:s16+$0x6040];
	v7 =	vadd.f32 v9, v7  }
0x3d: {  	v5 =	vadd.f32 v10, v5;
	v6 =	vadd.f32 v12, v6;
	v3 =	vld [tilespmem:s16+$0x6050]  }
0x3e: {  	s18 =	sadd.s32 $0x200, s18;
	v8 =	vadd.f32 v11, v8;
	v4 =	vld [tilespmem:s16+$0x6060];
	v7 =	vadd.f32 v13, v7  }
0x3f: {  	v9 =	vld [tilespmem:s16+$0x6070]  }
0x40: {  	v10 =	vld [tilespmem:s16+$0x60A0]  }
0x41: {  	v11 =	vld [tilespmem:s16+$0x60B0];
	v2 =	vadd.f32 v2, v5  }
0x42: {  	v3 =	vadd.f32 v3, v6  }
0x43: {  	v4 =	vadd.f32 v4, v8;
	v1 =	vadd.f32 v1, v2  }
0x44: {  	v2 =	vadd.f32 v9, v7;
	v0 =	vadd.f32 v0, v3  }
0x45: {  	v3 =	vadd.f32 v10, v4;
	[tilespmem:$0x840] =	vst v1  }
0x46: {  	v1 =	vadd.f32 v11, v2;
	[tilespmem:$0x850] =	vst v0  }
0x47: {  	[tilespmem:$0x860] =	vst v3  }
0x48: {  	s18 =	simm.s32 $0x150;
	[tilespmem:$0x870] =	vst v1  }
0x49: {  	[tilespmem:s22], [sflag:$0x1] =	stream.indirect.gather [hbm4b:s3+s21], $0x40, s18, s21, $0xb8;
	[tilespmem:$0xAB40] =	vst v63  }
0x4a: {  	_ =	swait.ge [sflag:s15], $0xC80  }
0x4b: {  	[sflag:s15] =	ssyncset.done $0x0  }
0x4c: {  	s16 =	simm.s32 $0x0;
	[sflag:s15] =	ssyncadd.s32 $0xFFFFF380  }
0x4d: {  	v1 =	vld [tilespmem:s16+$0x6D00]  }
0x4e: {  	v0 =	vld [tilespmem:s16+$0x6D10]  }
0x4f: {  	v2 =	vld [tilespmem:s16+$0x6CC0]  }
0x50: {  	v5 =	vimm.f32 $0.0e+00;
	v3 =	vld [tilespmem:s16+$0x6CD0]  }
0x51: {  	v6 =	vimm.f32 $0.0e+00;
	v8 =	vimm.f32 $0.0e+00;
	v7 =	vimm.f32 $0.0e+00;
	s18 =	simm.s32 $0x200;
	v4 =	vld [tilespmem:s16+$0x6CE0]  }
.LBB2_4:
0x52: {  	p0 =	sne.s32 s18, $0x3000;
	v9 =	vld [tilespmem:s16+$0x6CF0];
	v10 =	vmov v1  }
0x53: {  	v11 =	vld [tilespmem:s16+$0x6D20];
	v12 =	vmov v0  }
0x54: {  	v13 =	vld [tilespmem:s16+$0x6D30];
	s16 =	sshra.s32 s18, $0x2  }
.Ltmp1:
0x55: {  	v1 =	vld [tilespmem:s16+$0x6D00];
	(pc) =	sbr.rel @p0 .LBB2_4-.Ltmp1, $4  }
0x56: {  	v5 =	vadd.f32 v2, v5;
	v6 =	vadd.f32 v3, v6;
	v0 =	vld [tilespmem:s16+$0x6D10]  }
0x57: {  	v8 =	vadd.f32 v4, v8;
	v2 =	vld [tilespmem:s16+$0x6CC0];
	v7 =	vadd.f32 v9, v7  }
0x58: {  	v5 =	vadd.f32 v10, v5;
	v6 =	vadd.f32 v12, v6;
	v3 =	vld [tilespmem:s16+$0x6CD0]  }
0x59: {  	s18 =	sadd.s32 $0x200, s18;
	v8 =	vadd.f32 v11, v8;
	v4 =	vld [tilespmem:s16+$0x6CE0];
	v7 =	vadd.f32 v13, v7  }
0x5a: {  	v9 =	vld [tilespmem:s16+$0x6CF0]  }
0x5b: {  	v10 =	vld [tilespmem:s16+$0x6D20]  }
0x5c: {  	v11 =	vld [tilespmem:s16+$0x6D30];
	v2 =	vadd.f32 v2, v5  }
0x5d: {  	v3 =	vadd.f32 v3, v6  }
0x5e: {  	v4 =	vadd.f32 v4, v8;
	v1 =	vadd.f32 v1, v2  }
0x5f: {  	v2 =	vadd.f32 v9, v7;
	v0 =	vadd.f32 v0, v3  }
0x60: {  	v3 =	vadd.f32 v10, v4;
	[tilespmem:$0x880] =	vst v1  }
0x61: {  	v1 =	vadd.f32 v11, v2;
	[tilespmem:$0x890] =	vst v0  }
0x62: {  	[tilespmem:$0x8A0] =	vst v3  }
0x63: {  	s18 =	simm.s32 $0x188;
	[tilespmem:$0x8B0] =	vst v1  }
0x64: {  	[tilespmem:s24], [sflag:$0x2] =	stream.indirect.gather [hbm4b:s3+s21], $0x40, s18, s21, $0xb8;
	[tilespmem:$0xAB40] =	vst v63  }
0x65: {  	_ =	swait.ge [sflag:s17], $0xC80  }
0x66: {  	[sflag:s17] =	ssyncset.done $0x0  }
0x67: {  	s16 =	simm.s32 $0x0;
	[sflag:s17] =	ssyncadd.s32 $0xFFFFF380  }
0x68: {  	v1 =	vld [tilespmem:s16+$0x7980]  }
0x69: {  	v0 =	vld [tilespmem:s16+$0x7990]  }
0x6a: {  	v2 =	vld [tilespmem:s16+$0x7940]  }
0x6b: {  	v5 =	vimm.f32 $0.0e+00;
	v3 =	vld [tilespmem:s16+$0x7950]  }
0x6c: {  	v6 =	vimm.f32 $0.0e+00;
	v8 =	vimm.f32 $0.0e+00;
	v7 =	vimm.f32 $0.0e+00;
	s18 =	simm.s32 $0x200;
	v4 =	vld [tilespmem:s16+$0x7960]  }
.LBB2_6:
0x6d: {  	p0 =	sne.s32 s18, $0x3000;
	v9 =	vld [tilespmem:s16+$0x7970];
	v10 =	vmov v1  }
0x6e: {  	v11 =	vld [tilespmem:s16+$0x79A0];
	v12 =	vmov v0  }
0x6f: {  	v13 =	vld [tilespmem:s16+$0x79B0];
	s16 =	sshra.s32 s18, $0x2  }
.Ltmp2:
0x70: {  	v1 =	vld [tilespmem:s16+$0x7980];
	(pc) =	sbr.rel @p0 .LBB2_6-.Ltmp2, $4  }
0x71: {  	v5 =	vadd.f32 v2, v5;
	v6 =	vadd.f32 v3, v6;
	v0 =	vld [tilespmem:s16+$0x7990]  }
0x72: {  	v8 =	vadd.f32 v4, v8;
	v2 =	vld [tilespmem:s16+$0x7940];
	v7 =	vadd.f32 v9, v7  }
0x73: {  	v5 =	vadd.f32 v10, v5;
	v6 =	vadd.f32 v12, v6;
	v3 =	vld [tilespmem:s16+$0x7950]  }
0x74: {  	s18 =	sadd.s32 $0x200, s18;
	v8 =	vadd.f32 v11, v8;
	v4 =	vld [tilespmem:s16+$0x7960];
	v7 =	vadd.f32 v13, v7  }
0x75: {  	v9 =	vld [tilespmem:s16+$0x7970]  }
0x76: {  	v10 =	vld [tilespmem:s16+$0x79A0]  }
0x77: {  	v11 =	vld [tilespmem:s16+$0x79B0];
	v2 =	vadd.f32 v2, v5  }
0x78: {  	v3 =	vadd.f32 v3, v6  }
0x79: {  	v4 =	vadd.f32 v4, v8;
	v1 =	vadd.f32 v1, v2  }
0x7a: {  	v2 =	vadd.f32 v9, v7;
	v0 =	vadd.f32 v0, v3  }
0x7b: {  	v3 =	vadd.f32 v10, v4;
	[tilespmem:$0x8C0] =	vst v1  }
0x7c: {  	v1 =	vadd.f32 v11, v2;
	[tilespmem:$0x8D0] =	vst v0  }
0x7d: {  	[tilespmem:$0x8E0] =	vst v3  }
0x7e: {  	s18 =	simm.s32 $0x1C0;
	[tilespmem:$0x8F0] =	vst v1  }
0x7f: {  	[tilespmem:s26], [sflag:$0x3] =	stream.indirect.gather [hbm4b:s3+s21], $0x40, s18, s21, $0xb8;
	[tilespmem:$0xAB40] =	vst v63  }
0x80: {  	_ =	swait.ge [sflag:s19], $0xC80  }
0x81: {  	[sflag:s19] =	ssyncset.done $0x0  }
0x82: {  	s16 =	simm.s32 $0x0;
	[sflag:s19] =	ssyncadd.s32 $0xFFFFF380  }
0x83: {  	v1 =	vld [tilespmem:s16+$0x8600]  }
0x84: {  	v0 =	vld [tilespmem:s16+$0x8610]  }
0x85: {  	v2 =	vld [tilespmem:s16+$0x85C0]  }
0x86: {  	v5 =	vimm.f32 $0.0e+00;
	v3 =	vld [tilespmem:s16+$0x85D0]  }
0x87: {  	v6 =	vimm.f32 $0.0e+00;
	v8 =	vimm.f32 $0.0e+00;
	v7 =	vimm.f32 $0.0e+00;
	s18 =	simm.s32 $0x200;
	v4 =	vld [tilespmem:s16+$0x85E0]  }
.LBB2_8:
0x88: {  	p0 =	sne.s32 s18, $0x3000;
	v9 =	vld [tilespmem:s16+$0x85F0];
	v10 =	vmov v1  }
0x89: {  	v11 =	vld [tilespmem:s16+$0x8620];
	v12 =	vmov v0  }
0x8a: {  	v13 =	vld [tilespmem:s16+$0x8630];
	s16 =	sshra.s32 s18, $0x2  }
.Ltmp3:
0x8b: {  	v1 =	vld [tilespmem:s16+$0x8600];
	(pc) =	sbr.rel @p0 .LBB2_8-.Ltmp3, $4  }
0x8c: {  	v5 =	vadd.f32 v2, v5;
	v6 =	vadd.f32 v3, v6;
	v0 =	vld [tilespmem:s16+$0x8610]  }
0x8d: {  	v8 =	vadd.f32 v4, v8;
	v2 =	vld [tilespmem:s16+$0x85C0];
	v7 =	vadd.f32 v9, v7  }
0x8e: {  	v5 =	vadd.f32 v10, v5;
	v6 =	vadd.f32 v12, v6;
	v3 =	vld [tilespmem:s16+$0x85D0]  }
0x8f: {  	s18 =	sadd.s32 $0x200, s18;
	v8 =	vadd.f32 v11, v8;
	v4 =	vld [tilespmem:s16+$0x85E0];
	v7 =	vadd.f32 v13, v7  }
0x90: {  	v9 =	vld [tilespmem:s16+$0x85F0]  }
0x91: {  	v10 =	vld [tilespmem:s16+$0x8620]  }
0x92: {  	v11 =	vld [tilespmem:s16+$0x8630];
	v2 =	vadd.f32 v2, v5  }
0x93: {  	v3 =	vadd.f32 v3, v6  }
0x94: {  	v4 =	vadd.f32 v4, v8;
	v1 =	vadd.f32 v1, v2  }
0x95: {  	v2 =	vadd.f32 v9, v7;
	v0 =	vadd.f32 v0, v3  }
0x96: {  	v3 =	vadd.f32 v10, v4;
	[tilespmem:$0x900] =	vst v1  }
0x97: {  	v1 =	vadd.f32 v11, v2;
	[tilespmem:$0x910] =	vst v0  }
0x98: {  	[tilespmem:$0x920] =	vst v3  }
0x99: {  	s18 =	simm.s32 $0x1F8;
	[tilespmem:$0x930] =	vst v1  }
0x9a: {  	[tilespmem:s29], [sflag:$0x4] =	stream.indirect.gather [hbm4b:s3+s21], $0x40, s18, s21, $0xb8;
	[tilespmem:$0xAB40] =	vst v63  }
0x9b: {  	_ =	swait.ge [sflag:s23], $0xC80  }
0x9c: {  	[sflag:s23] =	ssyncset.done $0x0  }
0x9d: {  	s16 =	simm.s32 $0x0;
	[sflag:s23] =	ssyncadd.s32 $0xFFFFF380  }
0x9e: {  	v1 =	vld [tilespmem:s16+$0x9280]  }
0x9f: {  	v0 =	vld [tilespmem:s16+$0x9290]  }
0xa0: {  	v2 =	vld [tilespmem:s16+$0x9240]  }
0xa1: {  	v5 =	vimm.f32 $0.0e+00;
	v3 =	vld [tilespmem:s16+$0x9250]  }
0xa2: {  	v6 =	vimm.f32 $0.0e+00;
	v8 =	vimm.f32 $0.0e+00;
	v7 =	vimm.f32 $0.0e+00;
	s18 =	simm.s32 $0x200;
	v4 =	vld [tilespmem:s16+$0x9260]  }
.LBB2_10:
0xa3: {  	p0 =	sne.s32 s18, $0x3000;
	v9 =	vld [tilespmem:s16+$0x9270];
	v10 =	vmov v1  }
0xa4: {  	v11 =	vld [tilespmem:s16+$0x92A0];
	v12 =	vmov v0  }
0xa5: {  	v13 =	vld [tilespmem:s16+$0x92B0];
	s16 =	sshra.s32 s18, $0x2  }
.Ltmp4:
0xa6: {  	v1 =	vld [tilespmem:s16+$0x9280];
	(pc) =	sbr.rel @p0 .LBB2_10-.Ltmp4, $4  }
0xa7: {  	v5 =	vadd.f32 v2, v5;
	v6 =	vadd.f32 v3, v6;
	v0 =	vld [tilespmem:s16+$0x9290]  }
0xa8: {  	v8 =	vadd.f32 v4, v8;
	v2 =	vld [tilespmem:s16+$0x9240];
	v7 =	vadd.f32 v9, v7  }
0xa9: {  	v5 =	vadd.f32 v10, v5;
	v6 =	vadd.f32 v12, v6;
	v3 =	vld [tilespmem:s16+$0x9250]  }
0xaa: {  	s18 =	sadd.s32 $0x200, s18;
	v8 =	vadd.f32 v11, v8;
	v4 =	vld [tilespmem:s16+$0x9260];
	v7 =	vadd.f32 v13, v7  }
0xab: {  	v9 =	vld [tilespmem:s16+$0x9270]  }
0xac: {  	v10 =	vld [tilespmem:s16+$0x92A0]  }
0xad: {  	v11 =	vld [tilespmem:s16+$0x92B0];
	v2 =	vadd.f32 v2, v5  }
0xae: {  	v3 =	vadd.f32 v3, v6  }
0xaf: {  	v4 =	vadd.f32 v4, v8;
	v1 =	vadd.f32 v1, v2  }
0xb0: {  	v2 =	vadd.f32 v9, v7;
	v0 =	vadd.f32 v0, v3  }
0xb1: {  	v3 =	vadd.f32 v10, v4;
	[tilespmem:$0x940] =	vst v1  }
0xb2: {  	v1 =	vadd.f32 v11, v2;
	[tilespmem:$0x950] =	vst v0  }
0xb3: {  	[tilespmem:$0x960] =	vst v3  }
0xb4: {  	s18 =	simm.s32 $0x230;
	[tilespmem:$0x970] =	vst v1  }
0xb5: {  	[tilespmem:s31], [sflag:$0x5] =	stream.indirect.gather [hbm4b:s3+s21], $0x40, s18, s21, $0xb8;
	[tilespmem:$0xAB40] =	vst v63  }
0xb6: {  	_ =	swait.ge [sflag:s28], $0xC80  }
0xb7: {  	[sflag:s28] =	ssyncset.done $0x0  }
0xb8: {  	s16 =	simm.s32 $0x0;
	[sflag:s28] =	ssyncadd.s32 $0xFFFFF380  }
0xb9: {  	v1 =	vld [tilespmem:s16+$0x9F00]  }
0xba: {  	v0 =	vld [tilespmem:s16+$0x9F10]  }
0xbb: {  	v2 =	vld [tilespmem:s16+$0x9EC0]  }
0xbc: {  	v5 =	vimm.f32 $0.0e+00;
	v3 =	vld [tilespmem:s16+$0x9ED0]  }
0xbd: {  	v6 =	vimm.f32 $0.0e+00;
	v8 =	vimm.f32 $0.0e+00;
	v7 =	vimm.f32 $0.0e+00;
	s18 =	simm.s32 $0x200;
	v4 =	vld [tilespmem:s16+$0x9EE0]  }
.LBB2_12:
0xbe: {  	p0 =	sne.s32 s18, $0x3000;
	v9 =	vld [tilespmem:s16+$0x9EF0];
	v10 =	vmov v1  }
0xbf: {  	v11 =	vld [tilespmem:s16+$0x9F20];
	v12 =	vmov v0  }
0xc0: {  	v13 =	vld [tilespmem:s16+$0x9F30];
	s16 =	sshra.s32 s18, $0x2  }
.Ltmp5:
0xc1: {  	v1 =	vld [tilespmem:s16+$0x9F00];
	(pc) =	sbr.rel @p0 .LBB2_12-.Ltmp5, $4  }
0xc2: {  	v5 =	vadd.f32 v2, v5;
	v6 =	vadd.f32 v3, v6;
	v0 =	vld [tilespmem:s16+$0x9F10]  }
0xc3: {  	v8 =	vadd.f32 v4, v8;
	v2 =	vld [tilespmem:s16+$0x9EC0];
	v7 =	vadd.f32 v9, v7  }
0xc4: {  	v5 =	vadd.f32 v10, v5;
	v6 =	vadd.f32 v12, v6;
	v3 =	vld [tilespmem:s16+$0x9ED0]  }
0xc5: {  	s18 =	sadd.s32 $0x200, s18;
	v8 =	vadd.f32 v11, v8;
	v4 =	vld [tilespmem:s16+$0x9EE0];
	v7 =	vadd.f32 v13, v7  }
0xc6: {  	v9 =	vld [tilespmem:s16+$0x9EF0]  }
0xc7: {  	v10 =	vld [tilespmem:s16+$0x9F20]  }
0xc8: {  	v11 =	vld [tilespmem:s16+$0x9F30];
	v2 =	vadd.f32 v2, v5  }
0xc9: {  	v3 =	vadd.f32 v3, v6  }
0xca: {  	v4 =	vadd.f32 v4, v8;
	v1 =	vadd.f32 v1, v2  }
0xcb: {  	v2 =	vadd.f32 v9, v7;
	v0 =	vadd.f32 v0, v3  }
0xcc: {  	v3 =	vadd.f32 v10, v4;
	[tilespmem:$0x980] =	vst v1  }
0xcd: {  	v1 =	vadd.f32 v11, v2;
	[tilespmem:$0x990] =	vst v0  }
0xce: {  	[tilespmem:$0x9A0] =	vst v3  }
0xcf: {  	s18 =	simm.s32 $0x268;
	[tilespmem:$0x9B0] =	vst v1  }
0xd0: {  	[tilespmem:s0], [sflag:$0x6] =	stream.indirect.gather [hbm4b:s3+s21], $0x40, s18, s21, $0xb8;
	[tilespmem:$0xAB40] =	vst v63  }
0xd1: {  	_ =	swait.ge [sflag:s13], $0xC80  }
0xd2: {  	[sflag:s13] =	ssyncset.done $0x0  }
0xd3: {  	s16 =	simm.s32 $0x0;
	[sflag:s13] =	ssyncadd.s32 $0xFFFFF380  }
0xd4: {  	v1 =	vld [tilespmem:s16+$0x6080]  }
0xd5: {  	v0 =	vld [tilespmem:s16+$0x6090]  }
0xd6: {  	v2 =	vld [tilespmem:s16+$0x6040]  }
0xd7: {  	v5 =	vimm.f32 $0.0e+00;
	v3 =	vld [tilespmem:s16+$0x6050]  }
0xd8: {  	v6 =	vimm.f32 $0.0e+00;
	v8 =	vimm.f32 $0.0e+00;
	v7 =	vimm.f32 $0.0e+00;
	s18 =	simm.s32 $0x200;
	v4 =	vld [tilespmem:s16+$0x6060]  }
.LBB2_14:
0xd9: {  	p0 =	sne.s32 s18, $0x3000;
	v9 =	vld [tilespmem:s16+$0x6070];
	v10 =	vmov v1  }
0xda: {  	v11 =	vld [tilespmem:s16+$0x60A0];
	v12 =	vmov v0  }
0xdb: {  	v13 =	vld [tilespmem:s16+$0x60B0];
	s16 =	sshra.s32 s18, $0x2  }
.Ltmp6:
0xdc: {  	v1 =	vld [tilespmem:s16+$0x6080];
	(pc) =	sbr.rel @p0 .LBB2_14-.Ltmp6, $4  }
0xdd: {  	v5 =	vadd.f32 v2, v5;
	v6 =	vadd.f32 v3, v6;
	v0 =	vld [tilespmem:s16+$0x6090]  }
0xde: {  	v8 =	vadd.f32 v4, v8;
	v2 =	vld [tilespmem:s16+$0x6040];
	v7 =	vadd.f32 v9, v7  }
0xdf: {  	v5 =	vadd.f32 v10, v5;
	v6 =	vadd.f32 v12, v6;
	v3 =	vld [tilespmem:s16+$0x6050]  }
0xe0: {  	s18 =	sadd.s32 $0x200, s18;
	v8 =	vadd.f32 v11, v8;
	v4 =	vld [tilespmem:s16+$0x6060];
	v7 =	vadd.f32 v13, v7  }
0xe1: {  	v9 =	vld [tilespmem:s16+$0x6070]  }
0xe2: {  	v10 =	vld [tilespmem:s16+$0x60A0]  }
0xe3: {  	v11 =	vld [tilespmem:s16+$0x60B0];
	v2 =	vadd.f32 v2, v5  }
0xe4: {  	v3 =	vadd.f32 v3, v6  }
0xe5: {  	v4 =	vadd.f32 v4, v8;
	v1 =	vadd.f32 v1, v2  }
0xe6: {  	v2 =	vadd.f32 v9, v7;
	v0 =	vadd.f32 v0, v3  }
0xe7: {  	v3 =	vadd.f32 v10, v4;
	[tilespmem:$0x9C0] =	vst v1  }
0xe8: {  	v1 =	vadd.f32 v11, v2;
	[tilespmem:$0x9D0] =	vst v0  }
0xe9: {  	[tilespmem:$0x9E0] =	vst v3  }
0xea: {  	s18 =	simm.s32 $0x2A0;
	[tilespmem:$0x9F0] =	vst v1  }
0xeb: {  	[tilespmem:s22], [sflag:$0x1] =	stream.indirect.gather [hbm4b:s3+s21], $0x40, s18, s21, $0xb8;
	[tilespmem:$0xAB40] =	vst v63  }
0xec: {  	_ =	swait.ge [sflag:s15], $0xC80  }
0xed: {  	[sflag:s15] =	ssyncset.done $0x0  }
0xee: {  	s16 =	simm.s32 $0x0;
	[sflag:s15] =	ssyncadd.s32 $0xFFFFF380  }
0xef: {  	v1 =	vld [tilespmem:s16+$0x6D00]  }
0xf0: {  	v0 =	vld [tilespmem:s16+$0x6D10]  }
0xf1: {  	v2 =	vld [tilespmem:s16+$0x6CC0]  }
0xf2: {  	v5 =	vimm.f32 $0.0e+00;
	v3 =	vld [tilespmem:s16+$0x6CD0]  }
0xf3: {  	v6 =	vimm.f32 $0.0e+00;
	v8 =	vimm.f32 $0.0e+00;
	v7 =	vimm.f32 $0.0e+00;
	s18 =	simm.s32 $0x200;
	v4 =	vld [tilespmem:s16+$0x6CE0]  }
.LBB2_16:
0xf4: {  	p0 =	sne.s32 s18, $0x3000;
	v9 =	vld [tilespmem:s16+$0x6CF0];
	v10 =	vmov v1  }
0xf5: {  	v11 =	vld [tilespmem:s16+$0x6D20];
	v12 =	vmov v0  }
0xf6: {  	v13 =	vld [tilespmem:s16+$0x6D30];
	s16 =	sshra.s32 s18, $0x2  }
.Ltmp7:
0xf7: {  	v1 =	vld [tilespmem:s16+$0x6D00];
	(pc) =	sbr.rel @p0 .LBB2_16-.Ltmp7, $4  }
0xf8: {  	v5 =	vadd.f32 v2, v5;
	v6 =	vadd.f32 v3, v6;
	v0 =	vld [tilespmem:s16+$0x6D10]  }
0xf9: {  	v8 =	vadd.f32 v4, v8;
	v2 =	vld [tilespmem:s16+$0x6CC0];
	v7 =	vadd.f32 v9, v7  }
0xfa: {  	v5 =	vadd.f32 v10, v5;
	v6 =	vadd.f32 v12, v6;
	v3 =	vld [tilespmem:s16+$0x6CD0]  }
0xfb: {  	s18 =	sadd.s32 $0x200, s18;
	v8 =	vadd.f32 v11, v8;
	v4 =	vld [tilespmem:s16+$0x6CE0];
	v7 =	vadd.f32 v13, v7  }
0xfc: {  	v9 =	vld [tilespmem:s16+$0x6CF0]  }
0xfd: {  	v10 =	vld [tilespmem:s16+$0x6D20]  }
0xfe: {  	v11 =	vld [tilespmem:s16+$0x6D30];
	v2 =	vadd.f32 v2, v5  }
0xff: {  	v3 =	vadd.f32 v3, v6  }
0x100: {  	v4 =	vadd.f32 v4, v8;
	v1 =	vadd.f32 v1, v2  }
0x101: {  	v2 =	vadd.f32 v9, v7;
	v0 =	vadd.f32 v0, v3  }
0x102: {  	v3 =	vadd.f32 v10, v4;
	[tilespmem:$0xA00] =	vst v1  }
0x103: {  	v1 =	vadd.f32 v11, v2;
	[tilespmem:$0xA10] =	vst v0  }
0x104: {  	[tilespmem:$0xA20] =	vst v3  }
0x105: {  	s18 =	simm.s32 $0x2D8;
	[tilespmem:$0xA30] =	vst v1  }
0x106: {  	[tilespmem:s24], [sflag:$0x2] =	stream.indirect.gather [hbm4b:s3+s21], $0x40, s18, s21, $0xb8;
	[tilespmem:$0xAB40] =	vst v63  }
0x107: {  	_ =	swait.ge [sflag:s17], $0xC80  }
0x108: {  	[sflag:s17] =	ssyncset.done $0x0  }
0x109: {  	s16 =	simm.s32 $0x0;
	[sflag:s17] =	ssyncadd.s32 $0xFFFFF380  }
0x10a: {  	v1 =	vld [tilespmem:s16+$0x7980]  }
0x10b: {  	v0 =	vld [tilespmem:s16+$0x7990]  }
0x10c: {  	v2 =	vld [tilespmem:s16+$0x7940]  }
0x10d: {  	v5 =	vimm.f32 $0.0e+00;
	v3 =	vld [tilespmem:s16+$0x7950]  }
0x10e: {  	v6 =	vimm.f32 $0.0e+00;
	v8 =	vimm.f32 $0.0e+00;
	v7 =	vimm.f32 $0.0e+00;
	s18 =	simm.s32 $0x200;
	v4 =	vld [tilespmem:s16+$0x7960]  }
.LBB2_18:
0x10f: {  	p0 =	sne.s32 s18, $0x3000;
	v9 =	vld [tilespmem:s16+$0x7970];
	v10 =	vmov v1  }
0x110: {  	v11 =	vld [tilespmem:s16+$0x79A0];
	v12 =	vmov v0  }
0x111: {  	v13 =	vld [tilespmem:s16+$0x79B0];
	s16 =	sshra.s32 s18, $0x2  }
.Ltmp8:
0x112: {  	v1 =	vld [tilespmem:s16+$0x7980];
	(pc) =	sbr.rel @p0 .LBB2_18-.Ltmp8, $4  }
0x113: {  	v5 =	vadd.f32 v2, v5;
	v6 =	vadd.f32 v3, v6;
	v0 =	vld [tilespmem:s16+$0x7990]  }
0x114: {  	v8 =	vadd.f32 v4, v8;
	v2 =	vld [tilespmem:s16+$0x7940];
	v7 =	vadd.f32 v9, v7  }
0x115: {  	v5 =	vadd.f32 v10, v5;
	v6 =	vadd.f32 v12, v6;
	v3 =	vld [tilespmem:s16+$0x7950]  }
0x116: {  	s18 =	sadd.s32 $0x200, s18;
	v8 =	vadd.f32 v11, v8;
	v4 =	vld [tilespmem:s16+$0x7960];
	v7 =	vadd.f32 v13, v7  }
0x117: {  	v9 =	vld [tilespmem:s16+$0x7970]  }
0x118: {  	v10 =	vld [tilespmem:s16+$0x79A0]  }
0x119: {  	v11 =	vld [tilespmem:s16+$0x79B0];
	v2 =	vadd.f32 v2, v5  }
0x11a: {  	v3 =	vadd.f32 v3, v6  }
0x11b: {  	v4 =	vadd.f32 v4, v8;
	v1 =	vadd.f32 v1, v2  }
0x11c: {  	v2 =	vadd.f32 v9, v7;
	v0 =	vadd.f32 v0, v3  }
0x11d: {  	v3 =	vadd.f32 v10, v4;
	[tilespmem:$0xA40] =	vst v1  }
0x11e: {  	v1 =	vadd.f32 v11, v2;
	[tilespmem:$0xA50] =	vst v0  }
0x11f: {  	[tilespmem:$0xA60] =	vst v3  }
0x120: {  	s18 =	simm.s32 $0x310;
	[tilespmem:$0xA70] =	vst v1  }
0x121: {  	[tilespmem:s26], [sflag:$0x3] =	stream.indirect.gather [hbm4b:s3+s21], $0x40, s18, s21, $0xb8;
	[tilespmem:$0xAB40] =	vst v63  }
0x122: {  	_ =	swait.ge [sflag:s19], $0xC80  }
0x123: {  	[sflag:s19] =	ssyncset.done $0x0  }
0x124: {  	s16 =	simm.s32 $0x0;
	[sflag:s19] =	ssyncadd.s32 $0xFFFFF380  }
0x125: {  	v1 =	vld [tilespmem:s16+$0x8600]  }
0x126: {  	v0 =	vld [tilespmem:s16+$0x8610]  }
0x127: {  	v2 =	vld [tilespmem:s16+$0x85C0]  }
0x128: {  	v5 =	vimm.f32 $0.0e+00;
	v3 =	vld [tilespmem:s16+$0x85D0]  }
0x129: {  	v6 =	vimm.f32 $0.0e+00;
	v8 =	vimm.f32 $0.0e+00;
	v7 =	vimm.f32 $0.0e+00;
	s18 =	simm.s32 $0x200;
	v4 =	vld [tilespmem:s16+$0x85E0]  }
.LBB2_20:
0x12a: {  	p0 =	sne.s32 s18, $0x3000;
	v9 =	vld [tilespmem:s16+$0x85F0];
	v10 =	vmov v1  }
0x12b: {  	v11 =	vld [tilespmem:s16+$0x8620];
	v12 =	vmov v0  }
0x12c: {  	v13 =	vld [tilespmem:s16+$0x8630];
	s16 =	sshra.s32 s18, $0x2  }
.Ltmp9:
0x12d: {  	v1 =	vld [tilespmem:s16+$0x8600];
	(pc) =	sbr.rel @p0 .LBB2_20-.Ltmp9, $4  }
0x12e: {  	v5 =	vadd.f32 v2, v5;
	v6 =	vadd.f32 v3, v6;
	v0 =	vld [tilespmem:s16+$0x8610]  }
0x12f: {  	v8 =	vadd.f32 v4, v8;
	v2 =	vld [tilespmem:s16+$0x85C0];
	v7 =	vadd.f32 v9, v7  }
0x130: {  	v5 =	vadd.f32 v10, v5;
	v6 =	vadd.f32 v12, v6;
	v3 =	vld [tilespmem:s16+$0x85D0]  }
0x131: {  	s18 =	sadd.s32 $0x200, s18;
	v8 =	vadd.f32 v11, v8;
	v4 =	vld [tilespmem:s16+$0x85E0];
	v7 =	vadd.f32 v13, v7  }
0x132: {  	v9 =	vld [tilespmem:s16+$0x85F0]  }
0x133: {  	v10 =	vld [tilespmem:s16+$0x8620]  }
0x134: {  	v11 =	vld [tilespmem:s16+$0x8630];
	v2 =	vadd.f32 v2, v5  }
0x135: {  	v3 =	vadd.f32 v3, v6  }
0x136: {  	v4 =	vadd.f32 v4, v8;
	v1 =	vadd.f32 v1, v2  }
0x137: {  	v2 =	vadd.f32 v9, v7;
	v0 =	vadd.f32 v0, v3  }
0x138: {  	v3 =	vadd.f32 v10, v4;
	[tilespmem:$0xA80] =	vst v1  }
0x139: {  	v1 =	vadd.f32 v11, v2;
	[tilespmem:$0xA90] =	vst v0  }
0x13a: {  	[tilespmem:$0xAA0] =	vst v3  }
0x13b: {  	s18 =	simm.s32 $0x348;
	[tilespmem:$0xAB0] =	vst v1  }
0x13c: {  	[tilespmem:s29], [sflag:$0x4] =	stream.indirect.gather [hbm4b:s3+s21], $0x40, s18, s21, $0xb8;
	[tilespmem:$0xAB40] =	vst v63  }
0x13d: {  	_ =	swait.ge [sflag:s23], $0xC80  }
0x13e: {  	[sflag:s23] =	ssyncset.done $0x0  }
0x13f: {  	s16 =	simm.s32 $0x0;
	[sflag:s23] =	ssyncadd.s32 $0xFFFFF380  }
0x140: {  	v1 =	vld [tilespmem:s16+$0x9280]  }
0x141: {  	v0 =	vld [tilespmem:s16+$0x9290]  }
0x142: {  	v2 =	vld [tilespmem:s16+$0x9240]  }
0x143: {  	v5 =	vimm.f32 $0.0e+00;
	v3 =	vld [tilespmem:s16+$0x9250]  }
0x144: {  	v6 =	vimm.f32 $0.0e+00;
	v8 =	vimm.f32 $0.0e+00;
	v7 =	vimm.f32 $0.0e+00;
	s18 =	simm.s32 $0x200;
	v4 =	vld [tilespmem:s16+$0x9260]  }
.LBB2_22:
0x145: {  	p0 =	sne.s32 s18, $0x3000;
	v9 =	vld [tilespmem:s16+$0x9270];
	v10 =	vmov v1  }
0x146: {  	v11 =	vld [tilespmem:s16+$0x92A0];
	v12 =	vmov v0  }
0x147: {  	v13 =	vld [tilespmem:s16+$0x92B0];
	s16 =	sshra.s32 s18, $0x2  }
.Ltmp10:
0x148: {  	v1 =	vld [tilespmem:s16+$0x9280];
	(pc) =	sbr.rel @p0 .LBB2_22-.Ltmp10, $4  }
0x149: {  	v5 =	vadd.f32 v2, v5;
	v6 =	vadd.f32 v3, v6;
	v0 =	vld [tilespmem:s16+$0x9290]  }
0x14a: {  	v8 =	vadd.f32 v4, v8;
	v2 =	vld [tilespmem:s16+$0x9240];
	v7 =	vadd.f32 v9, v7  }
0x14b: {  	v5 =	vadd.f32 v10, v5;
	v6 =	vadd.f32 v12, v6;
	v3 =	vld [tilespmem:s16+$0x9250]  }
0x14c: {  	s18 =	sadd.s32 $0x200, s18;
	v8 =	vadd.f32 v11, v8;
	v4 =	vld [tilespmem:s16+$0x9260];
	v7 =	vadd.f32 v13, v7  }
0x14d: {  	v9 =	vld [tilespmem:s16+$0x9270]  }
0x14e: {  	v10 =	vld [tilespmem:s16+$0x92A0]  }
0x14f: {  	v11 =	vld [tilespmem:s16+$0x92B0];
	v2 =	vadd.f32 v2, v5  }
0x150: {  	v3 =	vadd.f32 v3, v6  }
0x151: {  	v4 =	vadd.f32 v4, v8;
	v1 =	vadd.f32 v1, v2  }
0x152: {  	v2 =	vadd.f32 v9, v7;
	v0 =	vadd.f32 v0, v3  }
0x153: {  	v3 =	vadd.f32 v10, v4;
	[tilespmem:$0xAC0] =	vst v1  }
0x154: {  	v1 =	vadd.f32 v11, v2;
	[tilespmem:$0xAD0] =	vst v0  }
0x155: {  	[tilespmem:$0xAE0] =	vst v3  }
0x156: {  	s18 =	simm.s32 $0x380;
	[tilespmem:$0xAF0] =	vst v1  }
0x157: {  	[tilespmem:s31], [sflag:$0x5] =	stream.indirect.gather [hbm4b:s3+s21], $0x40, s18, s21, $0xb8;
	[tilespmem:$0xAB40] =	vst v63  }
0x158: {  	_ =	swait.ge [sflag:s28], $0xC80  }
0x159: {  	[sflag:s28] =	ssyncset.done $0x0  }
0x15a: {  	s16 =	simm.s32 $0x0;
	[sflag:s28] =	ssyncadd.s32 $0xFFFFF380  }
0x15b: {  	v1 =	vld [tilespmem:s16+$0x9F00]  }
0x15c: {  	v0 =	vld [tilespmem:s16+$0x9F10]  }
0x15d: {  	v2 =	vld [tilespmem:s16+$0x9EC0]  }
0x15e: {  	v5 =	vimm.f32 $0.0e+00;
	v3 =	vld [tilespmem:s16+$0x9ED0]  }
0x15f: {  	v6 =	vimm.f32 $0.0e+00;
	v8 =	vimm.f32 $0.0e+00;
	v7 =	vimm.f32 $0.0e+00;
	s18 =	simm.s32 $0x200;
	v4 =	vld [tilespmem:s16+$0x9EE0]  }
.LBB2_24:
0x160: {  	p0 =	sne.s32 s18, $0x3000;
	v9 =	vld [tilespmem:s16+$0x9EF0];
	v10 =	vmov v1  }
0x161: {  	v11 =	vld [tilespmem:s16+$0x9F20];
	v12 =	vmov v0  }
0x162: {  	v13 =	vld [tilespmem:s16+$0x9F30];
	s16 =	sshra.s32 s18, $0x2  }
.Ltmp11:
0x163: {  	v1 =	vld [tilespmem:s16+$0x9F00];
	(pc) =	sbr.rel @p0 .LBB2_24-.Ltmp11, $4  }
0x164: {  	v5 =	vadd.f32 v2, v5;
	v6 =	vadd.f32 v3, v6;
	v0 =	vld [tilespmem:s16+$0x9F10]  }
0x165: {  	v8 =	vadd.f32 v4, v8;
	v2 =	vld [tilespmem:s16+$0x9EC0];
	v7 =	vadd.f32 v9, v7  }
0x166: {  	v5 =	vadd.f32 v10, v5;
	v6 =	vadd.f32 v12, v6;
	v3 =	vld [tilespmem:s16+$0x9ED0]  }
0x167: {  	s18 =	sadd.s32 $0x200, s18;
	v8 =	vadd.f32 v11, v8;
	v4 =	vld [tilespmem:s16+$0x9EE0];
	v7 =	vadd.f32 v13, v7  }
0x168: {  	v9 =	vld [tilespmem:s16+$0x9EF0]  }
0x169: {  	v10 =	vld [tilespmem:s16+$0x9F20]  }
0x16a: {  	v11 =	vld [tilespmem:s16+$0x9F30];
	v2 =	vadd.f32 v2, v5  }
0x16b: {  	v3 =	vadd.f32 v3, v6  }
0x16c: {  	v4 =	vadd.f32 v4, v8;
	v1 =	vadd.f32 v1, v2  }
0x16d: {  	v2 =	vadd.f32 v9, v7;
	v0 =	vadd.f32 v0, v3  }
0x16e: {  	v3 =	vadd.f32 v10, v4;
	[tilespmem:$0xB00] =	vst v1  }
0x16f: {  	v1 =	vadd.f32 v11, v2;
	[tilespmem:$0xB10] =	vst v0  }
0x170: {  	[tilespmem:$0xB20] =	vst v3  }
0x171: {  	s18 =	simm.s32 $0x3B8;
	[tilespmem:$0xB30] =	vst v1  }
0x172: {  	[tilespmem:s0], [sflag:$0x6] =	stream.indirect.gather [hbm4b:s3+s21], $0x40, s18, s21, $0xb8;
	[tilespmem:$0xAB40] =	vst v63  }
0x173: {  	_ =	swait.ge [sflag:s13], $0xC80  }
0x174: {  	[sflag:s13] =	ssyncset.done $0x0  }
0x175: {  	s16 =	simm.s32 $0x0;
	[sflag:s13] =	ssyncadd.s32 $0xFFFFF380  }
0x176: {  	v1 =	vld [tilespmem:s16+$0x6080]  }
0x177: {  	v0 =	vld [tilespmem:s16+$0x6090]  }
0x178: {  	v2 =	vld [tilespmem:s16+$0x6040]  }
0x179: {  	v5 =	vimm.f32 $0.0e+00;
	v3 =	vld [tilespmem:s16+$0x6050]  }
0x17a: {  	v6 =	vimm.f32 $0.0e+00;
	v8 =	vimm.f32 $0.0e+00;
	v7 =	vimm.f32 $0.0e+00;
	s18 =	simm.s32 $0x200;
	v4 =	vld [tilespmem:s16+$0x6060]  }
.LBB2_26:
0x17b: {  	p0 =	sne.s32 s18, $0x3000;
	v9 =	vld [tilespmem:s16+$0x6070];
	v10 =	vmov v1  }
0x17c: {  	v11 =	vld [tilespmem:s16+$0x60A0];
	v12 =	vmov v0  }
0x17d: {  	v13 =	vld [tilespmem:s16+$0x60B0];
	s16 =	sshra.s32 s18, $0x2  }
.Ltmp12:
0x17e: {  	v1 =	vld [tilespmem:s16+$0x6080];
	(pc) =	sbr.rel @p0 .LBB2_26-.Ltmp12, $4  }
0x17f: {  	v5 =	vadd.f32 v2, v5;
	v6 =	vadd.f32 v3, v6;
	v0 =	vld [tilespmem:s16+$0x6090]  }
0x180: {  	v8 =	vadd.f32 v4, v8;
	v2 =	vld [tilespmem:s16+$0x6040];
	v7 =	vadd.f32 v9, v7  }
0x181: {  	v5 =	vadd.f32 v10, v5;
	v6 =	vadd.f32 v12, v6;
	v3 =	vld [tilespmem:s16+$0x6050]  }
0x182: {  	s18 =	sadd.s32 $0x200, s18;
	v8 =	vadd.f32 v11, v8;
	v4 =	vld [tilespmem:s16+$0x6060];
	v7 =	vadd.f32 v13, v7  }
0x183: {  	v9 =	vld [tilespmem:s16+$0x6070]  }
0x184: {  	v10 =	vld [tilespmem:s16+$0x60A0]  }
0x185: {  	v11 =	vld [tilespmem:s16+$0x60B0];
	v2 =	vadd.f32 v2, v5  }
0x186: {  	v3 =	vadd.f32 v3, v6  }
0x187: {  	v4 =	vadd.f32 v4, v8;
	v1 =	vadd.f32 v1, v2  }
0x188: {  	v2 =	vadd.f32 v9, v7;
	v0 =	vadd.f32 v0, v3  }
0x189: {  	v3 =	vadd.f32 v10, v4;
	[tilespmem:$0xB40] =	vst v1  }
0x18a: {  	v1 =	vadd.f32 v11, v2;
	[tilespmem:$0xB50] =	vst v0  }
0x18b: {  	[tilespmem:$0xB60] =	vst v3  }
0x18c: {  	s18 =	simm.s32 $0x3F0;
	[tilespmem:$0xB70] =	vst v1  }
0x18d: {  	[tilespmem:s22], [sflag:$0x1] =	stream.indirect.gather [hbm4b:s3+s21], $0x40, s18, s21, $0xb8;
	[tilespmem:$0xAB40] =	vst v63  }
0x18e: {  	_ =	swait.ge [sflag:s15], $0xC80  }
0x18f: {  	[sflag:s15] =	ssyncset.done $0x0  }
0x190: {  	s16 =	simm.s32 $0x0;
	[sflag:s15] =	ssyncadd.s32 $0xFFFFF380  }
0x191: {  	v1 =	vld [tilespmem:s16+$0x6D00]  }
0x192: {  	v0 =	vld [tilespmem:s16+$0x6D10]  }
0x193: {  	v2 =	vld [tilespmem:s16+$0x6CC0]  }
0x194: {  	v5 =	vimm.f32 $0.0e+00;
	v3 =	vld [tilespmem:s16+$0x6CD0]  }
0x195: {  	v6 =	vimm.f32 $0.0e+00;
	v8 =	vimm.f32 $0.0e+00;
	v7 =	vimm.f32 $0.0e+00;
	s18 =	simm.s32 $0x200;
	v4 =	vld [tilespmem:s16+$0x6CE0]  }
.LBB2_28:
0x196: {  	p0 =	sne.s32 s18, $0x3000;
	v9 =	vld [tilespmem:s16+$0x6CF0];
	v10 =	vmov v1  }
0x197: {  	v11 =	vld [tilespmem:s16+$0x6D20];
	v12 =	vmov v0  }
0x198: {  	v13 =	vld [tilespmem:s16+$0x6D30];
	s16 =	sshra.s32 s18, $0x2  }
.Ltmp13:
0x199: {  	v1 =	vld [tilespmem:s16+$0x6D00];
	(pc) =	sbr.rel @p0 .LBB2_28-.Ltmp13, $4  }
0x19a: {  	v5 =	vadd.f32 v2, v5;
	v6 =	vadd.f32 v3, v6;
	v0 =	vld [tilespmem:s16+$0x6D10]  }
0x19b: {  	v8 =	vadd.f32 v4, v8;
	v2 =	vld [tilespmem:s16+$0x6CC0];
	v7 =	vadd.f32 v9, v7  }
0x19c: {  	v5 =	vadd.f32 v10, v5;
	v6 =	vadd.f32 v12, v6;
	v3 =	vld [tilespmem:s16+$0x6CD0]  }
0x19d: {  	s18 =	sadd.s32 $0x200, s18;
	v8 =	vadd.f32 v11, v8;
	v4 =	vld [tilespmem:s16+$0x6CE0];
	v7 =	vadd.f32 v13, v7  }
0x19e: {  	v9 =	vld [tilespmem:s16+$0x6CF0]  }
0x19f: {  	v10 =	vld [tilespmem:s16+$0x6D20]  }
0x1a0: {  	v11 =	vld [tilespmem:s16+$0x6D30];
	v2 =	vadd.f32 v2, v5  }
0x1a1: {  	v3 =	vadd.f32 v3, v6  }
0x1a2: {  	v4 =	vadd.f32 v4, v8;
	v1 =	vadd.f32 v1, v2  }
0x1a3: {  	v2 =	vadd.f32 v9, v7;
	v0 =	vadd.f32 v0, v3  }
0x1a4: {  	v3 =	vadd.f32 v10, v4;
	[tilespmem:$0xB80] =	vst v1  }
0x1a5: {  	v1 =	vadd.f32 v11, v2;
	[tilespmem:$0xB90] =	vst v0  }
0x1a6: {  	[tilespmem:$0xBA0] =	vst v3  }
0x1a7: {  	s18 =	simm.s32 $0x428;
	[tilespmem:$0xBB0] =	vst v1  }
0x1a8: {  	[tilespmem:s24], [sflag:$0x2] =	stream.indirect.gather [hbm4b:s3+s21], $0x40, s18, s21, $0xb8;
	[tilespmem:$0xAB40] =	vst v63  }
0x1a9: {  	_ =	swait.ge [sflag:s17], $0xC80  }
0x1aa: {  	[sflag:s17] =	ssyncset.done $0x0  }
0x1ab: {  	s16 =	simm.s32 $0x0;
	[sflag:s17] =	ssyncadd.s32 $0xFFFFF380  }
0x1ac: {  	v1 =	vld [tilespmem:s16+$0x7980]  }
0x1ad: {  	v0 =	vld [tilespmem:s16+$0x7990]  }
0x1ae: {  	v2 =	vld [tilespmem:s16+$0x7940]  }
0x1af: {  	v5 =	vimm.f32 $0.0e+00;
	v3 =	vld [tilespmem:s16+$0x7950]  }
0x1b0: {  	v6 =	vimm.f32 $0.0e+00;
	v8 =	vimm.f32 $0.0e+00;
	v7 =	vimm.f32 $0.0e+00;
	s18 =	simm.s32 $0x200;
	v4 =	vld [tilespmem:s16+$0x7960]  }
.LBB2_30:
0x1b1: {  	p0 =	sne.s32 s18, $0x3000;
	v9 =	vld [tilespmem:s16+$0x7970];
	v10 =	vmov v1  }
0x1b2: {  	v11 =	vld [tilespmem:s16+$0x79A0];
	v12 =	vmov v0  }
0x1b3: {  	v13 =	vld [tilespmem:s16+$0x79B0];
	s16 =	sshra.s32 s18, $0x2  }
.Ltmp14:
0x1b4: {  	v1 =	vld [tilespmem:s16+$0x7980];
	(pc) =	sbr.rel @p0 .LBB2_30-.Ltmp14, $4  }
0x1b5: {  	v5 =	vadd.f32 v2, v5;
	v6 =	vadd.f32 v3, v6;
	v0 =	vld [tilespmem:s16+$0x7990]  }
0x1b6: {  	v8 =	vadd.f32 v4, v8;
	v2 =	vld [tilespmem:s16+$0x7940];
	v7 =	vadd.f32 v9, v7  }
0x1b7: {  	v5 =	vadd.f32 v10, v5;
	v6 =	vadd.f32 v12, v6;
	v3 =	vld [tilespmem:s16+$0x7950]  }
0x1b8: {  	s18 =	sadd.s32 $0x200, s18;
	v8 =	vadd.f32 v11, v8;
	v4 =	vld [tilespmem:s16+$0x7960];
	v7 =	vadd.f32 v13, v7  }
0x1b9: {  	v9 =	vld [tilespmem:s16+$0x7970]  }
0x1ba: {  	v10 =	vld [tilespmem:s16+$0x79A0]  }
0x1bb: {  	v11 =	vld [tilespmem:s16+$0x79B0];
	v2 =	vadd.f32 v2, v5  }
0x1bc: {  	v3 =	vadd.f32 v3, v6  }
0x1bd: {  	v4 =	vadd.f32 v4, v8;
	v1 =	vadd.f32 v1, v2  }
0x1be: {  	v2 =	vadd.f32 v9, v7;
	v0 =	vadd.f32 v0, v3  }
0x1bf: {  	v3 =	vadd.f32 v10, v4;
	[tilespmem:$0xBC0] =	vst v1  }
0x1c0: {  	v1 =	vadd.f32 v11, v2;
	[tilespmem:$0xBD0] =	vst v0  }
0x1c1: {  	[tilespmem:$0xBE0] =	vst v3  }
0x1c2: {  	s18 =	simm.s32 $0x460;
	[tilespmem:$0xBF0] =	vst v1  }
0x1c3: {  	[tilespmem:s26], [sflag:$0x3] =	stream.indirect.gather [hbm4b:s3+s21], $0x40, s18, s21, $0xb8;
	[tilespmem:$0xAB40] =	vst v63  }
0x1c4: {  	_ =	swait.ge [sflag:s19], $0xC80  }
0x1c5: {  	[sflag:s19] =	ssyncset.done $0x0  }
0x1c6: {  	s16 =	simm.s32 $0x0;
	[sflag:s19] =	ssyncadd.s32 $0xFFFFF380  }
0x1c7: {  	v1 =	vld [tilespmem:s16+$0x8600]  }
0x1c8: {  	v0 =	vld [tilespmem:s16+$0x8610]  }
0x1c9: {  	v2 =	vld [tilespmem:s16+$0x85C0]  }
0x1ca: {  	v5 =	vimm.f32 $0.0e+00;
	v3 =	vld [tilespmem:s16+$0x85D0]  }
0x1cb: {  	v6 =	vimm.f32 $0.0e+00;
	v8 =	vimm.f32 $0.0e+00;
	v7 =	vimm.f32 $0.0e+00;
	s18 =	simm.s32 $0x200;
	v4 =	vld [tilespmem:s16+$0x85E0]  }
.LBB2_32:
0x1cc: {  	p0 =	sne.s32 s18, $0x3000;
	v9 =	vld [tilespmem:s16+$0x85F0];
	v10 =	vmov v1  }
0x1cd: {  	v11 =	vld [tilespmem:s16+$0x8620];
	v12 =	vmov v0  }
0x1ce: {  	v13 =	vld [tilespmem:s16+$0x8630];
	s16 =	sshra.s32 s18, $0x2  }
.Ltmp15:
0x1cf: {  	v1 =	vld [tilespmem:s16+$0x8600];
	(pc) =	sbr.rel @p0 .LBB2_32-.Ltmp15, $4  }
0x1d0: {  	v5 =	vadd.f32 v2, v5;
	v6 =	vadd.f32 v3, v6;
	v0 =	vld [tilespmem:s16+$0x8610]  }
0x1d1: {  	v8 =	vadd.f32 v4, v8;
	v2 =	vld [tilespmem:s16+$0x85C0];
	v7 =	vadd.f32 v9, v7  }
0x1d2: {  	v5 =	vadd.f32 v10, v5;
	v6 =	vadd.f32 v12, v6;
	v3 =	vld [tilespmem:s16+$0x85D0]  }
0x1d3: {  	s18 =	sadd.s32 $0x200, s18;
	v8 =	vadd.f32 v11, v8;
	v4 =	vld [tilespmem:s16+$0x85E0];
	v7 =	vadd.f32 v13, v7  }
0x1d4: {  	v9 =	vld [tilespmem:s16+$0x85F0]  }
0x1d5: {  	v10 =	vld [tilespmem:s16+$0x8620]  }
0x1d6: {  	v11 =	vld [tilespmem:s16+$0x8630];
	v2 =	vadd.f32 v2, v5  }
0x1d7: {  	v3 =	vadd.f32 v3, v6  }
0x1d8: {  	v4 =	vadd.f32 v4, v8;
	v1 =	vadd.f32 v1, v2  }
0x1d9: {  	v2 =	vadd.f32 v9, v7;
	v0 =	vadd.f32 v0, v3  }
0x1da: {  	v3 =	vadd.f32 v10, v4;
	[tilespmem:$0xC00] =	vst v1  }
0x1db: {  	v1 =	vadd.f32 v11, v2;
	[tilespmem:$0xC10] =	vst v0  }
0x1dc: {  	[tilespmem:$0xC20] =	vst v3  }
0x1dd: {  	s18 =	simm.s32 $0x498;
	[tilespmem:$0xC30] =	vst v1  }
0x1de: {  	[tilespmem:s29], [sflag:$0x4] =	stream.indirect.gather [hbm4b:s3+s21], $0x40, s18, s21, $0xb8;
	[tilespmem:$0xAB40] =	vst v63  }
0x1df: {  	_ =	swait.ge [sflag:s23], $0xC80  }
0x1e0: {  	[sflag:s23] =	ssyncset.done $0x0  }
0x1e1: {  	s16 =	simm.s32 $0x0;
	[sflag:s23] =	ssyncadd.s32 $0xFFFFF380  }
0x1e2: {  	v1 =	vld [tilespmem:s16+$0x9280]  }
0x1e3: {  	v0 =	vld [tilespmem:s16+$0x9290]  }
0x1e4: {  	v2 =	vld [tilespmem:s16+$0x9240]  }
0x1e5: {  	v5 =	vimm.f32 $0.0e+00;
	v3 =	vld [tilespmem:s16+$0x9250]  }
0x1e6: {  	v6 =	vimm.f32 $0.0e+00;
	v8 =	vimm.f32 $0.0e+00;
	v7 =	vimm.f32 $0.0e+00;
	s18 =	simm.s32 $0x200;
	v4 =	vld [tilespmem:s16+$0x9260]  }
.LBB2_34:
0x1e7: {  	p0 =	sne.s32 s18, $0x3000;
	v9 =	vld [tilespmem:s16+$0x9270];
	v10 =	vmov v1  }
0x1e8: {  	v11 =	vld [tilespmem:s16+$0x92A0];
	v12 =	vmov v0  }
0x1e9: {  	v13 =	vld [tilespmem:s16+$0x92B0];
	s16 =	sshra.s32 s18, $0x2  }
.Ltmp16:
0x1ea: {  	v1 =	vld [tilespmem:s16+$0x9280];
	(pc) =	sbr.rel @p0 .LBB2_34-.Ltmp16, $4  }
0x1eb: {  	v5 =	vadd.f32 v2, v5;
	v6 =	vadd.f32 v3, v6;
	v0 =	vld [tilespmem:s16+$0x9290]  }
0x1ec: {  	v8 =	vadd.f32 v4, v8;
	v2 =	vld [tilespmem:s16+$0x9240];
	v7 =	vadd.f32 v9, v7  }
0x1ed: {  	v5 =	vadd.f32 v10, v5;
	v6 =	vadd.f32 v12, v6;
	v3 =	vld [tilespmem:s16+$0x9250]  }
0x1ee: {  	s18 =	sadd.s32 $0x200, s18;
	v8 =	vadd.f32 v11, v8;
	v4 =	vld [tilespmem:s16+$0x9260];
	v7 =	vadd.f32 v13, v7  }
0x1ef: {  	v9 =	vld [tilespmem:s16+$0x9270]  }
0x1f0: {  	v10 =	vld [tilespmem:s16+$0x92A0]  }
0x1f1: {  	v11 =	vld [tilespmem:s16+$0x92B0];
	v2 =	vadd.f32 v2, v5  }
0x1f2: {  	v3 =	vadd.f32 v3, v6  }
0x1f3: {  	v4 =	vadd.f32 v4, v8;
	v1 =	vadd.f32 v1, v2  }
0x1f4: {  	v2 =	vadd.f32 v9, v7;
	v0 =	vadd.f32 v0, v3  }
0x1f5: {  	v3 =	vadd.f32 v10, v4;
	[tilespmem:$0xC40] =	vst v1  }
0x1f6: {  	v1 =	vadd.f32 v11, v2;
	[tilespmem:$0xC50] =	vst v0  }
0x1f7: {  	[tilespmem:$0xC60] =	vst v3  }
0x1f8: {  	s18 =	simm.s32 $0x4D0;
	[tilespmem:$0xC70] =	vst v1  }
0x1f9: {  	[tilespmem:s31], [sflag:$0x5] =	stream.indirect.gather [hbm4b:s3+s21], $0x40, s18, s21, $0xb8;
	[tilespmem:$0xAB40] =	vst v63  }
0x1fa: {  	_ =	swait.ge [sflag:s28], $0xC80  }
0x1fb: {  	[sflag:s28] =	ssyncset.done $0x0  }
0x1fc: {  	s16 =	simm.s32 $0x0;
	[sflag:s28] =	ssyncadd.s32 $0xFFFFF380  }
0x1fd: {  	v1 =	vld [tilespmem:s16+$0x9F00]  }
0x1fe: {  	v0 =	vld [tilespmem:s16+$0x9F10]  }
0x1ff: {  	v2 =	vld [tilespmem:s16+$0x9EC0]  }
0x200: {  	v5 =	vimm.f32 $0.0e+00;
	v3 =	vld [tilespmem:s16+$0x9ED0]  }
0x201: {  	v6 =	vimm.f32 $0.0e+00;
	v8 =	vimm.f32 $0.0e+00;
	v7 =	vimm.f32 $0.0e+00;
	s18 =	simm.s32 $0x200;
	v4 =	vld [tilespmem:s16+$0x9EE0]  }
.LBB2_36:
0x202: {  	p0 =	sne.s32 s18, $0x3000;
	v9 =	vld [tilespmem:s16+$0x9EF0];
	v10 =	vmov v1  }
0x203: {  	v11 =	vld [tilespmem:s16+$0x9F20];
	v12 =	vmov v0  }
0x204: {  	v13 =	vld [tilespmem:s16+$0x9F30];
	s16 =	sshra.s32 s18, $0x2  }
.Ltmp17:
0x205: {  	v1 =	vld [tilespmem:s16+$0x9F00];
	(pc) =	sbr.rel @p0 .LBB2_36-.Ltmp17, $4  }
0x206: {  	v5 =	vadd.f32 v2, v5;
	v6 =	vadd.f32 v3, v6;
	v0 =	vld [tilespmem:s16+$0x9F10]  }
0x207: {  	v8 =	vadd.f32 v4, v8;
	v2 =	vld [tilespmem:s16+$0x9EC0];
	v7 =	vadd.f32 v9, v7  }
0x208: {  	v5 =	vadd.f32 v10, v5;
	v6 =	vadd.f32 v12, v6;
	v3 =	vld [tilespmem:s16+$0x9ED0]  }
0x209: {  	s18 =	sadd.s32 $0x200, s18;
	v8 =	vadd.f32 v11, v8;
	v4 =	vld [tilespmem:s16+$0x9EE0];
	v7 =	vadd.f32 v13, v7  }
0x20a: {  	v9 =	vld [tilespmem:s16+$0x9EF0]  }
0x20b: {  	v10 =	vld [tilespmem:s16+$0x9F20]  }
0x20c: {  	v11 =	vld [tilespmem:s16+$0x9F30];
	v2 =	vadd.f32 v2, v5  }
0x20d: {  	v3 =	vadd.f32 v3, v6  }
0x20e: {  	v4 =	vadd.f32 v4, v8;
	v1 =	vadd.f32 v1, v2  }
0x20f: {  	v2 =	vadd.f32 v9, v7;
	v0 =	vadd.f32 v0, v3  }
0x210: {  	v3 =	vadd.f32 v10, v4;
	[tilespmem:$0xC80] =	vst v1  }
0x211: {  	v1 =	vadd.f32 v11, v2;
	[tilespmem:$0xC90] =	vst v0  }
0x212: {  	[tilespmem:$0xCA0] =	vst v3  }
0x213: {  	s18 =	simm.s32 $0x508;
	[tilespmem:$0xCB0] =	vst v1  }
0x214: {  	[tilespmem:s0], [sflag:$0x6] =	stream.indirect.gather [hbm4b:s3+s21], $0x40, s18, s21, $0xb8;
	[tilespmem:$0xAB40] =	vst v63  }
0x215: {  	_ =	swait.ge [sflag:s13], $0xC80  }
0x216: {  	[sflag:s13] =	ssyncset.done $0x0  }
0x217: {  	s16 =	simm.s32 $0x0;
	[sflag:s13] =	ssyncadd.s32 $0xFFFFF380  }
0x218: {  	v1 =	vld [tilespmem:s16+$0x6080]  }
0x219: {  	v0 =	vld [tilespmem:s16+$0x6090]  }
0x21a: {  	v2 =	vld [tilespmem:s16+$0x6040]  }
0x21b: {  	v5 =	vimm.f32 $0.0e+00;
	v3 =	vld [tilespmem:s16+$0x6050]  }
0x21c: {  	v6 =	vimm.f32 $0.0e+00;
	v8 =	vimm.f32 $0.0e+00;
	v7 =	vimm.f32 $0.0e+00;
	s18 =	simm.s32 $0x200;
	v4 =	vld [tilespmem:s16+$0x6060]  }
.LBB2_38:
0x21d: {  	p0 =	sne.s32 s18, $0x3000;
	v9 =	vld [tilespmem:s16+$0x6070];
	v10 =	vmov v1  }
0x21e: {  	v11 =	vld [tilespmem:s16+$0x60A0];
	v12 =	vmov v0  }
0x21f: {  	v13 =	vld [tilespmem:s16+$0x60B0];
	s16 =	sshra.s32 s18, $0x2  }
.Ltmp18:
0x220: {  	v1 =	vld [tilespmem:s16+$0x6080];
	(pc) =	sbr.rel @p0 .LBB2_38-.Ltmp18, $4  }
0x221: {  	v5 =	vadd.f32 v2, v5;
	v6 =	vadd.f32 v3, v6;
	v0 =	vld [tilespmem:s16+$0x6090]  }
0x222: {  	v8 =	vadd.f32 v4, v8;
	v2 =	vld [tilespmem:s16+$0x6040];
	v7 =	vadd.f32 v9, v7  }
0x223: {  	v5 =	vadd.f32 v10, v5;
	v6 =	vadd.f32 v12, v6;
	v3 =	vld [tilespmem:s16+$0x6050]  }
0x224: {  	s18 =	sadd.s32 $0x200, s18;
	v8 =	vadd.f32 v11, v8;
	v4 =	vld [tilespmem:s16+$0x6060];
	v7 =	vadd.f32 v13, v7  }
0x225: {  	v9 =	vld [tilespmem:s16+$0x6070]  }
0x226: {  	v10 =	vld [tilespmem:s16+$0x60A0]  }
0x227: {  	v11 =	vld [tilespmem:s16+$0x60B0];
	v2 =	vadd.f32 v2, v5  }
0x228: {  	v3 =	vadd.f32 v3, v6  }
0x229: {  	v4 =	vadd.f32 v4, v8;
	v1 =	vadd.f32 v1, v2  }
0x22a: {  	v2 =	vadd.f32 v9, v7;
	v0 =	vadd.f32 v0, v3  }
0x22b: {  	v3 =	vadd.f32 v10, v4;
	[tilespmem:$0xCC0] =	vst v1  }
0x22c: {  	v1 =	vadd.f32 v11, v2;
	[tilespmem:$0xCD0] =	vst v0  }
0x22d: {  	[tilespmem:$0xCE0] =	vst v3  }
0x22e: {  	s18 =	simm.s32 $0x540;
	[tilespmem:$0xCF0] =	vst v1  }
0x22f: {  	[tilespmem:s22], [sflag:$0x1] =	stream.indirect.gather [hbm4b:s3+s21], $0x40, s18, s21, $0xb8;
	[tilespmem:$0xAB40] =	vst v63  }
0x230: {  	_ =	swait.ge [sflag:s15], $0xC80  }
0x231: {  	[sflag:s15] =	ssyncset.done $0x0  }
0x232: {  	s16 =	simm.s32 $0x0;
	[sflag:s15] =	ssyncadd.s32 $0xFFFFF380  }
0x233: {  	v1 =	vld [tilespmem:s16+$0x6D00]  }
0x234: {  	v0 =	vld [tilespmem:s16+$0x6D10]  }
0x235: {  	v2 =	vld [tilespmem:s16+$0x6CC0]  }
0x236: {  	v5 =	vimm.f32 $0.0e+00;
	v3 =	vld [tilespmem:s16+$0x6CD0]  }
0x237: {  	v6 =	vimm.f32 $0.0e+00;
	v8 =	vimm.f32 $0.0e+00;
	v7 =	vimm.f32 $0.0e+00;
	s18 =	simm.s32 $0x200;
	v4 =	vld [tilespmem:s16+$0x6CE0]  }
.LBB2_40:
0x238: {  	p0 =	sne.s32 s18, $0x3000;
	v9 =	vld [tilespmem:s16+$0x6CF0];
	v10 =	vmov v1  }
0x239: {  	v11 =	vld [tilespmem:s16+$0x6D20];
	v12 =	vmov v0  }
0x23a: {  	v13 =	vld [tilespmem:s16+$0x6D30];
	s16 =	sshra.s32 s18, $0x2  }
.Ltmp19:
0x23b: {  	v1 =	vld [tilespmem:s16+$0x6D00];
	(pc) =	sbr.rel @p0 .LBB2_40-.Ltmp19, $4  }
0x23c: {  	v5 =	vadd.f32 v2, v5;
	v6 =	vadd.f32 v3, v6;
	v0 =	vld [tilespmem:s16+$0x6D10]  }
0x23d: {  	v8 =	vadd.f32 v4, v8;
	v2 =	vld [tilespmem:s16+$0x6CC0];
	v7 =	vadd.f32 v9, v7  }
0x23e: {  	v5 =	vadd.f32 v10, v5;
	v6 =	vadd.f32 v12, v6;
	v3 =	vld [tilespmem:s16+$0x6CD0]  }
0x23f: {  	s18 =	sadd.s32 $0x200, s18;
	v8 =	vadd.f32 v11, v8;
	v4 =	vld [tilespmem:s16+$0x6CE0];
	v7 =	vadd.f32 v13, v7  }
0x240: {  	v9 =	vld [tilespmem:s16+$0x6CF0]  }
0x241: {  	v10 =	vld [tilespmem:s16+$0x6D20]  }
0x242: {  	v11 =	vld [tilespmem:s16+$0x6D30];
	v2 =	vadd.f32 v2, v5  }
0x243: {  	v3 =	vadd.f32 v3, v6  }
0x244: {  	v4 =	vadd.f32 v4, v8;
	v1 =	vadd.f32 v1, v2  }
0x245: {  	v2 =	vadd.f32 v9, v7;
	v0 =	vadd.f32 v0, v3  }
0x246: {  	v3 =	vadd.f32 v10, v4;
	[tilespmem:$0xD00] =	vst v1  }
0x247: {  	v1 =	vadd.f32 v11, v2;
	[tilespmem:$0xD10] =	vst v0  }
0x248: {  	[tilespmem:$0xD20] =	vst v3  }
0x249: {  	s18 =	simm.s32 $0x578;
	[tilespmem:$0xD30] =	vst v1  }
0x24a: {  	[tilespmem:s24], [sflag:$0x2] =	stream.indirect.gather [hbm4b:s3+s21], $0x40, s18, s21, $0xb8;
	[tilespmem:$0xAB40] =	vst v63  }
0x24b: {  	_ =	swait.ge [sflag:s17], $0xC80  }
0x24c: {  	[sflag:s17] =	ssyncset.done $0x0  }
0x24d: {  	s16 =	simm.s32 $0x0;
	[sflag:s17] =	ssyncadd.s32 $0xFFFFF380  }
0x24e: {  	v1 =	vld [tilespmem:s16+$0x7980]  }
0x24f: {  	v0 =	vld [tilespmem:s16+$0x7990]  }
0x250: {  	v2 =	vld [tilespmem:s16+$0x7940]  }
0x251: {  	v5 =	vimm.f32 $0.0e+00;
	v3 =	vld [tilespmem:s16+$0x7950]  }
0x252: {  	v6 =	vimm.f32 $0.0e+00;
	v8 =	vimm.f32 $0.0e+00;
	v7 =	vimm.f32 $0.0e+00;
	s18 =	simm.s32 $0x200;
	v4 =	vld [tilespmem:s16+$0x7960]  }
.LBB2_42:
0x253: {  	p0 =	sne.s32 s18, $0x3000;
	v9 =	vld [tilespmem:s16+$0x7970];
	v10 =	vmov v1  }
0x254: {  	v11 =	vld [tilespmem:s16+$0x79A0];
	v12 =	vmov v0  }
0x255: {  	v13 =	vld [tilespmem:s16+$0x79B0];
	s16 =	sshra.s32 s18, $0x2  }
.Ltmp20:
0x256: {  	v1 =	vld [tilespmem:s16+$0x7980];
	(pc) =	sbr.rel @p0 .LBB2_42-.Ltmp20, $4  }
0x257: {  	v5 =	vadd.f32 v2, v5;
	v6 =	vadd.f32 v3, v6;
	v0 =	vld [tilespmem:s16+$0x7990]  }
0x258: {  	v8 =	vadd.f32 v4, v8;
	v2 =	vld [tilespmem:s16+$0x7940];
	v7 =	vadd.f32 v9, v7  }
0x259: {  	v5 =	vadd.f32 v10, v5;
	v6 =	vadd.f32 v12, v6;
	v3 =	vld [tilespmem:s16+$0x7950]  }
0x25a: {  	s18 =	sadd.s32 $0x200, s18;
	v8 =	vadd.f32 v11, v8;
	v4 =	vld [tilespmem:s16+$0x7960];
	v7 =	vadd.f32 v13, v7  }
0x25b: {  	v9 =	vld [tilespmem:s16+$0x7970]  }
0x25c: {  	v10 =	vld [tilespmem:s16+$0x79A0]  }
0x25d: {  	v11 =	vld [tilespmem:s16+$0x79B0];
	v2 =	vadd.f32 v2, v5  }
0x25e: {  	v3 =	vadd.f32 v3, v6  }
0x25f: {  	v4 =	vadd.f32 v4, v8;
	v1 =	vadd.f32 v1, v2  }
0x260: {  	v2 =	vadd.f32 v9, v7;
	v0 =	vadd.f32 v0, v3  }
0x261: {  	v3 =	vadd.f32 v10, v4;
	[tilespmem:$0xD40] =	vst v1  }
0x262: {  	v1 =	vadd.f32 v11, v2;
	[tilespmem:$0xD50] =	vst v0  }
0x263: {  	[tilespmem:$0xD60] =	vst v3  }
0x264: {  	s18 =	simm.s32 $0x5B0;
	[tilespmem:$0xD70] =	vst v1  }
0x265: {  	[tilespmem:s26], [sflag:$0x3] =	stream.indirect.gather [hbm4b:s3+s21], $0x40, s18, s21, $0xb8;
	[tilespmem:$0xAB40] =	vst v63  }
0x266: {  	_ =	swait.ge [sflag:s19], $0xC80  }
0x267: {  	[sflag:s19] =	ssyncset.done $0x0  }
0x268: {  	s16 =	simm.s32 $0x0;
	[sflag:s19] =	ssyncadd.s32 $0xFFFFF380  }
0x269: {  	v1 =	vld [tilespmem:s16+$0x8600]  }
0x26a: {  	v0 =	vld [tilespmem:s16+$0x8610]  }
0x26b: {  	v2 =	vld [tilespmem:s16+$0x85C0]  }
0x26c: {  	v5 =	vimm.f32 $0.0e+00;
	v3 =	vld [tilespmem:s16+$0x85D0]  }
0x26d: {  	v6 =	vimm.f32 $0.0e+00;
	v8 =	vimm.f32 $0.0e+00;
	v7 =	vimm.f32 $0.0e+00;
	s18 =	simm.s32 $0x200;
	v4 =	vld [tilespmem:s16+$0x85E0]  }
.LBB2_44:
0x26e: {  	p0 =	sne.s32 s18, $0x3000;
	v9 =	vld [tilespmem:s16+$0x85F0];
	v10 =	vmov v1  }
0x26f: {  	v11 =	vld [tilespmem:s16+$0x8620];
	v12 =	vmov v0  }
0x270: {  	v13 =	vld [tilespmem:s16+$0x8630];
	s16 =	sshra.s32 s18, $0x2  }
.Ltmp21:
0x271: {  	v1 =	vld [tilespmem:s16+$0x8600];
	(pc) =	sbr.rel @p0 .LBB2_44-.Ltmp21, $4  }
0x272: {  	v5 =	vadd.f32 v2, v5;
	v6 =	vadd.f32 v3, v6;
	v0 =	vld [tilespmem:s16+$0x8610]  }
0x273: {  	v8 =	vadd.f32 v4, v8;
	v2 =	vld [tilespmem:s16+$0x85C0];
	v7 =	vadd.f32 v9, v7  }
0x274: {  	v5 =	vadd.f32 v10, v5;
	v6 =	vadd.f32 v12, v6;
	v3 =	vld [tilespmem:s16+$0x85D0]  }
0x275: {  	s18 =	sadd.s32 $0x200, s18;
	v8 =	vadd.f32 v11, v8;
	v4 =	vld [tilespmem:s16+$0x85E0];
	v7 =	vadd.f32 v13, v7  }
0x276: {  	v9 =	vld [tilespmem:s16+$0x85F0]  }
0x277: {  	v10 =	vld [tilespmem:s16+$0x8620]  }
0x278: {  	v11 =	vld [tilespmem:s16+$0x8630];
	v2 =	vadd.f32 v2, v5  }
0x279: {  	v3 =	vadd.f32 v3, v6  }
0x27a: {  	v4 =	vadd.f32 v4, v8;
	v1 =	vadd.f32 v1, v2  }
0x27b: {  	v2 =	vadd.f32 v9, v7;
	v0 =	vadd.f32 v0, v3  }
0x27c: {  	v3 =	vadd.f32 v10, v4;
	[tilespmem:$0xD80] =	vst v1  }
0x27d: {  	v1 =	vadd.f32 v11, v2;
	[tilespmem:$0xD90] =	vst v0  }
0x27e: {  	[tilespmem:$0xDA0] =	vst v3  }
0x27f: {  	s18 =	simm.s32 $0x5E8;
	[tilespmem:$0xDB0] =	vst v1  }
0x280: {  	[tilespmem:s29], [sflag:$0x4] =	stream.indirect.gather [hbm4b:s3+s21], $0x40, s18, s21, $0xb8;
	[tilespmem:$0xAB40] =	vst v63  }
0x281: {  	_ =	swait.ge [sflag:s23], $0xC80  }
0x282: {  	[sflag:s23] =	ssyncset.done $0x0  }
0x283: {  	s16 =	simm.s32 $0x0;
	[sflag:s23] =	ssyncadd.s32 $0xFFFFF380  }
0x284: {  	v1 =	vld [tilespmem:s16+$0x9280]  }
0x285: {  	v0 =	vld [tilespmem:s16+$0x9290]  }
0x286: {  	v2 =	vld [tilespmem:s16+$0x9240]  }
0x287: {  	v5 =	vimm.f32 $0.0e+00;
	v3 =	vld [tilespmem:s16+$0x9250]  }
0x288: {  	v6 =	vimm.f32 $0.0e+00;
	v8 =	vimm.f32 $0.0e+00;
	v7 =	vimm.f32 $0.0e+00;
	s18 =	simm.s32 $0x200;
	v4 =	vld [tilespmem:s16+$0x9260]  }
.LBB2_46:
0x289: {  	p0 =	sne.s32 s18, $0x3000;
	v9 =	vld [tilespmem:s16+$0x9270];
	v10 =	vmov v1  }
0x28a: {  	v11 =	vld [tilespmem:s16+$0x92A0];
	v12 =	vmov v0  }
0x28b: {  	v13 =	vld [tilespmem:s16+$0x92B0];
	s16 =	sshra.s32 s18, $0x2  }
.Ltmp22:
0x28c: {  	v1 =	vld [tilespmem:s16+$0x9280];
	(pc) =	sbr.rel @p0 .LBB2_46-.Ltmp22, $4  }
0x28d: {  	v5 =	vadd.f32 v2, v5;
	v6 =	vadd.f32 v3, v6;
	v0 =	vld [tilespmem:s16+$0x9290]  }
0x28e: {  	v8 =	vadd.f32 v4, v8;
	v2 =	vld [tilespmem:s16+$0x9240];
	v7 =	vadd.f32 v9, v7  }
0x28f: {  	v5 =	vadd.f32 v10, v5;
	v6 =	vadd.f32 v12, v6;
	v3 =	vld [tilespmem:s16+$0x9250]  }
0x290: {  	s18 =	sadd.s32 $0x200, s18;
	v8 =	vadd.f32 v11, v8;
	v4 =	vld [tilespmem:s16+$0x9260];
	v7 =	vadd.f32 v13, v7  }
0x291: {  	v9 =	vld [tilespmem:s16+$0x9270]  }
0x292: {  	v10 =	vld [tilespmem:s16+$0x92A0]  }
0x293: {  	v11 =	vld [tilespmem:s16+$0x92B0];
	v2 =	vadd.f32 v2, v5  }
0x294: {  	v3 =	vadd.f32 v3, v6  }
0x295: {  	v4 =	vadd.f32 v4, v8;
	v1 =	vadd.f32 v1, v2  }
0x296: {  	v2 =	vadd.f32 v9, v7;
	v0 =	vadd.f32 v0, v3  }
0x297: {  	v3 =	vadd.f32 v10, v4;
	[tilespmem:$0xDC0] =	vst v1  }
0x298: {  	v1 =	vadd.f32 v11, v2;
	[tilespmem:$0xDD0] =	vst v0  }
0x299: {  	[tilespmem:$0xDE0] =	vst v3  }
0x29a: {  	s18 =	simm.s32 $0x620;
	[tilespmem:$0xDF0] =	vst v1  }
0x29b: {  	[tilespmem:s31], [sflag:$0x5] =	stream.indirect.gather [hbm4b:s3+s21], $0x40, s18, s21, $0xb8;
	[tilespmem:$0xAB40] =	vst v63  }
0x29c: {  	_ =	swait.ge [sflag:s28], $0xC80  }
0x29d: {  	[sflag:s28] =	ssyncset.done $0x0  }
0x29e: {  	s16 =	simm.s32 $0x0;
	[sflag:s28] =	ssyncadd.s32 $0xFFFFF380  }
0x29f: {  	v1 =	vld [tilespmem:s16+$0x9F00]  }
0x2a0: {  	v0 =	vld [tilespmem:s16+$0x9F10]  }
0x2a1: {  	v2 =	vld [tilespmem:s16+$0x9EC0]  }
0x2a2: {  	v5 =	vimm.f32 $0.0e+00;
	v3 =	vld [tilespmem:s16+$0x9ED0]  }
0x2a3: {  	v6 =	vimm.f32 $0.0e+00;
	v8 =	vimm.f32 $0.0e+00;
	v7 =	vimm.f32 $0.0e+00;
	s18 =	simm.s32 $0x200;
	v4 =	vld [tilespmem:s16+$0x9EE0]  }
.LBB2_48:
0x2a4: {  	p0 =	sne.s32 s18, $0x3000;
	v9 =	vld [tilespmem:s16+$0x9EF0];
	v10 =	vmov v1  }
0x2a5: {  	v11 =	vld [tilespmem:s16+$0x9F20];
	v12 =	vmov v0  }
0x2a6: {  	v13 =	vld [tilespmem:s16+$0x9F30];
	s16 =	sshra.s32 s18, $0x2  }
.Ltmp23:
0x2a7: {  	v1 =	vld [tilespmem:s16+$0x9F00];
	(pc) =	sbr.rel @p0 .LBB2_48-.Ltmp23, $4  }
0x2a8: {  	v5 =	vadd.f32 v2, v5;
	v6 =	vadd.f32 v3, v6;
	v0 =	vld [tilespmem:s16+$0x9F10]  }
0x2a9: {  	v8 =	vadd.f32 v4, v8;
	v2 =	vld [tilespmem:s16+$0x9EC0];
	v7 =	vadd.f32 v9, v7  }
0x2aa: {  	v5 =	vadd.f32 v10, v5;
	v6 =	vadd.f32 v12, v6;
	v3 =	vld [tilespmem:s16+$0x9ED0]  }
0x2ab: {  	s18 =	sadd.s32 $0x200, s18;
	v8 =	vadd.f32 v11, v8;
	v4 =	vld [tilespmem:s16+$0x9EE0];
	v7 =	vadd.f32 v13, v7  }
0x2ac: {  	v9 =	vld [tilespmem:s16+$0x9EF0]  }
0x2ad: {  	v10 =	vld [tilespmem:s16+$0x9F20]  }
0x2ae: {  	v11 =	vld [tilespmem:s16+$0x9F30];
	v2 =	vadd.f32 v2, v5  }
0x2af: {  	v3 =	vadd.f32 v3, v6  }
0x2b0: {  	v4 =	vadd.f32 v4, v8;
	v1 =	vadd.f32 v1, v2  }
0x2b1: {  	v2 =	vadd.f32 v9, v7;
	v0 =	vadd.f32 v0, v3  }
0x2b2: {  	v3 =	vadd.f32 v10, v4;
	[tilespmem:$0xE00] =	vst v1  }
0x2b3: {  	v1 =	vadd.f32 v11, v2;
	[tilespmem:$0xE10] =	vst v0  }
0x2b4: {  	[tilespmem:$0xE20] =	vst v3  }
0x2b5: {  	s18 =	simm.s32 $0x658;
	[tilespmem:$0xE30] =	vst v1  }
0x2b6: {  	[tilespmem:s0], [sflag:$0x6] =	stream.indirect.gather [hbm4b:s3+s21], $0x40, s18, s21, $0xb8;
	[tilespmem:$0xAB40] =	vst v63  }
0x2b7: {  	_ =	swait.ge [sflag:s13], $0xC80  }
0x2b8: {  	[sflag:s13] =	ssyncset.done $0x0  }
0x2b9: {  	s16 =	simm.s32 $0x0;
	[sflag:s13] =	ssyncadd.s32 $0xFFFFF380  }
0x2ba: {  	v1 =	vld [tilespmem:s16+$0x6080]  }
0x2bb: {  	v0 =	vld [tilespmem:s16+$0x6090]  }
0x2bc: {  	v2 =	vld [tilespmem:s16+$0x6040]  }
0x2bd: {  	v5 =	vimm.f32 $0.0e+00;
	v3 =	vld [tilespmem:s16+$0x6050]  }
0x2be: {  	v6 =	vimm.f32 $0.0e+00;
	v8 =	vimm.f32 $0.0e+00;
	v7 =	vimm.f32 $0.0e+00;
	s18 =	simm.s32 $0x200;
	v4 =	vld [tilespmem:s16+$0x6060]  }
.LBB2_50:
0x2bf: {  	p0 =	sne.s32 s18, $0x3000;
	v9 =	vld [tilespmem:s16+$0x6070];
	v10 =	vmov v1  }
0x2c0: {  	v11 =	vld [tilespmem:s16+$0x60A0];
	v12 =	vmov v0  }
0x2c1: {  	v13 =	vld [tilespmem:s16+$0x60B0];
	s16 =	sshra.s32 s18, $0x2  }
.Ltmp24:
0x2c2: {  	v1 =	vld [tilespmem:s16+$0x6080];
	(pc) =	sbr.rel @p0 .LBB2_50-.Ltmp24, $4  }
0x2c3: {  	v5 =	vadd.f32 v2, v5;
	v6 =	vadd.f32 v3, v6;
	v0 =	vld [tilespmem:s16+$0x6090]  }
0x2c4: {  	v8 =	vadd.f32 v4, v8;
	v2 =	vld [tilespmem:s16+$0x6040];
	v7 =	vadd.f32 v9, v7  }
0x2c5: {  	v5 =	vadd.f32 v10, v5;
	v6 =	vadd.f32 v12, v6;
	v3 =	vld [tilespmem:s16+$0x6050]  }
0x2c6: {  	s18 =	sadd.s32 $0x200, s18;
	v8 =	vadd.f32 v11, v8;
	v4 =	vld [tilespmem:s16+$0x6060];
	v7 =	vadd.f32 v13, v7  }
0x2c7: {  	v9 =	vld [tilespmem:s16+$0x6070]  }
0x2c8: {  	v10 =	vld [tilespmem:s16+$0x60A0]  }
0x2c9: {  	v11 =	vld [tilespmem:s16+$0x60B0];
	v2 =	vadd.f32 v2, v5  }
0x2ca: {  	v3 =	vadd.f32 v3, v6  }
0x2cb: {  	v4 =	vadd.f32 v4, v8;
	v1 =	vadd.f32 v1, v2  }
0x2cc: {  	v2 =	vadd.f32 v9, v7;
	v0 =	vadd.f32 v0, v3  }
0x2cd: {  	v3 =	vadd.f32 v10, v4;
	[tilespmem:$0xE40] =	vst v1  }
0x2ce: {  	v1 =	vadd.f32 v11, v2;
	[tilespmem:$0xE50] =	vst v0  }
0x2cf: {  	[tilespmem:$0xE60] =	vst v3  }
0x2d0: {  	[tilespmem:$0xE70] =	vst v1  }
0x2d1: {  	[tilespmem:s22], [sflag:$0x1] =	stream.indirect.gather [hbm4b:s3+s21], $0x40, s20, s21, $0xb8;
	[tilespmem:$0xAB40] =	vst v63  }
0x2d2: {  	_ =	swait.ge [sflag:s15], $0xC80  }
0x2d3: {  	[sflag:s15] =	ssyncset.done $0x0  }
0x2d4: {  	s16 =	simm.s32 $0x0;
	[sflag:s15] =	ssyncadd.s32 $0xFFFFF380  }
0x2d5: {  	v1 =	vld [tilespmem:s16+$0x6D00]  }
0x2d6: {  	v0 =	vld [tilespmem:s16+$0x6D10]  }
0x2d7: {  	v2 =	vld [tilespmem:s16+$0x6CC0]  }
0x2d8: {  	v5 =	vimm.f32 $0.0e+00;
	v3 =	vld [tilespmem:s16+$0x6CD0]  }
0x2d9: {  	s18 =	simm.s32 $0x200;
	v6 =	vimm.f32 $0.0e+00;
	v8 =	vimm.f32 $0.0e+00;
	v7 =	vimm.f32 $0.0e+00;
	v4 =	vld [tilespmem:s16+$0x6CE0]  }
.LBB2_52:
0x2da: {  	p0 =	sne.s32 s18, $0x3000;
	v9 =	vld [tilespmem:s16+$0x6CF0];
	v10 =	vmov v1  }
0x2db: {  	v11 =	vld [tilespmem:s16+$0x6D20];
	v12 =	vmov v0  }
0x2dc: {  	v13 =	vld [tilespmem:s16+$0x6D30];
	s16 =	sshra.s32 s18, $0x2  }
.Ltmp25:
0x2dd: {  	v1 =	vld [tilespmem:s16+$0x6D00];
	(pc) =	sbr.rel @p0 .LBB2_52-.Ltmp25, $4  }
0x2de: {  	v5 =	vadd.f32 v2, v5;
	v6 =	vadd.f32 v3, v6;
	v0 =	vld [tilespmem:s16+$0x6D10]  }
0x2df: {  	v8 =	vadd.f32 v4, v8;
	v2 =	vld [tilespmem:s16+$0x6CC0];
	v7 =	vadd.f32 v9, v7  }
0x2e0: {  	v5 =	vadd.f32 v10, v5;
	v6 =	vadd.f32 v12, v6;
	v3 =	vld [tilespmem:s16+$0x6CD0]  }
0x2e1: {  	s18 =	sadd.s32 $0x200, s18;
	v8 =	vadd.f32 v11, v8;
	v4 =	vld [tilespmem:s16+$0x6CE0];
	v7 =	vadd.f32 v13, v7  }
0x2e2: {  	v9 =	vld [tilespmem:s16+$0x6CF0]  }
0x2e3: {  	v10 =	vld [tilespmem:s16+$0x6D20]  }
0x2e4: {  	v11 =	vld [tilespmem:s16+$0x6D30];
	v2 =	vadd.f32 v2, v5  }
0x2e5: {  	v3 =	vadd.f32 v3, v6  }
0x2e6: {  	v4 =	vadd.f32 v4, v8;
	v1 =	vadd.f32 v1, v2  }
0x2e7: {  	v2 =	vadd.f32 v9, v7;
	v0 =	vadd.f32 v0, v3  }
0x2e8: {  	v3 =	vadd.f32 v10, v4;
	[tilespmem:$0xE80] =	vst v1  }
0x2e9: {  	v1 =	vadd.f32 v11, v2;
	[tilespmem:$0xE90] =	vst v0  }
0x2ea: {  	[tilespmem:$0xEA0] =	vst v3  }
0x2eb: {  	[tilespmem:$0xEB0] =	vst v1  }
0x2ec: {  	[tilespmem:s24], [sflag:$0x2] =	stream.indirect.gather [hbm4b:s3+s21], $0x40, s25, s21, $0xb8;
	[tilespmem:$0xAB40] =	vst v63  }
0x2ed: {  	_ =	swait.ge [sflag:s17], $0xC80  }
0x2ee: {  	[sflag:s17] =	ssyncset.done $0x0  }
0x2ef: {  	s16 =	simm.s32 $0x0;
	[sflag:s17] =	ssyncadd.s32 $0xFFFFF380  }
0x2f0: {  	v1 =	vld [tilespmem:s16+$0x7980]  }
0x2f1: {  	v0 =	vld [tilespmem:s16+$0x7990]  }
0x2f2: {  	v2 =	vld [tilespmem:s16+$0x7940]  }
0x2f3: {  	v5 =	vimm.f32 $0.0e+00;
	v3 =	vld [tilespmem:s16+$0x7950]  }
0x2f4: {  	s18 =	simm.s32 $0x200;
	v6 =	vimm.f32 $0.0e+00;
	v8 =	vimm.f32 $0.0e+00;
	v7 =	vimm.f32 $0.0e+00;
	v4 =	vld [tilespmem:s16+$0x7960]  }
.LBB2_54:
0x2f5: {  	p0 =	sne.s32 s18, $0x3000;
	v9 =	vld [tilespmem:s16+$0x7970];
	v10 =	vmov v1  }
0x2f6: {  	v11 =	vld [tilespmem:s16+$0x79A0];
	v12 =	vmov v0  }
0x2f7: {  	v13 =	vld [tilespmem:s16+$0x79B0];
	s16 =	sshra.s32 s18, $0x2  }
.Ltmp26:
0x2f8: {  	v1 =	vld [tilespmem:s16+$0x7980];
	(pc) =	sbr.rel @p0 .LBB2_54-.Ltmp26, $4  }
0x2f9: {  	v5 =	vadd.f32 v2, v5;
	v6 =	vadd.f32 v3, v6;
	v0 =	vld [tilespmem:s16+$0x7990]  }
0x2fa: {  	v8 =	vadd.f32 v4, v8;
	v2 =	vld [tilespmem:s16+$0x7940];
	v7 =	vadd.f32 v9, v7  }
0x2fb: {  	v5 =	vadd.f32 v10, v5;
	v6 =	vadd.f32 v12, v6;
	v3 =	vld [tilespmem:s16+$0x7950]  }
0x2fc: {  	s18 =	sadd.s32 $0x200, s18;
	v8 =	vadd.f32 v11, v8;
	v4 =	vld [tilespmem:s16+$0x7960];
	v7 =	vadd.f32 v13, v7  }
0x2fd: {  	v9 =	vld [tilespmem:s16+$0x7970]  }
0x2fe: {  	v10 =	vld [tilespmem:s16+$0x79A0]  }
0x2ff: {  	v11 =	vld [tilespmem:s16+$0x79B0];
	v2 =	vadd.f32 v2, v5  }
0x300: {  	v3 =	vadd.f32 v3, v6  }
0x301: {  	v4 =	vadd.f32 v4, v8;
	v1 =	vadd.f32 v1, v2  }
0x302: {  	v2 =	vadd.f32 v9, v7;
	v0 =	vadd.f32 v0, v3  }
0x303: {  	v3 =	vadd.f32 v10, v4;
	[tilespmem:$0xEC0] =	vst v1  }
0x304: {  	v1 =	vadd.f32 v11, v2;
	[tilespmem:$0xED0] =	vst v0  }
0x305: {  	[tilespmem:$0xEE0] =	vst v3  }
0x306: {  	[tilespmem:$0xEF0] =	vst v1  }
0x307: {  	_ =	swait.ge [sflag:s19], $0xC80  }
0x308: {  	[sflag:s19] =	ssyncset.done $0x0  }
0x309: {  	s16 =	simm.s32 $0x0;
	[sflag:s19] =	ssyncadd.s32 $0xFFFFF380  }
0x30a: {  	v1 =	vld [tilespmem:s16+$0x8600]  }
0x30b: {  	v0 =	vld [tilespmem:s16+$0x8610]  }
0x30c: {  	v2 =	vld [tilespmem:s16+$0x85C0]  }
0x30d: {  	v5 =	vimm.f32 $0.0e+00;
	v3 =	vld [tilespmem:s16+$0x85D0]  }
0x30e: {  	s18 =	simm.s32 $0x200;
	v6 =	vimm.f32 $0.0e+00;
	v8 =	vimm.f32 $0.0e+00;
	v7 =	vimm.f32 $0.0e+00;
	v4 =	vld [tilespmem:s16+$0x85E0]  }
.LBB2_56:
0x30f: {  	p0 =	sne.s32 s18, $0x3000;
	v9 =	vld [tilespmem:s16+$0x85F0];
	v10 =	vmov v1  }
0x310: {  	v11 =	vld [tilespmem:s16+$0x8620];
	v12 =	vmov v0  }
0x311: {  	v13 =	vld [tilespmem:s16+$0x8630];
	s16 =	sshra.s32 s18, $0x2  }
.Ltmp27:
0x312: {  	v1 =	vld [tilespmem:s16+$0x8600];
	(pc) =	sbr.rel @p0 .LBB2_56-.Ltmp27, $4  }
0x313: {  	v5 =	vadd.f32 v2, v5;
	v6 =	vadd.f32 v3, v6;
	v0 =	vld [tilespmem:s16+$0x8610]  }
0x314: {  	v8 =	vadd.f32 v4, v8;
	v2 =	vld [tilespmem:s16+$0x85C0];
	v7 =	vadd.f32 v9, v7  }
0x315: {  	v5 =	vadd.f32 v10, v5;
	v6 =	vadd.f32 v12, v6;
	v3 =	vld [tilespmem:s16+$0x85D0]  }
0x316: {  	s18 =	sadd.s32 $0x200, s18;
	v8 =	vadd.f32 v11, v8;
	v4 =	vld [tilespmem:s16+$0x85E0];
	v7 =	vadd.f32 v13, v7  }
0x317: {  	v9 =	vld [tilespmem:s16+$0x85F0]  }
0x318: {  	v10 =	vld [tilespmem:s16+$0x8620]  }
0x319: {  	v11 =	vld [tilespmem:s16+$0x8630];
	v2 =	vadd.f32 v2, v5  }
0x31a: {  	v3 =	vadd.f32 v3, v6  }
0x31b: {  	v4 =	vadd.f32 v4, v8;
	v1 =	vadd.f32 v1, v2  }
0x31c: {  	v2 =	vadd.f32 v9, v7;
	v0 =	vadd.f32 v0, v3  }
0x31d: {  	v3 =	vadd.f32 v10, v4;
	[tilespmem:$0xF00] =	vst v1  }
0x31e: {  	v1 =	vadd.f32 v11, v2;
	[tilespmem:$0xF10] =	vst v0  }
0x31f: {  	[tilespmem:$0xF20] =	vst v3  }
0x320: {  	[tilespmem:$0xF30] =	vst v1  }
0x321: {  	_ =	swait.ge [sflag:s23], $0xC80  }
0x322: {  	[sflag:s23] =	ssyncset.done $0x0  }
0x323: {  	s16 =	simm.s32 $0x0;
	[sflag:s23] =	ssyncadd.s32 $0xFFFFF380  }
0x324: {  	v1 =	vld [tilespmem:s16+$0x9280]  }
0x325: {  	v0 =	vld [tilespmem:s16+$0x9290]  }
0x326: {  	v2 =	vld [tilespmem:s16+$0x9240]  }
0x327: {  	v5 =	vimm.f32 $0.0e+00;
	v3 =	vld [tilespmem:s16+$0x9250]  }
0x328: {  	s18 =	simm.s32 $0x200;
	v6 =	vimm.f32 $0.0e+00;
	v8 =	vimm.f32 $0.0e+00;
	v7 =	vimm.f32 $0.0e+00;
	v4 =	vld [tilespmem:s16+$0x9260]  }
.LBB2_58:
0x329: {  	p0 =	sne.s32 s18, $0x3000;
	v9 =	vld [tilespmem:s16+$0x9270];
	v10 =	vmov v1  }
0x32a: {  	v11 =	vld [tilespmem:s16+$0x92A0];
	v12 =	vmov v0  }
0x32b: {  	v13 =	vld [tilespmem:s16+$0x92B0];
	s16 =	sshra.s32 s18, $0x2  }
.Ltmp28:
0x32c: {  	v1 =	vld [tilespmem:s16+$0x9280];
	(pc) =	sbr.rel @p0 .LBB2_58-.Ltmp28, $4  }
0x32d: {  	v5 =	vadd.f32 v2, v5;
	v6 =	vadd.f32 v3, v6;
	v0 =	vld [tilespmem:s16+$0x9290]  }
0x32e: {  	v8 =	vadd.f32 v4, v8;
	v2 =	vld [tilespmem:s16+$0x9240];
	v7 =	vadd.f32 v9, v7  }
0x32f: {  	v5 =	vadd.f32 v10, v5;
	v6 =	vadd.f32 v12, v6;
	v3 =	vld [tilespmem:s16+$0x9250]  }
0x330: {  	s18 =	sadd.s32 $0x200, s18;
	v8 =	vadd.f32 v11, v8;
	v4 =	vld [tilespmem:s16+$0x9260];
	v7 =	vadd.f32 v13, v7  }
0x331: {  	v9 =	vld [tilespmem:s16+$0x9270]  }
0x332: {  	v10 =	vld [tilespmem:s16+$0x92A0]  }
0x333: {  	v11 =	vld [tilespmem:s16+$0x92B0];
	v2 =	vadd.f32 v2, v5  }
0x334: {  	v3 =	vadd.f32 v3, v6  }
0x335: {  	v4 =	vadd.f32 v4, v8;
	v1 =	vadd.f32 v1, v2  }
0x336: {  	v2 =	vadd.f32 v9, v7;
	v0 =	vadd.f32 v0, v3  }
0x337: {  	v3 =	vadd.f32 v10, v4;
	[tilespmem:$0xF40] =	vst v1  }
0x338: {  	v1 =	vadd.f32 v11, v2;
	[tilespmem:$0xF50] =	vst v0  }
0x339: {  	[tilespmem:$0xF60] =	vst v3  }
0x33a: {  	[tilespmem:$0xF70] =	vst v1  }
0x33b: {  	_ =	swait.ge [sflag:s28], $0xC80  }
0x33c: {  	[sflag:s28] =	ssyncset.done $0x0  }
0x33d: {  	s16 =	simm.s32 $0x0;
	[sflag:s28] =	ssyncadd.s32 $0xFFFFF380  }
0x33e: {  	v1 =	vld [tilespmem:s16+$0x9F00]  }
0x33f: {  	v0 =	vld [tilespmem:s16+$0x9F10]  }
0x340: {  	v2 =	vld [tilespmem:s16+$0x9EC0]  }
0x341: {  	v5 =	vimm.f32 $0.0e+00;
	v3 =	vld [tilespmem:s16+$0x9ED0]  }
0x342: {  	s18 =	simm.s32 $0x200;
	v6 =	vimm.f32 $0.0e+00;
	v8 =	vimm.f32 $0.0e+00;
	v7 =	vimm.f32 $0.0e+00;
	v4 =	vld [tilespmem:s16+$0x9EE0]  }
.LBB2_60:
0x343: {  	p0 =	sne.s32 s18, $0x3000;
	v9 =	vld [tilespmem:s16+$0x9EF0];
	v10 =	vmov v1  }
0x344: {  	v11 =	vld [tilespmem:s16+$0x9F20];
	v12 =	vmov v0  }
0x345: {  	v13 =	vld [tilespmem:s16+$0x9F30];
	s16 =	sshra.s32 s18, $0x2  }
.Ltmp29:
0x346: {  	v1 =	vld [tilespmem:s16+$0x9F00];
	(pc) =	sbr.rel @p0 .LBB2_60-.Ltmp29, $4  }
0x347: {  	v5 =	vadd.f32 v2, v5;
	v6 =	vadd.f32 v3, v6;
	v0 =	vld [tilespmem:s16+$0x9F10]  }
0x348: {  	v8 =	vadd.f32 v4, v8;
	v2 =	vld [tilespmem:s16+$0x9EC0];
	v7 =	vadd.f32 v9, v7  }
0x349: {  	v5 =	vadd.f32 v10, v5;
	v6 =	vadd.f32 v12, v6;
	v3 =	vld [tilespmem:s16+$0x9ED0]  }
0x34a: {  	s18 =	sadd.s32 $0x200, s18;
	v8 =	vadd.f32 v11, v8;
	v4 =	vld [tilespmem:s16+$0x9EE0];
	v7 =	vadd.f32 v13, v7  }
0x34b: {  	v9 =	vld [tilespmem:s16+$0x9EF0]  }
0x34c: {  	v10 =	vld [tilespmem:s16+$0x9F20]  }
0x34d: {  	v11 =	vld [tilespmem:s16+$0x9F30];
	v2 =	vadd.f32 v2, v5  }
0x34e: {  	v3 =	vadd.f32 v3, v6  }
0x34f: {  	v4 =	vadd.f32 v4, v8;
	v1 =	vadd.f32 v1, v2  }
0x350: {  	v2 =	vadd.f32 v9, v7;
	v0 =	vadd.f32 v0, v3  }
0x351: {  	v3 =	vadd.f32 v10, v4;
	[tilespmem:$0xF80] =	vst v1  }
0x352: {  	v1 =	vadd.f32 v11, v2;
	[tilespmem:$0xF90] =	vst v0  }
0x353: {  	[tilespmem:$0xFA0] =	vst v3  }
0x354: {  	[tilespmem:$0xFB0] =	vst v1  }
0x355: {  	_ =	swait.ge [sflag:s13], $0xC80  }
0x356: {  	[sflag:s13] =	ssyncset.done $0x0  }
0x357: {  	s16 =	simm.s32 $0x0;
	[sflag:s13] =	ssyncadd.s32 $0xFFFFF380  }
0x358: {  	v1 =	vld [tilespmem:s16+$0x6080]  }
0x359: {  	v0 =	vld [tilespmem:s16+$0x6090]  }
0x35a: {  	v2 =	vld [tilespmem:s16+$0x6040]  }
0x35b: {  	v5 =	vimm.f32 $0.0e+00;
	v3 =	vld [tilespmem:s16+$0x6050]  }
0x35c: {  	s18 =	simm.s32 $0x200;
	v6 =	vimm.f32 $0.0e+00;
	v8 =	vimm.f32 $0.0e+00;
	v7 =	vimm.f32 $0.0e+00;
	v4 =	vld [tilespmem:s16+$0x6060]  }
.LBB2_62:
0x35d: {  	p0 =	sne.s32 s18, $0x3000;
	v9 =	vld [tilespmem:s16+$0x6070];
	v10 =	vmov v1  }
0x35e: {  	v11 =	vld [tilespmem:s16+$0x60A0];
	v12 =	vmov v0  }
0x35f: {  	v13 =	vld [tilespmem:s16+$0x60B0];
	s16 =	sshra.s32 s18, $0x2  }
.Ltmp30:
0x360: {  	v1 =	vld [tilespmem:s16+$0x6080];
	(pc) =	sbr.rel @p0 .LBB2_62-.Ltmp30, $4  }
0x361: {  	v5 =	vadd.f32 v2, v5;
	v6 =	vadd.f32 v3, v6;
	v0 =	vld [tilespmem:s16+$0x6090]  }
0x362: {  	v8 =	vadd.f32 v4, v8;
	v2 =	vld [tilespmem:s16+$0x6040];
	v7 =	vadd.f32 v9, v7  }
0x363: {  	v5 =	vadd.f32 v10, v5;
	v6 =	vadd.f32 v12, v6;
	v3 =	vld [tilespmem:s16+$0x6050]  }
0x364: {  	s18 =	sadd.s32 $0x200, s18;
	v8 =	vadd.f32 v11, v8;
	v4 =	vld [tilespmem:s16+$0x6060];
	v7 =	vadd.f32 v13, v7  }
0x365: {  	v9 =	vld [tilespmem:s16+$0x6070]  }
0x366: {  	v10 =	vld [tilespmem:s16+$0x60A0]  }
0x367: {  	v11 =	vld [tilespmem:s16+$0x60B0];
	v2 =	vadd.f32 v2, v5  }
0x368: {  	v3 =	vadd.f32 v3, v6  }
0x369: {  	v4 =	vadd.f32 v4, v8;
	v1 =	vadd.f32 v1, v2  }
0x36a: {  	v2 =	vadd.f32 v9, v7;
	v0 =	vadd.f32 v0, v3  }
0x36b: {  	v3 =	vadd.f32 v10, v4;
	[tilespmem:$0xFC0] =	vst v1  }
0x36c: {  	v1 =	vadd.f32 v11, v2;
	[tilespmem:$0xFD0] =	vst v0  }
0x36d: {  	[tilespmem:$0xFE0] =	vst v3  }
0x36e: {  	[tilespmem:$0xFF0] =	vst v1  }
0x36f: {  	_ =	swait.ge [sflag:s15], $0xC80  }
0x370: {  	[sflag:s15] =	ssyncset.done $0x0  }
0x371: {  	s16 =	simm.s32 $0x0;
	[sflag:s15] =	ssyncadd.s32 $0xFFFFF380  }
0x372: {  	v1 =	vld [tilespmem:s16+$0x6D00]  }
0x373: {  	v0 =	vld [tilespmem:s16+$0x6D10]  }
0x374: {  	v2 =	vld [tilespmem:s16+$0x6CC0]  }
0x375: {  	v5 =	vimm.f32 $0.0e+00;
	v3 =	vld [tilespmem:s16+$0x6CD0]  }
0x376: {  	s18 =	simm.s32 $0x200;
	v6 =	vimm.f32 $0.0e+00;
	v8 =	vimm.f32 $0.0e+00;
	v7 =	vimm.f32 $0.0e+00;
	v4 =	vld [tilespmem:s16+$0x6CE0]  }
.LBB2_64:
0x377: {  	p0 =	sne.s32 s18, $0x3000;
	v9 =	vld [tilespmem:s16+$0x6CF0];
	v10 =	vmov v1  }
0x378: {  	v11 =	vld [tilespmem:s16+$0x6D20];
	v12 =	vmov v0  }
0x379: {  	v13 =	vld [tilespmem:s16+$0x6D30];
	s16 =	sshra.s32 s18, $0x2  }
.Ltmp31:
0x37a: {  	v1 =	vld [tilespmem:s16+$0x6D00];
	(pc) =	sbr.rel @p0 .LBB2_64-.Ltmp31, $4  }
0x37b: {  	v5 =	vadd.f32 v2, v5;
	v6 =	vadd.f32 v3, v6;
	v0 =	vld [tilespmem:s16+$0x6D10]  }
0x37c: {  	v8 =	vadd.f32 v4, v8;
	v2 =	vld [tilespmem:s16+$0x6CC0];
	v7 =	vadd.f32 v9, v7  }
0x37d: {  	v5 =	vadd.f32 v10, v5;
	v6 =	vadd.f32 v12, v6;
	v3 =	vld [tilespmem:s16+$0x6CD0]  }
0x37e: {  	s18 =	sadd.s32 $0x200, s18;
	v8 =	vadd.f32 v11, v8;
	v4 =	vld [tilespmem:s16+$0x6CE0];
	v7 =	vadd.f32 v13, v7  }
0x37f: {  	v9 =	vld [tilespmem:s16+$0x6CF0]  }
0x380: {  	v10 =	vld [tilespmem:s16+$0x6D20]  }
0x381: {  	v11 =	vld [tilespmem:s16+$0x6D30];
	v2 =	vadd.f32 v2, v5  }
0x382: {  	v3 =	vadd.f32 v3, v6  }
0x383: {  	v4 =	vadd.f32 v4, v8;
	v1 =	vadd.f32 v1, v2  }
0x384: {  	v61 =	vadd.f32 v9, v7;
	v0 =	vadd.f32 v0, v3  }
0x385: {  	v62 =	vadd.f32 v10, v4;
	[tilespmem:$0x1000] =	vst v1  }
0x386: {  	v63 =	vadd.f32 v11, v61;
	[tilespmem:$0x1010] =	vst v0  }
0x387: {  	[tilespmem:$0x1020] =	vst v62  }
0x388: {  	[tilespmem:$0x1030] =	vst v63  }
0x389: {  	[hbm4b:s6+s2] =	stream.linear.scatter [tilespmem:s30], [sflag:$0x8], $0x800, $0x38;
	[tilespmem:$0xAB40] =	vst v63  }
0x38a: {  	_ =	swait.ge [sflag:s9], $0x800  }
0x38b: {  	[sflag:s9] =	ssyncset.done $0x0  }
0x38c: {  	[sflag:s9] =	ssyncadd.s32 $0xFFFFF800  }
0x38d: {  	_ =	swait.ge [sflag:s1], $0x1000  }
0x38e: {  	[sflag:s1] =	ssyncset.done $0x0  }
0x38f: {  	[sflag:s1] =	ssyncadd.s32 $0xFFFFF000  }
0x390: {  	_ =	swait.ge [sflag:s1], $0x1000  }
0x391: {  	[sflag:s1] =	ssyncset.done $0x0  }
0x392: {  	[sflag:s1] =	ssyncadd.s32 $0xFFFFF000  }
0x393: {  	_ =	swait.ge [sflag:s1], $0x1000  }
0x394: {  	[sflag:s1] =	ssyncset.done $0x0  }
0x395: {  	[sflag:s1] =	ssyncadd.s32 $0xFFFFF000  }
0x396: {  	_ =	swait.ge [sflag:s1], $0x1000  }
0x397: {  	[sflag:s1] =	ssyncset.done $0x0  }
0x398: {  	[sflag:s1] =	ssyncadd.s32 $0xFFFFF000  }
0x399: {  	s14 =	sadd.s32 $0x1, s14;
	_ =	swait.ge [sflag:s1], $0x1000  }
0x39a: {  	p0 =	sne.s32 s14, s8;
	[sflag:s1] =	ssyncset.done $0x0  }
.Ltmp32:
0x39b: {  	[sflag:s1] =	ssyncadd.s32 $0xFFFFF000;
	(pc) =	sbr.rel @p0 .LBB2_1-.Ltmp32, $4  }
0x39c: {  	[hbm4b:s7+s2] =	stream.linear.scatter [tilespmem:s12], [sflag:$0x8], $0x5000, $0x38;
	[tilespmem:$0xAB40] =	vst v63  }
0x39d: {  	_ =	swait.ge [sflag:s9], $0x5000  }
0x39e: {  	[sflag:s9] =	ssyncset.done $0x0  }
0x39f: {  	[sflag:s9] =	ssyncadd.s32 $0xFFFFB000  }
0x3a0: {  	_ =	sfence.sel $0x180000  }
0x3a1: {  	[bflag:$0x0] =	sbarrier.arrive $0xFFFF  }
0x3a2: {  	_ =	strace $0x90000047  }
0x3a3: {  	s0 =	stileid.u32;
	[bflag:$0x2] =	sbarrier.arrive $0xFFFF  }
0x3a4: {  	p0 =	sne.s32 s0, $0x0;
	s0 =	rddreg [dreg:$0x3]  }
0x3a5: {  	s0 =	sadd.s32 @!p0 $0x100000, s0  }
0x3a6: {  	[sflag:s0] =	ssyncadd.tile.s32 @!p0 $0x1;
	_ =	shalt  }
.Lfunc_end2:
_tile_overlayer_lowered:
.L_overlay_start_2:
0x3a7: {  	(tag) =	ssettag $0x2  }
0x3a8: {  	s0 =	rddreg [dreg:$0x0];
	s2 =	stileid.u32  }
0x3a9: {  	s1 =	rddreg [dreg:$0x1];
	p0 =	sne.s32 s2, $0x0  }
0x3aa: {  	s3 =	rddreg [dreg:$0x2];
	[bflag:$0x3] =	sbarrier.arrive $0xFFFF;
	s2 =	simm.s32 @!p0 $0x1C08  }
0x3ab: {  	[timem:s3], [sflag:s2] =	dma.local @!p0 [hbm:s0], s1  }
0x3ac: {  	s0 =	simm.s32 @!p0 $0x8  }
0x3ad: {  	_ =	swait.ge @!p0 [sflag:s0], s1  }
0x3ae: {  	s1 =	ssub.s32 @!p0 $0x0, s1;
	[sflag:s0] =	ssyncset.done @!p0 $0x0  }
0x3af: {  	[sflag:s0] =	ssyncadd.s32 @!p0 s1  }
0x3b0: {  	[bflag:$0x3] =	sbarrier.arrive $0xFFFF  }
0x3b1: {  	_ =	shalt  }

</sc_bundles>
